<compile_context>
chip_gen: v7x
topology: tpu7x:2x2x1
jax: 0.10.2.dev20260603
libtpu: 0.0.44.dev20260713+nightly
codegen_flags: <defaults>
</compile_context>

<pallas_src>
import jax
import jax.numpy as jnp
from jax import lax
from jax.experimental import pallas as pl
from jax.experimental.pallas import tpu as pltpu
from jax.experimental.pallas import tpu_sc as plsc

B, S, H = 128, 512, 768
EPS = 1e-12
NC, NS, L = 2, 16, 16
NW = NC * NS
SBLK = S // NW
INV_H = 1.0 / H
NBUF = 2
NYBUF = 3


def _rsqrt_vec(t):
    i = lax.bitcast_convert_type(t, jnp.int32)
    i = jnp.int32(0x5F3759DF) - lax.shift_right_logical(i, 1)
    y = lax.bitcast_convert_type(i, jnp.float32)
    for _ in range(4):
        y = y * (1.5 - 0.5 * t * y * y)
    return y


def _body(ids_hbm, wemb_hbm, pos_hbm, type_hbm, gamma_hbm, beta_hbm,
          out_hbm, idx_v, rows0_v, rows1_v, y0_v, y1_v, y2_v,
          pe_v, ty_v, g_v, b_v,
          gsem0, gsem1, ssem0, ssem1, ssem2):
    wid = lax.axis_index("s") * NC + lax.axis_index("c")
    sbase = wid * SBLK

    pltpu.sync_copy(ids_hbm.at[:, pl.ds(sbase, SBLK)], idx_v)
    pltpu.sync_copy(pos_hbm.at[pl.ds(sbase, SBLK)], pe_v)
    pltpu.sync_copy(type_hbm.at[pl.ds(0, 1)], ty_v)
    pltpu.sync_copy(gamma_hbm, g_v)
    pltpu.sync_copy(beta_hbm, b_v)

    @plsc.parallel_loop(0, SBLK)
    def fold_type(r):
        @plsc.parallel_loop(0, H, step=L, unroll=4)
        def fchunk(c):
            pe_v[r, pl.ds(c, L)] = pe_v[r, pl.ds(c, L)] + ty_v[0, pl.ds(c, L)]

    zeros = jnp.zeros((L,), jnp.float32)
    rows_bufs = ((rows0_v, gsem0), (rows1_v, gsem1))
    y_bufs = ((y0_v, ssem0), (y1_v, ssem1), (y2_v, ssem2))

    def gather_start(b, rows_v, gsem):
        pltpu.make_async_copy(wemb_hbm.at[idx_v.at[b]], rows_v, gsem).start()

    for p in range(NBUF):
        gather_start(p, *rows_bufs[p])

    def step(b, rows_v, gsem, y_v, ssem):
        pltpu.make_async_copy(wemb_hbm.at[idx_v.at[b]], rows_v, gsem).wait()

        @pl.when(b >= NYBUF)
        def _():
            pltpu.make_async_copy(
                y_v, out_hbm.at[pl.ds((b - NYBUF) * S + sbase, SBLK)], ssem
            ).wait()

        @plsc.parallel_loop(0, SBLK)
        def row_body(r):
            @plsc.parallel_loop(0, H, step=L, unroll=24, carry=(zeros, zeros))
            def moments(c, carry):
                acc, acc2 = carry
                x = rows_v[r, pl.ds(c, L)] + pe_v[r, pl.ds(c, L)]
                y_v[r, pl.ds(c, L)] = x
                return acc + x, acc2 + x * x

            acc, acc2 = moments
            s1 = jnp.sum(acc)
            s2 = jnp.sum(acc2)
            mean = s1 * INV_H
            var = jnp.maximum(s2 * INV_H - mean * mean, 0.0)
            rinv = _rsqrt_vec(jnp.full((L,), var + EPS, jnp.float32))

            @plsc.parallel_loop(0, H, step=L, unroll=24)
            def pass2(c):
                x = y_v[r, pl.ds(c, L)]
                y = (x - mean) * rinv * g_v[pl.ds(c, L)] + b_v[pl.ds(c, L)]
                y_v[r, pl.ds(c, L)] = y

        pltpu.make_async_copy(
            y_v, out_hbm.at[pl.ds(b * S + sbase, SBLK)], ssem
        ).start()

        @pl.when(b + NBUF < B)
        def _():
            gather_start(b + NBUF, rows_v, gsem)

    def loop_body(i, _):
        b = i * 6
        for p in range(6):
            bb = b + p
            step(bb, *rows_bufs[p % NBUF], *y_bufs[p % NYBUF])
        return 0

    lax.fori_loop(0, B // 6, loop_body, 0)
    step(126, *rows_bufs[0], *y_bufs[0])
    step(127, *rows_bufs[1], *y_bufs[1])

    for bb in range(B - NYBUF, B):
        y_v, ssem = y_bufs[bb % NYBUF]
        pltpu.make_async_copy(
            y_v, out_hbm.at[pl.ds(bb * S + sbase, SBLK)], ssem).wait()


@jax.jit
def kernel(input_ids, word_emb, pos_emb, type_emb, ln_gamma, ln_beta):
    ids = input_ids.astype(jnp.int32)
    mesh = plsc.VectorSubcoreMesh(core_axis_name="c", subcore_axis_name="s")
    out = pl.kernel(
        _body,
        mesh=mesh,
        compiler_params=pltpu.CompilerParams(
            use_tc_tiling_on_sc=False, needs_layout_passes=False),
        out_type=jax.ShapeDtypeStruct((B * S, H), jnp.float32),
        scratch_types=[
            pltpu.VMEM((B, SBLK), jnp.int32),
            pltpu.VMEM((SBLK, H), jnp.float32),
            pltpu.VMEM((SBLK, H), jnp.float32),
            pltpu.VMEM((SBLK, H), jnp.float32),
            pltpu.VMEM((SBLK, H), jnp.float32),
            pltpu.VMEM((SBLK, H), jnp.float32),
            pltpu.VMEM((SBLK, H), jnp.float32),
            pltpu.VMEM((1, H), jnp.float32),
            pltpu.VMEM((H,), jnp.float32),
            pltpu.VMEM((H,), jnp.float32),
            pltpu.SemaphoreType.DMA,
            pltpu.SemaphoreType.DMA,
            pltpu.SemaphoreType.DMA,
            pltpu.SemaphoreType.DMA,
            pltpu.SemaphoreType.DMA,
        ],
    )(ids, word_emb, pos_emb, type_emb, ln_gamma, ln_beta)
    return out.reshape(B, S, H)

# --- scband reference (transcript-rebuilt; emitter-appended) ---
"""Pipeline reference for scband-text-embeddings-47553877901992 (READ-ONLY COPY).

The authoritative reference and input builder live on the scoring server;
editing this copy changes nothing except your own understanding.
"""

import jax, jax.numpy as jnp
import numpy as np

B, S, H = 128, 512, 768
VOCAB, MAXPOS, NTYPE = 100000, 512, 2
EPS = 1e-12

def setup_inputs(seed: int = 0) -> dict:
    key = jax.random.key(seed)
    k1, k2, k3, k4 = jax.random.split(key, 4)
    input_ids = jax.random.randint(k1, (B, S), 0, VOCAB, dtype=jnp.int64) if jax.config.jax_enable_x64 else jax.random.randint(k1, (B, S), 0, VOCAB, dtype=jnp.int32)
    word_emb = jax.random.normal(k2, (VOCAB, H), dtype=jnp.float32) * 0.02
    pos_emb = jax.random.normal(k3, (MAXPOS, H), dtype=jnp.float32) * 0.02
    type_emb = jax.random.normal(k4, (NTYPE, H), dtype=jnp.float32) * 0.02
    ln_gamma = jnp.ones((H,), dtype=jnp.float32)
    ln_beta = jnp.zeros((H,), dtype=jnp.float32)
    return {"input_ids": input_ids, "word_emb": word_emb, "pos_emb": pos_emb, "type_emb": type_emb, "ln_gamma": ln_gamma, "ln_beta": ln_beta}

def reference(input_ids, word_emb, pos_emb, type_emb, ln_gamma, ln_beta):
    b, s = input_ids.shape
    # word embedding gather
    inputs_embeds = jnp.take(word_emb, input_ids, axis=0)
    # default position ids: arange(seq) broadcast over batch (offset_pos_ids=False)
    position_ids = jnp.broadcast_to(jnp.arange(s, dtype=jnp.int32)[None, :], (b, s))
    position_embeddings = jnp.take(pos_emb, position_ids, axis=0)
    # default token_type_ids: zeros
    token_type_ids = jnp.zeros((b, s), dtype=jnp.int32)
    token_type_embeddings = jnp.take(type_emb, token_type_ids, axis=0)
    embeddings = inputs_embeds + position_embeddings + token_type_embeddings
    # LayerNorm over last dim, eps=1e-12
    mean = jnp.mean(embeddings, axis=-1, keepdims=True)
    var = jnp.mean(jnp.square(embeddings - mean), axis=-1, keepdims=True)
    normed = (embeddings - mean) / jnp.sqrt(var + EPS)
    out = normed * ln_gamma + ln_beta
    # dropout p=0.0 -> identity
    return out

if __name__ == "__main__":
    import jax
    _d = setup_inputs()
    print(jax.jit(kernel)(*tuple(_d.values())))

</pallas_src>

<mosaic_0001>
#map = affine_map<(d0, d1) -> (0, 0)>
#map1 = affine_map<(d0, d1) -> (0)>
module attributes {stable_mosaic.version = 14 : i64} {
  func.func @_body(%arg0: i32, %arg1: i32, %arg2: memref<128x512xi32, #tpu.memory_space<hbm>>, %arg3: memref<100000x768xf32, #tpu.memory_space<hbm>>, %arg4: memref<512x768xf32, #tpu.memory_space<hbm>>, %arg5: memref<2x768xf32, #tpu.memory_space<hbm>>, %arg6: memref<768xf32, #tpu.memory_space<hbm>>, %arg7: memref<768xf32, #tpu.memory_space<hbm>>, %arg8: memref<65536x768xf32, #tpu.memory_space<hbm>>, %arg9: memref<128x16xi32, #tpu.memory_space<vmem>>, %arg10: memref<16x768xf32, #tpu.memory_space<vmem>>, %arg11: memref<16x768xf32, #tpu.memory_space<vmem>>, %arg12: memref<16x768xf32, #tpu.memory_space<vmem>>, %arg13: memref<16x768xf32, #tpu.memory_space<vmem>>, %arg14: memref<16x768xf32, #tpu.memory_space<vmem>>, %arg15: memref<16x768xf32, #tpu.memory_space<vmem>>, %arg16: memref<1x768xf32, #tpu.memory_space<vmem>>, %arg17: memref<768xf32, #tpu.memory_space<vmem>>, %arg18: memref<768xf32, #tpu.memory_space<vmem>>, %arg19: memref<!tpu.dma_semaphore, #tpu.memory_space<semaphore_mem>>, %arg20: memref<!tpu.dma_semaphore, #tpu.memory_space<semaphore_mem>>, %arg21: memref<!tpu.dma_semaphore, #tpu.memory_space<semaphore_mem>>, %arg22: memref<!tpu.dma_semaphore, #tpu.memory_space<semaphore_mem>>, %arg23: memref<!tpu.dma_semaphore, #tpu.memory_space<semaphore_mem>>) attributes {dimension_semantics = [#tpu.dimension_semantics<core_parallel>, #tpu.dimension_semantics<subcore_parallel>], iteration_bounds = array<i64: 2, 16>, scalar_prefetch = 0 : i64, scratch_operands = 15 : i64, tpu.core_type = #tpu.core_type<sc_vector_subcore>, window_params = [{transform_indices = #map}, {transform_indices = #map}, {transform_indices = #map}, {transform_indices = #map}, {transform_indices = #map1}, {transform_indices = #map1}, {transform_indices = #map}]} {
    %mul3A = arith.constant 2 : i32
    %mul3A_0 = arith.muli %arg1, %mul3A : i32
    %add3A = arith.addi %mul3A_0, %arg0 : i32
    %mul3A_1 = arith.constant 16 : i32
    %mul3A_2 = arith.muli %add3A, %mul3A_1 : i32
    "tpu.region"() ({
      %run_scoped3A = tpu.sem_alloc : memref<!tpu.dma_semaphore, #tpu.memory_space<semaphore_mem>>
      %dma_start3A_86 = arith.constant 0 : i32
      %dma_start3A_87 = tpu.memref_slice %arg2[%dma_start3A_86, %mul3A_2] : memref<128x512xi32, #tpu.memory_space<hbm>> -> memref<128x16xi32, #tpu.memory_space<hbm>>
      %dma_start3A_88 = arith.constant 0 : i32
      %dma_start3A_89 = tpu.memref_slice %arg2[%dma_start3A_88, %mul3A_2] : memref<128x512xi32, #tpu.memory_space<hbm>> -> memref<128x16xi32, #tpu.memory_space<hbm>>
      tpu.enqueue_dma source(%dma_start3A_89 : memref<128x16xi32, #tpu.memory_space<hbm>>) target(%arg9 : memref<128x16xi32, #tpu.memory_space<vmem>>) target_semaphore(%run_scoped3A : memref<!tpu.dma_semaphore, #tpu.memory_space<semaphore_mem>>)
      %dma_wait3A_90 = arith.constant 0 : i32
      %dma_wait3A_91 = tpu.memref_slice %arg2[%dma_wait3A_90, %mul3A_2] : memref<128x512xi32, #tpu.memory_space<hbm>> -> memref<128x16xi32, #tpu.memory_space<hbm>>
      %dma_wait3A_92 = arith.constant 0 : i32
      %dma_wait3A_93 = tpu.memref_slice %arg2[%dma_wait3A_92, %mul3A_2] : memref<128x512xi32, #tpu.memory_space<hbm>> -> memref<128x16xi32, #tpu.memory_space<hbm>>
      tpu.wait_dma2 semaphore(%run_scoped3A : memref<!tpu.dma_semaphore, #tpu.memory_space<semaphore_mem>>) src(%dma_wait3A_93 : memref<128x16xi32, #tpu.memory_space<hbm>>) dst(%arg9 : memref<128x16xi32, #tpu.memory_space<vmem>>)
      tpu.yield
    }) : () -> ()
    "tpu.region"() ({
      %run_scoped3A = tpu.sem_alloc : memref<!tpu.dma_semaphore, #tpu.memory_space<semaphore_mem>>
      %dma_start3A_86 = arith.constant 0 : i32
      %dma_start3A_87 = tpu.memref_slice %arg4[%mul3A_2, %dma_start3A_86] : memref<512x768xf32, #tpu.memory_space<hbm>> -> memref<16x768xf32, #tpu.memory_space<hbm>>
      %dma_start3A_88 = arith.constant 0 : i32
      %dma_start3A_89 = tpu.memref_slice %arg4[%mul3A_2, %dma_start3A_88] : memref<512x768xf32, #tpu.memory_space<hbm>> -> memref<16x768xf32, #tpu.memory_space<hbm>>
      tpu.enqueue_dma source(%dma_start3A_89 : memref<16x768xf32, #tpu.memory_space<hbm>>) target(%arg15 : memref<16x768xf32, #tpu.memory_space<vmem>>) target_semaphore(%run_scoped3A : memref<!tpu.dma_semaphore, #tpu.memory_space<semaphore_mem>>)
      %dma_wait3A_90 = arith.constant 0 : i32
      %dma_wait3A_91 = tpu.memref_slice %arg4[%mul3A_2, %dma_wait3A_90] : memref<512x768xf32, #tpu.memory_space<hbm>> -> memref<16x768xf32, #tpu.memory_space<hbm>>
      %dma_wait3A_92 = arith.constant 0 : i32
      %dma_wait3A_93 = tpu.memref_slice %arg4[%mul3A_2, %dma_wait3A_92] : memref<512x768xf32, #tpu.memory_space<hbm>> -> memref<16x768xf32, #tpu.memory_space<hbm>>
      tpu.wait_dma2 semaphore(%run_scoped3A : memref<!tpu.dma_semaphore, #tpu.memory_space<semaphore_mem>>) src(%dma_wait3A_93 : memref<16x768xf32, #tpu.memory_space<hbm>>) dst(%arg15 : memref<16x768xf32, #tpu.memory_space<vmem>>)
      tpu.yield
    }) : () -> ()
    "tpu.region"() ({
      %run_scoped3A = tpu.sem_alloc : memref<!tpu.dma_semaphore, #tpu.memory_space<semaphore_mem>>
      %dma_start3A_86 = arith.constant 0 : i32
      %dma_start3A_87 = arith.constant 0 : i32
      %dma_start3A_88 = tpu.memref_slice %arg5[%dma_start3A_86, %dma_start3A_87] : memref<2x768xf32, #tpu.memory_space<hbm>> -> memref<1x768xf32, #tpu.memory_space<hbm>>
      %dma_start3A_89 = arith.constant 0 : i32
      %dma_start3A_90 = arith.constant 0 : i32
      %dma_start3A_91 = tpu.memref_slice %arg5[%dma_start3A_89, %dma_start3A_90] : memref<2x768xf32, #tpu.memory_space<hbm>> -> memref<1x768xf32, #tpu.memory_space<hbm>>
      tpu.enqueue_dma source(%dma_start3A_91 : memref<1x768xf32, #tpu.memory_space<hbm>>) target(%arg16 : memref<1x768xf32, #tpu.memory_space<vmem>>) target_semaphore(%run_scoped3A : memref<!tpu.dma_semaphore, #tpu.memory_space<semaphore_mem>>)
      %dma_wait3A_92 = arith.constant 0 : i32
      %dma_wait3A_93 = arith.constant 0 : i32
      %dma_wait3A_94 = tpu.memref_slice %arg5[%dma_wait3A_92, %dma_wait3A_93] : memref<2x768xf32, #tpu.memory_space<hbm>> -> memref<1x768xf32, #tpu.memory_space<hbm>>
      %dma_wait3A_95 = arith.constant 0 : i32
      %dma_wait3A_96 = arith.constant 0 : i32
      %dma_wait3A_97 = tpu.memref_slice %arg5[%dma_wait3A_95, %dma_wait3A_96] : memref<2x768xf32, #tpu.memory_space<hbm>> -> memref<1x768xf32, #tpu.memory_space<hbm>>
      tpu.wait_dma2 semaphore(%run_scoped3A : memref<!tpu.dma_semaphore, #tpu.memory_space<semaphore_mem>>) src(%dma_wait3A_97 : memref<1x768xf32, #tpu.memory_space<hbm>>) dst(%arg16 : memref<1x768xf32, #tpu.memory_space<vmem>>)
      tpu.yield
    }) : () -> ()
    "tpu.region"() ({
      %run_scoped3A = tpu.sem_alloc : memref<!tpu.dma_semaphore, #tpu.memory_space<semaphore_mem>>
      tpu.enqueue_dma source(%arg6 : memref<768xf32, #tpu.memory_space<hbm>>) target(%arg17 : memref<768xf32, #tpu.memory_space<vmem>>) target_semaphore(%run_scoped3A : memref<!tpu.dma_semaphore, #tpu.memory_space<semaphore_mem>>)
      tpu.wait_dma2 semaphore(%run_scoped3A : memref<!tpu.dma_semaphore, #tpu.memory_space<semaphore_mem>>) src(%arg6 : memref<768xf32, #tpu.memory_space<hbm>>) dst(%arg17 : memref<768xf32, #tpu.memory_space<vmem>>)
      tpu.yield
    }) : () -> ()
    "tpu.region"() ({
      %run_scoped3A = tpu.sem_alloc : memref<!tpu.dma_semaphore, #tpu.memory_space<semaphore_mem>>
      tpu.enqueue_dma source(%arg7 : memref<768xf32, #tpu.memory_space<hbm>>) target(%arg18 : memref<768xf32, #tpu.memory_space<vmem>>) target_semaphore(%run_scoped3A : memref<!tpu.dma_semaphore, #tpu.memory_space<semaphore_mem>>)
      tpu.wait_dma2 semaphore(%run_scoped3A : memref<!tpu.dma_semaphore, #tpu.memory_space<semaphore_mem>>) src(%arg7 : memref<768xf32, #tpu.memory_space<hbm>>) dst(%arg18 : memref<768xf32, #tpu.memory_space<vmem>>)
      tpu.yield
    }) : () -> ()
    %parallel_loop3A = arith.constant 0 : i32
    %parallel_loop3A_3 = arith.constant 16 : i32
    %parallel_loop3A_4 = arith.constant 1 : i32
    scf.for %parallel_loop3A_86 = %parallel_loop3A to %parallel_loop3A_3 step %parallel_loop3A_4  : i32 {
      %parallel_loop3A_87 = arith.constant 0 : i32
      %parallel_loop3A_88 = arith.constant 768 : i32
      %parallel_loop3A_89 = arith.constant 16 : i32
      scf.for %parallel_loop3A_90 = %parallel_loop3A_87 to %parallel_loop3A_88 step %parallel_loop3A_89  : i32 {
        %parallel_loop3A_91 = arith.index_cast %parallel_loop3A_86 : i32 to index
        %parallel_loop3A_92 = arith.index_cast %parallel_loop3A_90 : i32 to index
        %parallel_loop3A_93 = tpu.vector_load %arg15[%parallel_loop3A_91, %parallel_loop3A_92] {strides = array<i32>} : memref<16x768xf32, #tpu.memory_space<vmem>>, vector<16xf32>,
        %parallel_loop3A_94 = arith.constant 0 : i32
        %parallel_loop3A_95 = arith.index_cast %parallel_loop3A_94 : i32 to index
        %parallel_loop3A_96 = arith.index_cast %parallel_loop3A_90 : i32 to index
        %parallel_loop3A_97 = tpu.vector_load %arg16[%parallel_loop3A_95, %parallel_loop3A_96] {strides = array<i32>} : memref<1x768xf32, #tpu.memory_space<vmem>>, vector<16xf32>,
        %parallel_loop3A_98 = arith.addf %parallel_loop3A_93, %parallel_loop3A_97 : vector<16xf32>
        %parallel_loop3A_99 = arith.index_cast %parallel_loop3A_86 : i32 to index
        %parallel_loop3A_100 = arith.index_cast %parallel_loop3A_90 : i32 to index
        %parallel_loop3A_101 = tpu.vector_load %arg15[%parallel_loop3A_99, %parallel_loop3A_100] {strides = array<i32>} : memref<16x768xf32, #tpu.memory_space<vmem>>, vector<16xf32>,
        tpu.vector_store %arg15[%parallel_loop3A_99, %parallel_loop3A_100], %parallel_loop3A_98 {strides = array<i32>} : memref<16x768xf32, #tpu.memory_space<vmem>>, vector<16xf32>,
      } {sc.loop_unroll_factor = 4 : i64, sc.parallel_access}
    } {sc.loop_unroll_factor = 1 : i64, sc.parallel_access}
    %broadcast_in_dim3A = arith.constant 0.000000e+00 : f32
    %broadcast_in_dim3A_5 = vector.broadcast %broadcast_in_dim3A : f32 to vector<16xf32>
    %dma_start3A = arith.constant 0 : i32
    %dma_start3A_6 = arith.constant 0 : i32
    %dma_start3A_7 = tpu.memref_slice %arg9[%dma_start3A, %dma_start3A_6] : memref<128x16xi32, #tpu.memory_space<vmem>> -> memref<1x16xi32, #tpu.memory_space<vmem>>
    %dma_start3A_8 = tpu.memref_squeeze %dma_start3A_7 : memref<1x16xi32, #tpu.memory_space<vmem>> -> memref<16xi32, #tpu.memory_space<vmem>>
    %dma_start3A_9 = arith.constant 0 : i32
    %dma_start3A_10 = arith.constant 0 : i32
    %dma_start3A_11 = tpu.memref_slice %arg3[%dma_start3A_9, %dma_start3A_10] : memref<100000x768xf32, #tpu.memory_space<hbm>> -> memref<100000x768xf32, #tpu.memory_space<hbm>>
    tpu.enqueue_indirect_dma source(%dma_start3A_11 : memref<100000x768xf32, #tpu.memory_space<hbm>>) target(%arg10 : memref<16x768xf32, #tpu.memory_space<vmem>>) offsets(%dma_start3A_8 : memref<16xi32, #tpu.memory_space<vmem>>) semaphore(%arg19 : memref<!tpu.dma_semaphore, #tpu.memory_space<semaphore_mem>>)
    %dma_start3A_12 = arith.constant 1 : i32
    %dma_start3A_13 = arith.constant 0 : i32
    %dma_start3A_14 = tpu.memref_slice %arg9[%dma_start3A_12, %dma_start3A_13] : memref<128x16xi32, #tpu.memory_space<vmem>> -> memref<1x16xi32, #tpu.memory_space<vmem>>
    %dma_start3A_15 = tpu.memref_squeeze %dma_start3A_14 : memref<1x16xi32, #tpu.memory_space<vmem>> -> memref<16xi32, #tpu.memory_space<vmem>>
    %dma_start3A_16 = arith.constant 0 : i32
    %dma_start3A_17 = arith.constant 0 : i32
    %dma_start3A_18 = tpu.memref_slice %arg3[%dma_start3A_16, %dma_start3A_17] : memref<100000x768xf32, #tpu.memory_space<hbm>> -> memref<100000x768xf32, #tpu.memory_space<hbm>>
    tpu.enqueue_indirect_dma source(%dma_start3A_18 : memref<100000x768xf32, #tpu.memory_space<hbm>>) target(%arg11 : memref<16x768xf32, #tpu.memory_space<vmem>>) offsets(%dma_start3A_15 : memref<16xi32, #tpu.memory_space<vmem>>) semaphore(%arg20 : memref<!tpu.dma_semaphore, #tpu.memory_space<semaphore_mem>>)
    %scan3A = arith.constant 0 : i32
    %scan3A_19 = arith.constant 0 : i32
    %scan3A_20 = arith.constant 21 : i32
    %scan3A_21 = arith.addi %scan3A_19, %scan3A_20 : i32
    %scan3A_22 = arith.constant 1 : i32
    %scan3A_23 = scf.for %scan3A_86 = %scan3A_19 to %scan3A_21 step %scan3A_22 iter_args(%scan3A_87 = %scan3A) -> (i32)  : i32 {
      %mul3A_88 = arith.constant 6 : i32
      %mul3A_89 = arith.muli %scan3A_86, %mul3A_88 : i32
      %add3A_90 = arith.constant 0 : i32
      %add3A_91 = arith.addi %mul3A_89, %add3A_90 : i32
      %dma_wait3A_92 = arith.constant 0 : i32
      %dma_wait3A_93 = tpu.memref_slice %arg9[%add3A_91, %dma_wait3A_92] : memref<128x16xi32, #tpu.memory_space<vmem>> -> memref<1x16xi32, #tpu.memory_space<vmem>>
      %dma_wait3A_94 = tpu.memref_squeeze %dma_wait3A_93 : memref<1x16xi32, #tpu.memory_space<vmem>> -> memref<16xi32, #tpu.memory_space<vmem>>
      %dma_wait3A_95 = arith.constant 0 : i32
      %dma_wait3A_96 = arith.constant 0 : i32
      %dma_wait3A_97 = tpu.memref_slice %arg3[%dma_wait3A_95, %dma_wait3A_96] : memref<100000x768xf32, #tpu.memory_space<hbm>> -> memref<100000x768xf32, #tpu.memory_space<hbm>>
      tpu.wait_indirect_dma semaphore(%arg19 : memref<!tpu.dma_semaphore, #tpu.memory_space<semaphore_mem>>) src(%dma_wait3A_97 : memref<100000x768xf32, #tpu.memory_space<hbm>>) dst(%arg10 : memref<16x768xf32, #tpu.memory_space<vmem>>)
      %ge3A = arith.constant 3 : i32
      %ge3A_98 = arith.cmpi sge, %add3A_91, %ge3A : i32
      %convert_element_type3A = arith.extui %ge3A_98 : i1 to i32
      %cond3A = arith.constant 0 : i32
      %cond3A_99 = arith.cmpi ne, %convert_element_type3A, %cond3A : i32
      scf.if %cond3A_99 {
        %sub3A = arith.constant 3 : i32
        %sub3A_267 = arith.subi %add3A_91, %sub3A : i32
        %mul3A_268 = arith.constant 512 : i32
        %mul3A_269 = arith.muli %sub3A_267, %mul3A_268 : i32
        %add3A_270 = arith.addi %mul3A_269, %mul3A_2 : i32
        %dma_wait3A_271 = arith.constant 0 : i32
        %dma_wait3A_272 = tpu.memref_slice %arg8[%add3A_270, %dma_wait3A_271] : memref<65536x768xf32, #tpu.memory_space<hbm>> -> memref<16x768xf32, #tpu.memory_space<hbm>>
        %dma_wait3A_273 = arith.constant 0 : i32
        %dma_wait3A_274 = tpu.memref_slice %arg8[%add3A_270, %dma_wait3A_273] : memref<65536x768xf32, #tpu.memory_space<hbm>> -> memref<16x768xf32, #tpu.memory_space<hbm>>
        tpu.wait_dma2 semaphore(%arg21 : memref<!tpu.dma_semaphore, #tpu.memory_space<semaphore_mem>>) src(%arg12 : memref<16x768xf32, #tpu.memory_space<vmem>>) dst(%dma_wait3A_274 : memref<16x768xf32, #tpu.memory_space<hbm>>)
      } else {
      }
      %parallel_loop3A_100 = arith.constant 0 : i32
      %parallel_loop3A_101 = arith.constant 16 : i32
      %parallel_loop3A_102 = arith.constant 1 : i32
      scf.for %parallel_loop3A_267 = %parallel_loop3A_100 to %parallel_loop3A_101 step %parallel_loop3A_102  : i32 {
        %parallel_loop3A_268 = arith.constant 0 : i32
        %parallel_loop3A_269 = arith.constant 768 : i32
        %parallel_loop3A_270 = arith.constant 16 : i32
        %parallel_loop3A_271:2 = scf.for %parallel_loop3A_338 = %parallel_loop3A_268 to %parallel_loop3A_269 step %parallel_loop3A_270 iter_args(%parallel_loop3A_339 = %broadcast_in_dim3A_5, %parallel_loop3A_340 = %broadcast_in_dim3A_5) -> (vector<16xf32>, vector<16xf32>)  : i32 {
          %parallel_loop3A_341 = arith.index_cast %parallel_loop3A_267 : i32 to index
          %parallel_loop3A_342 = arith.index_cast %parallel_loop3A_338 : i32 to index
          %parallel_loop3A_343 = tpu.vector_load %arg10[%parallel_loop3A_341, %parallel_loop3A_342] {strides = array<i32>} : memref<16x768xf32, #tpu.memory_space<vmem>>, vector<16xf32>,
          %parallel_loop3A_344 = arith.index_cast %parallel_loop3A_267 : i32 to index
          %parallel_loop3A_345 = arith.index_cast %parallel_loop3A_338 : i32 to index
          %parallel_loop3A_346 = tpu.vector_load %arg15[%parallel_loop3A_344, %parallel_loop3A_345] {strides = array<i32>} : memref<16x768xf32, #tpu.memory_space<vmem>>, vector<16xf32>,
          %parallel_loop3A_347 = arith.addf %parallel_loop3A_343, %parallel_loop3A_346 : vector<16xf32>
          %parallel_loop3A_348 = arith.index_cast %parallel_loop3A_267 : i32 to index
          %parallel_loop3A_349 = arith.index_cast %parallel_loop3A_338 : i32 to index
          %parallel_loop3A_350 = tpu.vector_load %arg12[%parallel_loop3A_348, %parallel_loop3A_349] {strides = array<i32>} : memref<16x768xf32, #tpu.memory_space<vmem>>, vector<16xf32>,
          tpu.vector_store %arg12[%parallel_loop3A_348, %parallel_loop3A_349], %parallel_loop3A_347 {strides = array<i32>} : memref<16x768xf32, #tpu.memory_space<vmem>>, vector<16xf32>,
          %parallel_loop3A_351 = arith.addf %parallel_loop3A_339, %parallel_loop3A_347 : vector<16xf32>
          %parallel_loop3A_352 = arith.mulf %parallel_loop3A_347, %parallel_loop3A_347 : vector<16xf32>
          %parallel_loop3A_353 = arith.addf %parallel_loop3A_340, %parallel_loop3A_352 : vector<16xf32>
          scf.yield %parallel_loop3A_351, %parallel_loop3A_353 : vector<16xf32>, vector<16xf32>
        } {sc.loop_unroll_factor = 24 : i64, sc.parallel_access}
        %parallel_loop3A_272 = arith.constant true
        %parallel_loop3A_273 = vector.broadcast %parallel_loop3A_272 : i1 to vector<16xi1>
        %parallel_loop3A_274 = tpu.scan <sum>, %parallel_loop3A_271#0 masked %parallel_loop3A_273 : vector<16xf32>, vector<16xi1> -> vector<16xf32>
        %parallel_loop3A_275 = vector.extract %parallel_loop3A_274[15] : f32 from vector<16xf32>
        %parallel_loop3A_276 = arith.constant true
        %parallel_loop3A_277 = vector.broadcast %parallel_loop3A_276 : i1 to vector<16xi1>
        %parallel_loop3A_278 = tpu.scan <sum>, %parallel_loop3A_271#1 masked %parallel_loop3A_277 : vector<16xf32>, vector<16xi1> -> vector<16xf32>
        %parallel_loop3A_279 = vector.extract %parallel_loop3A_278[15] : f32 from vector<16xf32>
        %parallel_loop3A_280 = arith.constant 0.00130208337 : f32
        %parallel_loop3A_281 = arith.mulf %parallel_loop3A_275, %parallel_loop3A_280 : f32
        %parallel_loop3A_282 = arith.constant 0.00130208337 : f32
        %parallel_loop3A_283 = arith.mulf %parallel_loop3A_279, %parallel_loop3A_282 : f32
        %parallel_loop3A_284 = arith.mulf %parallel_loop3A_281, %parallel_loop3A_281 : f32
        %parallel_loop3A_285 = arith.subf %parallel_loop3A_283, %parallel_loop3A_284 : f32
        %parallel_loop3A_286 = arith.constant 0.000000e+00 : f32
        %parallel_loop3A_287 = arith.maximumf %parallel_loop3A_285, %parallel_loop3A_286 : f32
        %parallel_loop3A_288 = arith.constant 9.99999996E-13 : f32
        %parallel_loop3A_289 = arith.addf %parallel_loop3A_287, %parallel_loop3A_288 : f32
        %parallel_loop3A_290 = vector.broadcast %parallel_loop3A_289 : f32 to vector<16xf32>
        %parallel_loop3A_291 = tpu.bitcast %parallel_loop3A_290 : vector<16xf32> -> vector<16xi32>
        %parallel_loop3A_292 = arith.constant 1 : i32
        %parallel_loop3A_293 = vector.broadcast %parallel_loop3A_292 : i32 to vector<16xi32>
        %parallel_loop3A_294 = arith.shrui %parallel_loop3A_291, %parallel_loop3A_293 : vector<16xi32>
        %parallel_loop3A_295 = arith.constant 1597463007 : i32
        %parallel_loop3A_296 = vector.broadcast %parallel_loop3A_295 : i32 to vector<16xi32>
        %parallel_loop3A_297 = arith.subi %parallel_loop3A_296, %parallel_loop3A_294 : vector<16xi32>
        %parallel_loop3A_298 = tpu.bitcast %parallel_loop3A_297 : vector<16xi32> -> vector<16xf32>
        %parallel_loop3A_299 = arith.constant 5.000000e-01 : f32
        %parallel_loop3A_300 = vector.broadcast %parallel_loop3A_299 : f32 to vector<16xf32>
        %parallel_loop3A_301 = arith.mulf %parallel_loop3A_300, %parallel_loop3A_290 : vector<16xf32>
        %parallel_loop3A_302 = arith.mulf %parallel_loop3A_301, %parallel_loop3A_298 : vector<16xf32>
        %parallel_loop3A_303 = arith.mulf %parallel_loop3A_302, %parallel_loop3A_298 : vector<16xf32>
        %parallel_loop3A_304 = arith.constant 1.500000e+00 : f32
        %parallel_loop3A_305 = vector.broadcast %parallel_loop3A_304 : f32 to vector<16xf32>
        %parallel_loop3A_306 = arith.subf %parallel_loop3A_305, %parallel_loop3A_303 : vector<16xf32>
        %parallel_loop3A_307 = arith.mulf %parallel_loop3A_298, %parallel_loop3A_306 : vector<16xf32>
        %parallel_loop3A_308 = arith.constant 5.000000e-01 : f32
        %parallel_loop3A_309 = vector.broadcast %parallel_loop3A_308 : f32 to vector<16xf32>
        %parallel_loop3A_310 = arith.mulf %parallel_loop3A_309, %parallel_loop3A_290 : vector<16xf32>
        %parallel_loop3A_311 = arith.mulf %parallel_loop3A_310, %parallel_loop3A_307 : vector<16xf32>
        %parallel_loop3A_312 = arith.mulf %parallel_loop3A_311, %parallel_loop3A_307 : vector<16xf32>
        %parallel_loop3A_313 = arith.constant 1.500000e+00 : f32
        %parallel_loop3A_314 = vector.broadcast %parallel_loop3A_313 : f32 to vector<16xf32>
        %parallel_loop3A_315 = arith.subf %parallel_loop3A_314, %parallel_loop3A_312 : vector<16xf32>
        %parallel_loop3A_316 = arith.mulf %parallel_loop3A_307, %parallel_loop3A_315 : vector<16xf32>
        %parallel_loop3A_317 = arith.constant 5.000000e-01 : f32
        %parallel_loop3A_318 = vector.broadcast %parallel_loop3A_317 : f32 to vector<16xf32>
        %parallel_loop3A_319 = arith.mulf %parallel_loop3A_318, %parallel_loop3A_290 : vector<16xf32>
        %parallel_loop3A_320 = arith.mulf %parallel_loop3A_319, %parallel_loop3A_316 : vector<16xf32>
        %parallel_loop3A_321 = arith.mulf %parallel_loop3A_320, %parallel_loop3A_316 : vector<16xf32>
        %parallel_loop3A_322 = arith.constant 1.500000e+00 : f32
        %parallel_loop3A_323 = vector.broadcast %parallel_loop3A_322 : f32 to vector<16xf32>
        %parallel_loop3A_324 = arith.subf %parallel_loop3A_323, %parallel_loop3A_321 : vector<16xf32>
        %parallel_loop3A_325 = arith.mulf %parallel_loop3A_316, %parallel_loop3A_324 : vector<16xf32>
        %parallel_loop3A_326 = arith.constant 5.000000e-01 : f32
        %parallel_loop3A_327 = vector.broadcast %parallel_loop3A_326 : f32 to vector<16xf32>
        %parallel_loop3A_328 = arith.mulf %parallel_loop3A_327, %parallel_loop3A_290 : vector<16xf32>
        %parallel_loop3A_329 = arith.mulf %parallel_loop3A_328, %parallel_loop3A_325 : vector<16xf32>
        %parallel_loop3A_330 = arith.mulf %parallel_loop3A_329, %parallel_loop3A_325 : vector<16xf32>
        %parallel_loop3A_331 = arith.constant 1.500000e+00 : f32
        %parallel_loop3A_332 = vector.broadcast %parallel_loop3A_331 : f32 to vector<16xf32>
        %parallel_loop3A_333 = arith.subf %parallel_loop3A_332, %parallel_loop3A_330 : vector<16xf32>
        %parallel_loop3A_334 = arith.mulf %parallel_loop3A_325, %parallel_loop3A_333 : vector<16xf32>
        %parallel_loop3A_335 = arith.constant 0 : i32
        %parallel_loop3A_336 = arith.constant 768 : i32
        %parallel_loop3A_337 = arith.constant 16 : i32
        scf.for %parallel_loop3A_338 = %parallel_loop3A_335 to %parallel_loop3A_336 step %parallel_loop3A_337  : i32 {
          %parallel_loop3A_339 = arith.index_cast %parallel_loop3A_267 : i32 to index
          %parallel_loop3A_340 = arith.index_cast %parallel_loop3A_338 : i32 to index
          %parallel_loop3A_341 = tpu.vector_load %arg12[%parallel_loop3A_339, %parallel_loop3A_340] {strides = array<i32>} : memref<16x768xf32, #tpu.memory_space<vmem>>, vector<16xf32>,
          %parallel_loop3A_342 = vector.broadcast %parallel_loop3A_281 : f32 to vector<16xf32>
          %parallel_loop3A_343 = arith.subf %parallel_loop3A_341, %parallel_loop3A_342 : vector<16xf32>
          %parallel_loop3A_344 = arith.mulf %parallel_loop3A_343, %parallel_loop3A_334 : vector<16xf32>
          %parallel_loop3A_345 = arith.index_cast %parallel_loop3A_338 : i32 to index
          %parallel_loop3A_346 = tpu.vector_load %arg17[%parallel_loop3A_345] {strides = array<i32>} : memref<768xf32, #tpu.memory_space<vmem>>, vector<16xf32>,
          %parallel_loop3A_347 = arith.mulf %parallel_loop3A_344, %parallel_loop3A_346 : vector<16xf32>
          %parallel_loop3A_348 = arith.index_cast %parallel_loop3A_338 : i32 to index
          %parallel_loop3A_349 = tpu.vector_load %arg18[%parallel_loop3A_348] {strides = array<i32>} : memref<768xf32, #tpu.memory_space<vmem>>, vector<16xf32>,
          %parallel_loop3A_350 = arith.addf %parallel_loop3A_347, %parallel_loop3A_349 : vector<16xf32>
          %parallel_loop3A_351 = arith.index_cast %parallel_loop3A_267 : i32 to index
          %parallel_loop3A_352 = arith.index_cast %parallel_loop3A_338 : i32 to index
          %parallel_loop3A_353 = tpu.vector_load %arg12[%parallel_loop3A_351, %parallel_loop3A_352] {strides = array<i32>} : memref<16x768xf32, #tpu.memory_space<vmem>>, vector<16xf32>,
          tpu.vector_store %arg12[%parallel_loop3A_351, %parallel_loop3A_352], %parallel_loop3A_350 {strides = array<i32>} : memref<16x768xf32, #tpu.memory_space<vmem>>, vector<16xf32>,
        } {sc.loop_unroll_factor = 24 : i64, sc.parallel_access}
      } {sc.loop_unroll_factor = 1 : i64, sc.parallel_access}
      %mul3A_103 = arith.constant 512 : i32
      %mul3A_104 = arith.muli %add3A_91, %mul3A_103 : i32
      %add3A_105 = arith.addi %mul3A_104, %mul3A_2 : i32
      %dma_start3A_106 = arith.constant 0 : i32
      %dma_start3A_107 = tpu.memref_slice %arg8[%add3A_105, %dma_start3A_106] : memref<65536x768xf32, #tpu.memory_space<hbm>> -> memref<16x768xf32, #tpu.memory_space<hbm>>
      %dma_start3A_108 = arith.constant 0 : i32
      %dma_start3A_109 = tpu.memref_slice %arg8[%add3A_105, %dma_start3A_108] : memref<65536x768xf32, #tpu.memory_space<hbm>> -> memref<16x768xf32, #tpu.memory_space<hbm>>
      tpu.enqueue_dma source(%arg12 : memref<16x768xf32, #tpu.memory_space<vmem>>) target(%dma_start3A_109 : memref<16x768xf32, #tpu.memory_space<hbm>>) target_semaphore(%arg21 : memref<!tpu.dma_semaphore, #tpu.memory_space<semaphore_mem>>)
      %add3A_110 = arith.constant 2 : i32
      %add3A_111 = arith.addi %add3A_91, %add3A_110 : i32
      %lt3A = arith.constant 128 : i32
      %lt3A_112 = arith.cmpi slt, %add3A_111, %lt3A : i32
      %convert_element_type3A_113 = arith.extui %lt3A_112 : i1 to i32
      %cond3A_114 = arith.constant 0 : i32
      %cond3A_115 = arith.cmpi ne, %convert_element_type3A_113, %cond3A_114 : i32
      scf.if %cond3A_115 {
        %add3A_267 = arith.constant 2 : i32
        %add3A_268 = arith.addi %add3A_91, %add3A_267 : i32
        %dma_start3A_269 = arith.constant 0 : i32
        %dma_start3A_270 = tpu.memref_slice %arg9[%add3A_268, %dma_start3A_269] : memref<128x16xi32, #tpu.memory_space<vmem>> -> memref<1x16xi32, #tpu.memory_space<vmem>>
        %dma_start3A_271 = tpu.memref_squeeze %dma_start3A_270 : memref<1x16xi32, #tpu.memory_space<vmem>> -> memref<16xi32, #tpu.memory_space<vmem>>
        %dma_start3A_272 = arith.constant 0 : i32
        %dma_start3A_273 = arith.constant 0 : i32
        %dma_start3A_274 = tpu.memref_slice %arg3[%dma_start3A_272, %dma_start3A_273] : memref<100000x768xf32, #tpu.memory_space<hbm>> -> memref<100000x768xf32, #tpu.memory_space<hbm>>
        tpu.enqueue_indirect_dma source(%dma_start3A_274 : memref<100000x768xf32, #tpu.memory_space<hbm>>) target(%arg10 : memref<16x768xf32, #tpu.memory_space<vmem>>) offsets(%dma_start3A_271 : memref<16xi32, #tpu.memory_space<vmem>>) semaphore(%arg19 : memref<!tpu.dma_semaphore, #tpu.memory_space<semaphore_mem>>)
      } else {
      }
      %add3A_116 = arith.constant 1 : i32
      %add3A_117 = arith.addi %mul3A_89, %add3A_116 : i32
      %dma_wait3A_118 = arith.constant 0 : i32
      %dma_wait3A_119 = tpu.memref_slice %arg9[%add3A_117, %dma_wait3A_118] : memref<128x16xi32, #tpu.memory_space<vmem>> -> memref<1x16xi32, #tpu.memory_space<vmem>>
      %dma_wait3A_120 = tpu.memref_squeeze %dma_wait3A_119 : memref<1x16xi32, #tpu.memory_space<vmem>> -> memref<16xi32, #tpu.memory_space<vmem>>
      %dma_wait3A_121 = arith.constant 0 : i32
      %dma_wait3A_122 = arith.constant 0 : i32
      %dma_wait3A_123 = tpu.memref_slice %arg3[%dma_wait3A_121, %dma_wait3A_122] : memref<100000x768xf32, #tpu.memory_space<hbm>> -> memref<100000x768xf32, #tpu.memory_space<hbm>>
      tpu.wait_indirect_dma semaphore(%arg20 : memref<!tpu.dma_semaphore, #tpu.memory_space<semaphore_mem>>) src(%dma_wait3A_123 : memref<100000x768xf32, #tpu.memory_space<hbm>>) dst(%arg11 : memref<16x768xf32, #tpu.memory_space<vmem>>)
      %ge3A_124 = arith.constant 3 : i32
      %ge3A_125 = arith.cmpi sge, %add3A_117, %ge3A_124 : i32
      %convert_element_type3A_126 = arith.extui %ge3A_125 : i1 to i32
      %cond3A_127 = arith.constant 0 : i32
      %cond3A_128 = arith.cmpi ne, %convert_element_type3A_126, %cond3A_127 : i32
      scf.if %cond3A_128 {
        %sub3A = arith.constant 3 : i32
        %sub3A_267 = arith.subi %add3A_117, %sub3A : i32
        %mul3A_268 = arith.constant 512 : i32
        %mul3A_269 = arith.muli %sub3A_267, %mul3A_268 : i32
        %add3A_270 = arith.addi %mul3A_269, %mul3A_2 : i32
        %dma_wait3A_271 = arith.constant 0 : i32
        %dma_wait3A_272 = tpu.memref_slice %arg8[%add3A_270, %dma_wait3A_271] : memref<65536x768xf32, #tpu.memory_space<hbm>> -> memref<16x768xf32, #tpu.memory_space<hbm>>
        %dma_wait3A_273 = arith.constant 0 : i32
        %dma_wait3A_274 = tpu.memref_slice %arg8[%add3A_270, %dma_wait3A_273] : memref<65536x768xf32, #tpu.memory_space<hbm>> -> memref<16x768xf32, #tpu.memory_space<hbm>>
        tpu.wait_dma2 semaphore(%arg22 : memref<!tpu.dma_semaphore, #tpu.memory_space<semaphore_mem>>) src(%arg13 : memref<16x768xf32, #tpu.memory_space<vmem>>) dst(%dma_wait3A_274 : memref<16x768xf32, #tpu.memory_space<hbm>>)
      } else {
      }
      %parallel_loop3A_129 = arith.constant 0 : i32
      %parallel_loop3A_130 = arith.constant 16 : i32
      %parallel_loop3A_131 = arith.constant 1 : i32
      scf.for %parallel_loop3A_267 = %parallel_loop3A_129 to %parallel_loop3A_130 step %parallel_loop3A_131  : i32 {
        %parallel_loop3A_268 = arith.constant 0 : i32
        %parallel_loop3A_269 = arith.constant 768 : i32
        %parallel_loop3A_270 = arith.constant 16 : i32
        %parallel_loop3A_271:2 = scf.for %parallel_loop3A_338 = %parallel_loop3A_268 to %parallel_loop3A_269 step %parallel_loop3A_270 iter_args(%parallel_loop3A_339 = %broadcast_in_dim3A_5, %parallel_loop3A_340 = %broadcast_in_dim3A_5) -> (vector<16xf32>, vector<16xf32>)  : i32 {
          %parallel_loop3A_341 = arith.index_cast %parallel_loop3A_267 : i32 to index
          %parallel_loop3A_342 = arith.index_cast %parallel_loop3A_338 : i32 to index
          %parallel_loop3A_343 = tpu.vector_load %arg11[%parallel_loop3A_341, %parallel_loop3A_342] {strides = array<i32>} : memref<16x768xf32, #tpu.memory_space<vmem>>, vector<16xf32>,
          %parallel_loop3A_344 = arith.index_cast %parallel_loop3A_267 : i32 to index
          %parallel_loop3A_345 = arith.index_cast %parallel_loop3A_338 : i32 to index
          %parallel_loop3A_346 = tpu.vector_load %arg15[%parallel_loop3A_344, %parallel_loop3A_345] {strides = array<i32>} : memref<16x768xf32, #tpu.memory_space<vmem>>, vector<16xf32>,
          %parallel_loop3A_347 = arith.addf %parallel_loop3A_343, %parallel_loop3A_346 : vector<16xf32>
          %parallel_loop3A_348 = arith.index_cast %parallel_loop3A_267 : i32 to index
          %parallel_loop3A_349 = arith.index_cast %parallel_loop3A_338 : i32 to index
          %parallel_loop3A_350 = tpu.vector_load %arg13[%parallel_loop3A_348, %parallel_loop3A_349] {strides = array<i32>} : memref<16x768xf32, #tpu.memory_space<vmem>>, vector<16xf32>,
          tpu.vector_store %arg13[%parallel_loop3A_348, %parallel_loop3A_349], %parallel_loop3A_347 {strides = array<i32>} : memref<16x768xf32, #tpu.memory_space<vmem>>, vector<16xf32>,
          %parallel_loop3A_351 = arith.addf %parallel_loop3A_339, %parallel_loop3A_347 : vector<16xf32>
          %parallel_loop3A_352 = arith.mulf %parallel_loop3A_347, %parallel_loop3A_347 : vector<16xf32>
          %parallel_loop3A_353 = arith.addf %parallel_loop3A_340, %parallel_loop3A_352 : vector<16xf32>
          scf.yield %parallel_loop3A_351, %parallel_loop3A_353 : vector<16xf32>, vector<16xf32>
        } {sc.loop_unroll_factor = 24 : i64, sc.parallel_access}
        %parallel_loop3A_272 = arith.constant true
        %parallel_loop3A_273 = vector.broadcast %parallel_loop3A_272 : i1 to vector<16xi1>
        %parallel_loop3A_274 = tpu.scan <sum>, %parallel_loop3A_271#0 masked %parallel_loop3A_273 : vector<16xf32>, vector<16xi1> -> vector<16xf32>
        %parallel_loop3A_275 = vector.extract %parallel_loop3A_274[15] : f32 from vector<16xf32>
        %parallel_loop3A_276 = arith.constant true
        %parallel_loop3A_277 = vector.broadcast %parallel_loop3A_276 : i1 to vector<16xi1>
        %parallel_loop3A_278 = tpu.scan <sum>, %parallel_loop3A_271#1 masked %parallel_loop3A_277 : vector<16xf32>, vector<16xi1> -> vector<16xf32>
        %parallel_loop3A_279 = vector.extract %parallel_loop3A_278[15] : f32 from vector<16xf32>
        %parallel_loop3A_280 = arith.constant 0.00130208337 : f32
        %parallel_loop3A_281 = arith.mulf %parallel_loop3A_275, %parallel_loop3A_280 : f32
        %parallel_loop3A_282 = arith.constant 0.00130208337 : f32
        %parallel_loop3A_283 = arith.mulf %parallel_loop3A_279, %parallel_loop3A_282 : f32
        %parallel_loop3A_284 = arith.mulf %parallel_loop3A_281, %parallel_loop3A_281 : f32
        %parallel_loop3A_285 = arith.subf %parallel_loop3A_283, %parallel_loop3A_284 : f32
        %parallel_loop3A_286 = arith.constant 0.000000e+00 : f32
        %parallel_loop3A_287 = arith.maximumf %parallel_loop3A_285, %parallel_loop3A_286 : f32
        %parallel_loop3A_288 = arith.constant 9.99999996E-13 : f32
        %parallel_loop3A_289 = arith.addf %parallel_loop3A_287, %parallel_loop3A_288 : f32
        %parallel_loop3A_290 = vector.broadcast %parallel_loop3A_289 : f32 to vector<16xf32>
        %parallel_loop3A_291 = tpu.bitcast %parallel_loop3A_290 : vector<16xf32> -> vector<16xi32>
        %parallel_loop3A_292 = arith.constant 1 : i32
        %parallel_loop3A_293 = vector.broadcast %parallel_loop3A_292 : i32 to vector<16xi32>
        %parallel_loop3A_294 = arith.shrui %parallel_loop3A_291, %parallel_loop3A_293 : vector<16xi32>
        %parallel_loop3A_295 = arith.constant 1597463007 : i32
        %parallel_loop3A_296 = vector.broadcast %parallel_loop3A_295 : i32 to vector<16xi32>
        %parallel_loop3A_297 = arith.subi %parallel_loop3A_296, %parallel_loop3A_294 : vector<16xi32>
        %parallel_loop3A_298 = tpu.bitcast %parallel_loop3A_297 : vector<16xi32> -> vector<16xf32>
        %parallel_loop3A_299 = arith.constant 5.000000e-01 : f32
        %parallel_loop3A_300 = vector.broadcast %parallel_loop3A_299 : f32 to vector<16xf32>
        %parallel_loop3A_301 = arith.mulf %parallel_loop3A_300, %parallel_loop3A_290 : vector<16xf32>
        %parallel_loop3A_302 = arith.mulf %parallel_loop3A_301, %parallel_loop3A_298 : vector<16xf32>
        %parallel_loop3A_303 = arith.mulf %parallel_loop3A_302, %parallel_loop3A_298 : vector<16xf32>
        %parallel_loop3A_304 = arith.constant 1.500000e+00 : f32
        %parallel_loop3A_305 = vector.broadcast %parallel_loop3A_304 : f32 to vector<16xf32>
        %parallel_loop3A_306 = arith.subf %parallel_loop3A_305, %parallel_loop3A_303 : vector<16xf32>
        %parallel_loop3A_307 = arith.mulf %parallel_loop3A_298, %parallel_loop3A_306 : vector<16xf32>
        %parallel_loop3A_308 = arith.constant 5.000000e-01 : f32
        %parallel_loop3A_309 = vector.broadcast %parallel_loop3A_308 : f32 to vector<16xf32>
        %parallel_loop3A_310 = arith.mulf %parallel_loop3A_309, %parallel_loop3A_290 : vector<16xf32>
        %parallel_loop3A_311 = arith.mulf %parallel_loop3A_310, %parallel_loop3A_307 : vector<16xf32>
        %parallel_loop3A_312 = arith.mulf %parallel_loop3A_311, %parallel_loop3A_307 : vector<16xf32>
        %parallel_loop3A_313 = arith.constant 1.500000e+00 : f32
        %parallel_loop3A_314 = vector.broadcast %parallel_loop3A_313 : f32 to vector<16xf32>
        %parallel_loop3A_315 = arith.subf %parallel_loop3A_314, %parallel_loop3A_312 : vector<16xf32>
        %parallel_loop3A_316 = arith.mulf %parallel_loop3A_307, %parallel_loop3A_315 : vector<16xf32>
        %parallel_loop3A_317 = arith.constant 5.000000e-01 : f32
        %parallel_loop3A_318 = vector.broadcast %parallel_loop3A_317 : f32 to vector<16xf32>
        %parallel_loop3A_319 = arith.mulf %parallel_loop3A_318, %parallel_loop3A_290 : vector<16xf32>
        %parallel_loop3A_320 = arith.mulf %parallel_loop3A_319, %parallel_loop3A_316 : vector<16xf32>
        %parallel_loop3A_321 = arith.mulf %parallel_loop3A_320, %parallel_loop3A_316 : vector<16xf32>
        %parallel_loop3A_322 = arith.constant 1.500000e+00 : f32
        %parallel_loop3A_323 = vector.broadcast %parallel_loop3A_322 : f32 to vector<16xf32>
        %parallel_loop3A_324 = arith.subf %parallel_loop3A_323, %parallel_loop3A_321 : vector<16xf32>
        %parallel_loop3A_325 = arith.mulf %parallel_loop3A_316, %parallel_loop3A_324 : vector<16xf32>
        %parallel_loop3A_326 = arith.constant 5.000000e-01 : f32
        %parallel_loop3A_327 = vector.broadcast %parallel_loop3A_326 : f32 to vector<16xf32>
        %parallel_loop3A_328 = arith.mulf %parallel_loop3A_327, %parallel_loop3A_290 : vector<16xf32>
        %parallel_loop3A_329 = arith.mulf %parallel_loop3A_328, %parallel_loop3A_325 : vector<16xf32>
        %parallel_loop3A_330 = arith.mulf %parallel_loop3A_329, %parallel_loop3A_325 : vector<16xf32>
        %parallel_loop3A_331 = arith.constant 1.500000e+00 : f32
        %parallel_loop3A_332 = vector.broadcast %parallel_loop3A_331 : f32 to vector<16xf32>
        %parallel_loop3A_333 = arith.subf %parallel_loop3A_332, %parallel_loop3A_330 : vector<16xf32>
        %parallel_loop3A_334 = arith.mulf %parallel_loop3A_325, %parallel_loop3A_333 : vector<16xf32>
        %parallel_loop3A_335 = arith.constant 0 : i32
        %parallel_loop3A_336 = arith.constant 768 : i32
        %parallel_loop3A_337 = arith.constant 16 : i32
        scf.for %parallel_loop3A_338 = %parallel_loop3A_335 to %parallel_loop3A_336 step %parallel_loop3A_337  : i32 {
          %parallel_loop3A_339 = arith.index_cast %parallel_loop3A_267 : i32 to index
          %parallel_loop3A_340 = arith.index_cast %parallel_loop3A_338 : i32 to index
          %parallel_loop3A_341 = tpu.vector_load %arg13[%parallel_loop3A_339, %parallel_loop3A_340] {strides = array<i32>} : memref<16x768xf32, #tpu.memory_space<vmem>>, vector<16xf32>,
          %parallel_loop3A_342 = vector.broadcast %parallel_loop3A_281 : f32 to vector<16xf32>
          %parallel_loop3A_343 = arith.subf %parallel_loop3A_341, %parallel_loop3A_342 : vector<16xf32>
          %parallel_loop3A_344 = arith.mulf %parallel_loop3A_343, %parallel_loop3A_334 : vector<16xf32>
          %parallel_loop3A_345 = arith.index_cast %parallel_loop3A_338 : i32 to index
          %parallel_loop3A_346 = tpu.vector_load %arg17[%parallel_loop3A_345] {strides = array<i32>} : memref<768xf32, #tpu.memory_space<vmem>>, vector<16xf32>,
          %parallel_loop3A_347 = arith.mulf %parallel_loop3A_344, %parallel_loop3A_346 : vector<16xf32>
          %parallel_loop3A_348 = arith.index_cast %parallel_loop3A_338 : i32 to index
          %parallel_loop3A_349 = tpu.vector_load %arg18[%parallel_loop3A_348] {strides = array<i32>} : memref<768xf32, #tpu.memory_space<vmem>>, vector<16xf32>,
          %parallel_loop3A_350 = arith.addf %parallel_loop3A_347, %parallel_loop3A_349 : vector<16xf32>
          %parallel_loop3A_351 = arith.index_cast %parallel_loop3A_267 : i32 to index
          %parallel_loop3A_352 = arith.index_cast %parallel_loop3A_338 : i32 to index
          %parallel_loop3A_353 = tpu.vector_load %arg13[%parallel_loop3A_351, %parallel_loop3A_352] {strides = array<i32>} : memref<16x768xf32, #tpu.memory_space<vmem>>, vector<16xf32>,
          tpu.vector_store %arg13[%parallel_loop3A_351, %parallel_loop3A_352], %parallel_loop3A_350 {strides = array<i32>} : memref<16x768xf32, #tpu.memory_space<vmem>>, vector<16xf32>,
        } {sc.loop_unroll_factor = 24 : i64, sc.parallel_access}
      } {sc.loop_unroll_factor = 1 : i64, sc.parallel_access}
      %mul3A_132 = arith.constant 512 : i32
      %mul3A_133 = arith.muli %add3A_117, %mul3A_132 : i32
      %add3A_134 = arith.addi %mul3A_133, %mul3A_2 : i32
      %dma_start3A_135 = arith.constant 0 : i32
      %dma_start3A_136 = tpu.memref_slice %arg8[%add3A_134, %dma_start3A_135] : memref<65536x768xf32, #tpu.memory_space<hbm>> -> memref<16x768xf32, #tpu.memory_space<hbm>>
      %dma_start3A_137 = arith.constant 0 : i32
      %dma_start3A_138 = tpu.memref_slice %arg8[%add3A_134, %dma_start3A_137] : memref<65536x768xf32, #tpu.memory_space<hbm>> -> memref<16x768xf32, #tpu.memory_space<hbm>>
      tpu.enqueue_dma source(%arg13 : memref<16x768xf32, #tpu.memory_space<vmem>>) target(%dma_start3A_138 : memref<16x768xf32, #tpu.memory_space<hbm>>) target_semaphore(%arg22 : memref<!tpu.dma_semaphore, #tpu.memory_space<semaphore_mem>>)
      %add3A_139 = arith.constant 2 : i32
      %add3A_140 = arith.addi %add3A_117, %add3A_139 : i32
      %lt3A_141 = arith.constant 128 : i32
      %lt3A_142 = arith.cmpi slt, %add3A_140, %lt3A_141 : i32
      %convert_element_type3A_143 = arith.extui %lt3A_142 : i1 to i32
      %cond3A_144 = arith.constant 0 : i32
      %cond3A_145 = arith.cmpi ne, %convert_element_type3A_143, %cond3A_144 : i32
      scf.if %cond3A_145 {
        %add3A_267 = arith.constant 2 : i32
        %add3A_268 = arith.addi %add3A_117, %add3A_267 : i32
        %dma_start3A_269 = arith.constant 0 : i32
        %dma_start3A_270 = tpu.memref_slice %arg9[%add3A_268, %dma_start3A_269] : memref<128x16xi32, #tpu.memory_space<vmem>> -> memref<1x16xi32, #tpu.memory_space<vmem>>
        %dma_start3A_271 = tpu.memref_squeeze %dma_start3A_270 : memref<1x16xi32, #tpu.memory_space<vmem>> -> memref<16xi32, #tpu.memory_space<vmem>>
        %dma_start3A_272 = arith.constant 0 : i32
        %dma_start3A_273 = arith.constant 0 : i32
        %dma_start3A_274 = tpu.memref_slice %arg3[%dma_start3A_272, %dma_start3A_273] : memref<100000x768xf32, #tpu.memory_space<hbm>> -> memref<100000x768xf32, #tpu.memory_space<hbm>>
        tpu.enqueue_indirect_dma source(%dma_start3A_274 : memref<100000x768xf32, #tpu.memory_space<hbm>>) target(%arg11 : memref<16x768xf32, #tpu.memory_space<vmem>>) offsets(%dma_start3A_271 : memref<16xi32, #tpu.memory_space<vmem>>) semaphore(%arg20 : memref<!tpu.dma_semaphore, #tpu.memory_space<semaphore_mem>>)
      } else {
      }
      %add3A_146 = arith.constant 2 : i32
      %add3A_147 = arith.addi %mul3A_89, %add3A_146 : i32
      %dma_wait3A_148 = arith.constant 0 : i32
      %dma_wait3A_149 = tpu.memref_slice %arg9[%add3A_147, %dma_wait3A_148] : memref<128x16xi32, #tpu.memory_space<vmem>> -> memref<1x16xi32, #tpu.memory_space<vmem>>
      %dma_wait3A_150 = tpu.memref_squeeze %dma_wait3A_149 : memref<1x16xi32, #tpu.memory_space<vmem>> -> memref<16xi32, #tpu.memory_space<vmem>>
      %dma_wait3A_151 = arith.constant 0 : i32
      %dma_wait3A_152 = arith.constant 0 : i32
      %dma_wait3A_153 = tpu.memref_slice %arg3[%dma_wait3A_151, %dma_wait3A_152] : memref<100000x768xf32, #tpu.memory_space<hbm>> -> memref<100000x768xf32, #tpu.memory_space<hbm>>
      tpu.wait_indirect_dma semaphore(%arg19 : memref<!tpu.dma_semaphore, #tpu.memory_space<semaphore_mem>>) src(%dma_wait3A_153 : memref<100000x768xf32, #tpu.memory_space<hbm>>) dst(%arg10 : memref<16x768xf32, #tpu.memory_space<vmem>>)
      %ge3A_154 = arith.constant 3 : i32
      %ge3A_155 = arith.cmpi sge, %add3A_147, %ge3A_154 : i32
      %convert_element_type3A_156 = arith.extui %ge3A_155 : i1 to i32
      %cond3A_157 = arith.constant 0 : i32
      %cond3A_158 = arith.cmpi ne, %convert_element_type3A_156, %cond3A_157 : i32
      scf.if %cond3A_158 {
        %sub3A = arith.constant 3 : i32
        %sub3A_267 = arith.subi %add3A_147, %sub3A : i32
        %mul3A_268 = arith.constant 512 : i32
        %mul3A_269 = arith.muli %sub3A_267, %mul3A_268 : i32
        %add3A_270 = arith.addi %mul3A_269, %mul3A_2 : i32
        %dma_wait3A_271 = arith.constant 0 : i32
        %dma_wait3A_272 = tpu.memref_slice %arg8[%add3A_270, %dma_wait3A_271] : memref<65536x768xf32, #tpu.memory_space<hbm>> -> memref<16x768xf32, #tpu.memory_space<hbm>>
        %dma_wait3A_273 = arith.constant 0 : i32
        %dma_wait3A_274 = tpu.memref_slice %arg8[%add3A_270, %dma_wait3A_273] : memref<65536x768xf32, #tpu.memory_space<hbm>> -> memref<16x768xf32, #tpu.memory_space<hbm>>
        tpu.wait_dma2 semaphore(%arg23 : memref<!tpu.dma_semaphore, #tpu.memory_space<semaphore_mem>>) src(%arg14 : memref<16x768xf32, #tpu.memory_space<vmem>>) dst(%dma_wait3A_274 : memref<16x768xf32, #tpu.memory_space<hbm>>)
      } else {
      }
      %parallel_loop3A_159 = arith.constant 0 : i32
      %parallel_loop3A_160 = arith.constant 16 : i32
      %parallel_loop3A_161 = arith.constant 1 : i32
      scf.for %parallel_loop3A_267 = %parallel_loop3A_159 to %parallel_loop3A_160 step %parallel_loop3A_161  : i32 {
        %parallel_loop3A_268 = arith.constant 0 : i32
        %parallel_loop3A_269 = arith.constant 768 : i32
        %parallel_loop3A_270 = arith.constant 16 : i32
        %parallel_loop3A_271:2 = scf.for %parallel_loop3A_338 = %parallel_loop3A_268 to %parallel_loop3A_269 step %parallel_loop3A_270 iter_args(%parallel_loop3A_339 = %broadcast_in_dim3A_5, %parallel_loop3A_340 = %broadcast_in_dim3A_5) -> (vector<16xf32>, vector<16xf32>)  : i32 {
          %parallel_loop3A_341 = arith.index_cast %parallel_loop3A_267 : i32 to index
          %parallel_loop3A_342 = arith.index_cast %parallel_loop3A_338 : i32 to index
          %parallel_loop3A_343 = tpu.vector_load %arg10[%parallel_loop3A_341, %parallel_loop3A_342] {strides = array<i32>} : memref<16x768xf32, #tpu.memory_space<vmem>>, vector<16xf32>,
          %parallel_loop3A_344 = arith.index_cast %parallel_loop3A_267 : i32 to index
          %parallel_loop3A_345 = arith.index_cast %parallel_loop3A_338 : i32 to index
          %parallel_loop3A_346 = tpu.vector_load %arg15[%parallel_loop3A_344, %parallel_loop3A_345] {strides = array<i32>} : memref<16x768xf32, #tpu.memory_space<vmem>>, vector<16xf32>,
          %parallel_loop3A_347 = arith.addf %parallel_loop3A_343, %parallel_loop3A_346 : vector<16xf32>
          %parallel_loop3A_348 = arith.index_cast %parallel_loop3A_267 : i32 to index
          %parallel_loop3A_349 = arith.index_cast %parallel_loop3A_338 : i32 to index
          %parallel_loop3A_350 = tpu.vector_load %arg14[%parallel_loop3A_348, %parallel_loop3A_349] {strides = array<i32>} : memref<16x768xf32, #tpu.memory_space<vmem>>, vector<16xf32>,
          tpu.vector_store %arg14[%parallel_loop3A_348, %parallel_loop3A_349], %parallel_loop3A_347 {strides = array<i32>} : memref<16x768xf32, #tpu.memory_space<vmem>>, vector<16xf32>,
          %parallel_loop3A_351 = arith.addf %parallel_loop3A_339, %parallel_loop3A_347 : vector<16xf32>
          %parallel_loop3A_352 = arith.mulf %parallel_loop3A_347, %parallel_loop3A_347 : vector<16xf32>
          %parallel_loop3A_353 = arith.addf %parallel_loop3A_340, %parallel_loop3A_352 : vector<16xf32>
          scf.yield %parallel_loop3A_351, %parallel_loop3A_353 : vector<16xf32>, vector<16xf32>
        } {sc.loop_unroll_factor = 24 : i64, sc.parallel_access}
        %parallel_loop3A_272 = arith.constant true
        %parallel_loop3A_273 = vector.broadcast %parallel_loop3A_272 : i1 to vector<16xi1>
        %parallel_loop3A_274 = tpu.scan <sum>, %parallel_loop3A_271#0 masked %parallel_loop3A_273 : vector<16xf32>, vector<16xi1> -> vector<16xf32>
        %parallel_loop3A_275 = vector.extract %parallel_loop3A_274[15] : f32 from vector<16xf32>
        %parallel_loop3A_276 = arith.constant true
        %parallel_loop3A_277 = vector.broadcast %parallel_loop3A_276 : i1 to vector<16xi1>
        %parallel_loop3A_278 = tpu.scan <sum>, %parallel_loop3A_271#1 masked %parallel_loop3A_277 : vector<16xf32>, vector<16xi1> -> vector<16xf32>
        %parallel_loop3A_279 = vector.extract %parallel_loop3A_278[15] : f32 from vector<16xf32>
        %parallel_loop3A_280 = arith.constant 0.00130208337 : f32
        %parallel_loop3A_281 = arith.mulf %parallel_loop3A_275, %parallel_loop3A_280 : f32
        %parallel_loop3A_282 = arith.constant 0.00130208337 : f32
        %parallel_loop3A_283 = arith.mulf %parallel_loop3A_279, %parallel_loop3A_282 : f32
        %parallel_loop3A_284 = arith.mulf %parallel_loop3A_281, %parallel_loop3A_281 : f32
        %parallel_loop3A_285 = arith.subf %parallel_loop3A_283, %parallel_loop3A_284 : f32
        %parallel_loop3A_286 = arith.constant 0.000000e+00 : f32
        %parallel_loop3A_287 = arith.maximumf %parallel_loop3A_285, %parallel_loop3A_286 : f32
        %parallel_loop3A_288 = arith.constant 9.99999996E-13 : f32
        %parallel_loop3A_289 = arith.addf %parallel_loop3A_287, %parallel_loop3A_288 : f32
        %parallel_loop3A_290 = vector.broadcast %parallel_loop3A_289 : f32 to vector<16xf32>
        %parallel_loop3A_291 = tpu.bitcast %parallel_loop3A_290 : vector<16xf32> -> vector<16xi32>
        %parallel_loop3A_292 = arith.constant 1 : i32
        %parallel_loop3A_293 = vector.broadcast %parallel_loop3A_292 : i32 to vector<16xi32>
        %parallel_loop3A_294 = arith.shrui %parallel_loop3A_291, %parallel_loop3A_293 : vector<16xi32>
        %parallel_loop3A_295 = arith.constant 1597463007 : i32
        %parallel_loop3A_296 = vector.broadcast %parallel_loop3A_295 : i32 to vector<16xi32>
        %parallel_loop3A_297 = arith.subi %parallel_loop3A_296, %parallel_loop3A_294 : vector<16xi32>
        %parallel_loop3A_298 = tpu.bitcast %parallel_loop3A_297 : vector<16xi32> -> vector<16xf32>
        %parallel_loop3A_299 = arith.constant 5.000000e-01 : f32
        %parallel_loop3A_300 = vector.broadcast %parallel_loop3A_299 : f32 to vector<16xf32>
        %parallel_loop3A_301 = arith.mulf %parallel_loop3A_300, %parallel_loop3A_290 : vector<16xf32>
        %parallel_loop3A_302 = arith.mulf %parallel_loop3A_301, %parallel_loop3A_298 : vector<16xf32>
        %parallel_loop3A_303 = arith.mulf %parallel_loop3A_302, %parallel_loop3A_298 : vector<16xf32>
        %parallel_loop3A_304 = arith.constant 1.500000e+00 : f32
        %parallel_loop3A_305 = vector.broadcast %parallel_loop3A_304 : f32 to vector<16xf32>
        %parallel_loop3A_306 = arith.subf %parallel_loop3A_305, %parallel_loop3A_303 : vector<16xf32>
        %parallel_loop3A_307 = arith.mulf %parallel_loop3A_298, %parallel_loop3A_306 : vector<16xf32>
        %parallel_loop3A_308 = arith.constant 5.000000e-01 : f32
        %parallel_loop3A_309 = vector.broadcast %parallel_loop3A_308 : f32 to vector<16xf32>
        %parallel_loop3A_310 = arith.mulf %parallel_loop3A_309, %parallel_loop3A_290 : vector<16xf32>
        %parallel_loop3A_311 = arith.mulf %parallel_loop3A_310, %parallel_loop3A_307 : vector<16xf32>
        %parallel_loop3A_312 = arith.mulf %parallel_loop3A_311, %parallel_loop3A_307 : vector<16xf32>
        %parallel_loop3A_313 = arith.constant 1.500000e+00 : f32
        %parallel_loop3A_314 = vector.broadcast %parallel_loop3A_313 : f32 to vector<16xf32>
        %parallel_loop3A_315 = arith.subf %parallel_loop3A_314, %parallel_loop3A_312 : vector<16xf32>
        %parallel_loop3A_316 = arith.mulf %parallel_loop3A_307, %parallel_loop3A_315 : vector<16xf32>
        %parallel_loop3A_317 = arith.constant 5.000000e-01 : f32
        %parallel_loop3A_318 = vector.broadcast %parallel_loop3A_317 : f32 to vector<16xf32>
        %parallel_loop3A_319 = arith.mulf %parallel_loop3A_318, %parallel_loop3A_290 : vector<16xf32>
        %parallel_loop3A_320 = arith.mulf %parallel_loop3A_319, %parallel_loop3A_316 : vector<16xf32>
        %parallel_loop3A_321 = arith.mulf %parallel_loop3A_320, %parallel_loop3A_316 : vector<16xf32>
        %parallel_loop3A_322 = arith.constant 1.500000e+00 : f32
        %parallel_loop3A_323 = vector.broadcast %parallel_loop3A_322 : f32 to vector<16xf32>
        %parallel_loop3A_324 = arith.subf %parallel_loop3A_323, %parallel_loop3A_321 : vector<16xf32>
        %parallel_loop3A_325 = arith.mulf %parallel_loop3A_316, %parallel_loop3A_324 : vector<16xf32>
        %parallel_loop3A_326 = arith.constant 5.000000e-01 : f32
        %parallel_loop3A_327 = vector.broadcast %parallel_loop3A_326 : f32 to vector<16xf32>
        %parallel_loop3A_328 = arith.mulf %parallel_loop3A_327, %parallel_loop3A_290 : vector<16xf32>
        %parallel_loop3A_329 = arith.mulf %parallel_loop3A_328, %parallel_loop3A_325 : vector<16xf32>
        %parallel_loop3A_330 = arith.mulf %parallel_loop3A_329, %parallel_loop3A_325 : vector<16xf32>
        %parallel_loop3A_331 = arith.constant 1.500000e+00 : f32
        %parallel_loop3A_332 = vector.broadcast %parallel_loop3A_331 : f32 to vector<16xf32>
        %parallel_loop3A_333 = arith.subf %parallel_loop3A_332, %parallel_loop3A_330 : vector<16xf32>
        %parallel_loop3A_334 = arith.mulf %parallel_loop3A_325, %parallel_loop3A_333 : vector<16xf32>
        %parallel_loop3A_335 = arith.constant 0 : i32
        %parallel_loop3A_336 = arith.constant 768 : i32
        %parallel_loop3A_337 = arith.constant 16 : i32
        scf.for %parallel_loop3A_338 = %parallel_loop3A_335 to %parallel_loop3A_336 step %parallel_loop3A_337  : i32 {
          %parallel_loop3A_339 = arith.index_cast %parallel_loop3A_267 : i32 to index
          %parallel_loop3A_340 = arith.index_cast %parallel_loop3A_338 : i32 to index
          %parallel_loop3A_341 = tpu.vector_load %arg14[%parallel_loop3A_339, %parallel_loop3A_340] {strides = array<i32>} : memref<16x768xf32, #tpu.memory_space<vmem>>, vector<16xf32>,
          %parallel_loop3A_342 = vector.broadcast %parallel_loop3A_281 : f32 to vector<16xf32>
          %parallel_loop3A_343 = arith.subf %parallel_loop3A_341, %parallel_loop3A_342 : vector<16xf32>
          %parallel_loop3A_344 = arith.mulf %parallel_loop3A_343, %parallel_loop3A_334 : vector<16xf32>
          %parallel_loop3A_345 = arith.index_cast %parallel_loop3A_338 : i32 to index
          %parallel_loop3A_346 = tpu.vector_load %arg17[%parallel_loop3A_345] {strides = array<i32>} : memref<768xf32, #tpu.memory_space<vmem>>, vector<16xf32>,
          %parallel_loop3A_347 = arith.mulf %parallel_loop3A_344, %parallel_loop3A_346 : vector<16xf32>
          %parallel_loop3A_348 = arith.index_cast %parallel_loop3A_338 : i32 to index
          %parallel_loop3A_349 = tpu.vector_load %arg18[%parallel_loop3A_348] {strides = array<i32>} : memref<768xf32, #tpu.memory_space<vmem>>, vector<16xf32>,
          %parallel_loop3A_350 = arith.addf %parallel_loop3A_347, %parallel_loop3A_349 : vector<16xf32>
          %parallel_loop3A_351 = arith.index_cast %parallel_loop3A_267 : i32 to index
          %parallel_loop3A_352 = arith.index_cast %parallel_loop3A_338 : i32 to index
          %parallel_loop3A_353 = tpu.vector_load %arg14[%parallel_loop3A_351, %parallel_loop3A_352] {strides = array<i32>} : memref<16x768xf32, #tpu.memory_space<vmem>>, vector<16xf32>,
          tpu.vector_store %arg14[%parallel_loop3A_351, %parallel_loop3A_352], %parallel_loop3A_350 {strides = array<i32>} : memref<16x768xf32, #tpu.memory_space<vmem>>, vector<16xf32>,
        } {sc.loop_unroll_factor = 24 : i64, sc.parallel_access}
      } {sc.loop_unroll_factor = 1 : i64, sc.parallel_access}
      %mul3A_162 = arith.constant 512 : i32
      %mul3A_163 = arith.muli %add3A_147, %mul3A_162 : i32
      %add3A_164 = arith.addi %mul3A_163, %mul3A_2 : i32
      %dma_start3A_165 = arith.constant 0 : i32
      %dma_start3A_166 = tpu.memref_slice %arg8[%add3A_164, %dma_start3A_165] : memref<65536x768xf32, #tpu.memory_space<hbm>> -> memref<16x768xf32, #tpu.memory_space<hbm>>
      %dma_start3A_167 = arith.constant 0 : i32
      %dma_start3A_168 = tpu.memref_slice %arg8[%add3A_164, %dma_start3A_167] : memref<65536x768xf32, #tpu.memory_space<hbm>> -> memref<16x768xf32, #tpu.memory_space<hbm>>
      tpu.enqueue_dma source(%arg14 : memref<16x768xf32, #tpu.memory_space<vmem>>) target(%dma_start3A_168 : memref<16x768xf32, #tpu.memory_space<hbm>>) target_semaphore(%arg23 : memref<!tpu.dma_semaphore, #tpu.memory_space<semaphore_mem>>)
      %add3A_169 = arith.constant 2 : i32
      %add3A_170 = arith.addi %add3A_147, %add3A_169 : i32
      %lt3A_171 = arith.constant 128 : i32
      %lt3A_172 = arith.cmpi slt, %add3A_170, %lt3A_171 : i32
      %convert_element_type3A_173 = arith.extui %lt3A_172 : i1 to i32
      %cond3A_174 = arith.constant 0 : i32
      %cond3A_175 = arith.cmpi ne, %convert_element_type3A_173, %cond3A_174 : i32
      scf.if %cond3A_175 {
        %add3A_267 = arith.constant 2 : i32
        %add3A_268 = arith.addi %add3A_147, %add3A_267 : i32
        %dma_start3A_269 = arith.constant 0 : i32
        %dma_start3A_270 = tpu.memref_slice %arg9[%add3A_268, %dma_start3A_269] : memref<128x16xi32, #tpu.memory_space<vmem>> -> memref<1x16xi32, #tpu.memory_space<vmem>>
        %dma_start3A_271 = tpu.memref_squeeze %dma_start3A_270 : memref<1x16xi32, #tpu.memory_space<vmem>> -> memref<16xi32, #tpu.memory_space<vmem>>
        %dma_start3A_272 = arith.constant 0 : i32
        %dma_start3A_273 = arith.constant 0 : i32
        %dma_start3A_274 = tpu.memref_slice %arg3[%dma_start3A_272, %dma_start3A_273] : memref<100000x768xf32, #tpu.memory_space<hbm>> -> memref<100000x768xf32, #tpu.memory_space<hbm>>
        tpu.enqueue_indirect_dma source(%dma_start3A_274 : memref<100000x768xf32, #tpu.memory_space<hbm>>) target(%arg10 : memref<16x768xf32, #tpu.memory_space<vmem>>) offsets(%dma_start3A_271 : memref<16xi32, #tpu.memory_space<vmem>>) semaphore(%arg19 : memref<!tpu.dma_semaphore, #tpu.memory_space<semaphore_mem>>)
      } else {
      }
      %add3A_176 = arith.constant 3 : i32
      %add3A_177 = arith.addi %mul3A_89, %add3A_176 : i32
      %dma_wait3A_178 = arith.constant 0 : i32
      %dma_wait3A_179 = tpu.memref_slice %arg9[%add3A_177, %dma_wait3A_178] : memref<128x16xi32, #tpu.memory_space<vmem>> -> memref<1x16xi32, #tpu.memory_space<vmem>>
      %dma_wait3A_180 = tpu.memref_squeeze %dma_wait3A_179 : memref<1x16xi32, #tpu.memory_space<vmem>> -> memref<16xi32, #tpu.memory_space<vmem>>
      %dma_wait3A_181 = arith.constant 0 : i32
      %dma_wait3A_182 = arith.constant 0 : i32
      %dma_wait3A_183 = tpu.memref_slice %arg3[%dma_wait3A_181, %dma_wait3A_182] : memref<100000x768xf32, #tpu.memory_space<hbm>> -> memref<100000x768xf32, #tpu.memory_space<hbm>>
      tpu.wait_indirect_dma semaphore(%arg20 : memref<!tpu.dma_semaphore, #tpu.memory_space<semaphore_mem>>) src(%dma_wait3A_183 : memref<100000x768xf32, #tpu.memory_space<hbm>>) dst(%arg11 : memref<16x768xf32, #tpu.memory_space<vmem>>)
      %ge3A_184 = arith.constant 3 : i32
      %ge3A_185 = arith.cmpi sge, %add3A_177, %ge3A_184 : i32
      %convert_element_type3A_186 = arith.extui %ge3A_185 : i1 to i32
      %cond3A_187 = arith.constant 0 : i32
      %cond3A_188 = arith.cmpi ne, %convert_element_type3A_186, %cond3A_187 : i32
      scf.if %cond3A_188 {
        %sub3A = arith.constant 3 : i32
        %sub3A_267 = arith.subi %add3A_177, %sub3A : i32
        %mul3A_268 = arith.constant 512 : i32
        %mul3A_269 = arith.muli %sub3A_267, %mul3A_268 : i32
        %add3A_270 = arith.addi %mul3A_269, %mul3A_2 : i32
        %dma_wait3A_271 = arith.constant 0 : i32
        %dma_wait3A_272 = tpu.memref_slice %arg8[%add3A_270, %dma_wait3A_271] : memref<65536x768xf32, #tpu.memory_space<hbm>> -> memref<16x768xf32, #tpu.memory_space<hbm>>
        %dma_wait3A_273 = arith.constant 0 : i32
        %dma_wait3A_274 = tpu.memref_slice %arg8[%add3A_270, %dma_wait3A_273] : memref<65536x768xf32, #tpu.memory_space<hbm>> -> memref<16x768xf32, #tpu.memory_space<hbm>>
        tpu.wait_dma2 semaphore(%arg21 : memref<!tpu.dma_semaphore, #tpu.memory_space<semaphore_mem>>) src(%arg12 : memref<16x768xf32, #tpu.memory_space<vmem>>) dst(%dma_wait3A_274 : memref<16x768xf32, #tpu.memory_space<hbm>>)
      } else {
      }
      %parallel_loop3A_189 = arith.constant 0 : i32
      %parallel_loop3A_190 = arith.constant 16 : i32
      %parallel_loop3A_191 = arith.constant 1 : i32
      scf.for %parallel_loop3A_267 = %parallel_loop3A_189 to %parallel_loop3A_190 step %parallel_loop3A_191  : i32 {
        %parallel_loop3A_268 = arith.constant 0 : i32
        %parallel_loop3A_269 = arith.constant 768 : i32
        %parallel_loop3A_270 = arith.constant 16 : i32
        %parallel_loop3A_271:2 = scf.for %parallel_loop3A_338 = %parallel_loop3A_268 to %parallel_loop3A_269 step %parallel_loop3A_270 iter_args(%parallel_loop3A_339 = %broadcast_in_dim3A_5, %parallel_loop3A_340 = %broadcast_in_dim3A_5) -> (vector<16xf32>, vector<16xf32>)  : i32 {
          %parallel_loop3A_341 = arith.index_cast %parallel_loop3A_267 : i32 to index
          %parallel_loop3A_342 = arith.index_cast %parallel_loop3A_338 : i32 to index
          %parallel_loop3A_343 = tpu.vector_load %arg11[%parallel_loop3A_341, %parallel_loop3A_342] {strides = array<i32>} : memref<16x768xf32, #tpu.memory_space<vmem>>, vector<16xf32>,
          %parallel_loop3A_344 = arith.index_cast %parallel_loop3A_267 : i32 to index
          %parallel_loop3A_345 = arith.index_cast %parallel_loop3A_338 : i32 to index
          %parallel_loop3A_346 = tpu.vector_load %arg15[%parallel_loop3A_344, %parallel_loop3A_345] {strides = array<i32>} : memref<16x768xf32, #tpu.memory_space<vmem>>, vector<16xf32>,
          %parallel_loop3A_347 = arith.addf %parallel_loop3A_343, %parallel_loop3A_346 : vector<16xf32>
          %parallel_loop3A_348 = arith.index_cast %parallel_loop3A_267 : i32 to index
          %parallel_loop3A_349 = arith.index_cast %parallel_loop3A_338 : i32 to index
          %parallel_loop3A_350 = tpu.vector_load %arg12[%parallel_loop3A_348, %parallel_loop3A_349] {strides = array<i32>} : memref<16x768xf32, #tpu.memory_space<vmem>>, vector<16xf32>,
          tpu.vector_store %arg12[%parallel_loop3A_348, %parallel_loop3A_349], %parallel_loop3A_347 {strides = array<i32>} : memref<16x768xf32, #tpu.memory_space<vmem>>, vector<16xf32>,
          %parallel_loop3A_351 = arith.addf %parallel_loop3A_339, %parallel_loop3A_347 : vector<16xf32>
          %parallel_loop3A_352 = arith.mulf %parallel_loop3A_347, %parallel_loop3A_347 : vector<16xf32>
          %parallel_loop3A_353 = arith.addf %parallel_loop3A_340, %parallel_loop3A_352 : vector<16xf32>
          scf.yield %parallel_loop3A_351, %parallel_loop3A_353 : vector<16xf32>, vector<16xf32>
        } {sc.loop_unroll_factor = 24 : i64, sc.parallel_access}
        %parallel_loop3A_272 = arith.constant true
        %parallel_loop3A_273 = vector.broadcast %parallel_loop3A_272 : i1 to vector<16xi1>
        %parallel_loop3A_274 = tpu.scan <sum>, %parallel_loop3A_271#0 masked %parallel_loop3A_273 : vector<16xf32>, vector<16xi1> -> vector<16xf32>
        %parallel_loop3A_275 = vector.extract %parallel_loop3A_274[15] : f32 from vector<16xf32>
        %parallel_loop3A_276 = arith.constant true
        %parallel_loop3A_277 = vector.broadcast %parallel_loop3A_276 : i1 to vector<16xi1>
        %parallel_loop3A_278 = tpu.scan <sum>, %parallel_loop3A_271#1 masked %parallel_loop3A_277 : vector<16xf32>, vector<16xi1> -> vector<16xf32>
        %parallel_loop3A_279 = vector.extract %parallel_loop3A_278[15] : f32 from vector<16xf32>
        %parallel_loop3A_280 = arith.constant 0.00130208337 : f32
        %parallel_loop3A_281 = arith.mulf %parallel_loop3A_275, %parallel_loop3A_280 : f32
        %parallel_loop3A_282 = arith.constant 0.00130208337 : f32
        %parallel_loop3A_283 = arith.mulf %parallel_loop3A_279, %parallel_loop3A_282 : f32
        %parallel_loop3A_284 = arith.mulf %parallel_loop3A_281, %parallel_loop3A_281 : f32
        %parallel_loop3A_285 = arith.subf %parallel_loop3A_283, %parallel_loop3A_284 : f32
        %parallel_loop3A_286 = arith.constant 0.000000e+00 : f32
        %parallel_loop3A_287 = arith.maximumf %parallel_loop3A_285, %parallel_loop3A_286 : f32
        %parallel_loop3A_288 = arith.constant 9.99999996E-13 : f32
        %parallel_loop3A_289 = arith.addf %parallel_loop3A_287, %parallel_loop3A_288 : f32
        %parallel_loop3A_290 = vector.broadcast %parallel_loop3A_289 : f32 to vector<16xf32>
        %parallel_loop3A_291 = tpu.bitcast %parallel_loop3A_290 : vector<16xf32> -> vector<16xi32>
        %parallel_loop3A_292 = arith.constant 1 : i32
        %parallel_loop3A_293 = vector.broadcast %parallel_loop3A_292 : i32 to vector<16xi32>
        %parallel_loop3A_294 = arith.shrui %parallel_loop3A_291, %parallel_loop3A_293 : vector<16xi32>
        %parallel_loop3A_295 = arith.constant 1597463007 : i32
        %parallel_loop3A_296 = vector.broadcast %parallel_loop3A_295 : i32 to vector<16xi32>
        %parallel_loop3A_297 = arith.subi %parallel_loop3A_296, %parallel_loop3A_294 : vector<16xi32>
        %parallel_loop3A_298 = tpu.bitcast %parallel_loop3A_297 : vector<16xi32> -> vector<16xf32>
        %parallel_loop3A_299 = arith.constant 5.000000e-01 : f32
        %parallel_loop3A_300 = vector.broadcast %parallel_loop3A_299 : f32 to vector<16xf32>
        %parallel_loop3A_301 = arith.mulf %parallel_loop3A_300, %parallel_loop3A_290 : vector<16xf32>
        %parallel_loop3A_302 = arith.mulf %parallel_loop3A_301, %parallel_loop3A_298 : vector<16xf32>
        %parallel_loop3A_303 = arith.mulf %parallel_loop3A_302, %parallel_loop3A_298 : vector<16xf32>
        %parallel_loop3A_304 = arith.constant 1.500000e+00 : f32
        %parallel_loop3A_305 = vector.broadcast %parallel_loop3A_304 : f32 to vector<16xf32>
        %parallel_loop3A_306 = arith.subf %parallel_loop3A_305, %parallel_loop3A_303 : vector<16xf32>
        %parallel_loop3A_307 = arith.mulf %parallel_loop3A_298, %parallel_loop3A_306 : vector<16xf32>
        %parallel_loop3A_308 = arith.constant 5.000000e-01 : f32
        %parallel_loop3A_309 = vector.broadcast %parallel_loop3A_308 : f32 to vector<16xf32>
        %parallel_loop3A_310 = arith.mulf %parallel_loop3A_309, %parallel_loop3A_290 : vector<16xf32>
        %parallel_loop3A_311 = arith.mulf %parallel_loop3A_310, %parallel_loop3A_307 : vector<16xf32>
        %parallel_loop3A_312 = arith.mulf %parallel_loop3A_311, %parallel_loop3A_307 : vector<16xf32>
        %parallel_loop3A_313 = arith.constant 1.500000e+00 : f32
        %parallel_loop3A_314 = vector.broadcast %parallel_loop3A_313 : f32 to vector<16xf32>
        %parallel_loop3A_315 = arith.subf %parallel_loop3A_314, %parallel_loop3A_312 : vector<16xf32>
        %parallel_loop3A_316 = arith.mulf %parallel_loop3A_307, %parallel_loop3A_315 : vector<16xf32>
        %parallel_loop3A_317 = arith.constant 5.000000e-01 : f32
        %parallel_loop3A_318 = vector.broadcast %parallel_loop3A_317 : f32 to vector<16xf32>
        %parallel_loop3A_319 = arith.mulf %parallel_loop3A_318, %parallel_loop3A_290 : vector<16xf32>
        %parallel_loop3A_320 = arith.mulf %parallel_loop3A_319, %parallel_loop3A_316 : vector<16xf32>
        %parallel_loop3A_321 = arith.mulf %parallel_loop3A_320, %parallel_loop3A_316 : vector<16xf32>
        %parallel_loop3A_322 = arith.constant 1.500000e+00 : f32
        %parallel_loop3A_323 = vector.broadcast %parallel_loop3A_322 : f32 to vector<16xf32>
        %parallel_loop3A_324 = arith.subf %parallel_loop3A_323, %parallel_loop3A_321 : vector<16xf32>
        %parallel_loop3A_325 = arith.mulf %parallel_loop3A_316, %parallel_loop3A_324 : vector<16xf32>
        %parallel_loop3A_326 = arith.constant 5.000000e-01 : f32
        %parallel_loop3A_327 = vector.broadcast %parallel_loop3A_326 : f32 to vector<16xf32>
        %parallel_loop3A_328 = arith.mulf %parallel_loop3A_327, %parallel_loop3A_290 : vector<16xf32>
        %parallel_loop3A_329 = arith.mulf %parallel_loop3A_328, %parallel_loop3A_325 : vector<16xf32>
        %parallel_loop3A_330 = arith.mulf %parallel_loop3A_329, %parallel_loop3A_325 : vector<16xf32>
        %parallel_loop3A_331 = arith.constant 1.500000e+00 : f32
        %parallel_loop3A_332 = vector.broadcast %parallel_loop3A_331 : f32 to vector<16xf32>
        %parallel_loop3A_333 = arith.subf %parallel_loop3A_332, %parallel_loop3A_330 : vector<16xf32>
        %parallel_loop3A_334 = arith.mulf %parallel_loop3A_325, %parallel_loop3A_333 : vector<16xf32>
        %parallel_loop3A_335 = arith.constant 0 : i32
        %parallel_loop3A_336 = arith.constant 768 : i32
        %parallel_loop3A_337 = arith.constant 16 : i32
        scf.for %parallel_loop3A_338 = %parallel_loop3A_335 to %parallel_loop3A_336 step %parallel_loop3A_337  : i32 {
          %parallel_loop3A_339 = arith.index_cast %parallel_loop3A_267 : i32 to index
          %parallel_loop3A_340 = arith.index_cast %parallel_loop3A_338 : i32 to index
          %parallel_loop3A_341 = tpu.vector_load %arg12[%parallel_loop3A_339, %parallel_loop3A_340] {strides = array<i32>} : memref<16x768xf32, #tpu.memory_space<vmem>>, vector<16xf32>,
          %parallel_loop3A_342 = vector.broadcast %parallel_loop3A_281 : f32 to vector<16xf32>
          %parallel_loop3A_343 = arith.subf %parallel_loop3A_341, %parallel_loop3A_342 : vector<16xf32>
          %parallel_loop3A_344 = arith.mulf %parallel_loop3A_343, %parallel_loop3A_334 : vector<16xf32>
          %parallel_loop3A_345 = arith.index_cast %parallel_loop3A_338 : i32 to index
          %parallel_loop3A_346 = tpu.vector_load %arg17[%parallel_loop3A_345] {strides = array<i32>} : memref<768xf32, #tpu.memory_space<vmem>>, vector<16xf32>,
          %parallel_loop3A_347 = arith.mulf %parallel_loop3A_344, %parallel_loop3A_346 : vector<16xf32>
          %parallel_loop3A_348 = arith.index_cast %parallel_loop3A_338 : i32 to index
          %parallel_loop3A_349 = tpu.vector_load %arg18[%parallel_loop3A_348] {strides = array<i32>} : memref<768xf32, #tpu.memory_space<vmem>>, vector<16xf32>,
          %parallel_loop3A_350 = arith.addf %parallel_loop3A_347, %parallel_loop3A_349 : vector<16xf32>
          %parallel_loop3A_351 = arith.index_cast %parallel_loop3A_267 : i32 to index
          %parallel_loop3A_352 = arith.index_cast %parallel_loop3A_338 : i32 to index
          %parallel_loop3A_353 = tpu.vector_load %arg12[%parallel_loop3A_351, %parallel_loop3A_352] {strides = array<i32>} : memref<16x768xf32, #tpu.memory_space<vmem>>, vector<16xf32>,
          tpu.vector_store %arg12[%parallel_loop3A_351, %parallel_loop3A_352], %parallel_loop3A_350 {strides = array<i32>} : memref<16x768xf32, #tpu.memory_space<vmem>>, vector<16xf32>,
        } {sc.loop_unroll_factor = 24 : i64, sc.parallel_access}
      } {sc.loop_unroll_factor = 1 : i64, sc.parallel_access}
      %mul3A_192 = arith.constant 512 : i32
      %mul3A_193 = arith.muli %add3A_177, %mul3A_192 : i32
      %add3A_194 = arith.addi %mul3A_193, %mul3A_2 : i32
      %dma_start3A_195 = arith.constant 0 : i32
      %dma_start3A_196 = tpu.memref_slice %arg8[%add3A_194, %dma_start3A_195] : memref<65536x768xf32, #tpu.memory_space<hbm>> -> memref<16x768xf32, #tpu.memory_space<hbm>>
      %dma_start3A_197 = arith.constant 0 : i32
      %dma_start3A_198 = tpu.memref_slice %arg8[%add3A_194, %dma_start3A_197] : memref<65536x768xf32, #tpu.memory_space<hbm>> -> memref<16x768xf32, #tpu.memory_space<hbm>>
      tpu.enqueue_dma source(%arg12 : memref<16x768xf32, #tpu.memory_space<vmem>>) target(%dma_start3A_198 : memref<16x768xf32, #tpu.memory_space<hbm>>) target_semaphore(%arg21 : memref<!tpu.dma_semaphore, #tpu.memory_space<semaphore_mem>>)
      %add3A_199 = arith.constant 2 : i32
      %add3A_200 = arith.addi %add3A_177, %add3A_199 : i32
      %lt3A_201 = arith.constant 128 : i32
      %lt3A_202 = arith.cmpi slt, %add3A_200, %lt3A_201 : i32
      %convert_element_type3A_203 = arith.extui %lt3A_202 : i1 to i32
      %cond3A_204 = arith.constant 0 : i32
      %cond3A_205 = arith.cmpi ne, %convert_element_type3A_203, %cond3A_204 : i32
      scf.if %cond3A_205 {
        %add3A_267 = arith.constant 2 : i32
        %add3A_268 = arith.addi %add3A_177, %add3A_267 : i32
        %dma_start3A_269 = arith.constant 0 : i32
        %dma_start3A_270 = tpu.memref_slice %arg9[%add3A_268, %dma_start3A_269] : memref<128x16xi32, #tpu.memory_space<vmem>> -> memref<1x16xi32, #tpu.memory_space<vmem>>
        %dma_start3A_271 = tpu.memref_squeeze %dma_start3A_270 : memref<1x16xi32, #tpu.memory_space<vmem>> -> memref<16xi32, #tpu.memory_space<vmem>>
        %dma_start3A_272 = arith.constant 0 : i32
        %dma_start3A_273 = arith.constant 0 : i32
        %dma_start3A_274 = tpu.memref_slice %arg3[%dma_start3A_272, %dma_start3A_273] : memref<100000x768xf32, #tpu.memory_space<hbm>> -> memref<100000x768xf32, #tpu.memory_space<hbm>>
        tpu.enqueue_indirect_dma source(%dma_start3A_274 : memref<100000x768xf32, #tpu.memory_space<hbm>>) target(%arg11 : memref<16x768xf32, #tpu.memory_space<vmem>>) offsets(%dma_start3A_271 : memref<16xi32, #tpu.memory_space<vmem>>) semaphore(%arg20 : memref<!tpu.dma_semaphore, #tpu.memory_space<semaphore_mem>>)
      } else {
      }
      %add3A_206 = arith.constant 4 : i32
      %add3A_207 = arith.addi %mul3A_89, %add3A_206 : i32
      %dma_wait3A_208 = arith.constant 0 : i32
      %dma_wait3A_209 = tpu.memref_slice %arg9[%add3A_207, %dma_wait3A_208] : memref<128x16xi32, #tpu.memory_space<vmem>> -> memref<1x16xi32, #tpu.memory_space<vmem>>
      %dma_wait3A_210 = tpu.memref_squeeze %dma_wait3A_209 : memref<1x16xi32, #tpu.memory_space<vmem>> -> memref<16xi32, #tpu.memory_space<vmem>>
      %dma_wait3A_211 = arith.constant 0 : i32
      %dma_wait3A_212 = arith.constant 0 : i32
      %dma_wait3A_213 = tpu.memref_slice %arg3[%dma_wait3A_211, %dma_wait3A_212] : memref<100000x768xf32, #tpu.memory_space<hbm>> -> memref<100000x768xf32, #tpu.memory_space<hbm>>
      tpu.wait_indirect_dma semaphore(%arg19 : memref<!tpu.dma_semaphore, #tpu.memory_space<semaphore_mem>>) src(%dma_wait3A_213 : memref<100000x768xf32, #tpu.memory_space<hbm>>) dst(%arg10 : memref<16x768xf32, #tpu.memory_space<vmem>>)
      %ge3A_214 = arith.constant 3 : i32
      %ge3A_215 = arith.cmpi sge, %add3A_207, %ge3A_214 : i32
      %convert_element_type3A_216 = arith.extui %ge3A_215 : i1 to i32
      %cond3A_217 = arith.constant 0 : i32
      %cond3A_218 = arith.cmpi ne, %convert_element_type3A_216, %cond3A_217 : i32
      scf.if %cond3A_218 {
        %sub3A = arith.constant 3 : i32
        %sub3A_267 = arith.subi %add3A_207, %sub3A : i32
        %mul3A_268 = arith.constant 512 : i32
        %mul3A_269 = arith.muli %sub3A_267, %mul3A_268 : i32
        %add3A_270 = arith.addi %mul3A_269, %mul3A_2 : i32
        %dma_wait3A_271 = arith.constant 0 : i32
        %dma_wait3A_272 = tpu.memref_slice %arg8[%add3A_270, %dma_wait3A_271] : memref<65536x768xf32, #tpu.memory_space<hbm>> -> memref<16x768xf32, #tpu.memory_space<hbm>>
        %dma_wait3A_273 = arith.constant 0 : i32
        %dma_wait3A_274 = tpu.memref_slice %arg8[%add3A_270, %dma_wait3A_273] : memref<65536x768xf32, #tpu.memory_space<hbm>> -> memref<16x768xf32, #tpu.memory_space<hbm>>
        tpu.wait_dma2 semaphore(%arg22 : memref<!tpu.dma_semaphore, #tpu.memory_space<semaphore_mem>>) src(%arg13 : memref<16x768xf32, #tpu.memory_space<vmem>>) dst(%dma_wait3A_274 : memref<16x768xf32, #tpu.memory_space<hbm>>)
      } else {
      }
      %parallel_loop3A_219 = arith.constant 0 : i32
      %parallel_loop3A_220 = arith.constant 16 : i32
      %parallel_loop3A_221 = arith.constant 1 : i32
      scf.for %parallel_loop3A_267 = %parallel_loop3A_219 to %parallel_loop3A_220 step %parallel_loop3A_221  : i32 {
        %parallel_loop3A_268 = arith.constant 0 : i32
        %parallel_loop3A_269 = arith.constant 768 : i32
        %parallel_loop3A_270 = arith.constant 16 : i32
        %parallel_loop3A_271:2 = scf.for %parallel_loop3A_338 = %parallel_loop3A_268 to %parallel_loop3A_269 step %parallel_loop3A_270 iter_args(%parallel_loop3A_339 = %broadcast_in_dim3A_5, %parallel_loop3A_340 = %broadcast_in_dim3A_5) -> (vector<16xf32>, vector<16xf32>)  : i32 {
          %parallel_loop3A_341 = arith.index_cast %parallel_loop3A_267 : i32 to index
          %parallel_loop3A_342 = arith.index_cast %parallel_loop3A_338 : i32 to index
          %parallel_loop3A_343 = tpu.vector_load %arg10[%parallel_loop3A_341, %parallel_loop3A_342] {strides = array<i32>} : memref<16x768xf32, #tpu.memory_space<vmem>>, vector<16xf32>,
          %parallel_loop3A_344 = arith.index_cast %parallel_loop3A_267 : i32 to index
          %parallel_loop3A_345 = arith.index_cast %parallel_loop3A_338 : i32 to index
          %parallel_loop3A_346 = tpu.vector_load %arg15[%parallel_loop3A_344, %parallel_loop3A_345] {strides = array<i32>} : memref<16x768xf32, #tpu.memory_space<vmem>>, vector<16xf32>,
          %parallel_loop3A_347 = arith.addf %parallel_loop3A_343, %parallel_loop3A_346 : vector<16xf32>
          %parallel_loop3A_348 = arith.index_cast %parallel_loop3A_267 : i32 to index
          %parallel_loop3A_349 = arith.index_cast %parallel_loop3A_338 : i32 to index
          %parallel_loop3A_350 = tpu.vector_load %arg13[%parallel_loop3A_348, %parallel_loop3A_349] {strides = array<i32>} : memref<16x768xf32, #tpu.memory_space<vmem>>, vector<16xf32>,
          tpu.vector_store %arg13[%parallel_loop3A_348, %parallel_loop3A_349], %parallel_loop3A_347 {strides = array<i32>} : memref<16x768xf32, #tpu.memory_space<vmem>>, vector<16xf32>,
          %parallel_loop3A_351 = arith.addf %parallel_loop3A_339, %parallel_loop3A_347 : vector<16xf32>
          %parallel_loop3A_352 = arith.mulf %parallel_loop3A_347, %parallel_loop3A_347 : vector<16xf32>
          %parallel_loop3A_353 = arith.addf %parallel_loop3A_340, %parallel_loop3A_352 : vector<16xf32>
          scf.yield %parallel_loop3A_351, %parallel_loop3A_353 : vector<16xf32>, vector<16xf32>
        } {sc.loop_unroll_factor = 24 : i64, sc.parallel_access}
        %parallel_loop3A_272 = arith.constant true
        %parallel_loop3A_273 = vector.broadcast %parallel_loop3A_272 : i1 to vector<16xi1>
        %parallel_loop3A_274 = tpu.scan <sum>, %parallel_loop3A_271#0 masked %parallel_loop3A_273 : vector<16xf32>, vector<16xi1> -> vector<16xf32>
        %parallel_loop3A_275 = vector.extract %parallel_loop3A_274[15] : f32 from vector<16xf32>
        %parallel_loop3A_276 = arith.constant true
        %parallel_loop3A_277 = vector.broadcast %parallel_loop3A_276 : i1 to vector<16xi1>
        %parallel_loop3A_278 = tpu.scan <sum>, %parallel_loop3A_271#1 masked %parallel_loop3A_277 : vector<16xf32>, vector<16xi1> -> vector<16xf32>
        %parallel_loop3A_279 = vector.extract %parallel_loop3A_278[15] : f32 from vector<16xf32>
        %parallel_loop3A_280 = arith.constant 0.00130208337 : f32
        %parallel_loop3A_281 = arith.mulf %parallel_loop3A_275, %parallel_loop3A_280 : f32
        %parallel_loop3A_282 = arith.constant 0.00130208337 : f32
        %parallel_loop3A_283 = arith.mulf %parallel_loop3A_279, %parallel_loop3A_282 : f32
        %parallel_loop3A_284 = arith.mulf %parallel_loop3A_281, %parallel_loop3A_281 : f32
        %parallel_loop3A_285 = arith.subf %parallel_loop3A_283, %parallel_loop3A_284 : f32
        %parallel_loop3A_286 = arith.constant 0.000000e+00 : f32
        %parallel_loop3A_287 = arith.maximumf %parallel_loop3A_285, %parallel_loop3A_286 : f32
        %parallel_loop3A_288 = arith.constant 9.99999996E-13 : f32
        %parallel_loop3A_289 = arith.addf %parallel_loop3A_287, %parallel_loop3A_288 : f32
        %parallel_loop3A_290 = vector.broadcast %parallel_loop3A_289 : f32 to vector<16xf32>
        %parallel_loop3A_291 = tpu.bitcast %parallel_loop3A_290 : vector<16xf32> -> vector<16xi32>
        %parallel_loop3A_292 = arith.constant 1 : i32
        %parallel_loop3A_293 = vector.broadcast %parallel_loop3A_292 : i32 to vector<16xi32>
        %parallel_loop3A_294 = arith.shrui %parallel_loop3A_291, %parallel_loop3A_293 : vector<16xi32>
        %parallel_loop3A_295 = arith.constant 1597463007 : i32
        %parallel_loop3A_296 = vector.broadcast %parallel_loop3A_295 : i32 to vector<16xi32>
        %parallel_loop3A_297 = arith.subi %parallel_loop3A_296, %parallel_loop3A_294 : vector<16xi32>
        %parallel_loop3A_298 = tpu.bitcast %parallel_loop3A_297 : vector<16xi32> -> vector<16xf32>
        %parallel_loop3A_299 = arith.constant 5.000000e-01 : f32
        %parallel_loop3A_300 = vector.broadcast %parallel_loop3A_299 : f32 to vector<16xf32>
        %parallel_loop3A_301 = arith.mulf %parallel_loop3A_300, %parallel_loop3A_290 : vector<16xf32>
        %parallel_loop3A_302 = arith.mulf %parallel_loop3A_301, %parallel_loop3A_298 : vector<16xf32>
        %parallel_loop3A_303 = arith.mulf %parallel_loop3A_302, %parallel_loop3A_298 : vector<16xf32>
        %parallel_loop3A_304 = arith.constant 1.500000e+00 : f32
        %parallel_loop3A_305 = vector.broadcast %parallel_loop3A_304 : f32 to vector<16xf32>
        %parallel_loop3A_306 = arith.subf %parallel_loop3A_305, %parallel_loop3A_303 : vector<16xf32>
        %parallel_loop3A_307 = arith.mulf %parallel_loop3A_298, %parallel_loop3A_306 : vector<16xf32>
        %parallel_loop3A_308 = arith.constant 5.000000e-01 : f32
        %parallel_loop3A_309 = vector.broadcast %parallel_loop3A_308 : f32 to vector<16xf32>
        %parallel_loop3A_310 = arith.mulf %parallel_loop3A_309, %parallel_loop3A_290 : vector<16xf32>
        %parallel_loop3A_311 = arith.mulf %parallel_loop3A_310, %parallel_loop3A_307 : vector<16xf32>
        %parallel_loop3A_312 = arith.mulf %parallel_loop3A_311, %parallel_loop3A_307 : vector<16xf32>
        %parallel_loop3A_313 = arith.constant 1.500000e+00 : f32
        %parallel_loop3A_314 = vector.broadcast %parallel_loop3A_313 : f32 to vector<16xf32>
        %parallel_loop3A_315 = arith.subf %parallel_loop3A_314, %parallel_loop3A_312 : vector<16xf32>
        %parallel_loop3A_316 = arith.mulf %parallel_loop3A_307, %parallel_loop3A_315 : vector<16xf32>
        %parallel_loop3A_317 = arith.constant 5.000000e-01 : f32
        %parallel_loop3A_318 = vector.broadcast %parallel_loop3A_317 : f32 to vector<16xf32>
        %parallel_loop3A_319 = arith.mulf %parallel_loop3A_318, %parallel_loop3A_290 : vector<16xf32>
        %parallel_loop3A_320 = arith.mulf %parallel_loop3A_319, %parallel_loop3A_316 : vector<16xf32>
        %parallel_loop3A_321 = arith.mulf %parallel_loop3A_320, %parallel_loop3A_316 : vector<16xf32>
        %parallel_loop3A_322 = arith.constant 1.500000e+00 : f32
        %parallel_loop3A_323 = vector.broadcast %parallel_loop3A_322 : f32 to vector<16xf32>
        %parallel_loop3A_324 = arith.subf %parallel_loop3A_323, %parallel_loop3A_321 : vector<16xf32>
        %parallel_loop3A_325 = arith.mulf %parallel_loop3A_316, %parallel_loop3A_324 : vector<16xf32>
        %parallel_loop3A_326 = arith.constant 5.000000e-01 : f32
        %parallel_loop3A_327 = vector.broadcast %parallel_loop3A_326 : f32 to vector<16xf32>
        %parallel_loop3A_328 = arith.mulf %parallel_loop3A_327, %parallel_loop3A_290 : vector<16xf32>
        %parallel_loop3A_329 = arith.mulf %parallel_loop3A_328, %parallel_loop3A_325 : vector<16xf32>
        %parallel_loop3A_330 = arith.mulf %parallel_loop3A_329, %parallel_loop3A_325 : vector<16xf32>
        %parallel_loop3A_331 = arith.constant 1.500000e+00 : f32
        %parallel_loop3A_332 = vector.broadcast %parallel_loop3A_331 : f32 to vector<16xf32>
        %parallel_loop3A_333 = arith.subf %parallel_loop3A_332, %parallel_loop3A_330 : vector<16xf32>
        %parallel_loop3A_334 = arith.mulf %parallel_loop3A_325, %parallel_loop3A_333 : vector<16xf32>
        %parallel_loop3A_335 = arith.constant 0 : i32
        %parallel_loop3A_336 = arith.constant 768 : i32
        %parallel_loop3A_337 = arith.constant 16 : i32
        scf.for %parallel_loop3A_338 = %parallel_loop3A_335 to %parallel_loop3A_336 step %parallel_loop3A_337  : i32 {
          %parallel_loop3A_339 = arith.index_cast %parallel_loop3A_267 : i32 to index
          %parallel_loop3A_340 = arith.index_cast %parallel_loop3A_338 : i32 to index
          %parallel_loop3A_341 = tpu.vector_load %arg13[%parallel_loop3A_339, %parallel_loop3A_340] {strides = array<i32>} : memref<16x768xf32, #tpu.memory_space<vmem>>, vector<16xf32>,
          %parallel_loop3A_342 = vector.broadcast %parallel_loop3A_281 : f32 to vector<16xf32>
          %parallel_loop3A_343 = arith.subf %parallel_loop3A_341, %parallel_loop3A_342 : vector<16xf32>
          %parallel_loop3A_344 = arith.mulf %parallel_loop3A_343, %parallel_loop3A_334 : vector<16xf32>
          %parallel_loop3A_345 = arith.index_cast %parallel_loop3A_338 : i32 to index
          %parallel_loop3A_346 = tpu.vector_load %arg17[%parallel_loop3A_345] {strides = array<i32>} : memref<768xf32, #tpu.memory_space<vmem>>, vector<16xf32>,
          %parallel_loop3A_347 = arith.mulf %parallel_loop3A_344, %parallel_loop3A_346 : vector<16xf32>
          %parallel_loop3A_348 = arith.index_cast %parallel_loop3A_338 : i32 to index
          %parallel_loop3A_349 = tpu.vector_load %arg18[%parallel_loop3A_348] {strides = array<i32>} : memref<768xf32, #tpu.memory_space<vmem>>, vector<16xf32>,
          %parallel_loop3A_350 = arith.addf %parallel_loop3A_347, %parallel_loop3A_349 : vector<16xf32>
          %parallel_loop3A_351 = arith.index_cast %parallel_loop3A_267 : i32 to index
          %parallel_loop3A_352 = arith.index_cast %parallel_loop3A_338 : i32 to index
          %parallel_loop3A_353 = tpu.vector_load %arg13[%parallel_loop3A_351, %parallel_loop3A_352] {strides = array<i32>} : memref<16x768xf32, #tpu.memory_space<vmem>>, vector<16xf32>,
          tpu.vector_store %arg13[%parallel_loop3A_351, %parallel_loop3A_352], %parallel_loop3A_350 {strides = array<i32>} : memref<16x768xf32, #tpu.memory_space<vmem>>, vector<16xf32>,
        } {sc.loop_unroll_factor = 24 : i64, sc.parallel_access}
      } {sc.loop_unroll_factor = 1 : i64, sc.parallel_access}
      %mul3A_222 = arith.constant 512 : i32
      %mul3A_223 = arith.muli %add3A_207, %mul3A_222 : i32
      %add3A_224 = arith.addi %mul3A_223, %mul3A_2 : i32
      %dma_start3A_225 = arith.constant 0 : i32
      %dma_start3A_226 = tpu.memref_slice %arg8[%add3A_224, %dma_start3A_225] : memref<65536x768xf32, #tpu.memory_space<hbm>> -> memref<16x768xf32, #tpu.memory_space<hbm>>
      %dma_start3A_227 = arith.constant 0 : i32
      %dma_start3A_228 = tpu.memref_slice %arg8[%add3A_224, %dma_start3A_227] : memref<65536x768xf32, #tpu.memory_space<hbm>> -> memref<16x768xf32, #tpu.memory_space<hbm>>
      tpu.enqueue_dma source(%arg13 : memref<16x768xf32, #tpu.memory_space<vmem>>) target(%dma_start3A_228 : memref<16x768xf32, #tpu.memory_space<hbm>>) target_semaphore(%arg22 : memref<!tpu.dma_semaphore, #tpu.memory_space<semaphore_mem>>)
      %add3A_229 = arith.constant 2 : i32
      %add3A_230 = arith.addi %add3A_207, %add3A_229 : i32
      %lt3A_231 = arith.constant 128 : i32
      %lt3A_232 = arith.cmpi slt, %add3A_230, %lt3A_231 : i32
      %convert_element_type3A_233 = arith.extui %lt3A_232 : i1 to i32
      %cond3A_234 = arith.constant 0 : i32
      %cond3A_235 = arith.cmpi ne, %convert_element_type3A_233, %cond3A_234 : i32
      scf.if %cond3A_235 {
        %add3A_267 = arith.constant 2 : i32
        %add3A_268 = arith.addi %add3A_207, %add3A_267 : i32
        %dma_start3A_269 = arith.constant 0 : i32
        %dma_start3A_270 = tpu.memref_slice %arg9[%add3A_268, %dma_start3A_269] : memref<128x16xi32, #tpu.memory_space<vmem>> -> memref<1x16xi32, #tpu.memory_space<vmem>>
        %dma_start3A_271 = tpu.memref_squeeze %dma_start3A_270 : memref<1x16xi32, #tpu.memory_space<vmem>> -> memref<16xi32, #tpu.memory_space<vmem>>
        %dma_start3A_272 = arith.constant 0 : i32
        %dma_start3A_273 = arith.constant 0 : i32
        %dma_start3A_274 = tpu.memref_slice %arg3[%dma_start3A_272, %dma_start3A_273] : memref<100000x768xf32, #tpu.memory_space<hbm>> -> memref<100000x768xf32, #tpu.memory_space<hbm>>
        tpu.enqueue_indirect_dma source(%dma_start3A_274 : memref<100000x768xf32, #tpu.memory_space<hbm>>) target(%arg10 : memref<16x768xf32, #tpu.memory_space<vmem>>) offsets(%dma_start3A_271 : memref<16xi32, #tpu.memory_space<vmem>>) semaphore(%arg19 : memref<!tpu.dma_semaphore, #tpu.memory_space<semaphore_mem>>)
      } else {
      }
      %add3A_236 = arith.constant 5 : i32
      %add3A_237 = arith.addi %mul3A_89, %add3A_236 : i32
      %dma_wait3A_238 = arith.constant 0 : i32
      %dma_wait3A_239 = tpu.memref_slice %arg9[%add3A_237, %dma_wait3A_238] : memref<128x16xi32, #tpu.memory_space<vmem>> -> memref<1x16xi32, #tpu.memory_space<vmem>>
      %dma_wait3A_240 = tpu.memref_squeeze %dma_wait3A_239 : memref<1x16xi32, #tpu.memory_space<vmem>> -> memref<16xi32, #tpu.memory_space<vmem>>
      %dma_wait3A_241 = arith.constant 0 : i32
      %dma_wait3A_242 = arith.constant 0 : i32
      %dma_wait3A_243 = tpu.memref_slice %arg3[%dma_wait3A_241, %dma_wait3A_242] : memref<100000x768xf32, #tpu.memory_space<hbm>> -> memref<100000x768xf32, #tpu.memory_space<hbm>>
      tpu.wait_indirect_dma semaphore(%arg20 : memref<!tpu.dma_semaphore, #tpu.memory_space<semaphore_mem>>) src(%dma_wait3A_243 : memref<100000x768xf32, #tpu.memory_space<hbm>>) dst(%arg11 : memref<16x768xf32, #tpu.memory_space<vmem>>)
      %ge3A_244 = arith.constant 3 : i32
      %ge3A_245 = arith.cmpi sge, %add3A_237, %ge3A_244 : i32
      %convert_element_type3A_246 = arith.extui %ge3A_245 : i1 to i32
      %cond3A_247 = arith.constant 0 : i32
      %cond3A_248 = arith.cmpi ne, %convert_element_type3A_246, %cond3A_247 : i32
      scf.if %cond3A_248 {
        %sub3A = arith.constant 3 : i32
        %sub3A_267 = arith.subi %add3A_237, %sub3A : i32
        %mul3A_268 = arith.constant 512 : i32
        %mul3A_269 = arith.muli %sub3A_267, %mul3A_268 : i32
        %add3A_270 = arith.addi %mul3A_269, %mul3A_2 : i32
        %dma_wait3A_271 = arith.constant 0 : i32
        %dma_wait3A_272 = tpu.memref_slice %arg8[%add3A_270, %dma_wait3A_271] : memref<65536x768xf32, #tpu.memory_space<hbm>> -> memref<16x768xf32, #tpu.memory_space<hbm>>
        %dma_wait3A_273 = arith.constant 0 : i32
        %dma_wait3A_274 = tpu.memref_slice %arg8[%add3A_270, %dma_wait3A_273] : memref<65536x768xf32, #tpu.memory_space<hbm>> -> memref<16x768xf32, #tpu.memory_space<hbm>>
        tpu.wait_dma2 semaphore(%arg23 : memref<!tpu.dma_semaphore, #tpu.memory_space<semaphore_mem>>) src(%arg14 : memref<16x768xf32, #tpu.memory_space<vmem>>) dst(%dma_wait3A_274 : memref<16x768xf32, #tpu.memory_space<hbm>>)
      } else {
      }
      %parallel_loop3A_249 = arith.constant 0 : i32
      %parallel_loop3A_250 = arith.constant 16 : i32
      %parallel_loop3A_251 = arith.constant 1 : i32
      scf.for %parallel_loop3A_267 = %parallel_loop3A_249 to %parallel_loop3A_250 step %parallel_loop3A_251  : i32 {
        %parallel_loop3A_268 = arith.constant 0 : i32
        %parallel_loop3A_269 = arith.constant 768 : i32
        %parallel_loop3A_270 = arith.constant 16 : i32
        %parallel_loop3A_271:2 = scf.for %parallel_loop3A_338 = %parallel_loop3A_268 to %parallel_loop3A_269 step %parallel_loop3A_270 iter_args(%parallel_loop3A_339 = %broadcast_in_dim3A_5, %parallel_loop3A_340 = %broadcast_in_dim3A_5) -> (vector<16xf32>, vector<16xf32>)  : i32 {
          %parallel_loop3A_341 = arith.index_cast %parallel_loop3A_267 : i32 to index
          %parallel_loop3A_342 = arith.index_cast %parallel_loop3A_338 : i32 to index
          %parallel_loop3A_343 = tpu.vector_load %arg11[%parallel_loop3A_341, %parallel_loop3A_342] {strides = array<i32>} : memref<16x768xf32, #tpu.memory_space<vmem>>, vector<16xf32>,
          %parallel_loop3A_344 = arith.index_cast %parallel_loop3A_267 : i32 to index
          %parallel_loop3A_345 = arith.index_cast %parallel_loop3A_338 : i32 to index
          %parallel_loop3A_346 = tpu.vector_load %arg15[%parallel_loop3A_344, %parallel_loop3A_345] {strides = array<i32>} : memref<16x768xf32, #tpu.memory_space<vmem>>, vector<16xf32>,
          %parallel_loop3A_347 = arith.addf %parallel_loop3A_343, %parallel_loop3A_346 : vector<16xf32>
          %parallel_loop3A_348 = arith.index_cast %parallel_loop3A_267 : i32 to index
          %parallel_loop3A_349 = arith.index_cast %parallel_loop3A_338 : i32 to index
          %parallel_loop3A_350 = tpu.vector_load %arg14[%parallel_loop3A_348, %parallel_loop3A_349] {strides = array<i32>} : memref<16x768xf32, #tpu.memory_space<vmem>>, vector<16xf32>,
          tpu.vector_store %arg14[%parallel_loop3A_348, %parallel_loop3A_349], %parallel_loop3A_347 {strides = array<i32>} : memref<16x768xf32, #tpu.memory_space<vmem>>, vector<16xf32>,
          %parallel_loop3A_351 = arith.addf %parallel_loop3A_339, %parallel_loop3A_347 : vector<16xf32>
          %parallel_loop3A_352 = arith.mulf %parallel_loop3A_347, %parallel_loop3A_347 : vector<16xf32>
          %parallel_loop3A_353 = arith.addf %parallel_loop3A_340, %parallel_loop3A_352 : vector<16xf32>
          scf.yield %parallel_loop3A_351, %parallel_loop3A_353 : vector<16xf32>, vector<16xf32>
        } {sc.loop_unroll_factor = 24 : i64, sc.parallel_access}
        %parallel_loop3A_272 = arith.constant true
        %parallel_loop3A_273 = vector.broadcast %parallel_loop3A_272 : i1 to vector<16xi1>
        %parallel_loop3A_274 = tpu.scan <sum>, %parallel_loop3A_271#0 masked %parallel_loop3A_273 : vector<16xf32>, vector<16xi1> -> vector<16xf32>
        %parallel_loop3A_275 = vector.extract %parallel_loop3A_274[15] : f32 from vector<16xf32>
        %parallel_loop3A_276 = arith.constant true
        %parallel_loop3A_277 = vector.broadcast %parallel_loop3A_276 : i1 to vector<16xi1>
        %parallel_loop3A_278 = tpu.scan <sum>, %parallel_loop3A_271#1 masked %parallel_loop3A_277 : vector<16xf32>, vector<16xi1> -> vector<16xf32>
        %parallel_loop3A_279 = vector.extract %parallel_loop3A_278[15] : f32 from vector<16xf32>
        %parallel_loop3A_280 = arith.constant 0.00130208337 : f32
        %parallel_loop3A_281 = arith.mulf %parallel_loop3A_275, %parallel_loop3A_280 : f32
        %parallel_loop3A_282 = arith.constant 0.00130208337 : f32
        %parallel_loop3A_283 = arith.mulf %parallel_loop3A_279, %parallel_loop3A_282 : f32
        %parallel_loop3A_284 = arith.mulf %parallel_loop3A_281, %parallel_loop3A_281 : f32
        %parallel_loop3A_285 = arith.subf %parallel_loop3A_283, %parallel_loop3A_284 : f32
        %parallel_loop3A_286 = arith.constant 0.000000e+00 : f32
        %parallel_loop3A_287 = arith.maximumf %parallel_loop3A_285, %parallel_loop3A_286 : f32
        %parallel_loop3A_288 = arith.constant 9.99999996E-13 : f32
        %parallel_loop3A_289 = arith.addf %parallel_loop3A_287, %parallel_loop3A_288 : f32
        %parallel_loop3A_290 = vector.broadcast %parallel_loop3A_289 : f32 to vector<16xf32>
        %parallel_loop3A_291 = tpu.bitcast %parallel_loop3A_290 : vector<16xf32> -> vector<16xi32>
        %parallel_loop3A_292 = arith.constant 1 : i32
        %parallel_loop3A_293 = vector.broadcast %parallel_loop3A_292 : i32 to vector<16xi32>
        %parallel_loop3A_294 = arith.shrui %parallel_loop3A_291, %parallel_loop3A_293 : vector<16xi32>
        %parallel_loop3A_295 = arith.constant 1597463007 : i32
        %parallel_loop3A_296 = vector.broadcast %parallel_loop3A_295 : i32 to vector<16xi32>
        %parallel_loop3A_297 = arith.subi %parallel_loop3A_296, %parallel_loop3A_294 : vector<16xi32>
        %parallel_loop3A_298 = tpu.bitcast %parallel_loop3A_297 : vector<16xi32> -> vector<16xf32>
        %parallel_loop3A_299 = arith.constant 5.000000e-01 : f32
        %parallel_loop3A_300 = vector.broadcast %parallel_loop3A_299 : f32 to vector<16xf32>
        %parallel_loop3A_301 = arith.mulf %parallel_loop3A_300, %parallel_loop3A_290 : vector<16xf32>
        %parallel_loop3A_302 = arith.mulf %parallel_loop3A_301, %parallel_loop3A_298 : vector<16xf32>
        %parallel_loop3A_303 = arith.mulf %parallel_loop3A_302, %parallel_loop3A_298 : vector<16xf32>
        %parallel_loop3A_304 = arith.constant 1.500000e+00 : f32
        %parallel_loop3A_305 = vector.broadcast %parallel_loop3A_304 : f32 to vector<16xf32>
        %parallel_loop3A_306 = arith.subf %parallel_loop3A_305, %parallel_loop3A_303 : vector<16xf32>
        %parallel_loop3A_307 = arith.mulf %parallel_loop3A_298, %parallel_loop3A_306 : vector<16xf32>
        %parallel_loop3A_308 = arith.constant 5.000000e-01 : f32
        %parallel_loop3A_309 = vector.broadcast %parallel_loop3A_308 : f32 to vector<16xf32>
        %parallel_loop3A_310 = arith.mulf %parallel_loop3A_309, %parallel_loop3A_290 : vector<16xf32>
        %parallel_loop3A_311 = arith.mulf %parallel_loop3A_310, %parallel_loop3A_307 : vector<16xf32>
        %parallel_loop3A_312 = arith.mulf %parallel_loop3A_311, %parallel_loop3A_307 : vector<16xf32>
        %parallel_loop3A_313 = arith.constant 1.500000e+00 : f32
        %parallel_loop3A_314 = vector.broadcast %parallel_loop3A_313 : f32 to vector<16xf32>
        %parallel_loop3A_315 = arith.subf %parallel_loop3A_314, %parallel_loop3A_312 : vector<16xf32>
        %parallel_loop3A_316 = arith.mulf %parallel_loop3A_307, %parallel_loop3A_315 : vector<16xf32>
        %parallel_loop3A_317 = arith.constant 5.000000e-01 : f32
        %parallel_loop3A_318 = vector.broadcast %parallel_loop3A_317 : f32 to vector<16xf32>
        %parallel_loop3A_319 = arith.mulf %parallel_loop3A_318, %parallel_loop3A_290 : vector<16xf32>
        %parallel_loop3A_320 = arith.mulf %parallel_loop3A_319, %parallel_loop3A_316 : vector<16xf32>
        %parallel_loop3A_321 = arith.mulf %parallel_loop3A_320, %parallel_loop3A_316 : vector<16xf32>
        %parallel_loop3A_322 = arith.constant 1.500000e+00 : f32
        %parallel_loop3A_323 = vector.broadcast %parallel_loop3A_322 : f32 to vector<16xf32>
        %parallel_loop3A_324 = arith.subf %parallel_loop3A_323, %parallel_loop3A_321 : vector<16xf32>
        %parallel_loop3A_325 = arith.mulf %parallel_loop3A_316, %parallel_loop3A_324 : vector<16xf32>
        %parallel_loop3A_326 = arith.constant 5.000000e-01 : f32
        %parallel_loop3A_327 = vector.broadcast %parallel_loop3A_326 : f32 to vector<16xf32>
        %parallel_loop3A_328 = arith.mulf %parallel_loop3A_327, %parallel_loop3A_290 : vector<16xf32>
        %parallel_loop3A_329 = arith.mulf %parallel_loop3A_328, %parallel_loop3A_325 : vector<16xf32>
        %parallel_loop3A_330 = arith.mulf %parallel_loop3A_329, %parallel_loop3A_325 : vector<16xf32>
        %parallel_loop3A_331 = arith.constant 1.500000e+00 : f32
        %parallel_loop3A_332 = vector.broadcast %parallel_loop3A_331 : f32 to vector<16xf32>
        %parallel_loop3A_333 = arith.subf %parallel_loop3A_332, %parallel_loop3A_330 : vector<16xf32>
        %parallel_loop3A_334 = arith.mulf %parallel_loop3A_325, %parallel_loop3A_333 : vector<16xf32>
        %parallel_loop3A_335 = arith.constant 0 : i32
        %parallel_loop3A_336 = arith.constant 768 : i32
        %parallel_loop3A_337 = arith.constant 16 : i32
        scf.for %parallel_loop3A_338 = %parallel_loop3A_335 to %parallel_loop3A_336 step %parallel_loop3A_337  : i32 {
          %parallel_loop3A_339 = arith.index_cast %parallel_loop3A_267 : i32 to index
          %parallel_loop3A_340 = arith.index_cast %parallel_loop3A_338 : i32 to index
          %parallel_loop3A_341 = tpu.vector_load %arg14[%parallel_loop3A_339, %parallel_loop3A_340] {strides = array<i32>} : memref<16x768xf32, #tpu.memory_space<vmem>>, vector<16xf32>,
          %parallel_loop3A_342 = vector.broadcast %parallel_loop3A_281 : f32 to vector<16xf32>
          %parallel_loop3A_343 = arith.subf %parallel_loop3A_341, %parallel_loop3A_342 : vector<16xf32>
          %parallel_loop3A_344 = arith.mulf %parallel_loop3A_343, %parallel_loop3A_334 : vector<16xf32>
          %parallel_loop3A_345 = arith.index_cast %parallel_loop3A_338 : i32 to index
          %parallel_loop3A_346 = tpu.vector_load %arg17[%parallel_loop3A_345] {strides = array<i32>} : memref<768xf32, #tpu.memory_space<vmem>>, vector<16xf32>,
          %parallel_loop3A_347 = arith.mulf %parallel_loop3A_344, %parallel_loop3A_346 : vector<16xf32>
          %parallel_loop3A_348 = arith.index_cast %parallel_loop3A_338 : i32 to index
          %parallel_loop3A_349 = tpu.vector_load %arg18[%parallel_loop3A_348] {strides = array<i32>} : memref<768xf32, #tpu.memory_space<vmem>>, vector<16xf32>,
          %parallel_loop3A_350 = arith.addf %parallel_loop3A_347, %parallel_loop3A_349 : vector<16xf32>
          %parallel_loop3A_351 = arith.index_cast %parallel_loop3A_267 : i32 to index
          %parallel_loop3A_352 = arith.index_cast %parallel_loop3A_338 : i32 to index
          %parallel_loop3A_353 = tpu.vector_load %arg14[%parallel_loop3A_351, %parallel_loop3A_352] {strides = array<i32>} : memref<16x768xf32, #tpu.memory_space<vmem>>, vector<16xf32>,
          tpu.vector_store %arg14[%parallel_loop3A_351, %parallel_loop3A_352], %parallel_loop3A_350 {strides = array<i32>} : memref<16x768xf32, #tpu.memory_space<vmem>>, vector<16xf32>,
        } {sc.loop_unroll_factor = 24 : i64, sc.parallel_access}
      } {sc.loop_unroll_factor = 1 : i64, sc.parallel_access}
      %mul3A_252 = arith.constant 512 : i32
      %mul3A_253 = arith.muli %add3A_237, %mul3A_252 : i32
      %add3A_254 = arith.addi %mul3A_253, %mul3A_2 : i32
      %dma_start3A_255 = arith.constant 0 : i32
      %dma_start3A_256 = tpu.memref_slice %arg8[%add3A_254, %dma_start3A_255] : memref<65536x768xf32, #tpu.memory_space<hbm>> -> memref<16x768xf32, #tpu.memory_space<hbm>>
      %dma_start3A_257 = arith.constant 0 : i32
      %dma_start3A_258 = tpu.memref_slice %arg8[%add3A_254, %dma_start3A_257] : memref<65536x768xf32, #tpu.memory_space<hbm>> -> memref<16x768xf32, #tpu.memory_space<hbm>>
      tpu.enqueue_dma source(%arg14 : memref<16x768xf32, #tpu.memory_space<vmem>>) target(%dma_start3A_258 : memref<16x768xf32, #tpu.memory_space<hbm>>) target_semaphore(%arg23 : memref<!tpu.dma_semaphore, #tpu.memory_space<semaphore_mem>>)
      %add3A_259 = arith.constant 2 : i32
      %add3A_260 = arith.addi %add3A_237, %add3A_259 : i32
      %lt3A_261 = arith.constant 128 : i32
      %lt3A_262 = arith.cmpi slt, %add3A_260, %lt3A_261 : i32
      %convert_element_type3A_263 = arith.extui %lt3A_262 : i1 to i32
      %cond3A_264 = arith.constant 0 : i32
      %cond3A_265 = arith.cmpi ne, %convert_element_type3A_263, %cond3A_264 : i32
      scf.if %cond3A_265 {
        %add3A_267 = arith.constant 2 : i32
        %add3A_268 = arith.addi %add3A_237, %add3A_267 : i32
        %dma_start3A_269 = arith.constant 0 : i32
        %dma_start3A_270 = tpu.memref_slice %arg9[%add3A_268, %dma_start3A_269] : memref<128x16xi32, #tpu.memory_space<vmem>> -> memref<1x16xi32, #tpu.memory_space<vmem>>
        %dma_start3A_271 = tpu.memref_squeeze %dma_start3A_270 : memref<1x16xi32, #tpu.memory_space<vmem>> -> memref<16xi32, #tpu.memory_space<vmem>>
        %dma_start3A_272 = arith.constant 0 : i32
        %dma_start3A_273 = arith.constant 0 : i32
        %dma_start3A_274 = tpu.memref_slice %arg3[%dma_start3A_272, %dma_start3A_273] : memref<100000x768xf32, #tpu.memory_space<hbm>> -> memref<100000x768xf32, #tpu.memory_space<hbm>>
        tpu.enqueue_indirect_dma source(%dma_start3A_274 : memref<100000x768xf32, #tpu.memory_space<hbm>>) target(%arg11 : memref<16x768xf32, #tpu.memory_space<vmem>>) offsets(%dma_start3A_271 : memref<16xi32, #tpu.memory_space<vmem>>) semaphore(%arg20 : memref<!tpu.dma_semaphore, #tpu.memory_space<semaphore_mem>>)
      } else {
      }
      %scan3A_266 = arith.constant 0 : i32
      scf.yield %scan3A_266 : i32
    }
    %scan3A_24 = arith.constant 21 : i32
    %dma_wait3A = arith.constant 126 : i32
    %dma_wait3A_25 = arith.constant 0 : i32
    %dma_wait3A_26 = tpu.memref_slice %arg9[%dma_wait3A, %dma_wait3A_25] : memref<128x16xi32, #tpu.memory_space<vmem>> -> memref<1x16xi32, #tpu.memory_space<vmem>>
    %dma_wait3A_27 = tpu.memref_squeeze %dma_wait3A_26 : memref<1x16xi32, #tpu.memory_space<vmem>> -> memref<16xi32, #tpu.memory_space<vmem>>
    %dma_wait3A_28 = arith.constant 0 : i32
    %dma_wait3A_29 = arith.constant 0 : i32
    %dma_wait3A_30 = tpu.memref_slice %arg3[%dma_wait3A_28, %dma_wait3A_29] : memref<100000x768xf32, #tpu.memory_space<hbm>> -> memref<100000x768xf32, #tpu.memory_space<hbm>>
    tpu.wait_indirect_dma semaphore(%arg19 : memref<!tpu.dma_semaphore, #tpu.memory_space<semaphore_mem>>) src(%dma_wait3A_30 : memref<100000x768xf32, #tpu.memory_space<hbm>>) dst(%arg10 : memref<16x768xf32, #tpu.memory_space<vmem>>)
    %add3A_31 = arith.constant 62976 : i32
    %add3A_32 = arith.addi %add3A_31, %mul3A_2 : i32
    %dma_wait3A_33 = arith.constant 0 : i32
    %dma_wait3A_34 = tpu.memref_slice %arg8[%add3A_32, %dma_wait3A_33] : memref<65536x768xf32, #tpu.memory_space<hbm>> -> memref<16x768xf32, #tpu.memory_space<hbm>>
    %dma_wait3A_35 = arith.constant 0 : i32
    %dma_wait3A_36 = tpu.memref_slice %arg8[%add3A_32, %dma_wait3A_35] : memref<65536x768xf32, #tpu.memory_space<hbm>> -> memref<16x768xf32, #tpu.memory_space<hbm>>
    tpu.wait_dma2 semaphore(%arg21 : memref<!tpu.dma_semaphore, #tpu.memory_space<semaphore_mem>>) src(%arg12 : memref<16x768xf32, #tpu.memory_space<vmem>>) dst(%dma_wait3A_36 : memref<16x768xf32, #tpu.memory_space<hbm>>)
    %parallel_loop3A_37 = arith.constant 0 : i32
    %parallel_loop3A_38 = arith.constant 16 : i32
    %parallel_loop3A_39 = arith.constant 1 : i32
    scf.for %parallel_loop3A_86 = %parallel_loop3A_37 to %parallel_loop3A_38 step %parallel_loop3A_39  : i32 {
      %parallel_loop3A_87 = arith.constant 0 : i32
      %parallel_loop3A_88 = arith.constant 768 : i32
      %parallel_loop3A_89 = arith.constant 16 : i32
      %parallel_loop3A_90:2 = scf.for %parallel_loop3A_157 = %parallel_loop3A_87 to %parallel_loop3A_88 step %parallel_loop3A_89 iter_args(%parallel_loop3A_158 = %broadcast_in_dim3A_5, %parallel_loop3A_159 = %broadcast_in_dim3A_5) -> (vector<16xf32>, vector<16xf32>)  : i32 {
        %parallel_loop3A_160 = arith.index_cast %parallel_loop3A_86 : i32 to index
        %parallel_loop3A_161 = arith.index_cast %parallel_loop3A_157 : i32 to index
        %parallel_loop3A_162 = tpu.vector_load %arg10[%parallel_loop3A_160, %parallel_loop3A_161] {strides = array<i32>} : memref<16x768xf32, #tpu.memory_space<vmem>>, vector<16xf32>,
        %parallel_loop3A_163 = arith.index_cast %parallel_loop3A_86 : i32 to index
        %parallel_loop3A_164 = arith.index_cast %parallel_loop3A_157 : i32 to index
        %parallel_loop3A_165 = tpu.vector_load %arg15[%parallel_loop3A_163, %parallel_loop3A_164] {strides = array<i32>} : memref<16x768xf32, #tpu.memory_space<vmem>>, vector<16xf32>,
        %parallel_loop3A_166 = arith.addf %parallel_loop3A_162, %parallel_loop3A_165 : vector<16xf32>
        %parallel_loop3A_167 = arith.index_cast %parallel_loop3A_86 : i32 to index
        %parallel_loop3A_168 = arith.index_cast %parallel_loop3A_157 : i32 to index
        %parallel_loop3A_169 = tpu.vector_load %arg12[%parallel_loop3A_167, %parallel_loop3A_168] {strides = array<i32>} : memref<16x768xf32, #tpu.memory_space<vmem>>, vector<16xf32>,
        tpu.vector_store %arg12[%parallel_loop3A_167, %parallel_loop3A_168], %parallel_loop3A_166 {strides = array<i32>} : memref<16x768xf32, #tpu.memory_space<vmem>>, vector<16xf32>,
        %parallel_loop3A_170 = arith.addf %parallel_loop3A_158, %parallel_loop3A_166 : vector<16xf32>
        %parallel_loop3A_171 = arith.mulf %parallel_loop3A_166, %parallel_loop3A_166 : vector<16xf32>
        %parallel_loop3A_172 = arith.addf %parallel_loop3A_159, %parallel_loop3A_171 : vector<16xf32>
        scf.yield %parallel_loop3A_170, %parallel_loop3A_172 : vector<16xf32>, vector<16xf32>
      } {sc.loop_unroll_factor = 24 : i64, sc.parallel_access}
      %parallel_loop3A_91 = arith.constant true
      %parallel_loop3A_92 = vector.broadcast %parallel_loop3A_91 : i1 to vector<16xi1>
      %parallel_loop3A_93 = tpu.scan <sum>, %parallel_loop3A_90#0 masked %parallel_loop3A_92 : vector<16xf32>, vector<16xi1> -> vector<16xf32>
      %parallel_loop3A_94 = vector.extract %parallel_loop3A_93[15] : f32 from vector<16xf32>
      %parallel_loop3A_95 = arith.constant true
      %parallel_loop3A_96 = vector.broadcast %parallel_loop3A_95 : i1 to vector<16xi1>
      %parallel_loop3A_97 = tpu.scan <sum>, %parallel_loop3A_90#1 masked %parallel_loop3A_96 : vector<16xf32>, vector<16xi1> -> vector<16xf32>
      %parallel_loop3A_98 = vector.extract %parallel_loop3A_97[15] : f32 from vector<16xf32>
      %parallel_loop3A_99 = arith.constant 0.00130208337 : f32
      %parallel_loop3A_100 = arith.mulf %parallel_loop3A_94, %parallel_loop3A_99 : f32
      %parallel_loop3A_101 = arith.constant 0.00130208337 : f32
      %parallel_loop3A_102 = arith.mulf %parallel_loop3A_98, %parallel_loop3A_101 : f32
      %parallel_loop3A_103 = arith.mulf %parallel_loop3A_100, %parallel_loop3A_100 : f32
      %parallel_loop3A_104 = arith.subf %parallel_loop3A_102, %parallel_loop3A_103 : f32
      %parallel_loop3A_105 = arith.constant 0.000000e+00 : f32
      %parallel_loop3A_106 = arith.maximumf %parallel_loop3A_104, %parallel_loop3A_105 : f32
      %parallel_loop3A_107 = arith.constant 9.99999996E-13 : f32
      %parallel_loop3A_108 = arith.addf %parallel_loop3A_106, %parallel_loop3A_107 : f32
      %parallel_loop3A_109 = vector.broadcast %parallel_loop3A_108 : f32 to vector<16xf32>
      %parallel_loop3A_110 = tpu.bitcast %parallel_loop3A_109 : vector<16xf32> -> vector<16xi32>
      %parallel_loop3A_111 = arith.constant 1 : i32
      %parallel_loop3A_112 = vector.broadcast %parallel_loop3A_111 : i32 to vector<16xi32>
      %parallel_loop3A_113 = arith.shrui %parallel_loop3A_110, %parallel_loop3A_112 : vector<16xi32>
      %parallel_loop3A_114 = arith.constant 1597463007 : i32
      %parallel_loop3A_115 = vector.broadcast %parallel_loop3A_114 : i32 to vector<16xi32>
      %parallel_loop3A_116 = arith.subi %parallel_loop3A_115, %parallel_loop3A_113 : vector<16xi32>
      %parallel_loop3A_117 = tpu.bitcast %parallel_loop3A_116 : vector<16xi32> -> vector<16xf32>
      %parallel_loop3A_118 = arith.constant 5.000000e-01 : f32
      %parallel_loop3A_119 = vector.broadcast %parallel_loop3A_118 : f32 to vector<16xf32>
      %parallel_loop3A_120 = arith.mulf %parallel_loop3A_119, %parallel_loop3A_109 : vector<16xf32>
      %parallel_loop3A_121 = arith.mulf %parallel_loop3A_120, %parallel_loop3A_117 : vector<16xf32>
      %parallel_loop3A_122 = arith.mulf %parallel_loop3A_121, %parallel_loop3A_117 : vector<16xf32>
      %parallel_loop3A_123 = arith.constant 1.500000e+00 : f32
      %parallel_loop3A_124 = vector.broadcast %parallel_loop3A_123 : f32 to vector<16xf32>
      %parallel_loop3A_125 = arith.subf %parallel_loop3A_124, %parallel_loop3A_122 : vector<16xf32>
      %parallel_loop3A_126 = arith.mulf %parallel_loop3A_117, %parallel_loop3A_125 : vector<16xf32>
      %parallel_loop3A_127 = arith.constant 5.000000e-01 : f32
      %parallel_loop3A_128 = vector.broadcast %parallel_loop3A_127 : f32 to vector<16xf32>
      %parallel_loop3A_129 = arith.mulf %parallel_loop3A_128, %parallel_loop3A_109 : vector<16xf32>
      %parallel_loop3A_130 = arith.mulf %parallel_loop3A_129, %parallel_loop3A_126 : vector<16xf32>
      %parallel_loop3A_131 = arith.mulf %parallel_loop3A_130, %parallel_loop3A_126 : vector<16xf32>
      %parallel_loop3A_132 = arith.constant 1.500000e+00 : f32
      %parallel_loop3A_133 = vector.broadcast %parallel_loop3A_132 : f32 to vector<16xf32>
      %parallel_loop3A_134 = arith.subf %parallel_loop3A_133, %parallel_loop3A_131 : vector<16xf32>
      %parallel_loop3A_135 = arith.mulf %parallel_loop3A_126, %parallel_loop3A_134 : vector<16xf32>
      %parallel_loop3A_136 = arith.constant 5.000000e-01 : f32
      %parallel_loop3A_137 = vector.broadcast %parallel_loop3A_136 : f32 to vector<16xf32>
      %parallel_loop3A_138 = arith.mulf %parallel_loop3A_137, %parallel_loop3A_109 : vector<16xf32>
      %parallel_loop3A_139 = arith.mulf %parallel_loop3A_138, %parallel_loop3A_135 : vector<16xf32>
      %parallel_loop3A_140 = arith.mulf %parallel_loop3A_139, %parallel_loop3A_135 : vector<16xf32>
      %parallel_loop3A_141 = arith.constant 1.500000e+00 : f32
      %parallel_loop3A_142 = vector.broadcast %parallel_loop3A_141 : f32 to vector<16xf32>
      %parallel_loop3A_143 = arith.subf %parallel_loop3A_142, %parallel_loop3A_140 : vector<16xf32>
      %parallel_loop3A_144 = arith.mulf %parallel_loop3A_135, %parallel_loop3A_143 : vector<16xf32>
      %parallel_loop3A_145 = arith.constant 5.000000e-01 : f32
      %parallel_loop3A_146 = vector.broadcast %parallel_loop3A_145 : f32 to vector<16xf32>
      %parallel_loop3A_147 = arith.mulf %parallel_loop3A_146, %parallel_loop3A_109 : vector<16xf32>
      %parallel_loop3A_148 = arith.mulf %parallel_loop3A_147, %parallel_loop3A_144 : vector<16xf32>
      %parallel_loop3A_149 = arith.mulf %parallel_loop3A_148, %parallel_loop3A_144 : vector<16xf32>
      %parallel_loop3A_150 = arith.constant 1.500000e+00 : f32
      %parallel_loop3A_151 = vector.broadcast %parallel_loop3A_150 : f32 to vector<16xf32>
      %parallel_loop3A_152 = arith.subf %parallel_loop3A_151, %parallel_loop3A_149 : vector<16xf32>
      %parallel_loop3A_153 = arith.mulf %parallel_loop3A_144, %parallel_loop3A_152 : vector<16xf32>
      %parallel_loop3A_154 = arith.constant 0 : i32
      %parallel_loop3A_155 = arith.constant 768 : i32
      %parallel_loop3A_156 = arith.constant 16 : i32
      scf.for %parallel_loop3A_157 = %parallel_loop3A_154 to %parallel_loop3A_155 step %parallel_loop3A_156  : i32 {
        %parallel_loop3A_158 = arith.index_cast %parallel_loop3A_86 : i32 to index
        %parallel_loop3A_159 = arith.index_cast %parallel_loop3A_157 : i32 to index
        %parallel_loop3A_160 = tpu.vector_load %arg12[%parallel_loop3A_158, %parallel_loop3A_159] {strides = array<i32>} : memref<16x768xf32, #tpu.memory_space<vmem>>, vector<16xf32>,
        %parallel_loop3A_161 = vector.broadcast %parallel_loop3A_100 : f32 to vector<16xf32>
        %parallel_loop3A_162 = arith.subf %parallel_loop3A_160, %parallel_loop3A_161 : vector<16xf32>
        %parallel_loop3A_163 = arith.mulf %parallel_loop3A_162, %parallel_loop3A_153 : vector<16xf32>
        %parallel_loop3A_164 = arith.index_cast %parallel_loop3A_157 : i32 to index
        %parallel_loop3A_165 = tpu.vector_load %arg17[%parallel_loop3A_164] {strides = array<i32>} : memref<768xf32, #tpu.memory_space<vmem>>, vector<16xf32>,
        %parallel_loop3A_166 = arith.mulf %parallel_loop3A_163, %parallel_loop3A_165 : vector<16xf32>
        %parallel_loop3A_167 = arith.index_cast %parallel_loop3A_157 : i32 to index
        %parallel_loop3A_168 = tpu.vector_load %arg18[%parallel_loop3A_167] {strides = array<i32>} : memref<768xf32, #tpu.memory_space<vmem>>, vector<16xf32>,
        %parallel_loop3A_169 = arith.addf %parallel_loop3A_166, %parallel_loop3A_168 : vector<16xf32>
        %parallel_loop3A_170 = arith.index_cast %parallel_loop3A_86 : i32 to index
        %parallel_loop3A_171 = arith.index_cast %parallel_loop3A_157 : i32 to index
        %parallel_loop3A_172 = tpu.vector_load %arg12[%parallel_loop3A_170, %parallel_loop3A_171] {strides = array<i32>} : memref<16x768xf32, #tpu.memory_space<vmem>>, vector<16xf32>,
        tpu.vector_store %arg12[%parallel_loop3A_170, %parallel_loop3A_171], %parallel_loop3A_169 {strides = array<i32>} : memref<16x768xf32, #tpu.memory_space<vmem>>, vector<16xf32>,
      } {sc.loop_unroll_factor = 24 : i64, sc.parallel_access}
    } {sc.loop_unroll_factor = 1 : i64, sc.parallel_access}
    %add3A_40 = arith.constant 64512 : i32
    %add3A_41 = arith.addi %add3A_40, %mul3A_2 : i32
    %dma_start3A_42 = arith.constant 0 : i32
    %dma_start3A_43 = tpu.memref_slice %arg8[%add3A_41, %dma_start3A_42] : memref<65536x768xf32, #tpu.memory_space<hbm>> -> memref<16x768xf32, #tpu.memory_space<hbm>>
    %dma_start3A_44 = arith.constant 0 : i32
    %dma_start3A_45 = tpu.memref_slice %arg8[%add3A_41, %dma_start3A_44] : memref<65536x768xf32, #tpu.memory_space<hbm>> -> memref<16x768xf32, #tpu.memory_space<hbm>>
    tpu.enqueue_dma source(%arg12 : memref<16x768xf32, #tpu.memory_space<vmem>>) target(%dma_start3A_45 : memref<16x768xf32, #tpu.memory_space<hbm>>) target_semaphore(%arg21 : memref<!tpu.dma_semaphore, #tpu.memory_space<semaphore_mem>>)
    %dma_wait3A_46 = arith.constant 127 : i32
    %dma_wait3A_47 = arith.constant 0 : i32
    %dma_wait3A_48 = tpu.memref_slice %arg9[%dma_wait3A_46, %dma_wait3A_47] : memref<128x16xi32, #tpu.memory_space<vmem>> -> memref<1x16xi32, #tpu.memory_space<vmem>>
    %dma_wait3A_49 = tpu.memref_squeeze %dma_wait3A_48 : memref<1x16xi32, #tpu.memory_space<vmem>> -> memref<16xi32, #tpu.memory_space<vmem>>
    %dma_wait3A_50 = arith.constant 0 : i32
    %dma_wait3A_51 = arith.constant 0 : i32
    %dma_wait3A_52 = tpu.memref_slice %arg3[%dma_wait3A_50, %dma_wait3A_51] : memref<100000x768xf32, #tpu.memory_space<hbm>> -> memref<100000x768xf32, #tpu.memory_space<hbm>>
    tpu.wait_indirect_dma semaphore(%arg20 : memref<!tpu.dma_semaphore, #tpu.memory_space<semaphore_mem>>) src(%dma_wait3A_52 : memref<100000x768xf32, #tpu.memory_space<hbm>>) dst(%arg11 : memref<16x768xf32, #tpu.memory_space<vmem>>)
    %add3A_53 = arith.constant 63488 : i32
    %add3A_54 = arith.addi %add3A_53, %mul3A_2 : i32
    %dma_wait3A_55 = arith.constant 0 : i32
    %dma_wait3A_56 = tpu.memref_slice %arg8[%add3A_54, %dma_wait3A_55] : memref<65536x768xf32, #tpu.memory_space<hbm>> -> memref<16x768xf32, #tpu.memory_space<hbm>>
    %dma_wait3A_57 = arith.constant 0 : i32
    %dma_wait3A_58 = tpu.memref_slice %arg8[%add3A_54, %dma_wait3A_57] : memref<65536x768xf32, #tpu.memory_space<hbm>> -> memref<16x768xf32, #tpu.memory_space<hbm>>
    tpu.wait_dma2 semaphore(%arg22 : memref<!tpu.dma_semaphore, #tpu.memory_space<semaphore_mem>>) src(%arg13 : memref<16x768xf32, #tpu.memory_space<vmem>>) dst(%dma_wait3A_58 : memref<16x768xf32, #tpu.memory_space<hbm>>)
    %parallel_loop3A_59 = arith.constant 0 : i32
    %parallel_loop3A_60 = arith.constant 16 : i32
    %parallel_loop3A_61 = arith.constant 1 : i32
    scf.for %parallel_loop3A_86 = %parallel_loop3A_59 to %parallel_loop3A_60 step %parallel_loop3A_61  : i32 {
      %parallel_loop3A_87 = arith.constant 0 : i32
      %parallel_loop3A_88 = arith.constant 768 : i32
      %parallel_loop3A_89 = arith.constant 16 : i32
      %parallel_loop3A_90:2 = scf.for %parallel_loop3A_157 = %parallel_loop3A_87 to %parallel_loop3A_88 step %parallel_loop3A_89 iter_args(%parallel_loop3A_158 = %broadcast_in_dim3A_5, %parallel_loop3A_159 = %broadcast_in_dim3A_5) -> (vector<16xf32>, vector<16xf32>)  : i32 {
        %parallel_loop3A_160 = arith.index_cast %parallel_loop3A_86 : i32 to index
        %parallel_loop3A_161 = arith.index_cast %parallel_loop3A_157 : i32 to index
        %parallel_loop3A_162 = tpu.vector_load %arg11[%parallel_loop3A_160, %parallel_loop3A_161] {strides = array<i32>} : memref<16x768xf32, #tpu.memory_space<vmem>>, vector<16xf32>,
        %parallel_loop3A_163 = arith.index_cast %parallel_loop3A_86 : i32 to index
        %parallel_loop3A_164 = arith.index_cast %parallel_loop3A_157 : i32 to index
        %parallel_loop3A_165 = tpu.vector_load %arg15[%parallel_loop3A_163, %parallel_loop3A_164] {strides = array<i32>} : memref<16x768xf32, #tpu.memory_space<vmem>>, vector<16xf32>,
        %parallel_loop3A_166 = arith.addf %parallel_loop3A_162, %parallel_loop3A_165 : vector<16xf32>
        %parallel_loop3A_167 = arith.index_cast %parallel_loop3A_86 : i32 to index
        %parallel_loop3A_168 = arith.index_cast %parallel_loop3A_157 : i32 to index
        %parallel_loop3A_169 = tpu.vector_load %arg13[%parallel_loop3A_167, %parallel_loop3A_168] {strides = array<i32>} : memref<16x768xf32, #tpu.memory_space<vmem>>, vector<16xf32>,
        tpu.vector_store %arg13[%parallel_loop3A_167, %parallel_loop3A_168], %parallel_loop3A_166 {strides = array<i32>} : memref<16x768xf32, #tpu.memory_space<vmem>>, vector<16xf32>,
        %parallel_loop3A_170 = arith.addf %parallel_loop3A_158, %parallel_loop3A_166 : vector<16xf32>
        %parallel_loop3A_171 = arith.mulf %parallel_loop3A_166, %parallel_loop3A_166 : vector<16xf32>
        %parallel_loop3A_172 = arith.addf %parallel_loop3A_159, %parallel_loop3A_171 : vector<16xf32>
        scf.yield %parallel_loop3A_170, %parallel_loop3A_172 : vector<16xf32>, vector<16xf32>
      } {sc.loop_unroll_factor = 24 : i64, sc.parallel_access}
      %parallel_loop3A_91 = arith.constant true
      %parallel_loop3A_92 = vector.broadcast %parallel_loop3A_91 : i1 to vector<16xi1>
      %parallel_loop3A_93 = tpu.scan <sum>, %parallel_loop3A_90#0 masked %parallel_loop3A_92 : vector<16xf32>, vector<16xi1> -> vector<16xf32>
      %parallel_loop3A_94 = vector.extract %parallel_loop3A_93[15] : f32 from vector<16xf32>
      %parallel_loop3A_95 = arith.constant true
      %parallel_loop3A_96 = vector.broadcast %parallel_loop3A_95 : i1 to vector<16xi1>
      %parallel_loop3A_97 = tpu.scan <sum>, %parallel_loop3A_90#1 masked %parallel_loop3A_96 : vector<16xf32>, vector<16xi1> -> vector<16xf32>
      %parallel_loop3A_98 = vector.extract %parallel_loop3A_97[15] : f32 from vector<16xf32>
      %parallel_loop3A_99 = arith.constant 0.00130208337 : f32
      %parallel_loop3A_100 = arith.mulf %parallel_loop3A_94, %parallel_loop3A_99 : f32
      %parallel_loop3A_101 = arith.constant 0.00130208337 : f32
      %parallel_loop3A_102 = arith.mulf %parallel_loop3A_98, %parallel_loop3A_101 : f32
      %parallel_loop3A_103 = arith.mulf %parallel_loop3A_100, %parallel_loop3A_100 : f32
      %parallel_loop3A_104 = arith.subf %parallel_loop3A_102, %parallel_loop3A_103 : f32
      %parallel_loop3A_105 = arith.constant 0.000000e+00 : f32
      %parallel_loop3A_106 = arith.maximumf %parallel_loop3A_104, %parallel_loop3A_105 : f32
      %parallel_loop3A_107 = arith.constant 9.99999996E-13 : f32
      %parallel_loop3A_108 = arith.addf %parallel_loop3A_106, %parallel_loop3A_107 : f32
      %parallel_loop3A_109 = vector.broadcast %parallel_loop3A_108 : f32 to vector<16xf32>
      %parallel_loop3A_110 = tpu.bitcast %parallel_loop3A_109 : vector<16xf32> -> vector<16xi32>
      %parallel_loop3A_111 = arith.constant 1 : i32
      %parallel_loop3A_112 = vector.broadcast %parallel_loop3A_111 : i32 to vector<16xi32>
      %parallel_loop3A_113 = arith.shrui %parallel_loop3A_110, %parallel_loop3A_112 : vector<16xi32>
      %parallel_loop3A_114 = arith.constant 1597463007 : i32
      %parallel_loop3A_115 = vector.broadcast %parallel_loop3A_114 : i32 to vector<16xi32>
      %parallel_loop3A_116 = arith.subi %parallel_loop3A_115, %parallel_loop3A_113 : vector<16xi32>
      %parallel_loop3A_117 = tpu.bitcast %parallel_loop3A_116 : vector<16xi32> -> vector<16xf32>
      %parallel_loop3A_118 = arith.constant 5.000000e-01 : f32
      %parallel_loop3A_119 = vector.broadcast %parallel_loop3A_118 : f32 to vector<16xf32>
      %parallel_loop3A_120 = arith.mulf %parallel_loop3A_119, %parallel_loop3A_109 : vector<16xf32>
      %parallel_loop3A_121 = arith.mulf %parallel_loop3A_120, %parallel_loop3A_117 : vector<16xf32>
      %parallel_loop3A_122 = arith.mulf %parallel_loop3A_121, %parallel_loop3A_117 : vector<16xf32>
      %parallel_loop3A_123 = arith.constant 1.500000e+00 : f32
      %parallel_loop3A_124 = vector.broadcast %parallel_loop3A_123 : f32 to vector<16xf32>
      %parallel_loop3A_125 = arith.subf %parallel_loop3A_124, %parallel_loop3A_122 : vector<16xf32>
      %parallel_loop3A_126 = arith.mulf %parallel_loop3A_117, %parallel_loop3A_125 : vector<16xf32>
      %parallel_loop3A_127 = arith.constant 5.000000e-01 : f32
      %parallel_loop3A_128 = vector.broadcast %parallel_loop3A_127 : f32 to vector<16xf32>
      %parallel_loop3A_129 = arith.mulf %parallel_loop3A_128, %parallel_loop3A_109 : vector<16xf32>
      %parallel_loop3A_130 = arith.mulf %parallel_loop3A_129, %parallel_loop3A_126 : vector<16xf32>
      %parallel_loop3A_131 = arith.mulf %parallel_loop3A_130, %parallel_loop3A_126 : vector<16xf32>
      %parallel_loop3A_132 = arith.constant 1.500000e+00 : f32
      %parallel_loop3A_133 = vector.broadcast %parallel_loop3A_132 : f32 to vector<16xf32>
      %parallel_loop3A_134 = arith.subf %parallel_loop3A_133, %parallel_loop3A_131 : vector<16xf32>
      %parallel_loop3A_135 = arith.mulf %parallel_loop3A_126, %parallel_loop3A_134 : vector<16xf32>
      %parallel_loop3A_136 = arith.constant 5.000000e-01 : f32
      %parallel_loop3A_137 = vector.broadcast %parallel_loop3A_136 : f32 to vector<16xf32>
      %parallel_loop3A_138 = arith.mulf %parallel_loop3A_137, %parallel_loop3A_109 : vector<16xf32>
      %parallel_loop3A_139 = arith.mulf %parallel_loop3A_138, %parallel_loop3A_135 : vector<16xf32>
      %parallel_loop3A_140 = arith.mulf %parallel_loop3A_139, %parallel_loop3A_135 : vector<16xf32>
      %parallel_loop3A_141 = arith.constant 1.500000e+00 : f32
      %parallel_loop3A_142 = vector.broadcast %parallel_loop3A_141 : f32 to vector<16xf32>
      %parallel_loop3A_143 = arith.subf %parallel_loop3A_142, %parallel_loop3A_140 : vector<16xf32>
      %parallel_loop3A_144 = arith.mulf %parallel_loop3A_135, %parallel_loop3A_143 : vector<16xf32>
      %parallel_loop3A_145 = arith.constant 5.000000e-01 : f32
      %parallel_loop3A_146 = vector.broadcast %parallel_loop3A_145 : f32 to vector<16xf32>
      %parallel_loop3A_147 = arith.mulf %parallel_loop3A_146, %parallel_loop3A_109 : vector<16xf32>
      %parallel_loop3A_148 = arith.mulf %parallel_loop3A_147, %parallel_loop3A_144 : vector<16xf32>
      %parallel_loop3A_149 = arith.mulf %parallel_loop3A_148, %parallel_loop3A_144 : vector<16xf32>
      %parallel_loop3A_150 = arith.constant 1.500000e+00 : f32
      %parallel_loop3A_151 = vector.broadcast %parallel_loop3A_150 : f32 to vector<16xf32>
      %parallel_loop3A_152 = arith.subf %parallel_loop3A_151, %parallel_loop3A_149 : vector<16xf32>
      %parallel_loop3A_153 = arith.mulf %parallel_loop3A_144, %parallel_loop3A_152 : vector<16xf32>
      %parallel_loop3A_154 = arith.constant 0 : i32
      %parallel_loop3A_155 = arith.constant 768 : i32
      %parallel_loop3A_156 = arith.constant 16 : i32
      scf.for %parallel_loop3A_157 = %parallel_loop3A_154 to %parallel_loop3A_155 step %parallel_loop3A_156  : i32 {
        %parallel_loop3A_158 = arith.index_cast %parallel_loop3A_86 : i32 to index
        %parallel_loop3A_159 = arith.index_cast %parallel_loop3A_157 : i32 to index
        %parallel_loop3A_160 = tpu.vector_load %arg13[%parallel_loop3A_158, %parallel_loop3A_159] {strides = array<i32>} : memref<16x768xf32, #tpu.memory_space<vmem>>, vector<16xf32>,
        %parallel_loop3A_161 = vector.broadcast %parallel_loop3A_100 : f32 to vector<16xf32>
        %parallel_loop3A_162 = arith.subf %parallel_loop3A_160, %parallel_loop3A_161 : vector<16xf32>
        %parallel_loop3A_163 = arith.mulf %parallel_loop3A_162, %parallel_loop3A_153 : vector<16xf32>
        %parallel_loop3A_164 = arith.index_cast %parallel_loop3A_157 : i32 to index
        %parallel_loop3A_165 = tpu.vector_load %arg17[%parallel_loop3A_164] {strides = array<i32>} : memref<768xf32, #tpu.memory_space<vmem>>, vector<16xf32>,
        %parallel_loop3A_166 = arith.mulf %parallel_loop3A_163, %parallel_loop3A_165 : vector<16xf32>
        %parallel_loop3A_167 = arith.index_cast %parallel_loop3A_157 : i32 to index
        %parallel_loop3A_168 = tpu.vector_load %arg18[%parallel_loop3A_167] {strides = array<i32>} : memref<768xf32, #tpu.memory_space<vmem>>, vector<16xf32>,
        %parallel_loop3A_169 = arith.addf %parallel_loop3A_166, %parallel_loop3A_168 : vector<16xf32>
        %parallel_loop3A_170 = arith.index_cast %parallel_loop3A_86 : i32 to index
        %parallel_loop3A_171 = arith.index_cast %parallel_loop3A_157 : i32 to index
        %parallel_loop3A_172 = tpu.vector_load %arg13[%parallel_loop3A_170, %parallel_loop3A_171] {strides = array<i32>} : memref<16x768xf32, #tpu.memory_space<vmem>>, vector<16xf32>,
        tpu.vector_store %arg13[%parallel_loop3A_170, %parallel_loop3A_171], %parallel_loop3A_169 {strides = array<i32>} : memref<16x768xf32, #tpu.memory_space<vmem>>, vector<16xf32>,
      } {sc.loop_unroll_factor = 24 : i64, sc.parallel_access}
    } {sc.loop_unroll_factor = 1 : i64, sc.parallel_access}
    %add3A_62 = arith.constant 65024 : i32
    %add3A_63 = arith.addi %add3A_62, %mul3A_2 : i32
    %dma_start3A_64 = arith.constant 0 : i32
    %dma_start3A_65 = tpu.memref_slice %arg8[%add3A_63, %dma_start3A_64] : memref<65536x768xf32, #tpu.memory_space<hbm>> -> memref<16x768xf32, #tpu.memory_space<hbm>>
    %dma_start3A_66 = arith.constant 0 : i32
    %dma_start3A_67 = tpu.memref_slice %arg8[%add3A_63, %dma_start3A_66] : memref<65536x768xf32, #tpu.memory_space<hbm>> -> memref<16x768xf32, #tpu.memory_space<hbm>>
    tpu.enqueue_dma source(%arg13 : memref<16x768xf32, #tpu.memory_space<vmem>>) target(%dma_start3A_67 : memref<16x768xf32, #tpu.memory_space<hbm>>) target_semaphore(%arg22 : memref<!tpu.dma_semaphore, #tpu.memory_space<semaphore_mem>>)
    %add3A_68 = arith.constant 64000 : i32
    %add3A_69 = arith.addi %add3A_68, %mul3A_2 : i32
    %dma_wait3A_70 = arith.constant 0 : i32
    %dma_wait3A_71 = tpu.memref_slice %arg8[%add3A_69, %dma_wait3A_70] : memref<65536x768xf32, #tpu.memory_space<hbm>> -> memref<16x768xf32, #tpu.memory_space<hbm>>
    %dma_wait3A_72 = arith.constant 0 : i32
    %dma_wait3A_73 = tpu.memref_slice %arg8[%add3A_69, %dma_wait3A_72] : memref<65536x768xf32, #tpu.memory_space<hbm>> -> memref<16x768xf32, #tpu.memory_space<hbm>>
    tpu.wait_dma2 semaphore(%arg23 : memref<!tpu.dma_semaphore, #tpu.memory_space<semaphore_mem>>) src(%arg14 : memref<16x768xf32, #tpu.memory_space<vmem>>) dst(%dma_wait3A_73 : memref<16x768xf32, #tpu.memory_space<hbm>>)
    %add3A_74 = arith.constant 64512 : i32
    %add3A_75 = arith.addi %add3A_74, %mul3A_2 : i32
    %dma_wait3A_76 = arith.constant 0 : i32
    %dma_wait3A_77 = tpu.memref_slice %arg8[%add3A_75, %dma_wait3A_76] : memref<65536x768xf32, #tpu.memory_space<hbm>> -> memref<16x768xf32, #tpu.memory_space<hbm>>
    %dma_wait3A_78 = arith.constant 0 : i32
    %dma_wait3A_79 = tpu.memref_slice %arg8[%add3A_75, %dma_wait3A_78] : memref<65536x768xf32, #tpu.memory_space<hbm>> -> memref<16x768xf32, #tpu.memory_space<hbm>>
    tpu.wait_dma2 semaphore(%arg21 : memref<!tpu.dma_semaphore, #tpu.memory_space<semaphore_mem>>) src(%arg12 : memref<16x768xf32, #tpu.memory_space<vmem>>) dst(%dma_wait3A_79 : memref<16x768xf32, #tpu.memory_space<hbm>>)
    %add3A_80 = arith.constant 65024 : i32
    %add3A_81 = arith.addi %add3A_80, %mul3A_2 : i32
    %dma_wait3A_82 = arith.constant 0 : i32
    %dma_wait3A_83 = tpu.memref_slice %arg8[%add3A_81, %dma_wait3A_82] : memref<65536x768xf32, #tpu.memory_space<hbm>> -> memref<16x768xf32, #tpu.memory_space<hbm>>
    %dma_wait3A_84 = arith.constant 0 : i32
    %dma_wait3A_85 = tpu.memref_slice %arg8[%add3A_81, %dma_wait3A_84] : memref<65536x768xf32, #tpu.memory_space<hbm>> -> memref<16x768xf32, #tpu.memory_space<hbm>>
    tpu.wait_dma2 semaphore(%arg22 : memref<!tpu.dma_semaphore, #tpu.memory_space<semaphore_mem>>) src(%arg13 : memref<16x768xf32, #tpu.memory_space<vmem>>) dst(%dma_wait3A_85 : memref<16x768xf32, #tpu.memory_space<hbm>>)
    return
  }
}

</mosaic_0001>

<sc_bundles>
// kernel: kernel.3.cloned.1.call-start
scs
__scs_entry_jumppad:
0x0: {  	(pc) =	sbr.rel $0x88, $3  }
0x1: {  	(tag) =	ssettag $0x0;
	lr =	simm.s32 $0x1  }
0x2: {  	[smem:$0x3F9B] =	sst lr;
	_ =	strace $0xD0000000  }
0x3: {  	_ = 	snop  }
0x4: {  	_ = 	snop  }
0x5: {  	_ = 	snop  }
0x6: {  	_ = 	snop  }
0x7: {  	_ = 	snop  }
__scs_overlays_trampoline_lowered:
0x8: {  	[smem:$0x3FAA] =	sst s0  }
0x9: {  	[smem:$0x3FAB] =	sst s1  }
0xa: {  	[smem:$0x3FAC] =	sst s2  }
0xb: {  	[smem:$0x3FAD] =	sst s3  }
0xc: {  	[smem:$0x3FAE] =	sst s4  }
0xd: {  	[smem:$0x3FAF] =	sst s5  }
0xe: {  	[smem:$0x3FB0] =	sst s6  }
0xf: {  	[smem:$0x3FB1] =	sst s7  }
0x10: {  	[smem:$0x3FB2] =	sst s8  }
0x11: {  	[smem:$0x3FB3] =	sst s9;
	s0 =	simm.s32 @!p0 $0x0  }
0x12: {  	s1 =	sld [smem:$0x3F99];
	s0 =	simm.s32 @p0 $0x1  }
0x13: {  	[smem:$0x3FB4] =	sst s0;
	s0 =	simm.s32 @!p1 $0x0  }
0x14: {  	s2 =	sld [smem:$0x3F98];
	s0 =	simm.s32 @p1 $0x1  }
0x15: {  	[smem:$0x3FB5] =	sst s0;
	s0 =	simm.s32 @!p2 $0x0  }
0x16: {  	s3 =	sld [smem:$0x3FDB];
	s0 =	simm.s32 @p2 $0x1  }
0x17: {  	s4 =	simm.s32 $0x1BF5;
	[smem:$0x3FB7] =	sst s0  }
0x18: {  	s0 =	sld [smem:$0x3F9A];
	_ =	swait.ge [sflag:s4], $0x0  }
0x19: {  	s7 =	sld [smem:$0x3F9B]  }
0x1a: {  	s8 =	sadd.s32 $0xFFFFE003, lr  }
0x1b: {  	s9 =	sadd.s32 $0xFFFFFEF7, lr;
	s5 =	simm.s32 $0xFFFFFFFF;
	p2 =	slt.u32 s8, $0xFFFFF086  }
0x1c: {  	p1 =	slt.u32 s9, $0xF7A;
	s5 =	simm.s32 @!p2 $0x0  }
0x1d: {  	s5 =	simm.s32 @p1 $0x1;
	p0 =	seq.s32 s7, s2  }
0x1e: {  	s7 =	smul.u32 @!p0 $0xF7A, s2;
	p2 =	seq.s32 @!p0 s5, $0x0  }
0x1f: {  	s9 =	smul.u32 $0xF7A, s1;
	s8 =	simm.s32 @!p0 $0x1BF5;
	p2 =	por !p2, p0  }
0x20: {  	[sflag:s8] =	ssyncset.s32 @!p0 $0xFFFFF086;
	s6 =	sadd.s32 @!p0 s3, s7;
	s7 =	simm.s32 @!p0 $0x108  }
0x21: {  	s3 =	sadd.s32 s3, s9;
	s6 =	sadd.s32 @!p0 $0x88, s6;
	s7 =	simm.s32 @p2 $0x1082  }
0x22: {  	[simem:s7], [sflag:s8] =	dma.local @!p0 [hbm:s6], $0xF7A  }
0x23: {  	s9 =	sor.u32 $0xD0000000, s2;
	s6 =	simm.s32 $0x108;
	_ =	swait.ge @!p0 [sflag:s8], $0x0  }
0x24: {  	s3 =	sadd.s32 $0x88, s3;
	s6 =	simm.s32 @!p1 $0x1082;
	[sflag:s4] =	ssyncset.s32 $0xFFFFF086  }
0x25: {  	[simem:s6], [sflag:s4] =	dma.local [hbm:s3], $0xF7A  }
0x26: {  	[smem:$0x3F9B] =	sst s1;
	(tag) =	ssettag s2;
	_ =	strace s9  }
0x27: {  	s1 =	sld [smem:$0x3FAB]  }
0x28: {  	s2 =	sld [smem:$0x3FAC]  }
0x29: {  	s4 =	sld [smem:$0x3FAE]  }
0x2a: {  	p0 =	seq.s32 s5, $0x0;
	s5 =	sld [smem:$0x3FAF]  }
0x2b: {  	s6 =	sld [smem:$0x3FB0]  }
0x2c: {  	s7 =	sld [smem:$0x3FB1]  }
0x2d: {  	s3 =	simm.s32 $0x108;
	s8 =	sld [smem:$0x3FB2]  }
0x2e: {  	s3 =	simm.s32 @!p0 $0x1082;
	s9 =	sld [smem:$0x3FB3]  }
0x2f: {  	lr =	sadd.s32 s0, s3;
	s0 =	sld [smem:$0x3FAA]  }
0x30: {  	s3 =	sld [smem:$0x3FAD]  }
0x31: {  	[smem:$0x3FB6] =	sst s10  }
0x32: {  	s10 =	sld [smem:$0x3FB4];
	_ =	sdelay $0x3  }
0x33: {  	p0 =	seq.s32 s10, $0x1;
	s10 =	sld [smem:$0x3FB6];
	_ =	sdelay $0x3  }
0x34: {  	[smem:$0x3FB6] =	sst s10  }
0x35: {  	s10 =	sld [smem:$0x3FB5];
	_ =	sdelay $0x3  }
0x36: {  	p1 =	seq.s32 s10, $0x1;
	s10 =	sld [smem:$0x3FB6];
	_ =	sdelay $0x3  }
0x37: {  	[smem:$0x3FB6] =	sst s10  }
0x38: {  	s10 =	sld [smem:$0x3FB7]  }
0x39: {  	_ = 	snop;
	(pc) =	sbr.ind lr, $3  }
0x3a: {  	_ = 	snop  }
0x3b: {  	_ = 	snop  }
0x3c: {  	p2 =	seq.s32 s10, $0x1;
	s10 =	sld [smem:$0x3FB6]  }
0x3d: {  	_ =	shalt  }
0x3e: {  	_ =	shalt  }
0x3f: {  	_ =	shalt  }
0x40: {  	_ =	shalt  }
0x41: {  	_ =	shalt  }
0x42: {  	_ =	shalt  }
0x43: {  	_ =	shalt  }
0x44: {  	_ =	shalt  }
0x45: {  	_ =	shalt  }
0x46: {  	_ =	shalt  }
0x47: {  	_ =	shalt  }
0x48: {  	_ =	shalt  }
0x49: {  	_ =	shalt  }
0x4a: {  	_ =	shalt  }
0x4b: {  	_ =	shalt  }
0x4c: {  	_ =	shalt  }
0x4d: {  	_ =	shalt  }
0x4e: {  	_ =	shalt  }
0x4f: {  	_ =	shalt  }
0x50: {  	_ =	shalt  }
0x51: {  	_ =	shalt  }
0x52: {  	_ =	shalt  }
0x53: {  	_ =	shalt  }
0x54: {  	_ =	shalt  }
0x55: {  	_ =	shalt  }
0x56: {  	_ =	shalt  }
0x57: {  	_ =	shalt  }
0x58: {  	_ =	shalt  }
0x59: {  	_ =	shalt  }
0x5a: {  	_ =	shalt  }
0x5b: {  	_ =	shalt  }
0x5c: {  	_ =	shalt  }
0x5d: {  	_ =	shalt  }
0x5e: {  	_ =	shalt  }
0x5f: {  	_ =	shalt  }
0x60: {  	_ =	shalt  }
0x61: {  	_ =	shalt  }
0x62: {  	_ =	shalt  }
0x63: {  	_ =	shalt  }
0x64: {  	_ =	shalt  }
0x65: {  	_ =	shalt  }
0x66: {  	_ =	shalt  }
0x67: {  	_ =	shalt  }
0x68: {  	_ =	shalt  }
0x69: {  	_ =	shalt  }
0x6a: {  	_ =	shalt  }
0x6b: {  	_ =	shalt  }
0x6c: {  	_ =	shalt  }
0x6d: {  	_ =	shalt  }
0x6e: {  	_ =	shalt  }
0x6f: {  	_ =	shalt  }
0x70: {  	_ =	shalt  }
0x71: {  	_ =	shalt  }
0x72: {  	_ =	shalt  }
0x73: {  	_ =	shalt  }
0x74: {  	_ =	shalt  }
0x75: {  	_ =	shalt  }
0x76: {  	_ =	shalt  }
0x77: {  	_ =	shalt  }
0x78: {  	_ =	shalt  }
0x79: {  	_ =	shalt  }
0x7a: {  	_ =	shalt  }
0x7b: {  	_ =	shalt  }
0x7c: {  	_ =	shalt  }
0x7d: {  	_ =	shalt  }
0x7e: {  	_ =	shalt  }
0x7f: {  	_ =	shalt  }
0x80: {  	_ =	shalt  }
0x81: {  	_ =	shalt  }
0x82: {  	_ =	shalt  }
0x83: {  	_ =	shalt  }
0x84: {  	_ =	shalt  }
0x85: {  	_ =	shalt  }
0x86: {  	_ =	shalt  }
0x87: {  	_ =	shalt  }
.Lfunc_end0:
.L_simem_size_0:
called_computation_lowered:
.L_overlay_start_0:
0x88: {  	s2 =	sld [smem:$0x3FD9]  }
0x89: {  	s3 =	sld [smem:$0x3FFE];
	_ =	sdelay $0x1  }
0x8a: {  	s1 =	srdreg.scid  }
0x8b: {  	s0 =	sand.u32 $0x1, s1  }
0x8c: {  	s17 =	sshll.u32 s0, $0xA;
	s2 =	sadd.s32 s3, s2  }
0x8d: {  	s2 =	sadd.s32 s2, s17  }
0x8e: {  	[smem:$0x3FC2] =	sst s2  }
0x8f: {  	_ = 	snop  }
0x90: {  	s2 =	sld [smem:$0x3FC5]  }
0x91: {  	s18 =	sld [smem:$0x3FC4]  }
0x92: {  	s4 =	sld [smem:$0x3FD0];
	(tm) =	ssettm $0x1  }
0x93: {  	s5 =	sld [smem:$0x3FFB];
	_ =	sdelay $0x3  }
0x94: {  	_ =	strace s5  }
0x95: {  	s5 =	sld [smem:$0x3FFC];
	_ =	sdelay $0x3  }
0x96: {  	_ =	strace s5  }
0x97: {  	s5 =	sld [smem:$0x3FFD];
	_ =	sdelay $0x3  }
0x98: {  	_ =	strace s5  }
0x99: {  	_ =	strace $0x8FFFFFFF  }
0x9a: {  	s19 =	sld [smem:$0x3FDB];
	_ =	sdelay $0x1  }
0x9b: {  	s6 =	simm.s32 $_scs_section_size  }
0x9c: {  	s7 =	simm.s32 $_size__tile_overlayer_lowered;
	s8 =	simm.s32 $_tile_overlayer_lowered  }
0x9d: {  	s22 =	simm.s32 $0x1BFF;
	s21 =	sshll.u32 s8, $0x1;
	s5 =	sadd.s32 s6, s19  }
0x9e: {  	s9 =	simm.s32 $0x0;
	s20 =	sshll.u32 s7, $0x1;
	s7 =	sadd.s32 s21, s5  }
0x9f: {  	[timem:s9], [sflag:s22] =	dma.local [hbm:s7], s20  }
0xa0: {  	_ =	swait.ge [sflag:s22], s20  }
0xa1: {  	s6 =	ssub.s32 $0x0, s20;
	[sflag:s22] =	ssyncset.done $0x0  }
0xa2: {  	[sflag:s22] =	ssyncadd.s32 s6;
	_ =	sdelay $0x1  }
0xa3: {  	s23 =	simm.s32 $0x1B8B  }
0xa4: {  	_ =	swait.ge [sflag:s23], $0x1  }
0xa5: {  	[sflag:s23] =	ssyncset.done $0x0  }
0xa6: {  	s25 =	simm.s32 $0x1B8E;
	s24 =	sld [smem:$0x3FFE];
	[sflag:s23] =	ssyncadd.s32 $0xFFFFFFFF  }
0xa7: {  	s26 =	simm.s32 $execute0_lowered;
	[smem:$0x3FD2] =	sst s25  }
0xa8: {  	s7 =	sshll.u32 s26, $0x1;
	_ =	strace $0x80000046;
	[dreg:$0x1] =	wrdreg $0xFFFFFFFF  }
0xa9: {  	s28 =	simm.s32 $_size_execute0_lowered;
	s5 =	sadd.s32 s5, s7;
	[dreg:$0x0] =	wrdreg $0x0  }
0xaa: {  	s7 =	sshll.u32 s28, $0x1;
	[dreg:$0x2] =	wrdreg s5  }
0xab: {  	[dreg:$0x3] =	wrdreg s7  }
0xac: {  	[dreg:$0x4] =	wrdreg $0xC0  }
0xad: {  	_ =	task [dreg:s9], $0x5FFFF  }
0xae: {  	[dreg:$0x1] =	wrdreg $0xFFFFFFFF  }
0xaf: {  	[dreg:$0x0] =	wrdreg $0x60  }
0xb0: {  	[dreg:$0x2] =	wrdreg s24  }
0xb1: {  	[dreg:$0x3] =	wrdreg s4  }
0xb2: {  	[dreg:$0x4] =	wrdreg s2  }
0xb3: {  	[dreg:$0x5] =	wrdreg s18  }
0xb4: {  	[dreg:$0x6] =	wrdreg $0x9  }
0xb5: {  	_ =	task.clear_ibuf [dreg:s9], $0x7FFFF;
	_ =	strace $0x90000046  }
0xb6: {  	s29 =	simm.s32 $0x9;
	_ =	strace $0x80000048  }
0xb7: {  	_ =	swait.ge [sflag:s29], $0x1  }
0xb8: {  	[sflag:s29] =	ssyncadd.s32 $0xFFFFFFFF  }
0xb9: {  	_ =	strace $0x90000048  }
0xba: {  	_ =	sfence  }
0xbb: {  	s30 =	sld [smem:$0x0];
	_ =	sdelay $0x2  }
0xbc: {  	s31 =	sshll.u32 s1, $0xD;
	s1 =	sshrl.u32 s1, $0x2  }
0xbd: {  	s3 =	sand.u32 $0x4000, s31;
	s1 =	sadd.s32 s1, s30  }
0xbe: {  	s0 =	sor.u32 s3, s0;
	s1 =	sshll.u32 s1, $0x11  }
0xbf: {  	s0 =	sor.u32 s1, s0  }
0xc0: {  	s0 =	sadd.s32 $0x8F2B, s0  }
0xc1: {  	[sflag:s0] =	ssyncadd.remote.s32 $0x1  }
0xc2: {  	_ =	sfence.sel $0xFFFF  }
0xc3: {  	[dreg:$0x0] =	wrdreg $0xFFFFFFFF;
	(pc) =	sbr.abs _section_cstart, $3  }
0xc4: {  	[dreg:$0x1] =	wrdreg $0xFFFFFFFF  }
0xc5: {  	_ =	task.clear_ibuf [dreg:s9], $0x2FFFF;
	_ =	strace $0x9FFFFFFF  }
0xc6: {  	(tm) =	ssettm $0x7FFFFFFF  }
0xc7: {  	_ =	shalt  }
tec
execute0_lowered:
.L_overlay_start_1:
0x0: {  	(tag) =	ssettag $0x1  }
0x1: {  	s0 =	rddreg [dreg:$0x0]  }
0x2: {  	s1 =	rddreg [dreg:$0x1]  }
0x3: {  	s2 =	srdreg.scid;
	s3 =	stileid.u32;
	s4 =	simm.s32 $0x0  }
0x4: {  	s14 =	simm.s32 $0x10;
	s16 =	simm.s32 $0x6;
	s21 =	simm.s32 $0x800  }
0x5: {  	s22 =	simm.s32 $0x3800;
	s23 =	simm.s32 $0x1;
	s28 =	simm.s32 $0xC800  }
0x6: {  	s29 =	simm.s32 $0x3;
	s30 =	simm.s32 $0x4;
	s31 =	simm.s32 $0x5  }
0x7: {  	s2 =	sand.u32 $0x1, s2;
	s3 =	sshll.u32 s3, $0x5;
	[smem:$0x7FF] =	sst s4  }
0x8: {  	s6 =	sadd.s32 $0x2600, s0;
	s8 =	sadd.s32 $0x400, s0;
	s5 =	sshll.u32 s2, $0x4  }
0x9: {  	_ =	strace $0x80000047;
	s2 =	ssub.s32 $0x2, s2;
	[dreg:$0x5] =	wrdreg s8  }
0xa: {  	s8 =	sadd.s32 $0x92A200, s0;
	s5 =	sor.u32 s5, s3;
	s9 =	sshrl.u32 s2, $0x1  }
0xb: {  	s3 =	sshrl.u32 s5, $0x3;
	s7 =	smul.u32 $0x300, s5;
	s24 =	ssub.s32 s2, s9  }
0xc: {  	s10 =	smul.u32 $0x60, s5;
	s3 =	sadd.s32 s3, s0;
	s0 =	smax.u32 s24, $0x1  }
0xd: {  	s25 =	sshrl.u32 s7, $0x3;
	s3 =	sadd.s32 $0x600, s3;
	[dreg:$0xa] =	wrdreg s0  }
0xe: {  	s1 =	sadd.s32 s1, s10;
	[dreg:$0x6] =	wrdreg s3;
	s26 =	sadd.s32 s8, s25  }
0xf: {  	s24 =	simm.s32 $0x6800;
	[dreg:$0x7] =	wrdreg s1;
	s2 =	sadd.s32 $0x5E8000, s26  }
0x10: {  	s25 =	simm.s32 $0x2;
	s1 =	sadd.s32 $0x5F4000, s26;
	[dreg:$0x8] =	wrdreg s2  }
0x11: {  	s26 =	simm.s32 $0x9800;
	[dreg:$0x9] =	wrdreg s1;
	s1 =	simm.s32 $0x0  }
.LBB2_1:
0x12: {  	s0 =	rddreg [dreg:$0x6];
	s2 =	simm.s32 $0x200  }
0x13: {  	[tilespmem:s4], [sflag:$0x6] =	stream.strided.gather [hbm4b:s0+s14], $0x800, s2, s14, $0x38;
	[tilespmem:$0x13100] =	vst v63  }
0x14: {  	_ =	swait.ge [sflag:s16], $0x800  }
0x15: {  	[sflag:s16] =	ssyncset.done $0x0  }
0x16: {  	s12 =	simm.s32 $0xF800;
	s11 =	rddreg [dreg:$0x7];
	[sflag:s16] =	ssyncadd.s32 $0xFFFFF800  }
0x17: {  	[tilespmem:s12], [sflag:$0x6] =	stream.linear.gather [hbm4b:s11+s4], $0x3000, $0x38;
	[tilespmem:$0x13100] =	vst v63  }
0x18: {  	_ =	swait.ge [sflag:s16], $0x3000  }
0x19: {  	[sflag:s16] =	ssyncset.done $0x0  }
0x1a: {  	s15 =	simm.s32 $0x12800;
	s13 =	rddreg [dreg:$0x5];
	[sflag:s16] =	ssyncadd.s32 $0xFFFFD000  }
0x1b: {  	[tilespmem:s15], [sflag:$0x6] =	stream.linear.gather [hbm4b:s13+s4], $0x300, $0x38;
	[tilespmem:$0x13100] =	vst v63  }
0x1c: {  	_ =	swait.ge [sflag:s16], $0x300  }
0x1d: {  	[sflag:s16] =	ssyncset.done $0x0  }
0x1e: {  	[sflag:s16] =	ssyncadd.s32 $0xFFFFFD00  }
0x1f: {  	s18 =	simm.s32 $0x12B00;
	s17 =	rddreg [dreg:$0x2]  }
0x20: {  	[tilespmem:s18], [sflag:$0x6] =	stream.linear.gather [hbm4b:s17+s4], $0x300, $0x38;
	[tilespmem:$0x13100] =	vst v63  }
0x21: {  	_ =	swait.ge [sflag:s16], $0x300  }
0x22: {  	[sflag:s16] =	ssyncset.done $0x0  }
0x23: {  	[sflag:s16] =	ssyncadd.s32 $0xFFFFFD00  }
0x24: {  	s20 =	simm.s32 $0x12E00;
	s19 =	rddreg [dreg:$0x3]  }
0x25: {  	[tilespmem:s20], [sflag:$0x6] =	stream.linear.gather [hbm4b:s19+s4], $0x300, $0x38;
	[tilespmem:$0x13100] =	vst v63  }
0x26: {  	_ =	swait.ge [sflag:s16], $0x300  }
0x27: {  	[sflag:s16] =	ssyncset.done $0x0  }
0x28: {  	s0 =	simm.s32 $0xF820;
	s2 =	simm.s32 $0x0;
	[sflag:s16] =	ssyncadd.s32 $0xFFFFFD00  }
.LBB2_2:
0x29: {  	s3 =	simm.s32 $0x12820;
	v5 =	vld [tilespmem:s0+$0x10]  }
0x2a: {  	v6 =	vld [tilespmem:s3+$0x10]  }
0x2b: {  	v0 =	vld [tilespmem:s0+$0xFFFFFFF0]  }
0x2c: {  	v1 =	vld [tilespmem:s0+$0x0]  }
0x2d: {  	v4 =	vld [tilespmem:s3+$0xFFFFFFF0]  }
0x2e: {  	v2 =	vld [tilespmem:s3+$0xFFFFFFE0]  }
0x2f: {  	v3 =	vld [tilespmem:s3+$0x0];
	v6 =	vadd.f32 v6, v5  }
0x30: {  	s9 =	simm.s32 $0x0;
	s10 =	sadd.s32 $0x40, s0;
	s7 =	smov.u32 s0;
	v5 =	vld [tilespmem:s0+$0xFFFFFFE0]  }
.LBB2_3:
0x31: {  	v7 =	vld [tilespmem:s10+$0x10];
	[tilespmem:s7+$0x10] =	vst v6;
	s3 =	sadd.s32 $0x40, s3  }
0x32: {  	s9 =	sadd.s32 $0x40, s9;
	v6 =	vld [tilespmem:s3+$0x10];
	v4 =	vadd.f32 v4, v0  }
0x33: {  	p0 =	slt.u32 s9, $0x2C0;
	v8 =	vld [tilespmem:s3+$0xFFFFFFE0]  }
.Ltmp0:
0x34: {  	v0 =	vld [tilespmem:s10+$0xFFFFFFF0];
	[tilespmem:s7+$0xFFFFFFF0] =	vst v4;
	v3 =	vadd.f32 v3, v1;
	(pc) =	sbr.rel @p0 .LBB2_3-.Ltmp0, $4  }
0x35: {  	v4 =	vld [tilespmem:s3+$0xFFFFFFF0];
	v9 =	vadd.f32 v2, v5  }
0x36: {  	v1 =	vld [tilespmem:s10+$0x0];
	[tilespmem:s7+$0x0] =	vst v3  }
0x37: {  	v3 =	vld [tilespmem:s3+$0x0];
	v6 =	vadd.f32 v6, v7;
	[tilespmem:s7+$0xFFFFFFE0] =	vst v9;
	s7 =	smov.u32 s10  }
0x38: {  	s10 =	sadd.s32 $0x40, s10;
	v5 =	vld [tilespmem:s7+$0xFFFFFFE0];
	v2 =	vmov v8  }
0x39: {  	s2 =	sadd.s32 $0x1, s2  }
0x3a: {  	p0 =	sne.s32 s2, $0x10  }
.Ltmp1:
0x3b: {  	v0 =	vadd.f32 v4, v0;
	(pc) =	sbr.rel @p0 .LBB2_2-.Ltmp1, $4  }
0x3c: {  	[tilespmem:s7+$0x10] =	vst v6;
	v1 =	vadd.f32 v3, v1  }
0x3d: {  	[tilespmem:s7+$0xFFFFFFF0] =	vst v0;
	v63 =	vadd.f32 v2, v5  }
0x3e: {  	[tilespmem:s7+$0x0] =	vst v1  }
0x3f: {  	s0 =	sadd.s32 $0x300, s0;
	[tilespmem:s7+$0xFFFFFFE0] =	vst v63  }
0x40: {  	s0 =	simm.s32 $0x0  }
0x41: {  	[tilespmem:s21], [sflag:$0x1] =	stream.indirect.gather [hbm4b:s6+s14], $0x300, s0, s14, $0xb8;
	[tilespmem:$0x13100] =	vst v63  }
0x42: {  	_ = 	snop  }
0x43: {  	[tilespmem:s22], [sflag:$0x2] =	stream.indirect.gather [hbm4b:s6+s14], $0x300, s14, s14, $0xb8;
	[tilespmem:$0x13100] =	vst v63  }
.LBB2_6:
0x44: {  	_ =	swait.ge [sflag:s23], $0x3000  }
0x45: {  	p0 =	seq.s32 s0, $0x0;
	[sflag:s23] =	ssyncset.done $0x0  }
0x46: {  	s3 =	simm.s32 @!p0 $0x3;
	[sflag:s23] =	ssyncadd.s32 $0xFFFFD000  }
0x47: {  	s2 =	smul.u32 $0x6, s0;
	_ =	swait.ge @!p0 [sflag:s3], $0x3000  }
0x48: {  	s15 =	simm.s32 $0xF8C0;
	s17 =	simm.s32 $0x8C0;
	[sflag:s3] =	ssyncset.done @!p0 $0x0  }
0x49: {  	s18 =	simm.s32 $0x0;
	[sflag:s3] =	ssyncadd.s32 @!p0 $0xFFFFD000;
	s3 =	simm.s32 $0x68C0  }
.LBB2_7:
0x4a: {  	v0 =	vld [tilespmem:s17+$0xFFFFFF40]  }
0x4b: {  	v1 =	vld [tilespmem:s15+$0xFFFFFF40]  }
0x4c: {  	v2 =	vld [tilespmem:s17+$0xFFFFFF50]  }
0x4d: {  	v3 =	vld [tilespmem:s15+$0xFFFFFF50]  }
0x4e: {  	v4 =	vld [tilespmem:s17+$0xFFFFFF60]  }
0x4f: {  	v5 =	vld [tilespmem:s15+$0xFFFFFF60]  }
0x50: {  	v6 =	vld [tilespmem:s17+$0xFFFFFF70]  }
0x51: {  	v7 =	vld [tilespmem:s17+$0xFFFFFF80];
	v0 =	vadd.f32 v1, v0  }
0x52: {  	v1 =	vld [tilespmem:s15+$0xFFFFFF70]  }
0x53: {  	v8 =	vld [tilespmem:s15+$0xFFFFFF80];
	v9 =	vimm.f32 $0.0e+00;
	v2 =	vadd.f32 v3, v2;
	v3 =	vmul.f32 v0, v0  }
0x54: {  	v11 =	vld [tilespmem:s15+$0xFFFFFF90];
	v10 =	vadd.f32 v0, v9  }
0x55: {  	v12 =	vld [tilespmem:s15+$0xFFFFFFA0];
	v4 =	vadd.f32 v5, v4;
	v3 =	vadd.f32 v3, v9;
	v9 =	vmul.f32 v2, v2  }
0x56: {  	v5 =	vld [tilespmem:s17+$0xFFFFFF90];
	v10 =	vadd.f32 v2, v10  }
0x57: {  	v13 =	vld [tilespmem:s15+$0xFFFFFFB0];
	v1 =	vadd.f32 v1, v6;
	v3 =	vadd.f32 v9, v3;
	v9 =	vmul.f32 v4, v4  }
0x58: {  	v6 =	vld [tilespmem:s17+$0xFFFFFFA0];
	v10 =	vadd.f32 v4, v10  }
0x59: {  	v14 =	vld [tilespmem:s15+$0xFFFFFFC0];
	v7 =	vadd.f32 v8, v7;
	v3 =	vadd.f32 v9, v3;
	v9 =	vmul.f32 v1, v1  }
0x5a: {  	v8 =	vld [tilespmem:s17+$0xFFFFFFB0];
	v10 =	vadd.f32 v1, v10  }
0x5b: {  	v52 =	vld [tilespmem:s17+$0xFFFFFFD0];
	v5 =	vadd.f32 v11, v5;
	v3 =	vadd.f32 v9, v3;
	v9 =	vmul.f32 v7, v7  }
0x5c: {  	v11 =	vld [tilespmem:s17+$0xFFFFFFC0];
	v10 =	vadd.f32 v7, v10  }
0x5d: {  	v15 =	vld [tilespmem:s15+$0xFFFFFFD0];
	v6 =	vadd.f32 v12, v6;
	v3 =	vadd.f32 v9, v3;
	v9 =	vmul.f32 v5, v5  }
0x5e: {  	v53 =	vld [tilespmem:s17+$0xFFFFFFE0];
	v10 =	vadd.f32 v5, v10  }
0x5f: {  	v16 =	vld [tilespmem:s15+$0xFFFFFFE0];
	v8 =	vadd.f32 v13, v8;
	v3 =	vadd.f32 v9, v3;
	v9 =	vmul.f32 v6, v6  }
0x60: {  	v54 =	vld [tilespmem:s17+$0xFFFFFFF0];
	v10 =	vadd.f32 v6, v10  }
0x61: {  	v17 =	vld [tilespmem:s15+$0xFFFFFFF0];
	v11 =	vadd.f32 v14, v11;
	v3 =	vadd.f32 v9, v3;
	v9 =	vmul.f32 v8, v8  }
0x62: {  	v55 =	vld [tilespmem:s17+$0x0];
	v10 =	vadd.f32 v8, v10  }
0x63: {  	v18 =	vld [tilespmem:s15+$0x0];
	v12 =	vadd.f32 v15, v52;
	v3 =	vadd.f32 v9, v3;
	v9 =	vmul.f32 v11, v11  }
0x64: {  	v56 =	vld [tilespmem:s17+$0x10];
	v10 =	vadd.f32 v11, v10  }
0x65: {  	v19 =	vld [tilespmem:s15+$0x10];
	v13 =	vadd.f32 v16, v53;
	v3 =	vadd.f32 v9, v3;
	v9 =	vmul.f32 v12, v12  }
0x66: {  	v57 =	vld [tilespmem:s17+$0x20];
	[tilespmem:s3+$0xFFFFFF50] =	vst v2;
	v2 =	vadd.f32 v12, v10  }
0x67: {  	v58 =	vld [tilespmem:s17+$0x30];
	[tilespmem:s3+$0xFFFFFF40] =	vst v0;
	v0 =	vadd.f32 v17, v54;
	v3 =	vadd.f32 v9, v3;
	v9 =	vmul.f32 v13, v13  }
0x68: {  	[tilespmem:s3+$0xFFFFFF70] =	vst v1;
	v10 =	vld [tilespmem:s15+$0x20];
	v1 =	vadd.f32 v13, v2  }
0x69: {  	v59 =	vld [tilespmem:s17+$0x40];
	[tilespmem:s3+$0xFFFFFF60] =	vst v4;
	v4 =	vadd.f32 v18, v55;
	v2 =	vadd.f32 v9, v3;
	v3 =	vmul.f32 v0, v0  }
0x6a: {  	[tilespmem:s3+$0xFFFFFF80] =	vst v7;
	v9 =	vld [tilespmem:s15+$0x30];
	v1 =	vadd.f32 v0, v1  }
0x6b: {  	v60 =	vld [tilespmem:s15+$0x60];
	[tilespmem:s3+$0xFFFFFF90] =	vst v5;
	v7 =	vadd.f32 v19, v56;
	v2 =	vadd.f32 v3, v2;
	v3 =	vmul.f32 v4, v4  }
0x6c: {  	[tilespmem:s3+$0xFFFFFFB0] =	vst v8;
	v5 =	vld [tilespmem:s15+$0x40];
	v1 =	vadd.f32 v4, v1  }
0x6d: {  	[tilespmem:s3+$0xFFFFFFA0] =	vst v6;
	v8 =	vld [tilespmem:s15+$0x50];
	v6 =	vadd.f32 v10, v57;
	v2 =	vadd.f32 v3, v2;
	v3 =	vmul.f32 v7, v7  }
0x6e: {  	[tilespmem:s3+$0xFFFFFFF0] =	vst v0;
	v10 =	vld [tilespmem:s17+$0x50];
	v1 =	vadd.f32 v7, v1  }
0x6f: {  	v61 =	vld [tilespmem:s17+$0x70];
	[tilespmem:s3+$0xFFFFFFE0] =	vst v13;
	v9 =	vadd.f32 v9, v58;
	v2 =	vadd.f32 v3, v2;
	v3 =	vmul.f32 v6, v6  }
0x70: {  	[tilespmem:s3+$0xFFFFFFC0] =	vst v11;
	v11 =	vld [tilespmem:s17+$0x60];
	v0 =	vadd.f32 v6, v1  }
0x71: {  	[tilespmem:s3+$0x10] =	vst v7;
	v5 =	vadd.f32 v5, v59;
	v7 =	vld [tilespmem:s15+$0x80];
	v1 =	vadd.f32 v3, v2;
	v2 =	vmul.f32 v9, v9  }
0x72: {  	[tilespmem:s3+$0x0] =	vst v4;
	v3 =	vld [tilespmem:s15+$0x70];
	v0 =	vadd.f32 v9, v0  }
0x73: {  	[tilespmem:s3+$0xFFFFFFD0] =	vst v12;
	v4 =	vmul.f32 v5, v5;
	v8 =	vadd.f32 v8, v10;
	v10 =	vld [tilespmem:s17+$0x80];
	v2 =	vadd.f32 v2, v1  }
0x74: {  	p1 =	por $0x1, $0x1;
	[tilespmem:s3+$0x20] =	vst v6;
	v1 =	vld [tilespmem:s17+$0x90];
	v0 =	vadd.f32 v5, v0  }
.Ltmp2:
0x75: {  	v11 =	vadd.f32 v60, v11;
	[tilespmem:s3+$0x30] =	vst v9;
	v9 =	vmul.f32 v8, v8;
	v6 =	vadd.f32 v4, v2;
	v4 =	vld [tilespmem:s15+$0x90];
	(pc) =	sbr.rel @!p1 .LBB2_9-.Ltmp2, $4  }
0x76: {  	[tilespmem:s3+$0x50] =	vst v8;
	v2 =	vld [tilespmem:s17+$0xA0];
	v8 =	vadd.f32 v8, v0  }
0x77: {  	[tilespmem:s3+$0x40] =	vst v5;
	v63 =	vmul.f32 v11, v11;
	v5 =	vadd.f32 v3, v61;
	v62 =	vadd.f32 v9, v6;
	v6 =	vld [tilespmem:s15+$0xA0]  }
0x78: {  	s12 =	simm.s32 $0x0;
	[tilespmem:s3+$0x60] =	vst v11;
	v0 =	vadd.f32 v7, v10;
	v7 =	vld [tilespmem:s15+$0xB0]  }
0x79: {  	s9 =	sadd.s32 $0x180, s17;
	s7 =	smov.u32 s3;
	s10 =	smov.u32 s15;
	v3 =	vld [tilespmem:s17+$0xB0];
	v9 =	vadd.f32 v11, v8;
	[tilespmem:s3+$0x70] =	vst v5;
	v10 =	vmul.f32 v5, v5;
	v8 =	vadd.f32 v63, v62  }
.LBB2_8:
0x7a: {  	v11 =	vld [tilespmem:s9+$0xFFFFFF40];
	[tilespmem:s7+$0x80] =	vst v0;
	v1 =	vadd.f32 v4, v1;
	s10 =	sadd.s32 $0x180, s10;
	s11 =	smov.u32 s12  }
0x7b: {  	v4 =	vld [tilespmem:s10+$0xFFFFFF40];
	v5 =	vadd.f32 v5, v9;
	v8 =	vadd.f32 v10, v8;
	v9 =	vmul.f32 v0, v0  }
0x7c: {  	s11 =	sadd.s32 $0x180, s12;
	v10 =	vld [tilespmem:s9+$0xFFFFFF50];
	[tilespmem:s7+$0x90] =	vst v1;
	v2 =	vadd.f32 v6, v2  }
0x7d: {  	p1 =	slt.u32 s11, s12;
	v6 =	vld [tilespmem:s10+$0xFFFFFF50];
	v0 =	vadd.f32 v0, v5;
	v5 =	vadd.f32 v9, v8;
	v8 =	vmul.f32 v1, v1  }
0x7e: {  	v9 =	vld [tilespmem:s9+$0xFFFFFF60];
	[tilespmem:s7+$0xA0] =	vst v2;
	v3 =	vadd.f32 v7, v3  }
0x7f: {  	v7 =	vld [tilespmem:s10+$0xFFFFFF60];
	v0 =	vadd.f32 v1, v0;
	v1 =	vadd.f32 v8, v5;
	v5 =	vmul.f32 v2, v2  }
0x80: {  	v4 =	vadd.f32 v4, v11;
	v8 =	vld [tilespmem:s9+$0xFFFFFF70];
	[tilespmem:s7+$0xB0] =	vst v3  }
0x81: {  	s7 =	sadd.s32 $0x180, s7;
	v11 =	vld [tilespmem:s10+$0xFFFFFF70];
	v0 =	vadd.f32 v2, v0;
	v1 =	vadd.f32 v5, v1;
	v2 =	vmul.f32 v3, v3  }
0x82: {  	[tilespmem:s7+$0xFFFFFF40] =	vst v4;
	v5 =	vadd.f32 v6, v10;
	v6 =	vld [tilespmem:s9+$0xFFFFFF80]  }
0x83: {  	v10 =	vmul.f32 v4, v4;
	v12 =	vld [tilespmem:s10+$0xFFFFFF80];
	v0 =	vadd.f32 v3, v0;
	v1 =	vadd.f32 v2, v1  }
0x84: {  	[tilespmem:s7+$0xFFFFFF50] =	vst v5;
	v2 =	vadd.f32 v7, v9;
	v3 =	vld [tilespmem:s9+$0xFFFFFF90]  }
0x85: {  	v0 =	vadd.f32 v4, v0;
	v1 =	vadd.f32 v10, v1;
	v4 =	vmul.f32 v5, v5;
	v7 =	vld [tilespmem:s10+$0xFFFFFF90]  }
0x86: {  	[tilespmem:s7+$0xFFFFFF60] =	vst v2;
	v8 =	vadd.f32 v11, v8;
	v9 =	vld [tilespmem:s9+$0xFFFFFFA0]  }
0x87: {  	v0 =	vadd.f32 v5, v0;
	v1 =	vadd.f32 v4, v1;
	v4 =	vmul.f32 v2, v2;
	v5 =	vld [tilespmem:s10+$0xFFFFFFA0]  }
0x88: {  	[tilespmem:s7+$0xFFFFFF70] =	vst v8;
	v6 =	vadd.f32 v12, v6;
	v10 =	vld [tilespmem:s9+$0xFFFFFFB0]  }
0x89: {  	v0 =	vadd.f32 v2, v0;
	v1 =	vadd.f32 v4, v1;
	v2 =	vmul.f32 v8, v8;
	v4 =	vld [tilespmem:s10+$0xFFFFFFB0]  }
0x8a: {  	[tilespmem:s7+$0xFFFFFF80] =	vst v6;
	v3 =	vadd.f32 v7, v3;
	v7 =	vld [tilespmem:s9+$0xFFFFFFC0]  }
0x8b: {  	v0 =	vadd.f32 v8, v0;
	v1 =	vadd.f32 v2, v1;
	v2 =	vmul.f32 v6, v6;
	v8 =	vld [tilespmem:s10+$0xFFFFFFC0]  }
0x8c: {  	[tilespmem:s7+$0xFFFFFF90] =	vst v3;
	v5 =	vadd.f32 v5, v9;
	v9 =	vld [tilespmem:s9+$0xFFFFFFD0]  }
0x8d: {  	v0 =	vadd.f32 v6, v0;
	v1 =	vadd.f32 v2, v1;
	v2 =	vmul.f32 v3, v3;
	v6 =	vld [tilespmem:s10+$0xFFFFFFD0]  }
0x8e: {  	[tilespmem:s7+$0xFFFFFFA0] =	vst v5;
	v4 =	vadd.f32 v4, v10;
	v10 =	vld [tilespmem:s9+$0xFFFFFFE0]  }
0x8f: {  	v0 =	vadd.f32 v3, v0;
	v1 =	vadd.f32 v2, v1;
	v2 =	vmul.f32 v5, v5;
	v3 =	vld [tilespmem:s10+$0xFFFFFFE0]  }
0x90: {  	[tilespmem:s7+$0xFFFFFFB0] =	vst v4;
	v7 =	vadd.f32 v8, v7;
	v8 =	vld [tilespmem:s9+$0xFFFFFFF0]  }
0x91: {  	v0 =	vadd.f32 v5, v0;
	v1 =	vadd.f32 v2, v1;
	v2 =	vmul.f32 v4, v4;
	v5 =	vld [tilespmem:s10+$0xFFFFFFF0]  }
0x92: {  	[tilespmem:s7+$0xFFFFFFC0] =	vst v7;
	v6 =	vadd.f32 v6, v9;
	v9 =	vld [tilespmem:s9+$0x0]  }
0x93: {  	v0 =	vadd.f32 v4, v0;
	v1 =	vadd.f32 v2, v1;
	v2 =	vmul.f32 v7, v7;
	v4 =	vld [tilespmem:s10+$0x0]  }
0x94: {  	[tilespmem:s7+$0xFFFFFFD0] =	vst v6;
	v3 =	vadd.f32 v3, v10;
	v10 =	vld [tilespmem:s9+$0x10]  }
0x95: {  	v0 =	vadd.f32 v7, v0;
	v1 =	vadd.f32 v2, v1;
	v2 =	vmul.f32 v6, v6;
	v7 =	vld [tilespmem:s10+$0x10]  }
0x96: {  	[tilespmem:s7+$0xFFFFFFE0] =	vst v3;
	v5 =	vadd.f32 v5, v8;
	v8 =	vld [tilespmem:s9+$0x20]  }
0x97: {  	v0 =	vadd.f32 v6, v0;
	v1 =	vadd.f32 v2, v1;
	v2 =	vmul.f32 v3, v3;
	v6 =	vld [tilespmem:s10+$0x20]  }
0x98: {  	[tilespmem:s7+$0xFFFFFFF0] =	vst v5;
	v4 =	vadd.f32 v4, v9;
	v9 =	vld [tilespmem:s9+$0x30]  }
0x99: {  	v0 =	vadd.f32 v3, v0;
	v1 =	vadd.f32 v2, v1;
	v2 =	vmul.f32 v5, v5;
	v3 =	vld [tilespmem:s10+$0x30]  }
0x9a: {  	[tilespmem:s7+$0x0] =	vst v4;
	v7 =	vadd.f32 v7, v10;
	v10 =	vld [tilespmem:s9+$0x40]  }
0x9b: {  	v0 =	vadd.f32 v5, v0;
	v1 =	vadd.f32 v2, v1;
	v2 =	vmul.f32 v4, v4;
	v5 =	vld [tilespmem:s10+$0x40]  }
0x9c: {  	[tilespmem:s7+$0x10] =	vst v7;
	v6 =	vadd.f32 v6, v8;
	v8 =	vld [tilespmem:s9+$0x50]  }
0x9d: {  	v0 =	vadd.f32 v4, v0;
	v1 =	vadd.f32 v2, v1;
	v2 =	vmul.f32 v7, v7;
	v4 =	vld [tilespmem:s10+$0x50]  }
0x9e: {  	[tilespmem:s7+$0x20] =	vst v6;
	v3 =	vadd.f32 v3, v9;
	v9 =	vld [tilespmem:s9+$0x60]  }
0x9f: {  	v0 =	vadd.f32 v7, v0;
	v1 =	vadd.f32 v2, v1;
	v2 =	vmul.f32 v6, v6;
	v7 =	vld [tilespmem:s10+$0x60]  }
0xa0: {  	[tilespmem:s7+$0x30] =	vst v3;
	v5 =	vadd.f32 v5, v10;
	v10 =	vld [tilespmem:s9+$0x70]  }
0xa1: {  	v0 =	vadd.f32 v6, v0;
	v1 =	vadd.f32 v2, v1;
	v2 =	vmul.f32 v3, v3;
	v6 =	vld [tilespmem:s10+$0x70]  }
0xa2: {  	[tilespmem:s7+$0x40] =	vst v5;
	v8 =	vadd.f32 v4, v8;
	v11 =	vld [tilespmem:s9+$0x80]  }
0xa3: {  	v0 =	vadd.f32 v3, v0;
	v2 =	vadd.f32 v2, v1;
	v3 =	vmul.f32 v5, v5;
	v12 =	vld [tilespmem:s10+$0x80]  }
0xa4: {  	[tilespmem:s7+$0x50] =	vst v8;
	v7 =	vadd.f32 v7, v9;
	v1 =	vld [tilespmem:s9+$0x90]  }
.Ltmp3:
0xa5: {  	v9 =	vmul.f32 v8, v8;
	v0 =	vadd.f32 v5, v0;
	v3 =	vadd.f32 v3, v2;
	v4 =	vld [tilespmem:s10+$0x90];
	(pc) =	sbr.rel @p1 .LBB2_8-.Ltmp3, $4  }
0xa6: {  	[tilespmem:s7+$0x60] =	vst v7;
	v5 =	vadd.f32 v6, v10;
	v2 =	vld [tilespmem:s9+$0xA0]  }
0xa7: {  	v13 =	vmul.f32 v7, v7;
	v8 =	vadd.f32 v8, v0;
	v10 =	vadd.f32 v9, v3;
	v6 =	vld [tilespmem:s10+$0xA0]  }
0xa8: {  	[tilespmem:s7+$0x70] =	vst v5;
	v0 =	vadd.f32 v12, v11;
	v3 =	vld [tilespmem:s9+$0xB0]  }
0xa9: {  	s12 =	smov.u32 s11;
	s9 =	sadd.s32 $0x180, s9;
	v9 =	vadd.f32 v7, v8;
	v8 =	vadd.f32 v13, v10;
	v10 =	vmul.f32 v5, v5;
	v7 =	vld [tilespmem:s10+$0xB0]  }
.LBB2_9:
0xaa: {  	_ = 	snop  }
0xab: {  	v5 =	vadd.f32 v5, v9  }
0xac: {  	v1 =	vadd.f32 v4, v1;
	v4 =	vadd.f32 v10, v8;
	v8 =	vmul.f32 v0, v0  }
0xad: {  	v5 =	vadd.f32 v0, v5  }
0xae: {  	v2 =	vadd.f32 v6, v2;
	v6 =	vmul.f32 v1, v1;
	v4 =	vadd.f32 v8, v4  }
0xaf: {  	v5 =	vadd.f32 v1, v5  }
0xb0: {  	v3 =	vadd.f32 v7, v3;
	v4 =	vadd.f32 v6, v4;
	v6 =	vmul.f32 v2, v2  }
0xb1: {  	v5 =	vadd.f32 v2, v5  }
0xb2: {  	v4 =	vadd.f32 v6, v4;
	v6 =	vmul.f32 v3, v3  }
0xb3: {  	v5 =	vadd.f32 v3, v5  }
0xb4: {  	v4 =	vadd.f32 v6, v4  }
0xb5: {  	(xrf2) =	vadd.scan.msk.f32 $0xffff, v5  }
0xb6: {  	(xrf2) =	vadd.scan.msk.f32 $0xffff, v4;
	_ =	sdelay $0x8  }
0xb7: {  	v4, _, _ =	vpop (xrf2)  }
0xb8: {  	(v2sf) =	vpush v4, $0xF;
	v4, _, _ =	vpop (xrf2)  }
0xb9: {  	(v2sf) =	vpush v4, $0xF;
	_ =	sdelay $0xb  }
0xba: {  	[tilespmem:s7+$0x80] =	vst v0  }
0xbb: {  	[tilespmem:s7+$0x90] =	vst v1  }
0xbc: {  	[tilespmem:s7+$0xA0] =	vst v2;
	s9 =	spop (v2sf)  }
0xbd: {  	[tilespmem:s7+$0xB0] =	vst v3;
	s10 =	spop (v2sf);
	s9 =	smul.f32 $1.302083370e-03, s9  }
0xbe: {  	v7 =	vld [tilespmem:s3+$0xFFFFFF70];
	s13 =	smul.f32 $1.302083370e-03, s10  }
0xbf: {  	v9 =	vld [tilespmem:s3+$0xFFFFFF80];
	s19 =	smul.f32 s9, s9  }
0xc0: {  	v11 =	vld [tilespmem:s3+$0xFFFFFF90]  }
0xc1: {  	v12 =	vld [tilespmem:s3+$0xFFFFFFA0];
	s7 =	ssub.f32 s13, s19  }
0xc2: {  	v13 =	vld [tilespmem:s3+$0xFFFFFFB0]  }
0xc3: {  	v14 =	vld [tilespmem:s3+$0xFFFFFFC0];
	s7 =	smax.f32 s7, $0.0e+00  }
0xc4: {  	v15 =	vld [tilespmem:s3+$0xFFFFFFD0];
	s20 =	sadd.f32 $9.999999960e-13, s7  }
0xc5: {  	v16 =	vld [tilespmem:s3+$0xFFFFFFE0]  }
0xc6: {  	v17 =	vld [tilespmem:s3+$0xFFFFFFF0];
	v0 =	vmov s20  }
0xc7: {  	v18 =	vld [tilespmem:s3+$0x0];
	v1 =	vshrl.u32 v0, $0x1;
	v0 =	vmul.f32 $5.000000000e-01, v0  }
0xc8: {  	v19 =	vld [tilespmem:s3+$0x10];
	v1 =	vsub.s32 $0x5F3759DF, v1  }
0xc9: {  	v20 =	vld [tilespmem:s3+$0x20];
	v2 =	vmul.f32 v1, v0  }
0xca: {  	v21 =	vld [tilespmem:s3+$0x30]  }
0xcb: {  	v22 =	vld [tilespmem:s3+$0x40];
	v2 =	vmul.f32 v1, v2  }
0xcc: {  	v23 =	vld [tilespmem:s3+$0x50]  }
0xcd: {  	v24 =	vld [tilespmem:s3+$0x60];
	v2 =	vsub.f32 $1.500000000e+00, v2  }
0xce: {  	v25 =	vld [tilespmem:s3+$0x70]  }
0xcf: {  	v26 =	vld [tilespmem:s3+$0x80];
	v1 =	vmul.f32 v1, v2  }
0xd0: {  	v27 =	vld [tilespmem:s3+$0xFFFFFF40]  }
0xd1: {  	v6 =	vld [tilespmem:s3+$0xFFFFFF60];
	v2 =	vmul.f32 v1, v0  }
0xd2: {  	v3 =	vld [tilespmem:s3+$0x90]  }
0xd3: {  	v5 =	vld [tilespmem:s3+$0xFFFFFF50];
	v2 =	vmul.f32 v2, v1  }
0xd4: {  	v4 =	vld [tilespmem:s3+$0xB0];
	s19 =	simm.s32 $0x12BC0  }
0xd5: {  	v8 =	vld [tilespmem:s19+$0xB0];
	v2 =	vsub.f32 $1.500000000e+00, v2  }
0xd6: {  	v29 =	vld [tilespmem:s19+$0xFFFFFF40]  }
0xd7: {  	v30 =	vld [tilespmem:s19+$0xFFFFFF50];
	v1 =	vmul.f32 v2, v1  }
0xd8: {  	v31 =	vld [tilespmem:s19+$0xFFFFFF60]  }
0xd9: {  	v32 =	vld [tilespmem:s19+$0xFFFFFF70];
	v28 =	vmul.f32 v1, v0  }
0xda: {  	v33 =	vld [tilespmem:s19+$0xFFFFFF80]  }
0xdb: {  	v34 =	vld [tilespmem:s19+$0xFFFFFF90];
	v28 =	vmul.f32 v28, v1  }
0xdc: {  	v61 =	vld [tilespmem:s19+$0xFFFFFFA0]  }
0xdd: {  	v35 =	vld [tilespmem:s19+$0xFFFFFFB0];
	v28 =	vsub.f32 $1.500000000e+00, v28  }
0xde: {  	v36 =	vld [tilespmem:s19+$0xFFFFFFC0]  }
0xdf: {  	v37 =	vld [tilespmem:s19+$0xFFFFFFD0];
	v1 =	vmul.f32 v28, v1  }
0xe0: {  	v38 =	vld [tilespmem:s19+$0xFFFFFFE0]  }
0xe1: {  	v39 =	vld [tilespmem:s19+$0xFFFFFFF0];
	v0 =	vmul.f32 v1, v0  }
0xe2: {  	v41 =	vld [tilespmem:s19+$0x0]  }
0xe3: {  	v42 =	vld [tilespmem:s19+$0x10];
	v0 =	vmul.f32 v0, v1  }
0xe4: {  	v62 =	vld [tilespmem:s19+$0x20]  }
0xe5: {  	v43 =	vld [tilespmem:s19+$0x30];
	v40 =	vsub.f32 $1.500000000e+00, v0;
	v0 =	vmov s9  }
0xe6: {  	v44 =	vld [tilespmem:s19+$0x40];
	v4 =	vsub.f32 v4, v0  }
0xe7: {  	v45 =	vld [tilespmem:s19+$0x50];
	s7 =	simm.s32 $0x12EC0;
	v5 =	vsub.f32 v5, v0;
	v6 =	vsub.f32 v6, v0  }
0xe8: {  	v10 =	vld [tilespmem:s7+$0xB0];
	v7 =	vsub.f32 v7, v0;
	v27 =	vsub.f32 v27, v0;
	v1 =	vmul.f32 v40, v1  }
0xe9: {  	v63 =	vld [tilespmem:s7+$0xFFFFFF40];
	v11 =	vsub.f32 v11, v0;
	v12 =	vsub.f32 v12, v0  }
0xea: {  	v46 =	vld [tilespmem:s7+$0xFFFFFF50];
	v13 =	vsub.f32 v13, v0;
	v14 =	vsub.f32 v14, v0;
	v4 =	vmul.f32 v4, v1  }
0xeb: {  	v47 =	vld [tilespmem:s7+$0xFFFFFF70];
	v15 =	vsub.f32 v15, v0;
	v5 =	vmul.f32 v5, v1;
	v6 =	vmul.f32 v6, v1  }
0xec: {  	v48 =	vld [tilespmem:s7+$0xFFFFFF80];
	v16 =	vsub.f32 v16, v0;
	v7 =	vmul.f32 v7, v1;
	v27 =	vmul.f32 v27, v1  }
0xed: {  	v49 =	vld [tilespmem:s7+$0xFFFFFF90];
	v17 =	vsub.f32 v17, v0;
	v11 =	vmul.f32 v11, v1;
	v12 =	vmul.f32 v12, v1  }
0xee: {  	v50 =	vld [tilespmem:s7+$0xFFFFFFA0];
	v18 =	vsub.f32 v18, v0;
	v13 =	vmul.f32 v13, v1;
	v14 =	vmul.f32 v14, v1  }
0xef: {  	v51 =	vld [tilespmem:s7+$0xFFFFFFC0];
	v20 =	vsub.f32 v20, v0;
	v16 =	vmul.f32 v16, v1;
	v17 =	vmul.f32 v17, v1  }
0xf0: {  	v52 =	vld [tilespmem:s7+$0xFFFFFFD0];
	v53 =	vsub.f32 v23, v0;
	v18 =	vmul.f32 v18, v1;
	v4 =	vmul.f32 v4, v8  }
0xf1: {  	v54 =	vld [tilespmem:s7+$0xFFFFFFE0];
	v3 =	vsub.f32 v3, v0;
	v5 =	vmul.f32 v5, v30;
	v6 =	vmul.f32 v6, v31  }
0xf2: {  	v27 =	vmul.f32 v27, v29;
	v4 =	vadd.f32 v4, v10;
	v10 =	vmul.f32 v15, v1;
	v15 =	vld [tilespmem:s7+$0xFFFFFF60]  }
0xf3: {  	v55 =	vld [tilespmem:s7+$0xFFFFFFF0];
	v8 =	vsub.f32 v9, v0;
	v7 =	vmul.f32 v7, v32;
	v11 =	vmul.f32 v11, v34  }
0xf4: {  	v57 =	vld [tilespmem:s7+$0x10];
	v12 =	vmul.f32 v12, v61;
	v13 =	vmul.f32 v13, v35;
	v27 =	vadd.f32 v27, v63  }
0xf5: {  	v58 =	vld [tilespmem:s7+$0x30];
	v14 =	vmul.f32 v14, v36;
	v16 =	vmul.f32 v16, v38;
	v5 =	vadd.f32 v5, v46;
	[tilespmem:s3+$0xB0] =	vst v4  }
0xf6: {  	v59 =	vld [tilespmem:s7+$0x40];
	v8 =	vmul.f32 v8, v1;
	v7 =	vadd.f32 v7, v47;
	v11 =	vadd.f32 v11, v49;
	[tilespmem:s3+$0xFFFFFF40] =	vst v27  }
0xf7: {  	v17 =	vmul.f32 v17, v39;
	v12 =	vadd.f32 v12, v50;
	[tilespmem:s3+$0xFFFFFF50] =	vst v5;
	v6 =	vadd.f32 v6, v15;
	v15 =	vld [tilespmem:s7+$0xFFFFFFB0]  }
0xf8: {  	v2 =	vld [tilespmem:s3+$0xA0];
	v14 =	vadd.f32 v14, v51;
	v8 =	vmul.f32 v8, v33;
	v4 =	vsub.f32 v19, v0;
	[tilespmem:s3+$0xFFFFFF70] =	vst v7  }
0xf9: {  	v9 =	vld [tilespmem:s19+$0x60];
	v18 =	vmul.f32 v18, v41;
	v16 =	vadd.f32 v16, v54;
	v5 =	vsub.f32 v21, v0;
	[tilespmem:s3+$0xFFFFFF90] =	vst v11  }
0xfa: {  	v30 =	vld [tilespmem:s19+$0x70];
	v10 =	vmul.f32 v10, v37;
	[tilespmem:s3+$0xFFFFFFA0] =	vst v12;
	v4 =	vmul.f32 v4, v1;
	v8 =	vadd.f32 v8, v48  }
0xfb: {  	v31 =	vld [tilespmem:s19+$0x80];
	v7 =	vmul.f32 v20, v1;
	v11 =	vsub.f32 v25, v0;
	[tilespmem:s3+$0xFFFFFFC0] =	vst v14;
	v5 =	vmul.f32 v5, v1  }
0xfc: {  	v29 =	vld [tilespmem:s19+$0x90];
	[tilespmem:s3+$0xFFFFFF80] =	vst v8;
	v8 =	vsub.f32 v24, v0;
	v4 =	vmul.f32 v4, v42;
	v13 =	vadd.f32 v13, v15  }
0xfd: {  	v2 =	vsub.f32 v2, v0;
	[tilespmem:s3+$0xFFFFFFE0] =	vst v16;
	v11 =	vmul.f32 v11, v1;
	v5 =	vmul.f32 v5, v43;
	v15 =	vld [tilespmem:s7+$0x0]  }
0xfe: {  	v4 =	vadd.f32 v4, v57;
	[tilespmem:s3+$0xFFFFFFB0] =	vst v13;
	v13 =	vmul.f32 v8, v1;
	v8 =	vadd.f32 v10, v52;
	v10 =	vld [tilespmem:s7+$0x20]  }
0xff: {  	v61 =	vld [tilespmem:s7+$0x50];
	v12 =	vmul.f32 v53, v1;
	v60 =	vmul.f32 v7, v62;
	[tilespmem:s3+$0xFFFFFF60] =	vst v6;
	v6 =	vsub.f32 v22, v0  }
0x100: {  	p1 =	por $0x1, $0x1;
	v32 =	vld [tilespmem:s19+$0xA0];
	v62 =	vmul.f32 v2, v1;
	v2 =	vmul.f32 v11, v30;
	v11 =	vadd.f32 v5, v58;
	[tilespmem:s3+$0x10] =	vst v4  }
.Ltmp4:
0x101: {  	v56 =	vsub.f32 v26, v0;
	v7 =	vld [tilespmem:s7+$0x60];
	v6 =	vmul.f32 v6, v1;
	[tilespmem:s3+$0xFFFFFFD0] =	vst v8;
	v8 =	vadd.f32 v17, v55;
	(pc) =	sbr.rel @!p1 .LBB2_11-.Ltmp4, $4  }
0x102: {  	v3 =	vmul.f32 v3, v1;
	v12 =	vmul.f32 v12, v45;
	[tilespmem:s3+$0x30] =	vst v11;
	v11 =	vld [tilespmem:s7+$0xA0];
	v15 =	vadd.f32 v18, v15  }
0x103: {  	v14 =	vmul.f32 v56, v1;
	v63 =	vmul.f32 v6, v44;
	[tilespmem:s3+$0xFFFFFFF0] =	vst v8;
	v8 =	vld [tilespmem:s7+$0x70];
	v10 =	vadd.f32 v60, v10  }
0x104: {  	v3 =	vmul.f32 v3, v29;
	v12 =	vadd.f32 v12, v61;
	v6 =	vmul.f32 v13, v9;
	v9 =	vld [tilespmem:s7+$0x80];
	[tilespmem:s3+$0x0] =	vst v15  }
0x105: {  	s12 =	simm.s32 $0x0;
	s10 =	sadd.s32 $0x180, s3;
	s9 =	smov.u32 s3;
	v5 =	vmul.f32 v14, v31;
	v4 =	vmul.f32 v62, v32;
	v13 =	vadd.f32 v63, v59;
	[tilespmem:s3+$0x20] =	vst v10;
	v10 =	vld [tilespmem:s7+$0x90]  }
.LBB2_10:
0x106: {  	s11 =	smov.u32 s12  }
0x107: {  	v14 =	vld [tilespmem:s10+$0xB0];
	[tilespmem:s9+$0x40] =	vst v13;
	v6 =	vadd.f32 v6, v7;
	s11 =	sadd.s32 $0x180, s12  }
0x108: {  	v2 =	vadd.f32 v2, v8;
	v7 =	vld [tilespmem:s10+$0xFFFFFF50];
	p1 =	slt.u32 s11, s12;
	[tilespmem:s9+$0x50] =	vst v12  }
0x109: {  	v5 =	vadd.f32 v5, v9;
	v8 =	vld [tilespmem:s10+$0xFFFFFF60];
	[tilespmem:s9+$0x60] =	vst v6  }
0x10a: {  	s19 =	sadd.s32 $0x180, s19;
	v6 =	vld [tilespmem:s10+$0xFFFFFF70];
	[tilespmem:s9+$0x70] =	vst v2;
	v2 =	vadd.f32 v3, v10  }
0x10b: {  	v4 =	vadd.f32 v4, v11;
	v3 =	vld [tilespmem:s19+$0xB0];
	[tilespmem:s9+$0x80] =	vst v5  }
0x10c: {  	s7 =	sadd.s32 $0x180, s7;
	v9 =	vsub.f32 v14, v0;
	v5 =	vld [tilespmem:s10+$0xFFFFFF80];
	[tilespmem:s9+$0x90] =	vst v2  }
0x10d: {  	v2 =	vsub.f32 v7, v0;
	v7 =	vld [tilespmem:s7+$0xB0];
	[tilespmem:s9+$0xA0] =	vst v4;
	s9 =	smov.u32 s10  }
0x10e: {  	v9 =	vmul.f32 v9, v1;
	v4 =	vsub.f32 v8, v0;
	v8 =	vld [tilespmem:s10+$0xFFFFFF90]  }
0x10f: {  	v2 =	vmul.f32 v2, v1;
	v6 =	vsub.f32 v6, v0;
	v10 =	vld [tilespmem:s10+$0xFFFFFFA0]  }
0x110: {  	v4 =	vmul.f32 v4, v1;
	v11 =	vld [tilespmem:s10+$0xFFFFFFB0];
	v3 =	vmul.f32 v9, v3  }
0x111: {  	v6 =	vmul.f32 v6, v1;
	v5 =	vsub.f32 v5, v0;
	v9 =	vld [tilespmem:s10+$0xFFFFFFC0]  }
0x112: {  	v12 =	vld [tilespmem:s10+$0xFFFFFFD0];
	v3 =	vadd.f32 v3, v7  }
0x113: {  	v5 =	vmul.f32 v5, v1;
	v7 =	vsub.f32 v8, v0;
	v8 =	vld [tilespmem:s10+$0xFFFFFFE0]  }
0x114: {  	v10 =	vsub.f32 v10, v0;
	v13 =	vld [tilespmem:s10+$0xFFFFFFF0];
	[tilespmem:s10+$0xB0] =	vst v3  }
0x115: {  	v3 =	vmul.f32 v7, v1;
	v7 =	vsub.f32 v11, v0;
	v11 =	vld [tilespmem:s10+$0x0]  }
0x116: {  	v10 =	vmul.f32 v10, v1;
	v9 =	vsub.f32 v9, v0;
	v14 =	vld [tilespmem:s10+$0x10]  }
0x117: {  	v7 =	vmul.f32 v7, v1;
	v12 =	vsub.f32 v12, v0;
	v15 =	vld [tilespmem:s10+$0x20]  }
0x118: {  	v9 =	vmul.f32 v9, v1;
	v8 =	vsub.f32 v8, v0;
	v16 =	vld [tilespmem:s10+$0x30]  }
0x119: {  	v12 =	vmul.f32 v12, v1;
	v13 =	vsub.f32 v13, v0;
	v17 =	vld [tilespmem:s10+$0x40]  }
0x11a: {  	v8 =	vmul.f32 v8, v1;
	v11 =	vsub.f32 v11, v0;
	v18 =	vld [tilespmem:s10+$0x50]  }
0x11b: {  	v13 =	vmul.f32 v13, v1;
	v14 =	vsub.f32 v14, v0;
	v19 =	vld [tilespmem:s10+$0x60]  }
0x11c: {  	v11 =	vmul.f32 v11, v1;
	v15 =	vsub.f32 v15, v0;
	v20 =	vld [tilespmem:s10+$0x70]  }
0x11d: {  	v14 =	vmul.f32 v14, v1;
	v16 =	vsub.f32 v16, v0;
	v21 =	vld [tilespmem:s10+$0x80]  }
0x11e: {  	v15 =	vmul.f32 v15, v1;
	v17 =	vsub.f32 v17, v0;
	v22 =	vld [tilespmem:s10+$0x90]  }
0x11f: {  	v16 =	vmul.f32 v16, v1;
	v18 =	vsub.f32 v18, v0;
	v23 =	vld [tilespmem:s10+$0xA0]  }
0x120: {  	v24 =	vld [tilespmem:s10+$0xFFFFFF40];
	v17 =	vmul.f32 v17, v1;
	v19 =	vsub.f32 v19, v0  }
0x121: {  	v25 =	vld [tilespmem:s19+$0xFFFFFF40];
	v18 =	vmul.f32 v18, v1;
	v20 =	vsub.f32 v20, v0  }
0x122: {  	v26 =	vld [tilespmem:s19+$0xFFFFFF50];
	v19 =	vmul.f32 v19, v1;
	v21 =	vsub.f32 v21, v0  }
0x123: {  	v27 =	vld [tilespmem:s19+$0xFFFFFF60];
	v20 =	vmul.f32 v20, v1;
	v22 =	vsub.f32 v22, v0  }
0x124: {  	v28 =	vld [tilespmem:s19+$0xFFFFFF70];
	v21 =	vmul.f32 v21, v1;
	v23 =	vsub.f32 v23, v0  }
0x125: {  	v24 =	vsub.f32 v24, v0;
	v29 =	vld [tilespmem:s19+$0xFFFFFF80];
	v22 =	vmul.f32 v22, v1  }
0x126: {  	v30 =	vld [tilespmem:s19+$0xFFFFFF90];
	v23 =	vmul.f32 v23, v1  }
0x127: {  	v24 =	vmul.f32 v24, v1;
	v26 =	vmul.f32 v2, v26;
	v2 =	vld [tilespmem:s19+$0xFFFFFFA0]  }
0x128: {  	v27 =	vmul.f32 v4, v27;
	v4 =	vld [tilespmem:s19+$0xFFFFFFB0]  }
0x129: {  	v24 =	vmul.f32 v24, v25;
	v25 =	vmul.f32 v6, v28;
	v6 =	vld [tilespmem:s19+$0xFFFFFFC0]  }
0x12a: {  	v28 =	vmul.f32 v5, v29;
	v5 =	vld [tilespmem:s19+$0xFFFFFFD0]  }
0x12b: {  	v29 =	vmul.f32 v3, v30;
	v3 =	vld [tilespmem:s19+$0xFFFFFFE0]  }
0x12c: {  	v10 =	vmul.f32 v10, v2;
	v2 =	vld [tilespmem:s19+$0xFFFFFFF0]  }
0x12d: {  	v7 =	vmul.f32 v7, v4;
	v4 =	vld [tilespmem:s19+$0x0]  }
0x12e: {  	v9 =	vmul.f32 v9, v6;
	v6 =	vld [tilespmem:s19+$0x10]  }
0x12f: {  	v12 =	vmul.f32 v12, v5;
	v5 =	vld [tilespmem:s19+$0x20]  }
0x130: {  	v8 =	vmul.f32 v8, v3;
	v3 =	vld [tilespmem:s19+$0x30]  }
0x131: {  	v13 =	vmul.f32 v13, v2;
	v2 =	vld [tilespmem:s19+$0x40]  }
0x132: {  	v11 =	vmul.f32 v11, v4;
	v4 =	vld [tilespmem:s19+$0x50]  }
0x133: {  	v14 =	vmul.f32 v14, v6;
	v6 =	vld [tilespmem:s19+$0x60]  }
0x134: {  	v15 =	vmul.f32 v15, v5;
	v5 =	vld [tilespmem:s19+$0x70]  }
0x135: {  	v16 =	vmul.f32 v16, v3;
	v3 =	vld [tilespmem:s19+$0x80]  }
0x136: {  	v17 =	vmul.f32 v17, v2;
	v30 =	vld [tilespmem:s19+$0x90]  }
0x137: {  	v18 =	vmul.f32 v18, v4;
	v4 =	vld [tilespmem:s19+$0xA0]  }
0x138: {  	v31 =	vld [tilespmem:s7+$0xFFFFFF40];
	v6 =	vmul.f32 v19, v6  }
0x139: {  	v19 =	vld [tilespmem:s7+$0xFFFFFF50];
	v2 =	vmul.f32 v20, v5  }
0x13a: {  	v20 =	vld [tilespmem:s7+$0xFFFFFF60];
	v5 =	vmul.f32 v21, v3  }
0x13b: {  	v21 =	vld [tilespmem:s7+$0xFFFFFF70];
	v3 =	vmul.f32 v22, v30  }
0x13c: {  	v22 =	vld [tilespmem:s7+$0xFFFFFF80];
	v4 =	vmul.f32 v23, v4  }
0x13d: {  	v23 =	vadd.f32 v24, v31;
	v24 =	vld [tilespmem:s7+$0xFFFFFF90]  }
0x13e: {  	v19 =	vadd.f32 v26, v19;
	v26 =	vld [tilespmem:s7+$0xFFFFFFA0]  }
0x13f: {  	[tilespmem:s10+$0xFFFFFF40] =	vst v23;
	v20 =	vadd.f32 v27, v20;
	v23 =	vld [tilespmem:s7+$0xFFFFFFB0]  }
0x140: {  	[tilespmem:s10+$0xFFFFFF50] =	vst v19;
	v19 =	vadd.f32 v25, v21;
	v21 =	vld [tilespmem:s7+$0xFFFFFFC0]  }
0x141: {  	[tilespmem:s10+$0xFFFFFF60] =	vst v20;
	v20 =	vadd.f32 v28, v22;
	v22 =	vld [tilespmem:s7+$0xFFFFFFD0]  }
0x142: {  	[tilespmem:s10+$0xFFFFFF70] =	vst v19;
	v19 =	vadd.f32 v29, v24;
	v24 =	vld [tilespmem:s7+$0xFFFFFFE0]  }
0x143: {  	[tilespmem:s10+$0xFFFFFF80] =	vst v20;
	v10 =	vadd.f32 v10, v26;
	v20 =	vld [tilespmem:s7+$0xFFFFFFF0]  }
0x144: {  	[tilespmem:s10+$0xFFFFFF90] =	vst v19;
	v7 =	vadd.f32 v7, v23;
	v19 =	vld [tilespmem:s7+$0x0]  }
0x145: {  	[tilespmem:s10+$0xFFFFFFA0] =	vst v10;
	v9 =	vadd.f32 v9, v21;
	v10 =	vld [tilespmem:s7+$0x10]  }
0x146: {  	[tilespmem:s10+$0xFFFFFFB0] =	vst v7;
	v7 =	vadd.f32 v12, v22;
	v12 =	vld [tilespmem:s7+$0x20]  }
0x147: {  	[tilespmem:s10+$0xFFFFFFC0] =	vst v9;
	v8 =	vadd.f32 v8, v24;
	v9 =	vld [tilespmem:s7+$0x30]  }
0x148: {  	[tilespmem:s10+$0xFFFFFFD0] =	vst v7;
	v7 =	vadd.f32 v13, v20;
	v13 =	vld [tilespmem:s7+$0x40]  }
0x149: {  	[tilespmem:s10+$0xFFFFFFE0] =	vst v8;
	v8 =	vadd.f32 v11, v19;
	v11 =	vld [tilespmem:s7+$0x50]  }
.Ltmp5:
0x14a: {  	[tilespmem:s10+$0xFFFFFFF0] =	vst v7;
	v10 =	vadd.f32 v14, v10;
	v7 =	vld [tilespmem:s7+$0x60];
	(pc) =	sbr.rel @p1 .LBB2_10-.Ltmp5, $4  }
0x14b: {  	[tilespmem:s10+$0x0] =	vst v8;
	v12 =	vadd.f32 v15, v12;
	v8 =	vld [tilespmem:s7+$0x70]  }
0x14c: {  	[tilespmem:s10+$0x10] =	vst v10;
	v14 =	vadd.f32 v16, v9;
	v9 =	vld [tilespmem:s7+$0x80]  }
0x14d: {  	[tilespmem:s10+$0x20] =	vst v12;
	v13 =	vadd.f32 v17, v13;
	v10 =	vld [tilespmem:s7+$0x90]  }
0x14e: {  	s12 =	smov.u32 s11;
	s10 =	sadd.s32 $0x180, s10;
	[tilespmem:s9+$0x30] =	vst v14;
	v12 =	vadd.f32 v18, v11;
	v11 =	vld [tilespmem:s7+$0xA0]  }
.LBB2_11:
0x14f: {  	_ = 	snop  }
0x150: {  	v0 =	vadd.f32 v6, v7;
	s18 =	sadd.s32 $0x1, s18;
	[tilespmem:s9+$0x40] =	vst v13  }
0x151: {  	[tilespmem:s9+$0x50] =	vst v12;
	p1 =	sne.s32 s18, $0x10;
	v1 =	vadd.f32 v2, v8  }
.Ltmp6:
0x152: {  	[tilespmem:s9+$0x60] =	vst v0;
	v61 =	vadd.f32 v5, v9;
	(pc) =	sbr.rel @p1 .LBB2_7-.Ltmp6, $4  }
0x153: {  	[tilespmem:s9+$0x70] =	vst v1;
	v62 =	vadd.f32 v3, v10  }
0x154: {  	v63 =	vadd.f32 v4, v11;
	[tilespmem:s9+$0x80] =	vst v61  }
0x155: {  	[tilespmem:s9+$0x90] =	vst v62  }
0x156: {  	s3 =	sadd.s32 $0x300, s3;
	s15 =	sadd.s32 $0x300, s15;
	s17 =	sadd.s32 $0x300, s17;
	[tilespmem:s9+$0xA0] =	vst v63  }
0x157: {  	s3 =	smul.u32 $0xC00, s0;
	_ =	sdelay $0x1  }
0x158: {  	s15 =	sor.u32 s5, s3  }
0x159: {  	s3 =	smul.u32 $0x60, s15;
	_ =	sdelay $0x1  }
0x15a: {  	s3 =	sadd.s32 s8, s3  }
0x15b: {  	[hbm4b:s3+s4] =	stream.linear.scatter [tilespmem:s24], [sflag:$0x3], $0x3000, $0x38;
	[tilespmem:$0x13100] =	vst v63  }
0x15c: {  	s3 =	sadd.s32 $0x2, s2  }
0x15d: {  	s7 =	sshll.u32 s3, $0x4  }
0x15e: {  	s7 =	sand.u32 $0x3FFFFFF0, s7  }
0x15f: {  	[tilespmem:s21], [sflag:$0x1] =	stream.indirect.gather [hbm4b:s6+s14], $0x300, s7, s14, $0xb8;
	[tilespmem:$0x13100] =	vst v63  }
0x160: {  	_ =	swait.ge [sflag:s25], $0x3000  }
0x161: {  	[sflag:s25] =	ssyncset.done $0x0  }
0x162: {  	s7 =	simm.s32 @!p0 $0x4;
	[sflag:s25] =	ssyncadd.s32 $0xFFFFD000  }
0x163: {  	_ =	swait.ge @!p0 [sflag:s7], $0x3000  }
0x164: {  	s17 =	simm.s32 $0x0;
	s10 =	simm.s32 $0x98C0;
	[sflag:s7] =	ssyncset.done @!p0 $0x0  }
0x165: {  	s19 =	simm.s32 $0xF8C0;
	s20 =	simm.s32 $0x38C0;
	[sflag:s7] =	ssyncadd.s32 @!p0 $0xFFFFD000  }
.LBB2_13:
0x166: {  	v0 =	vld [tilespmem:s20+$0xFFFFFF40]  }
0x167: {  	v1 =	vld [tilespmem:s19+$0xFFFFFF40]  }
0x168: {  	v2 =	vld [tilespmem:s20+$0xFFFFFF50]  }
0x169: {  	v3 =	vld [tilespmem:s19+$0xFFFFFF50]  }
0x16a: {  	v4 =	vld [tilespmem:s20+$0xFFFFFF60]  }
0x16b: {  	v5 =	vld [tilespmem:s19+$0xFFFFFF60]  }
0x16c: {  	v6 =	vld [tilespmem:s20+$0xFFFFFF70]  }
0x16d: {  	v7 =	vld [tilespmem:s20+$0xFFFFFF80];
	v0 =	vadd.f32 v1, v0  }
0x16e: {  	v1 =	vld [tilespmem:s19+$0xFFFFFF70]  }
0x16f: {  	v8 =	vld [tilespmem:s19+$0xFFFFFF80];
	v9 =	vimm.f32 $0.0e+00;
	v2 =	vadd.f32 v3, v2;
	v3 =	vmul.f32 v0, v0  }
0x170: {  	v11 =	vld [tilespmem:s19+$0xFFFFFF90];
	v10 =	vadd.f32 v0, v9  }
0x171: {  	v12 =	vld [tilespmem:s19+$0xFFFFFFA0];
	v4 =	vadd.f32 v5, v4;
	v3 =	vadd.f32 v3, v9;
	v9 =	vmul.f32 v2, v2  }
0x172: {  	v5 =	vld [tilespmem:s20+$0xFFFFFF90];
	v10 =	vadd.f32 v2, v10  }
0x173: {  	v13 =	vld [tilespmem:s19+$0xFFFFFFB0];
	v1 =	vadd.f32 v1, v6;
	v3 =	vadd.f32 v9, v3;
	v9 =	vmul.f32 v4, v4  }
0x174: {  	v6 =	vld [tilespmem:s20+$0xFFFFFFA0];
	v10 =	vadd.f32 v4, v10  }
0x175: {  	v14 =	vld [tilespmem:s19+$0xFFFFFFC0];
	v7 =	vadd.f32 v8, v7;
	v3 =	vadd.f32 v9, v3;
	v9 =	vmul.f32 v1, v1  }
0x176: {  	v8 =	vld [tilespmem:s20+$0xFFFFFFB0];
	v10 =	vadd.f32 v1, v10  }
0x177: {  	v52 =	vld [tilespmem:s20+$0xFFFFFFD0];
	v5 =	vadd.f32 v11, v5;
	v3 =	vadd.f32 v9, v3;
	v9 =	vmul.f32 v7, v7  }
0x178: {  	v11 =	vld [tilespmem:s20+$0xFFFFFFC0];
	v10 =	vadd.f32 v7, v10  }
0x179: {  	v15 =	vld [tilespmem:s19+$0xFFFFFFD0];
	v6 =	vadd.f32 v12, v6;
	v3 =	vadd.f32 v9, v3;
	v9 =	vmul.f32 v5, v5  }
0x17a: {  	v53 =	vld [tilespmem:s20+$0xFFFFFFE0];
	v10 =	vadd.f32 v5, v10  }
0x17b: {  	v16 =	vld [tilespmem:s19+$0xFFFFFFE0];
	v8 =	vadd.f32 v13, v8;
	v3 =	vadd.f32 v9, v3;
	v9 =	vmul.f32 v6, v6  }
0x17c: {  	v54 =	vld [tilespmem:s20+$0xFFFFFFF0];
	v10 =	vadd.f32 v6, v10  }
0x17d: {  	v17 =	vld [tilespmem:s19+$0xFFFFFFF0];
	v11 =	vadd.f32 v14, v11;
	v3 =	vadd.f32 v9, v3;
	v9 =	vmul.f32 v8, v8  }
0x17e: {  	v55 =	vld [tilespmem:s20+$0x0];
	v10 =	vadd.f32 v8, v10  }
0x17f: {  	v18 =	vld [tilespmem:s19+$0x0];
	v12 =	vadd.f32 v15, v52;
	v3 =	vadd.f32 v9, v3;
	v9 =	vmul.f32 v11, v11  }
0x180: {  	v56 =	vld [tilespmem:s20+$0x10];
	v10 =	vadd.f32 v11, v10  }
0x181: {  	v19 =	vld [tilespmem:s19+$0x10];
	v13 =	vadd.f32 v16, v53;
	v3 =	vadd.f32 v9, v3;
	v9 =	vmul.f32 v12, v12  }
0x182: {  	v57 =	vld [tilespmem:s20+$0x20];
	[tilespmem:s10+$0xFFFFFF50] =	vst v2;
	v2 =	vadd.f32 v12, v10  }
0x183: {  	v58 =	vld [tilespmem:s20+$0x30];
	[tilespmem:s10+$0xFFFFFF40] =	vst v0;
	v0 =	vadd.f32 v17, v54;
	v3 =	vadd.f32 v9, v3;
	v9 =	vmul.f32 v13, v13  }
0x184: {  	[tilespmem:s10+$0xFFFFFF70] =	vst v1;
	v10 =	vld [tilespmem:s19+$0x20];
	v1 =	vadd.f32 v13, v2  }
0x185: {  	v59 =	vld [tilespmem:s20+$0x40];
	[tilespmem:s10+$0xFFFFFF60] =	vst v4;
	v4 =	vadd.f32 v18, v55;
	v2 =	vadd.f32 v9, v3;
	v3 =	vmul.f32 v0, v0  }
0x186: {  	[tilespmem:s10+$0xFFFFFF80] =	vst v7;
	v9 =	vld [tilespmem:s19+$0x30];
	v1 =	vadd.f32 v0, v1  }
0x187: {  	v60 =	vld [tilespmem:s19+$0x60];
	[tilespmem:s10+$0xFFFFFF90] =	vst v5;
	v7 =	vadd.f32 v19, v56;
	v2 =	vadd.f32 v3, v2;
	v3 =	vmul.f32 v4, v4  }
0x188: {  	[tilespmem:s10+$0xFFFFFFB0] =	vst v8;
	v5 =	vld [tilespmem:s19+$0x40];
	v1 =	vadd.f32 v4, v1  }
0x189: {  	[tilespmem:s10+$0xFFFFFFA0] =	vst v6;
	v8 =	vld [tilespmem:s19+$0x50];
	v6 =	vadd.f32 v10, v57;
	v2 =	vadd.f32 v3, v2;
	v3 =	vmul.f32 v7, v7  }
0x18a: {  	[tilespmem:s10+$0xFFFFFFF0] =	vst v0;
	v10 =	vld [tilespmem:s20+$0x50];
	v1 =	vadd.f32 v7, v1  }
0x18b: {  	v61 =	vld [tilespmem:s20+$0x70];
	[tilespmem:s10+$0xFFFFFFE0] =	vst v13;
	v9 =	vadd.f32 v9, v58;
	v2 =	vadd.f32 v3, v2;
	v3 =	vmul.f32 v6, v6  }
0x18c: {  	[tilespmem:s10+$0xFFFFFFC0] =	vst v11;
	v11 =	vld [tilespmem:s20+$0x60];
	v0 =	vadd.f32 v6, v1  }
0x18d: {  	[tilespmem:s10+$0x10] =	vst v7;
	v5 =	vadd.f32 v5, v59;
	v7 =	vld [tilespmem:s19+$0x80];
	v1 =	vadd.f32 v3, v2;
	v2 =	vmul.f32 v9, v9  }
0x18e: {  	[tilespmem:s10+$0x0] =	vst v4;
	v3 =	vld [tilespmem:s19+$0x70];
	v0 =	vadd.f32 v9, v0  }
0x18f: {  	[tilespmem:s10+$0xFFFFFFD0] =	vst v12;
	v4 =	vmul.f32 v5, v5;
	v8 =	vadd.f32 v8, v10;
	v10 =	vld [tilespmem:s20+$0x80];
	v2 =	vadd.f32 v2, v1  }
0x190: {  	p1 =	por $0x1, $0x1;
	[tilespmem:s10+$0x20] =	vst v6;
	v1 =	vld [tilespmem:s20+$0x90];
	v0 =	vadd.f32 v5, v0  }
.Ltmp7:
0x191: {  	v11 =	vadd.f32 v60, v11;
	[tilespmem:s10+$0x30] =	vst v9;
	v9 =	vmul.f32 v8, v8;
	v6 =	vadd.f32 v4, v2;
	v4 =	vld [tilespmem:s19+$0x90];
	(pc) =	sbr.rel @!p1 .LBB2_15-.Ltmp7, $4  }
0x192: {  	[tilespmem:s10+$0x50] =	vst v8;
	v2 =	vld [tilespmem:s20+$0xA0];
	v8 =	vadd.f32 v8, v0  }
0x193: {  	[tilespmem:s10+$0x40] =	vst v5;
	v63 =	vmul.f32 v11, v11;
	v5 =	vadd.f32 v3, v61;
	v62 =	vadd.f32 v9, v6;
	v6 =	vld [tilespmem:s19+$0xA0]  }
0x194: {  	s18 =	simm.s32 $0x0;
	[tilespmem:s10+$0x60] =	vst v11;
	v0 =	vadd.f32 v7, v10;
	v7 =	vld [tilespmem:s19+$0xB0]  }
0x195: {  	s9 =	sadd.s32 $0x180, s20;
	s7 =	smov.u32 s10;
	s11 =	smov.u32 s19;
	v3 =	vld [tilespmem:s20+$0xB0];
	v9 =	vadd.f32 v11, v8;
	[tilespmem:s10+$0x70] =	vst v5;
	v10 =	vmul.f32 v5, v5;
	v8 =	vadd.f32 v63, v62  }
.LBB2_14:
0x196: {  	v11 =	vld [tilespmem:s9+$0xFFFFFF40];
	[tilespmem:s7+$0x80] =	vst v0;
	v1 =	vadd.f32 v4, v1;
	s11 =	sadd.s32 $0x180, s11;
	s12 =	smov.u32 s18  }
0x197: {  	v4 =	vld [tilespmem:s11+$0xFFFFFF40];
	v5 =	vadd.f32 v5, v9;
	v8 =	vadd.f32 v10, v8;
	v9 =	vmul.f32 v0, v0  }
0x198: {  	s12 =	sadd.s32 $0x180, s18;
	v10 =	vld [tilespmem:s9+$0xFFFFFF50];
	[tilespmem:s7+$0x90] =	vst v1;
	v2 =	vadd.f32 v6, v2  }
0x199: {  	p1 =	slt.u32 s12, s18;
	v6 =	vld [tilespmem:s11+$0xFFFFFF50];
	v0 =	vadd.f32 v0, v5;
	v5 =	vadd.f32 v9, v8;
	v8 =	vmul.f32 v1, v1  }
0x19a: {  	v9 =	vld [tilespmem:s9+$0xFFFFFF60];
	[tilespmem:s7+$0xA0] =	vst v2;
	v3 =	vadd.f32 v7, v3  }
0x19b: {  	v7 =	vld [tilespmem:s11+$0xFFFFFF60];
	v0 =	vadd.f32 v1, v0;
	v1 =	vadd.f32 v8, v5;
	v5 =	vmul.f32 v2, v2  }
0x19c: {  	v4 =	vadd.f32 v4, v11;
	v8 =	vld [tilespmem:s9+$0xFFFFFF70];
	[tilespmem:s7+$0xB0] =	vst v3  }
0x19d: {  	s7 =	sadd.s32 $0x180, s7;
	v11 =	vld [tilespmem:s11+$0xFFFFFF70];
	v0 =	vadd.f32 v2, v0;
	v1 =	vadd.f32 v5, v1;
	v2 =	vmul.f32 v3, v3  }
0x19e: {  	[tilespmem:s7+$0xFFFFFF40] =	vst v4;
	v5 =	vadd.f32 v6, v10;
	v6 =	vld [tilespmem:s9+$0xFFFFFF80]  }
0x19f: {  	v10 =	vmul.f32 v4, v4;
	v12 =	vld [tilespmem:s11+$0xFFFFFF80];
	v0 =	vadd.f32 v3, v0;
	v1 =	vadd.f32 v2, v1  }
0x1a0: {  	[tilespmem:s7+$0xFFFFFF50] =	vst v5;
	v2 =	vadd.f32 v7, v9;
	v3 =	vld [tilespmem:s9+$0xFFFFFF90]  }
0x1a1: {  	v0 =	vadd.f32 v4, v0;
	v1 =	vadd.f32 v10, v1;
	v4 =	vmul.f32 v5, v5;
	v7 =	vld [tilespmem:s11+$0xFFFFFF90]  }
0x1a2: {  	[tilespmem:s7+$0xFFFFFF60] =	vst v2;
	v8 =	vadd.f32 v11, v8;
	v9 =	vld [tilespmem:s9+$0xFFFFFFA0]  }
0x1a3: {  	v0 =	vadd.f32 v5, v0;
	v1 =	vadd.f32 v4, v1;
	v4 =	vmul.f32 v2, v2;
	v5 =	vld [tilespmem:s11+$0xFFFFFFA0]  }
0x1a4: {  	[tilespmem:s7+$0xFFFFFF70] =	vst v8;
	v6 =	vadd.f32 v12, v6;
	v10 =	vld [tilespmem:s9+$0xFFFFFFB0]  }
0x1a5: {  	v0 =	vadd.f32 v2, v0;
	v1 =	vadd.f32 v4, v1;
	v2 =	vmul.f32 v8, v8;
	v4 =	vld [tilespmem:s11+$0xFFFFFFB0]  }
0x1a6: {  	[tilespmem:s7+$0xFFFFFF80] =	vst v6;
	v3 =	vadd.f32 v7, v3;
	v7 =	vld [tilespmem:s9+$0xFFFFFFC0]  }
0x1a7: {  	v0 =	vadd.f32 v8, v0;
	v1 =	vadd.f32 v2, v1;
	v2 =	vmul.f32 v6, v6;
	v8 =	vld [tilespmem:s11+$0xFFFFFFC0]  }
0x1a8: {  	[tilespmem:s7+$0xFFFFFF90] =	vst v3;
	v5 =	vadd.f32 v5, v9;
	v9 =	vld [tilespmem:s9+$0xFFFFFFD0]  }
0x1a9: {  	v0 =	vadd.f32 v6, v0;
	v1 =	vadd.f32 v2, v1;
	v2 =	vmul.f32 v3, v3;
	v6 =	vld [tilespmem:s11+$0xFFFFFFD0]  }
0x1aa: {  	[tilespmem:s7+$0xFFFFFFA0] =	vst v5;
	v4 =	vadd.f32 v4, v10;
	v10 =	vld [tilespmem:s9+$0xFFFFFFE0]  }
0x1ab: {  	v0 =	vadd.f32 v3, v0;
	v1 =	vadd.f32 v2, v1;
	v2 =	vmul.f32 v5, v5;
	v3 =	vld [tilespmem:s11+$0xFFFFFFE0]  }
0x1ac: {  	[tilespmem:s7+$0xFFFFFFB0] =	vst v4;
	v7 =	vadd.f32 v8, v7;
	v8 =	vld [tilespmem:s9+$0xFFFFFFF0]  }
0x1ad: {  	v0 =	vadd.f32 v5, v0;
	v1 =	vadd.f32 v2, v1;
	v2 =	vmul.f32 v4, v4;
	v5 =	vld [tilespmem:s11+$0xFFFFFFF0]  }
0x1ae: {  	[tilespmem:s7+$0xFFFFFFC0] =	vst v7;
	v6 =	vadd.f32 v6, v9;
	v9 =	vld [tilespmem:s9+$0x0]  }
0x1af: {  	v0 =	vadd.f32 v4, v0;
	v1 =	vadd.f32 v2, v1;
	v2 =	vmul.f32 v7, v7;
	v4 =	vld [tilespmem:s11+$0x0]  }
0x1b0: {  	[tilespmem:s7+$0xFFFFFFD0] =	vst v6;
	v3 =	vadd.f32 v3, v10;
	v10 =	vld [tilespmem:s9+$0x10]  }
0x1b1: {  	v0 =	vadd.f32 v7, v0;
	v1 =	vadd.f32 v2, v1;
	v2 =	vmul.f32 v6, v6;
	v7 =	vld [tilespmem:s11+$0x10]  }
0x1b2: {  	[tilespmem:s7+$0xFFFFFFE0] =	vst v3;
	v5 =	vadd.f32 v5, v8;
	v8 =	vld [tilespmem:s9+$0x20]  }
0x1b3: {  	v0 =	vadd.f32 v6, v0;
	v1 =	vadd.f32 v2, v1;
	v2 =	vmul.f32 v3, v3;
	v6 =	vld [tilespmem:s11+$0x20]  }
0x1b4: {  	[tilespmem:s7+$0xFFFFFFF0] =	vst v5;
	v4 =	vadd.f32 v4, v9;
	v9 =	vld [tilespmem:s9+$0x30]  }
0x1b5: {  	v0 =	vadd.f32 v3, v0;
	v1 =	vadd.f32 v2, v1;
	v2 =	vmul.f32 v5, v5;
	v3 =	vld [tilespmem:s11+$0x30]  }
0x1b6: {  	[tilespmem:s7+$0x0] =	vst v4;
	v7 =	vadd.f32 v7, v10;
	v10 =	vld [tilespmem:s9+$0x40]  }
0x1b7: {  	v0 =	vadd.f32 v5, v0;
	v1 =	vadd.f32 v2, v1;
	v2 =	vmul.f32 v4, v4;
	v5 =	vld [tilespmem:s11+$0x40]  }
0x1b8: {  	[tilespmem:s7+$0x10] =	vst v7;
	v6 =	vadd.f32 v6, v8;
	v8 =	vld [tilespmem:s9+$0x50]  }
0x1b9: {  	v0 =	vadd.f32 v4, v0;
	v1 =	vadd.f32 v2, v1;
	v2 =	vmul.f32 v7, v7;
	v4 =	vld [tilespmem:s11+$0x50]  }
0x1ba: {  	[tilespmem:s7+$0x20] =	vst v6;
	v3 =	vadd.f32 v3, v9;
	v9 =	vld [tilespmem:s9+$0x60]  }
0x1bb: {  	v0 =	vadd.f32 v7, v0;
	v1 =	vadd.f32 v2, v1;
	v2 =	vmul.f32 v6, v6;
	v7 =	vld [tilespmem:s11+$0x60]  }
0x1bc: {  	[tilespmem:s7+$0x30] =	vst v3;
	v5 =	vadd.f32 v5, v10;
	v10 =	vld [tilespmem:s9+$0x70]  }
0x1bd: {  	v0 =	vadd.f32 v6, v0;
	v1 =	vadd.f32 v2, v1;
	v2 =	vmul.f32 v3, v3;
	v6 =	vld [tilespmem:s11+$0x70]  }
0x1be: {  	[tilespmem:s7+$0x40] =	vst v5;
	v8 =	vadd.f32 v4, v8;
	v11 =	vld [tilespmem:s9+$0x80]  }
0x1bf: {  	v0 =	vadd.f32 v3, v0;
	v2 =	vadd.f32 v2, v1;
	v3 =	vmul.f32 v5, v5;
	v12 =	vld [tilespmem:s11+$0x80]  }
0x1c0: {  	[tilespmem:s7+$0x50] =	vst v8;
	v7 =	vadd.f32 v7, v9;
	v1 =	vld [tilespmem:s9+$0x90]  }
.Ltmp8:
0x1c1: {  	v9 =	vmul.f32 v8, v8;
	v0 =	vadd.f32 v5, v0;
	v3 =	vadd.f32 v3, v2;
	v4 =	vld [tilespmem:s11+$0x90];
	(pc) =	sbr.rel @p1 .LBB2_14-.Ltmp8, $4  }
0x1c2: {  	[tilespmem:s7+$0x60] =	vst v7;
	v5 =	vadd.f32 v6, v10;
	v2 =	vld [tilespmem:s9+$0xA0]  }
0x1c3: {  	v13 =	vmul.f32 v7, v7;
	v8 =	vadd.f32 v8, v0;
	v10 =	vadd.f32 v9, v3;
	v6 =	vld [tilespmem:s11+$0xA0]  }
0x1c4: {  	[tilespmem:s7+$0x70] =	vst v5;
	v0 =	vadd.f32 v12, v11;
	v3 =	vld [tilespmem:s9+$0xB0]  }
0x1c5: {  	s18 =	smov.u32 s12;
	s9 =	sadd.s32 $0x180, s9;
	v9 =	vadd.f32 v7, v8;
	v8 =	vadd.f32 v13, v10;
	v10 =	vmul.f32 v5, v5;
	v7 =	vld [tilespmem:s11+$0xB0]  }
.LBB2_15:
0x1c6: {  	_ = 	snop  }
0x1c7: {  	v5 =	vadd.f32 v5, v9  }
0x1c8: {  	v1 =	vadd.f32 v4, v1;
	v4 =	vadd.f32 v10, v8;
	v8 =	vmul.f32 v0, v0  }
0x1c9: {  	v5 =	vadd.f32 v0, v5  }
0x1ca: {  	v2 =	vadd.f32 v6, v2;
	v6 =	vmul.f32 v1, v1;
	v4 =	vadd.f32 v8, v4  }
0x1cb: {  	v5 =	vadd.f32 v1, v5  }
0x1cc: {  	v3 =	vadd.f32 v7, v3;
	v4 =	vadd.f32 v6, v4;
	v6 =	vmul.f32 v2, v2  }
0x1cd: {  	v5 =	vadd.f32 v2, v5  }
0x1ce: {  	v4 =	vadd.f32 v6, v4;
	v6 =	vmul.f32 v3, v3  }
0x1cf: {  	v5 =	vadd.f32 v3, v5  }
0x1d0: {  	v4 =	vadd.f32 v6, v4  }
0x1d1: {  	(xrf2) =	vadd.scan.msk.f32 $0xffff, v5  }
0x1d2: {  	(xrf2) =	vadd.scan.msk.f32 $0xffff, v4;
	_ =	sdelay $0x8  }
0x1d3: {  	v4, _, _ =	vpop (xrf2)  }
0x1d4: {  	(v2sf) =	vpush v4, $0xF;
	v4, _, _ =	vpop (xrf2)  }
0x1d5: {  	(v2sf) =	vpush v4, $0xF;
	_ =	sdelay $0xb  }
0x1d6: {  	[tilespmem:s7+$0x80] =	vst v0  }
0x1d7: {  	[tilespmem:s7+$0x90] =	vst v1  }
0x1d8: {  	[tilespmem:s7+$0xA0] =	vst v2;
	s9 =	spop (v2sf)  }
0x1d9: {  	[tilespmem:s7+$0xB0] =	vst v3;
	s12 =	spop (v2sf);
	s11 =	smul.f32 $1.302083370e-03, s9  }
0x1da: {  	s7 =	simm.s32 $0x12BC0;
	v7 =	vld [tilespmem:s10+$0xFFFFFF70];
	s13 =	smul.f32 $1.302083370e-03, s12  }
0x1db: {  	v8 =	vld [tilespmem:s7+$0xB0];
	s9 =	smul.f32 s11, s11  }
0x1dc: {  	v9 =	vld [tilespmem:s10+$0xFFFFFF80]  }
0x1dd: {  	v11 =	vld [tilespmem:s10+$0xFFFFFF90];
	s9 =	ssub.f32 s13, s9  }
0x1de: {  	v12 =	vld [tilespmem:s10+$0xFFFFFFA0]  }
0x1df: {  	v13 =	vld [tilespmem:s10+$0xFFFFFFB0];
	s9 =	smax.f32 s9, $0.0e+00  }
0x1e0: {  	v14 =	vld [tilespmem:s10+$0xFFFFFFC0];
	s18 =	sadd.f32 $9.999999960e-13, s9  }
0x1e1: {  	v15 =	vld [tilespmem:s10+$0xFFFFFFD0]  }
0x1e2: {  	v16 =	vld [tilespmem:s10+$0xFFFFFFE0];
	v0 =	vmov s18  }
0x1e3: {  	v17 =	vld [tilespmem:s10+$0xFFFFFFF0];
	v1 =	vshrl.u32 v0, $0x1;
	v0 =	vmul.f32 $5.000000000e-01, v0  }
0x1e4: {  	v18 =	vld [tilespmem:s10+$0x0];
	v1 =	vsub.s32 $0x5F3759DF, v1  }
0x1e5: {  	v19 =	vld [tilespmem:s10+$0x10];
	v2 =	vmul.f32 v1, v0  }
0x1e6: {  	v20 =	vld [tilespmem:s10+$0x20]  }
0x1e7: {  	v21 =	vld [tilespmem:s10+$0x30];
	v2 =	vmul.f32 v1, v2  }
0x1e8: {  	v22 =	vld [tilespmem:s10+$0x40]  }
0x1e9: {  	v23 =	vld [tilespmem:s10+$0x50];
	v2 =	vsub.f32 $1.500000000e+00, v2  }
0x1ea: {  	v24 =	vld [tilespmem:s10+$0x60]  }
0x1eb: {  	v25 =	vld [tilespmem:s10+$0x70];
	v1 =	vmul.f32 v1, v2  }
0x1ec: {  	v26 =	vld [tilespmem:s10+$0x80]  }
0x1ed: {  	v27 =	vld [tilespmem:s10+$0xFFFFFF40];
	v2 =	vmul.f32 v1, v0  }
0x1ee: {  	v29 =	vld [tilespmem:s7+$0xFFFFFF40]  }
0x1ef: {  	v30 =	vld [tilespmem:s7+$0xFFFFFF50];
	v2 =	vmul.f32 v2, v1  }
0x1f0: {  	v31 =	vld [tilespmem:s7+$0xFFFFFF60]  }
0x1f1: {  	v32 =	vld [tilespmem:s7+$0xFFFFFF70];
	v2 =	vsub.f32 $1.500000000e+00, v2  }
0x1f2: {  	v33 =	vld [tilespmem:s7+$0xFFFFFF80]  }
0x1f3: {  	v34 =	vld [tilespmem:s7+$0xFFFFFF90];
	v1 =	vmul.f32 v2, v1  }
0x1f4: {  	v61 =	vld [tilespmem:s7+$0xFFFFFFA0]  }
0x1f5: {  	v35 =	vld [tilespmem:s7+$0xFFFFFFB0];
	v28 =	vmul.f32 v1, v0  }
0x1f6: {  	v36 =	vld [tilespmem:s7+$0xFFFFFFC0]  }
0x1f7: {  	v37 =	vld [tilespmem:s7+$0xFFFFFFD0];
	v28 =	vmul.f32 v28, v1  }
0x1f8: {  	v38 =	vld [tilespmem:s7+$0xFFFFFFE0]  }
0x1f9: {  	v39 =	vld [tilespmem:s7+$0xFFFFFFF0];
	v28 =	vsub.f32 $1.500000000e+00, v28  }
0x1fa: {  	v41 =	vld [tilespmem:s7+$0x0]  }
0x1fb: {  	v42 =	vld [tilespmem:s7+$0x10];
	v1 =	vmul.f32 v28, v1  }
0x1fc: {  	v6 =	vld [tilespmem:s10+$0xFFFFFF60]  }
0x1fd: {  	v4 =	vld [tilespmem:s10+$0xB0];
	v0 =	vmul.f32 v1, v0  }
0x1fe: {  	v5 =	vld [tilespmem:s10+$0xFFFFFF50]  }
0x1ff: {  	v62 =	vld [tilespmem:s7+$0x20];
	v0 =	vmul.f32 v0, v1  }
0x200: {  	v43 =	vld [tilespmem:s7+$0x30]  }
0x201: {  	v44 =	vld [tilespmem:s7+$0x40];
	v40 =	vsub.f32 $1.500000000e+00, v0;
	v0 =	vmov s11  }
0x202: {  	v45 =	vld [tilespmem:s7+$0x50];
	v4 =	vsub.f32 v4, v0  }
0x203: {  	v3 =	vld [tilespmem:s10+$0x90];
	s9 =	simm.s32 $0x12EC0;
	v5 =	vsub.f32 v5, v0;
	v6 =	vsub.f32 v6, v0  }
0x204: {  	v10 =	vld [tilespmem:s9+$0xB0];
	v7 =	vsub.f32 v7, v0;
	v27 =	vsub.f32 v27, v0;
	v1 =	vmul.f32 v40, v1  }
0x205: {  	v63 =	vld [tilespmem:s9+$0xFFFFFF40];
	v11 =	vsub.f32 v11, v0;
	v12 =	vsub.f32 v12, v0  }
0x206: {  	v46 =	vld [tilespmem:s9+$0xFFFFFF50];
	v13 =	vsub.f32 v13, v0;
	v14 =	vsub.f32 v14, v0;
	v4 =	vmul.f32 v4, v1  }
0x207: {  	v47 =	vld [tilespmem:s9+$0xFFFFFF70];
	v15 =	vsub.f32 v15, v0;
	v5 =	vmul.f32 v5, v1;
	v6 =	vmul.f32 v6, v1  }
0x208: {  	v48 =	vld [tilespmem:s9+$0xFFFFFF80];
	v16 =	vsub.f32 v16, v0;
	v7 =	vmul.f32 v7, v1;
	v27 =	vmul.f32 v27, v1  }
0x209: {  	v49 =	vld [tilespmem:s9+$0xFFFFFF90];
	v17 =	vsub.f32 v17, v0;
	v11 =	vmul.f32 v11, v1;
	v12 =	vmul.f32 v12, v1  }
0x20a: {  	v50 =	vld [tilespmem:s9+$0xFFFFFFA0];
	v18 =	vsub.f32 v18, v0;
	v13 =	vmul.f32 v13, v1;
	v14 =	vmul.f32 v14, v1  }
0x20b: {  	v51 =	vld [tilespmem:s9+$0xFFFFFFC0];
	v20 =	vsub.f32 v20, v0;
	v16 =	vmul.f32 v16, v1;
	v17 =	vmul.f32 v17, v1  }
0x20c: {  	v52 =	vld [tilespmem:s9+$0xFFFFFFD0];
	v53 =	vsub.f32 v23, v0;
	v18 =	vmul.f32 v18, v1;
	v4 =	vmul.f32 v4, v8  }
0x20d: {  	v54 =	vld [tilespmem:s9+$0xFFFFFFE0];
	v3 =	vsub.f32 v3, v0;
	v5 =	vmul.f32 v5, v30;
	v6 =	vmul.f32 v6, v31  }
0x20e: {  	v27 =	vmul.f32 v27, v29;
	v4 =	vadd.f32 v4, v10;
	v10 =	vmul.f32 v15, v1;
	v15 =	vld [tilespmem:s9+$0xFFFFFF60]  }
0x20f: {  	v55 =	vld [tilespmem:s9+$0xFFFFFFF0];
	v8 =	vsub.f32 v9, v0;
	v7 =	vmul.f32 v7, v32;
	v11 =	vmul.f32 v11, v34  }
0x210: {  	v57 =	vld [tilespmem:s9+$0x10];
	v12 =	vmul.f32 v12, v61;
	v13 =	vmul.f32 v13, v35;
	v27 =	vadd.f32 v27, v63  }
0x211: {  	v58 =	vld [tilespmem:s9+$0x30];
	v14 =	vmul.f32 v14, v36;
	v16 =	vmul.f32 v16, v38;
	v5 =	vadd.f32 v5, v46;
	[tilespmem:s10+$0xB0] =	vst v4  }
0x212: {  	v59 =	vld [tilespmem:s9+$0x40];
	v8 =	vmul.f32 v8, v1;
	v7 =	vadd.f32 v7, v47;
	v11 =	vadd.f32 v11, v49;
	[tilespmem:s10+$0xFFFFFF40] =	vst v27  }
0x213: {  	v17 =	vmul.f32 v17, v39;
	v12 =	vadd.f32 v12, v50;
	[tilespmem:s10+$0xFFFFFF50] =	vst v5;
	v6 =	vadd.f32 v6, v15;
	v15 =	vld [tilespmem:s9+$0xFFFFFFB0]  }
0x214: {  	v2 =	vld [tilespmem:s10+$0xA0];
	v14 =	vadd.f32 v14, v51;
	v8 =	vmul.f32 v8, v33;
	v4 =	vsub.f32 v19, v0;
	[tilespmem:s10+$0xFFFFFF70] =	vst v7  }
0x215: {  	v9 =	vld [tilespmem:s7+$0x60];
	v18 =	vmul.f32 v18, v41;
	v16 =	vadd.f32 v16, v54;
	v5 =	vsub.f32 v21, v0;
	[tilespmem:s10+$0xFFFFFF90] =	vst v11  }
0x216: {  	v30 =	vld [tilespmem:s7+$0x70];
	v10 =	vmul.f32 v10, v37;
	[tilespmem:s10+$0xFFFFFFA0] =	vst v12;
	v4 =	vmul.f32 v4, v1;
	v8 =	vadd.f32 v8, v48  }
0x217: {  	v31 =	vld [tilespmem:s7+$0x80];
	v7 =	vmul.f32 v20, v1;
	v11 =	vsub.f32 v25, v0;
	[tilespmem:s10+$0xFFFFFFC0] =	vst v14;
	v5 =	vmul.f32 v5, v1  }
0x218: {  	v29 =	vld [tilespmem:s7+$0x90];
	[tilespmem:s10+$0xFFFFFF80] =	vst v8;
	v8 =	vsub.f32 v24, v0;
	v4 =	vmul.f32 v4, v42;
	v13 =	vadd.f32 v13, v15  }
0x219: {  	v2 =	vsub.f32 v2, v0;
	[tilespmem:s10+$0xFFFFFFE0] =	vst v16;
	v11 =	vmul.f32 v11, v1;
	v5 =	vmul.f32 v5, v43;
	v15 =	vld [tilespmem:s9+$0x0]  }
0x21a: {  	v4 =	vadd.f32 v4, v57;
	[tilespmem:s10+$0xFFFFFFB0] =	vst v13;
	v13 =	vmul.f32 v8, v1;
	v8 =	vadd.f32 v10, v52;
	v10 =	vld [tilespmem:s9+$0x20]  }
0x21b: {  	v61 =	vld [tilespmem:s9+$0x50];
	v12 =	vmul.f32 v53, v1;
	v60 =	vmul.f32 v7, v62;
	[tilespmem:s10+$0xFFFFFF60] =	vst v6;
	v6 =	vsub.f32 v22, v0  }
0x21c: {  	p1 =	por $0x1, $0x1;
	v32 =	vld [tilespmem:s7+$0xA0];
	v62 =	vmul.f32 v2, v1;
	v2 =	vmul.f32 v11, v30;
	v11 =	vadd.f32 v5, v58;
	[tilespmem:s10+$0x10] =	vst v4  }
.Ltmp9:
0x21d: {  	v56 =	vsub.f32 v26, v0;
	v7 =	vld [tilespmem:s9+$0x60];
	v6 =	vmul.f32 v6, v1;
	[tilespmem:s10+$0xFFFFFFD0] =	vst v8;
	v8 =	vadd.f32 v17, v55;
	(pc) =	sbr.rel @!p1 .LBB2_17-.Ltmp9, $4  }
0x21e: {  	v3 =	vmul.f32 v3, v1;
	v12 =	vmul.f32 v12, v45;
	[tilespmem:s10+$0x30] =	vst v11;
	v11 =	vld [tilespmem:s9+$0xA0];
	v15 =	vadd.f32 v18, v15  }
0x21f: {  	v14 =	vmul.f32 v56, v1;
	v63 =	vmul.f32 v6, v44;
	[tilespmem:s10+$0xFFFFFFF0] =	vst v8;
	v8 =	vld [tilespmem:s9+$0x70];
	v10 =	vadd.f32 v60, v10  }
0x220: {  	v3 =	vmul.f32 v3, v29;
	v12 =	vadd.f32 v12, v61;
	v6 =	vmul.f32 v13, v9;
	v9 =	vld [tilespmem:s9+$0x80];
	[tilespmem:s10+$0x0] =	vst v15  }
0x221: {  	s12 =	simm.s32 $0x0;
	s18 =	smov.u32 s10;
	s11 =	sadd.s32 $0x180, s10;
	v5 =	vmul.f32 v14, v31;
	v4 =	vmul.f32 v62, v32;
	v13 =	vadd.f32 v63, v59;
	[tilespmem:s10+$0x20] =	vst v10;
	v10 =	vld [tilespmem:s9+$0x90]  }
.LBB2_16:
0x222: {  	s13 =	smov.u32 s12  }
0x223: {  	v14 =	vld [tilespmem:s11+$0xB0];
	[tilespmem:s18+$0x40] =	vst v13;
	v6 =	vadd.f32 v6, v7;
	s13 =	sadd.s32 $0x180, s12  }
0x224: {  	v2 =	vadd.f32 v2, v8;
	v7 =	vld [tilespmem:s11+$0xFFFFFF50];
	p1 =	slt.u32 s13, s12;
	[tilespmem:s18+$0x50] =	vst v12  }
0x225: {  	v5 =	vadd.f32 v5, v9;
	v8 =	vld [tilespmem:s11+$0xFFFFFF60];
	[tilespmem:s18+$0x60] =	vst v6  }
0x226: {  	s7 =	sadd.s32 $0x180, s7;
	v6 =	vld [tilespmem:s11+$0xFFFFFF70];
	[tilespmem:s18+$0x70] =	vst v2;
	v2 =	vadd.f32 v3, v10  }
0x227: {  	v4 =	vadd.f32 v4, v11;
	v3 =	vld [tilespmem:s7+$0xB0];
	[tilespmem:s18+$0x80] =	vst v5  }
0x228: {  	s9 =	sadd.s32 $0x180, s9;
	v9 =	vsub.f32 v14, v0;
	v5 =	vld [tilespmem:s11+$0xFFFFFF80];
	[tilespmem:s18+$0x90] =	vst v2  }
0x229: {  	v2 =	vsub.f32 v7, v0;
	v7 =	vld [tilespmem:s9+$0xB0];
	[tilespmem:s18+$0xA0] =	vst v4;
	s18 =	smov.u32 s11  }
0x22a: {  	v9 =	vmul.f32 v9, v1;
	v4 =	vsub.f32 v8, v0;
	v8 =	vld [tilespmem:s11+$0xFFFFFF90]  }
0x22b: {  	v2 =	vmul.f32 v2, v1;
	v6 =	vsub.f32 v6, v0;
	v10 =	vld [tilespmem:s11+$0xFFFFFFA0]  }
0x22c: {  	v4 =	vmul.f32 v4, v1;
	v11 =	vld [tilespmem:s11+$0xFFFFFFB0];
	v3 =	vmul.f32 v9, v3  }
0x22d: {  	v6 =	vmul.f32 v6, v1;
	v5 =	vsub.f32 v5, v0;
	v9 =	vld [tilespmem:s11+$0xFFFFFFC0]  }
0x22e: {  	v12 =	vld [tilespmem:s11+$0xFFFFFFD0];
	v3 =	vadd.f32 v3, v7  }
0x22f: {  	v5 =	vmul.f32 v5, v1;
	v7 =	vsub.f32 v8, v0;
	v8 =	vld [tilespmem:s11+$0xFFFFFFE0]  }
0x230: {  	v10 =	vsub.f32 v10, v0;
	v13 =	vld [tilespmem:s11+$0xFFFFFFF0];
	[tilespmem:s11+$0xB0] =	vst v3  }
0x231: {  	v3 =	vmul.f32 v7, v1;
	v7 =	vsub.f32 v11, v0;
	v11 =	vld [tilespmem:s11+$0x0]  }
0x232: {  	v10 =	vmul.f32 v10, v1;
	v9 =	vsub.f32 v9, v0;
	v14 =	vld [tilespmem:s11+$0x10]  }
0x233: {  	v7 =	vmul.f32 v7, v1;
	v12 =	vsub.f32 v12, v0;
	v15 =	vld [tilespmem:s11+$0x20]  }
0x234: {  	v9 =	vmul.f32 v9, v1;
	v8 =	vsub.f32 v8, v0;
	v16 =	vld [tilespmem:s11+$0x30]  }
0x235: {  	v12 =	vmul.f32 v12, v1;
	v13 =	vsub.f32 v13, v0;
	v17 =	vld [tilespmem:s11+$0x40]  }
0x236: {  	v8 =	vmul.f32 v8, v1;
	v11 =	vsub.f32 v11, v0;
	v18 =	vld [tilespmem:s11+$0x50]  }
0x237: {  	v13 =	vmul.f32 v13, v1;
	v14 =	vsub.f32 v14, v0;
	v19 =	vld [tilespmem:s11+$0x60]  }
0x238: {  	v11 =	vmul.f32 v11, v1;
	v15 =	vsub.f32 v15, v0;
	v20 =	vld [tilespmem:s11+$0x70]  }
0x239: {  	v14 =	vmul.f32 v14, v1;
	v16 =	vsub.f32 v16, v0;
	v21 =	vld [tilespmem:s11+$0x80]  }
0x23a: {  	v15 =	vmul.f32 v15, v1;
	v17 =	vsub.f32 v17, v0;
	v22 =	vld [tilespmem:s11+$0x90]  }
0x23b: {  	v16 =	vmul.f32 v16, v1;
	v18 =	vsub.f32 v18, v0;
	v23 =	vld [tilespmem:s11+$0xA0]  }
0x23c: {  	v24 =	vld [tilespmem:s11+$0xFFFFFF40];
	v17 =	vmul.f32 v17, v1;
	v19 =	vsub.f32 v19, v0  }
0x23d: {  	v25 =	vld [tilespmem:s7+$0xFFFFFF40];
	v18 =	vmul.f32 v18, v1;
	v20 =	vsub.f32 v20, v0  }
0x23e: {  	v26 =	vld [tilespmem:s7+$0xFFFFFF50];
	v19 =	vmul.f32 v19, v1;
	v21 =	vsub.f32 v21, v0  }
0x23f: {  	v27 =	vld [tilespmem:s7+$0xFFFFFF60];
	v20 =	vmul.f32 v20, v1;
	v22 =	vsub.f32 v22, v0  }
0x240: {  	v28 =	vld [tilespmem:s7+$0xFFFFFF70];
	v21 =	vmul.f32 v21, v1;
	v23 =	vsub.f32 v23, v0  }
0x241: {  	v24 =	vsub.f32 v24, v0;
	v29 =	vld [tilespmem:s7+$0xFFFFFF80];
	v22 =	vmul.f32 v22, v1  }
0x242: {  	v30 =	vld [tilespmem:s7+$0xFFFFFF90];
	v23 =	vmul.f32 v23, v1  }
0x243: {  	v24 =	vmul.f32 v24, v1;
	v26 =	vmul.f32 v2, v26;
	v2 =	vld [tilespmem:s7+$0xFFFFFFA0]  }
0x244: {  	v27 =	vmul.f32 v4, v27;
	v4 =	vld [tilespmem:s7+$0xFFFFFFB0]  }
0x245: {  	v24 =	vmul.f32 v24, v25;
	v25 =	vmul.f32 v6, v28;
	v6 =	vld [tilespmem:s7+$0xFFFFFFC0]  }
0x246: {  	v28 =	vmul.f32 v5, v29;
	v5 =	vld [tilespmem:s7+$0xFFFFFFD0]  }
0x247: {  	v29 =	vmul.f32 v3, v30;
	v3 =	vld [tilespmem:s7+$0xFFFFFFE0]  }
0x248: {  	v10 =	vmul.f32 v10, v2;
	v2 =	vld [tilespmem:s7+$0xFFFFFFF0]  }
0x249: {  	v7 =	vmul.f32 v7, v4;
	v4 =	vld [tilespmem:s7+$0x0]  }
0x24a: {  	v9 =	vmul.f32 v9, v6;
	v6 =	vld [tilespmem:s7+$0x10]  }
0x24b: {  	v12 =	vmul.f32 v12, v5;
	v5 =	vld [tilespmem:s7+$0x20]  }
0x24c: {  	v8 =	vmul.f32 v8, v3;
	v3 =	vld [tilespmem:s7+$0x30]  }
0x24d: {  	v13 =	vmul.f32 v13, v2;
	v2 =	vld [tilespmem:s7+$0x40]  }
0x24e: {  	v11 =	vmul.f32 v11, v4;
	v4 =	vld [tilespmem:s7+$0x50]  }
0x24f: {  	v14 =	vmul.f32 v14, v6;
	v6 =	vld [tilespmem:s7+$0x60]  }
0x250: {  	v15 =	vmul.f32 v15, v5;
	v5 =	vld [tilespmem:s7+$0x70]  }
0x251: {  	v16 =	vmul.f32 v16, v3;
	v3 =	vld [tilespmem:s7+$0x80]  }
0x252: {  	v17 =	vmul.f32 v17, v2;
	v30 =	vld [tilespmem:s7+$0x90]  }
0x253: {  	v18 =	vmul.f32 v18, v4;
	v4 =	vld [tilespmem:s7+$0xA0]  }
0x254: {  	v31 =	vld [tilespmem:s9+$0xFFFFFF40];
	v6 =	vmul.f32 v19, v6  }
0x255: {  	v19 =	vld [tilespmem:s9+$0xFFFFFF50];
	v2 =	vmul.f32 v20, v5  }
0x256: {  	v20 =	vld [tilespmem:s9+$0xFFFFFF60];
	v5 =	vmul.f32 v21, v3  }
0x257: {  	v21 =	vld [tilespmem:s9+$0xFFFFFF70];
	v3 =	vmul.f32 v22, v30  }
0x258: {  	v22 =	vld [tilespmem:s9+$0xFFFFFF80];
	v4 =	vmul.f32 v23, v4  }
0x259: {  	v23 =	vadd.f32 v24, v31;
	v24 =	vld [tilespmem:s9+$0xFFFFFF90]  }
0x25a: {  	v19 =	vadd.f32 v26, v19;
	v26 =	vld [tilespmem:s9+$0xFFFFFFA0]  }
0x25b: {  	[tilespmem:s11+$0xFFFFFF40] =	vst v23;
	v20 =	vadd.f32 v27, v20;
	v23 =	vld [tilespmem:s9+$0xFFFFFFB0]  }
0x25c: {  	[tilespmem:s11+$0xFFFFFF50] =	vst v19;
	v19 =	vadd.f32 v25, v21;
	v21 =	vld [tilespmem:s9+$0xFFFFFFC0]  }
0x25d: {  	[tilespmem:s11+$0xFFFFFF60] =	vst v20;
	v20 =	vadd.f32 v28, v22;
	v22 =	vld [tilespmem:s9+$0xFFFFFFD0]  }
0x25e: {  	[tilespmem:s11+$0xFFFFFF70] =	vst v19;
	v19 =	vadd.f32 v29, v24;
	v24 =	vld [tilespmem:s9+$0xFFFFFFE0]  }
0x25f: {  	[tilespmem:s11+$0xFFFFFF80] =	vst v20;
	v10 =	vadd.f32 v10, v26;
	v20 =	vld [tilespmem:s9+$0xFFFFFFF0]  }
0x260: {  	[tilespmem:s11+$0xFFFFFF90] =	vst v19;
	v7 =	vadd.f32 v7, v23;
	v19 =	vld [tilespmem:s9+$0x0]  }
0x261: {  	[tilespmem:s11+$0xFFFFFFA0] =	vst v10;
	v9 =	vadd.f32 v9, v21;
	v10 =	vld [tilespmem:s9+$0x10]  }
0x262: {  	[tilespmem:s11+$0xFFFFFFB0] =	vst v7;
	v7 =	vadd.f32 v12, v22;
	v12 =	vld [tilespmem:s9+$0x20]  }
0x263: {  	[tilespmem:s11+$0xFFFFFFC0] =	vst v9;
	v8 =	vadd.f32 v8, v24;
	v9 =	vld [tilespmem:s9+$0x30]  }
0x264: {  	[tilespmem:s11+$0xFFFFFFD0] =	vst v7;
	v7 =	vadd.f32 v13, v20;
	v13 =	vld [tilespmem:s9+$0x40]  }
0x265: {  	[tilespmem:s11+$0xFFFFFFE0] =	vst v8;
	v8 =	vadd.f32 v11, v19;
	v11 =	vld [tilespmem:s9+$0x50]  }
.Ltmp10:
0x266: {  	[tilespmem:s11+$0xFFFFFFF0] =	vst v7;
	v10 =	vadd.f32 v14, v10;
	v7 =	vld [tilespmem:s9+$0x60];
	(pc) =	sbr.rel @p1 .LBB2_16-.Ltmp10, $4  }
0x267: {  	[tilespmem:s11+$0x0] =	vst v8;
	v12 =	vadd.f32 v15, v12;
	v8 =	vld [tilespmem:s9+$0x70]  }
0x268: {  	[tilespmem:s11+$0x10] =	vst v10;
	v14 =	vadd.f32 v16, v9;
	v9 =	vld [tilespmem:s9+$0x80]  }
0x269: {  	[tilespmem:s11+$0x20] =	vst v12;
	v13 =	vadd.f32 v17, v13;
	v10 =	vld [tilespmem:s9+$0x90]  }
0x26a: {  	s12 =	smov.u32 s13;
	s11 =	sadd.s32 $0x180, s11;
	[tilespmem:s18+$0x30] =	vst v14;
	v12 =	vadd.f32 v18, v11;
	v11 =	vld [tilespmem:s9+$0xA0]  }
.LBB2_17:
0x26b: {  	_ = 	snop  }
0x26c: {  	v0 =	vadd.f32 v6, v7;
	s17 =	sadd.s32 $0x1, s17;
	[tilespmem:s18+$0x40] =	vst v13  }
0x26d: {  	[tilespmem:s18+$0x50] =	vst v12;
	p1 =	sne.s32 s17, $0x10;
	v1 =	vadd.f32 v2, v8  }
.Ltmp11:
0x26e: {  	[tilespmem:s18+$0x60] =	vst v0;
	v61 =	vadd.f32 v5, v9;
	(pc) =	sbr.rel @p1 .LBB2_13-.Ltmp11, $4  }
0x26f: {  	[tilespmem:s18+$0x70] =	vst v1;
	v62 =	vadd.f32 v3, v10  }
0x270: {  	v63 =	vadd.f32 v4, v11;
	[tilespmem:s18+$0x80] =	vst v61  }
0x271: {  	[tilespmem:s18+$0x90] =	vst v62  }
0x272: {  	s10 =	sadd.s32 $0x300, s10;
	s19 =	sadd.s32 $0x300, s19;
	s20 =	sadd.s32 $0x300, s20;
	[tilespmem:s18+$0xA0] =	vst v63  }
0x273: {  	s7 =	smul.u32 $0x300, s15;
	_ =	sdelay $0x1  }
0x274: {  	s7 =	sshrl.u32 s7, $0x3  }
0x275: {  	s15 =	sadd.s32 $0x3, s2;
	s7 =	sadd.s32 s8, s7  }
0x276: {  	s20 =	sshll.u32 s15, $0x4;
	s7 =	sadd.s32 $0xC000, s7  }
0x277: {  	[hbm4b:s7+s4] =	stream.linear.scatter [tilespmem:s26], [sflag:$0x4], $0x3000, $0x38;
	[tilespmem:$0x13100] =	vst v63  }
0x278: {  	s7 =	sand.u32 $0x3FFFFFF0, s20  }
0x279: {  	[tilespmem:s22], [sflag:$0x2] =	stream.indirect.gather [hbm4b:s6+s14], $0x300, s7, s14, $0xb8;
	[tilespmem:$0x13100] =	vst v63  }
0x27a: {  	_ =	swait.ge [sflag:s23], $0x3000  }
0x27b: {  	[sflag:s23] =	ssyncset.done $0x0  }
0x27c: {  	s7 =	simm.s32 @!p0 $0x5;
	[sflag:s23] =	ssyncadd.s32 $0xFFFFD000  }
0x27d: {  	_ =	swait.ge @!p0 [sflag:s7], $0x3000  }
0x27e: {  	s17 =	simm.s32 $0x0;
	s18 =	simm.s32 $0xC8C0;
	[sflag:s7] =	ssyncset.done @!p0 $0x0  }
0x27f: {  	s19 =	simm.s32 $0xF8C0;
	s20 =	simm.s32 $0x8C0;
	[sflag:s7] =	ssyncadd.s32 @!p0 $0xFFFFD000  }
.LBB2_19:
0x280: {  	v0 =	vld [tilespmem:s20+$0xFFFFFF40]  }
0x281: {  	v1 =	vld [tilespmem:s19+$0xFFFFFF40]  }
0x282: {  	v2 =	vld [tilespmem:s20+$0xFFFFFF50]  }
0x283: {  	v3 =	vld [tilespmem:s19+$0xFFFFFF50]  }
0x284: {  	v4 =	vld [tilespmem:s20+$0xFFFFFF60]  }
0x285: {  	v5 =	vld [tilespmem:s19+$0xFFFFFF60]  }
0x286: {  	v6 =	vld [tilespmem:s20+$0xFFFFFF70]  }
0x287: {  	v7 =	vld [tilespmem:s20+$0xFFFFFF80];
	v0 =	vadd.f32 v1, v0  }
0x288: {  	v1 =	vld [tilespmem:s19+$0xFFFFFF70]  }
0x289: {  	v8 =	vld [tilespmem:s19+$0xFFFFFF80];
	v9 =	vimm.f32 $0.0e+00;
	v2 =	vadd.f32 v3, v2;
	v3 =	vmul.f32 v0, v0  }
0x28a: {  	v11 =	vld [tilespmem:s19+$0xFFFFFF90];
	v10 =	vadd.f32 v0, v9  }
0x28b: {  	v12 =	vld [tilespmem:s19+$0xFFFFFFA0];
	v4 =	vadd.f32 v5, v4;
	v3 =	vadd.f32 v3, v9;
	v9 =	vmul.f32 v2, v2  }
0x28c: {  	v5 =	vld [tilespmem:s20+$0xFFFFFF90];
	v10 =	vadd.f32 v2, v10  }
0x28d: {  	v13 =	vld [tilespmem:s19+$0xFFFFFFB0];
	v1 =	vadd.f32 v1, v6;
	v3 =	vadd.f32 v9, v3;
	v9 =	vmul.f32 v4, v4  }
0x28e: {  	v6 =	vld [tilespmem:s20+$0xFFFFFFA0];
	v10 =	vadd.f32 v4, v10  }
0x28f: {  	v14 =	vld [tilespmem:s19+$0xFFFFFFC0];
	v7 =	vadd.f32 v8, v7;
	v3 =	vadd.f32 v9, v3;
	v9 =	vmul.f32 v1, v1  }
0x290: {  	v8 =	vld [tilespmem:s20+$0xFFFFFFB0];
	v10 =	vadd.f32 v1, v10  }
0x291: {  	v52 =	vld [tilespmem:s20+$0xFFFFFFD0];
	v5 =	vadd.f32 v11, v5;
	v3 =	vadd.f32 v9, v3;
	v9 =	vmul.f32 v7, v7  }
0x292: {  	v11 =	vld [tilespmem:s20+$0xFFFFFFC0];
	v10 =	vadd.f32 v7, v10  }
0x293: {  	v15 =	vld [tilespmem:s19+$0xFFFFFFD0];
	v6 =	vadd.f32 v12, v6;
	v3 =	vadd.f32 v9, v3;
	v9 =	vmul.f32 v5, v5  }
0x294: {  	v53 =	vld [tilespmem:s20+$0xFFFFFFE0];
	v10 =	vadd.f32 v5, v10  }
0x295: {  	v16 =	vld [tilespmem:s19+$0xFFFFFFE0];
	v8 =	vadd.f32 v13, v8;
	v3 =	vadd.f32 v9, v3;
	v9 =	vmul.f32 v6, v6  }
0x296: {  	v54 =	vld [tilespmem:s20+$0xFFFFFFF0];
	v10 =	vadd.f32 v6, v10  }
0x297: {  	v17 =	vld [tilespmem:s19+$0xFFFFFFF0];
	v11 =	vadd.f32 v14, v11;
	v3 =	vadd.f32 v9, v3;
	v9 =	vmul.f32 v8, v8  }
0x298: {  	v55 =	vld [tilespmem:s20+$0x0];
	v10 =	vadd.f32 v8, v10  }
0x299: {  	v18 =	vld [tilespmem:s19+$0x0];
	v12 =	vadd.f32 v15, v52;
	v3 =	vadd.f32 v9, v3;
	v9 =	vmul.f32 v11, v11  }
0x29a: {  	v56 =	vld [tilespmem:s20+$0x10];
	v10 =	vadd.f32 v11, v10  }
0x29b: {  	v19 =	vld [tilespmem:s19+$0x10];
	v13 =	vadd.f32 v16, v53;
	v3 =	vadd.f32 v9, v3;
	v9 =	vmul.f32 v12, v12  }
0x29c: {  	v57 =	vld [tilespmem:s20+$0x20];
	[tilespmem:s18+$0xFFFFFF50] =	vst v2;
	v2 =	vadd.f32 v12, v10  }
0x29d: {  	v58 =	vld [tilespmem:s20+$0x30];
	[tilespmem:s18+$0xFFFFFF40] =	vst v0;
	v0 =	vadd.f32 v17, v54;
	v3 =	vadd.f32 v9, v3;
	v9 =	vmul.f32 v13, v13  }
0x29e: {  	[tilespmem:s18+$0xFFFFFF70] =	vst v1;
	v10 =	vld [tilespmem:s19+$0x20];
	v1 =	vadd.f32 v13, v2  }
0x29f: {  	v59 =	vld [tilespmem:s20+$0x40];
	[tilespmem:s18+$0xFFFFFF60] =	vst v4;
	v4 =	vadd.f32 v18, v55;
	v2 =	vadd.f32 v9, v3;
	v3 =	vmul.f32 v0, v0  }
0x2a0: {  	[tilespmem:s18+$0xFFFFFF80] =	vst v7;
	v9 =	vld [tilespmem:s19+$0x30];
	v1 =	vadd.f32 v0, v1  }
0x2a1: {  	v60 =	vld [tilespmem:s19+$0x60];
	[tilespmem:s18+$0xFFFFFF90] =	vst v5;
	v7 =	vadd.f32 v19, v56;
	v2 =	vadd.f32 v3, v2;
	v3 =	vmul.f32 v4, v4  }
0x2a2: {  	[tilespmem:s18+$0xFFFFFFB0] =	vst v8;
	v5 =	vld [tilespmem:s19+$0x40];
	v1 =	vadd.f32 v4, v1  }
0x2a3: {  	[tilespmem:s18+$0xFFFFFFA0] =	vst v6;
	v8 =	vld [tilespmem:s19+$0x50];
	v6 =	vadd.f32 v10, v57;
	v2 =	vadd.f32 v3, v2;
	v3 =	vmul.f32 v7, v7  }
0x2a4: {  	[tilespmem:s18+$0xFFFFFFF0] =	vst v0;
	v10 =	vld [tilespmem:s20+$0x50];
	v1 =	vadd.f32 v7, v1  }
0x2a5: {  	v61 =	vld [tilespmem:s20+$0x70];
	[tilespmem:s18+$0xFFFFFFE0] =	vst v13;
	v9 =	vadd.f32 v9, v58;
	v2 =	vadd.f32 v3, v2;
	v3 =	vmul.f32 v6, v6  }
0x2a6: {  	[tilespmem:s18+$0xFFFFFFC0] =	vst v11;
	v11 =	vld [tilespmem:s20+$0x60];
	v0 =	vadd.f32 v6, v1  }
0x2a7: {  	[tilespmem:s18+$0x10] =	vst v7;
	v5 =	vadd.f32 v5, v59;
	v7 =	vld [tilespmem:s19+$0x80];
	v1 =	vadd.f32 v3, v2;
	v2 =	vmul.f32 v9, v9  }
0x2a8: {  	[tilespmem:s18+$0x0] =	vst v4;
	v3 =	vld [tilespmem:s19+$0x70];
	v0 =	vadd.f32 v9, v0  }
0x2a9: {  	[tilespmem:s18+$0xFFFFFFD0] =	vst v12;
	v4 =	vmul.f32 v5, v5;
	v8 =	vadd.f32 v8, v10;
	v10 =	vld [tilespmem:s20+$0x80];
	v2 =	vadd.f32 v2, v1  }
0x2aa: {  	p0 =	por $0x1, $0x1;
	[tilespmem:s18+$0x20] =	vst v6;
	v1 =	vld [tilespmem:s20+$0x90];
	v0 =	vadd.f32 v5, v0  }
.Ltmp12:
0x2ab: {  	v11 =	vadd.f32 v60, v11;
	[tilespmem:s18+$0x30] =	vst v9;
	v9 =	vmul.f32 v8, v8;
	v6 =	vadd.f32 v4, v2;
	v4 =	vld [tilespmem:s19+$0x90];
	(pc) =	sbr.rel @!p0 .LBB2_21-.Ltmp12, $4  }
0x2ac: {  	[tilespmem:s18+$0x50] =	vst v8;
	v2 =	vld [tilespmem:s20+$0xA0];
	v8 =	vadd.f32 v8, v0  }
0x2ad: {  	[tilespmem:s18+$0x40] =	vst v5;
	v63 =	vmul.f32 v11, v11;
	v5 =	vadd.f32 v3, v61;
	v62 =	vadd.f32 v9, v6;
	v6 =	vld [tilespmem:s19+$0xA0]  }
0x2ae: {  	s12 =	simm.s32 $0x0;
	[tilespmem:s18+$0x60] =	vst v11;
	v0 =	vadd.f32 v7, v10;
	v7 =	vld [tilespmem:s19+$0xB0]  }
0x2af: {  	s9 =	sadd.s32 $0x180, s20;
	s7 =	smov.u32 s18;
	s10 =	smov.u32 s19;
	v3 =	vld [tilespmem:s20+$0xB0];
	v9 =	vadd.f32 v11, v8;
	[tilespmem:s18+$0x70] =	vst v5;
	v10 =	vmul.f32 v5, v5;
	v8 =	vadd.f32 v63, v62  }
.LBB2_20:
0x2b0: {  	v11 =	vld [tilespmem:s9+$0xFFFFFF40];
	[tilespmem:s7+$0x80] =	vst v0;
	v1 =	vadd.f32 v4, v1;
	s10 =	sadd.s32 $0x180, s10;
	s11 =	smov.u32 s12  }
0x2b1: {  	v4 =	vld [tilespmem:s10+$0xFFFFFF40];
	v5 =	vadd.f32 v5, v9;
	v8 =	vadd.f32 v10, v8;
	v9 =	vmul.f32 v0, v0  }
0x2b2: {  	s11 =	sadd.s32 $0x180, s12;
	v10 =	vld [tilespmem:s9+$0xFFFFFF50];
	[tilespmem:s7+$0x90] =	vst v1;
	v2 =	vadd.f32 v6, v2  }
0x2b3: {  	p0 =	slt.u32 s11, s12;
	v6 =	vld [tilespmem:s10+$0xFFFFFF50];
	v0 =	vadd.f32 v0, v5;
	v5 =	vadd.f32 v9, v8;
	v8 =	vmul.f32 v1, v1  }
0x2b4: {  	v9 =	vld [tilespmem:s9+$0xFFFFFF60];
	[tilespmem:s7+$0xA0] =	vst v2;
	v3 =	vadd.f32 v7, v3  }
0x2b5: {  	v7 =	vld [tilespmem:s10+$0xFFFFFF60];
	v0 =	vadd.f32 v1, v0;
	v1 =	vadd.f32 v8, v5;
	v5 =	vmul.f32 v2, v2  }
0x2b6: {  	v4 =	vadd.f32 v4, v11;
	v8 =	vld [tilespmem:s9+$0xFFFFFF70];
	[tilespmem:s7+$0xB0] =	vst v3  }
0x2b7: {  	s7 =	sadd.s32 $0x180, s7;
	v11 =	vld [tilespmem:s10+$0xFFFFFF70];
	v0 =	vadd.f32 v2, v0;
	v1 =	vadd.f32 v5, v1;
	v2 =	vmul.f32 v3, v3  }
0x2b8: {  	[tilespmem:s7+$0xFFFFFF40] =	vst v4;
	v5 =	vadd.f32 v6, v10;
	v6 =	vld [tilespmem:s9+$0xFFFFFF80]  }
0x2b9: {  	v10 =	vmul.f32 v4, v4;
	v12 =	vld [tilespmem:s10+$0xFFFFFF80];
	v0 =	vadd.f32 v3, v0;
	v1 =	vadd.f32 v2, v1  }
0x2ba: {  	[tilespmem:s7+$0xFFFFFF50] =	vst v5;
	v2 =	vadd.f32 v7, v9;
	v3 =	vld [tilespmem:s9+$0xFFFFFF90]  }
0x2bb: {  	v0 =	vadd.f32 v4, v0;
	v1 =	vadd.f32 v10, v1;
	v4 =	vmul.f32 v5, v5;
	v7 =	vld [tilespmem:s10+$0xFFFFFF90]  }
0x2bc: {  	[tilespmem:s7+$0xFFFFFF60] =	vst v2;
	v8 =	vadd.f32 v11, v8;
	v9 =	vld [tilespmem:s9+$0xFFFFFFA0]  }
0x2bd: {  	v0 =	vadd.f32 v5, v0;
	v1 =	vadd.f32 v4, v1;
	v4 =	vmul.f32 v2, v2;
	v5 =	vld [tilespmem:s10+$0xFFFFFFA0]  }
0x2be: {  	[tilespmem:s7+$0xFFFFFF70] =	vst v8;
	v6 =	vadd.f32 v12, v6;
	v10 =	vld [tilespmem:s9+$0xFFFFFFB0]  }
0x2bf: {  	v0 =	vadd.f32 v2, v0;
	v1 =	vadd.f32 v4, v1;
	v2 =	vmul.f32 v8, v8;
	v4 =	vld [tilespmem:s10+$0xFFFFFFB0]  }
0x2c0: {  	[tilespmem:s7+$0xFFFFFF80] =	vst v6;
	v3 =	vadd.f32 v7, v3;
	v7 =	vld [tilespmem:s9+$0xFFFFFFC0]  }
0x2c1: {  	v0 =	vadd.f32 v8, v0;
	v1 =	vadd.f32 v2, v1;
	v2 =	vmul.f32 v6, v6;
	v8 =	vld [tilespmem:s10+$0xFFFFFFC0]  }
0x2c2: {  	[tilespmem:s7+$0xFFFFFF90] =	vst v3;
	v5 =	vadd.f32 v5, v9;
	v9 =	vld [tilespmem:s9+$0xFFFFFFD0]  }
0x2c3: {  	v0 =	vadd.f32 v6, v0;
	v1 =	vadd.f32 v2, v1;
	v2 =	vmul.f32 v3, v3;
	v6 =	vld [tilespmem:s10+$0xFFFFFFD0]  }
0x2c4: {  	[tilespmem:s7+$0xFFFFFFA0] =	vst v5;
	v4 =	vadd.f32 v4, v10;
	v10 =	vld [tilespmem:s9+$0xFFFFFFE0]  }
0x2c5: {  	v0 =	vadd.f32 v3, v0;
	v1 =	vadd.f32 v2, v1;
	v2 =	vmul.f32 v5, v5;
	v3 =	vld [tilespmem:s10+$0xFFFFFFE0]  }
0x2c6: {  	[tilespmem:s7+$0xFFFFFFB0] =	vst v4;
	v7 =	vadd.f32 v8, v7;
	v8 =	vld [tilespmem:s9+$0xFFFFFFF0]  }
0x2c7: {  	v0 =	vadd.f32 v5, v0;
	v1 =	vadd.f32 v2, v1;
	v2 =	vmul.f32 v4, v4;
	v5 =	vld [tilespmem:s10+$0xFFFFFFF0]  }
0x2c8: {  	[tilespmem:s7+$0xFFFFFFC0] =	vst v7;
	v6 =	vadd.f32 v6, v9;
	v9 =	vld [tilespmem:s9+$0x0]  }
0x2c9: {  	v0 =	vadd.f32 v4, v0;
	v1 =	vadd.f32 v2, v1;
	v2 =	vmul.f32 v7, v7;
	v4 =	vld [tilespmem:s10+$0x0]  }
0x2ca: {  	[tilespmem:s7+$0xFFFFFFD0] =	vst v6;
	v3 =	vadd.f32 v3, v10;
	v10 =	vld [tilespmem:s9+$0x10]  }
0x2cb: {  	v0 =	vadd.f32 v7, v0;
	v1 =	vadd.f32 v2, v1;
	v2 =	vmul.f32 v6, v6;
	v7 =	vld [tilespmem:s10+$0x10]  }
0x2cc: {  	[tilespmem:s7+$0xFFFFFFE0] =	vst v3;
	v5 =	vadd.f32 v5, v8;
	v8 =	vld [tilespmem:s9+$0x20]  }
0x2cd: {  	v0 =	vadd.f32 v6, v0;
	v1 =	vadd.f32 v2, v1;
	v2 =	vmul.f32 v3, v3;
	v6 =	vld [tilespmem:s10+$0x20]  }
0x2ce: {  	[tilespmem:s7+$0xFFFFFFF0] =	vst v5;
	v4 =	vadd.f32 v4, v9;
	v9 =	vld [tilespmem:s9+$0x30]  }
0x2cf: {  	v0 =	vadd.f32 v3, v0;
	v1 =	vadd.f32 v2, v1;
	v2 =	vmul.f32 v5, v5;
	v3 =	vld [tilespmem:s10+$0x30]  }
0x2d0: {  	[tilespmem:s7+$0x0] =	vst v4;
	v7 =	vadd.f32 v7, v10;
	v10 =	vld [tilespmem:s9+$0x40]  }
0x2d1: {  	v0 =	vadd.f32 v5, v0;
	v1 =	vadd.f32 v2, v1;
	v2 =	vmul.f32 v4, v4;
	v5 =	vld [tilespmem:s10+$0x40]  }
0x2d2: {  	[tilespmem:s7+$0x10] =	vst v7;
	v6 =	vadd.f32 v6, v8;
	v8 =	vld [tilespmem:s9+$0x50]  }
0x2d3: {  	v0 =	vadd.f32 v4, v0;
	v1 =	vadd.f32 v2, v1;
	v2 =	vmul.f32 v7, v7;
	v4 =	vld [tilespmem:s10+$0x50]  }
0x2d4: {  	[tilespmem:s7+$0x20] =	vst v6;
	v3 =	vadd.f32 v3, v9;
	v9 =	vld [tilespmem:s9+$0x60]  }
0x2d5: {  	v0 =	vadd.f32 v7, v0;
	v1 =	vadd.f32 v2, v1;
	v2 =	vmul.f32 v6, v6;
	v7 =	vld [tilespmem:s10+$0x60]  }
0x2d6: {  	[tilespmem:s7+$0x30] =	vst v3;
	v5 =	vadd.f32 v5, v10;
	v10 =	vld [tilespmem:s9+$0x70]  }
0x2d7: {  	v0 =	vadd.f32 v6, v0;
	v1 =	vadd.f32 v2, v1;
	v2 =	vmul.f32 v3, v3;
	v6 =	vld [tilespmem:s10+$0x70]  }
0x2d8: {  	[tilespmem:s7+$0x40] =	vst v5;
	v8 =	vadd.f32 v4, v8;
	v11 =	vld [tilespmem:s9+$0x80]  }
0x2d9: {  	v0 =	vadd.f32 v3, v0;
	v2 =	vadd.f32 v2, v1;
	v3 =	vmul.f32 v5, v5;
	v12 =	vld [tilespmem:s10+$0x80]  }
0x2da: {  	[tilespmem:s7+$0x50] =	vst v8;
	v7 =	vadd.f32 v7, v9;
	v1 =	vld [tilespmem:s9+$0x90]  }
.Ltmp13:
0x2db: {  	v9 =	vmul.f32 v8, v8;
	v0 =	vadd.f32 v5, v0;
	v3 =	vadd.f32 v3, v2;
	v4 =	vld [tilespmem:s10+$0x90];
	(pc) =	sbr.rel @p0 .LBB2_20-.Ltmp13, $4  }
0x2dc: {  	[tilespmem:s7+$0x60] =	vst v7;
	v5 =	vadd.f32 v6, v10;
	v2 =	vld [tilespmem:s9+$0xA0]  }
0x2dd: {  	v13 =	vmul.f32 v7, v7;
	v8 =	vadd.f32 v8, v0;
	v10 =	vadd.f32 v9, v3;
	v6 =	vld [tilespmem:s10+$0xA0]  }
0x2de: {  	[tilespmem:s7+$0x70] =	vst v5;
	v0 =	vadd.f32 v12, v11;
	v3 =	vld [tilespmem:s9+$0xB0]  }
0x2df: {  	s12 =	smov.u32 s11;
	s9 =	sadd.s32 $0x180, s9;
	v9 =	vadd.f32 v7, v8;
	v8 =	vadd.f32 v13, v10;
	v10 =	vmul.f32 v5, v5;
	v7 =	vld [tilespmem:s10+$0xB0]  }
.LBB2_21:
0x2e0: {  	_ = 	snop  }
0x2e1: {  	v5 =	vadd.f32 v5, v9  }
0x2e2: {  	v1 =	vadd.f32 v4, v1;
	v4 =	vadd.f32 v10, v8;
	v8 =	vmul.f32 v0, v0  }
0x2e3: {  	v5 =	vadd.f32 v0, v5  }
0x2e4: {  	v2 =	vadd.f32 v6, v2;
	v6 =	vmul.f32 v1, v1;
	v4 =	vadd.f32 v8, v4  }
0x2e5: {  	v5 =	vadd.f32 v1, v5  }
0x2e6: {  	v3 =	vadd.f32 v7, v3;
	v4 =	vadd.f32 v6, v4;
	v6 =	vmul.f32 v2, v2  }
0x2e7: {  	v5 =	vadd.f32 v2, v5  }
0x2e8: {  	v4 =	vadd.f32 v6, v4;
	v6 =	vmul.f32 v3, v3  }
0x2e9: {  	v5 =	vadd.f32 v3, v5  }
0x2ea: {  	v4 =	vadd.f32 v6, v4  }
0x2eb: {  	(xrf2) =	vadd.scan.msk.f32 $0xffff, v5  }
0x2ec: {  	(xrf2) =	vadd.scan.msk.f32 $0xffff, v4;
	_ =	sdelay $0x8  }
0x2ed: {  	v4, _, _ =	vpop (xrf2)  }
0x2ee: {  	(v2sf) =	vpush v4, $0xF;
	v4, _, _ =	vpop (xrf2)  }
0x2ef: {  	(v2sf) =	vpush v4, $0xF;
	_ =	sdelay $0xb  }
0x2f0: {  	[tilespmem:s7+$0x80] =	vst v0  }
0x2f1: {  	[tilespmem:s7+$0x90] =	vst v1  }
0x2f2: {  	[tilespmem:s7+$0xA0] =	vst v2;
	s9 =	spop (v2sf)  }
0x2f3: {  	[tilespmem:s7+$0xB0] =	vst v3;
	s11 =	spop (v2sf);
	s10 =	smul.f32 $1.302083370e-03, s9  }
0x2f4: {  	s7 =	simm.s32 $0x12BC0;
	v7 =	vld [tilespmem:s18+$0xFFFFFF70];
	s12 =	smul.f32 $1.302083370e-03, s11  }
0x2f5: {  	v8 =	vld [tilespmem:s7+$0xB0];
	s9 =	smul.f32 s10, s10  }
0x2f6: {  	v9 =	vld [tilespmem:s18+$0xFFFFFF80]  }
0x2f7: {  	v11 =	vld [tilespmem:s18+$0xFFFFFF90];
	s9 =	ssub.f32 s12, s9  }
0x2f8: {  	v12 =	vld [tilespmem:s18+$0xFFFFFFA0]  }
0x2f9: {  	v13 =	vld [tilespmem:s18+$0xFFFFFFB0];
	s9 =	smax.f32 s9, $0.0e+00  }
0x2fa: {  	v14 =	vld [tilespmem:s18+$0xFFFFFFC0];
	s13 =	sadd.f32 $9.999999960e-13, s9  }
0x2fb: {  	v15 =	vld [tilespmem:s18+$0xFFFFFFD0]  }
0x2fc: {  	v16 =	vld [tilespmem:s18+$0xFFFFFFE0];
	v0 =	vmov s13  }
0x2fd: {  	v17 =	vld [tilespmem:s18+$0xFFFFFFF0];
	v1 =	vshrl.u32 v0, $0x1;
	v0 =	vmul.f32 $5.000000000e-01, v0  }
0x2fe: {  	v18 =	vld [tilespmem:s18+$0x0];
	v1 =	vsub.s32 $0x5F3759DF, v1  }
0x2ff: {  	v19 =	vld [tilespmem:s18+$0x10];
	v2 =	vmul.f32 v1, v0  }
0x300: {  	v20 =	vld [tilespmem:s18+$0x20]  }
0x301: {  	v21 =	vld [tilespmem:s18+$0x30];
	v2 =	vmul.f32 v1, v2  }
0x302: {  	v22 =	vld [tilespmem:s18+$0x40]  }
0x303: {  	v23 =	vld [tilespmem:s18+$0x50];
	v2 =	vsub.f32 $1.500000000e+00, v2  }
0x304: {  	v24 =	vld [tilespmem:s18+$0x60]  }
0x305: {  	v25 =	vld [tilespmem:s18+$0x70];
	v1 =	vmul.f32 v1, v2  }
0x306: {  	v26 =	vld [tilespmem:s18+$0x80]  }
0x307: {  	v27 =	vld [tilespmem:s18+$0xFFFFFF40];
	v2 =	vmul.f32 v1, v0  }
0x308: {  	v29 =	vld [tilespmem:s7+$0xFFFFFF40]  }
0x309: {  	v30 =	vld [tilespmem:s7+$0xFFFFFF50];
	v2 =	vmul.f32 v2, v1  }
0x30a: {  	v31 =	vld [tilespmem:s7+$0xFFFFFF60]  }
0x30b: {  	v32 =	vld [tilespmem:s7+$0xFFFFFF70];
	v2 =	vsub.f32 $1.500000000e+00, v2  }
0x30c: {  	v33 =	vld [tilespmem:s7+$0xFFFFFF80]  }
0x30d: {  	v34 =	vld [tilespmem:s7+$0xFFFFFF90];
	v1 =	vmul.f32 v2, v1  }
0x30e: {  	v61 =	vld [tilespmem:s7+$0xFFFFFFA0]  }
0x30f: {  	v35 =	vld [tilespmem:s7+$0xFFFFFFB0];
	v28 =	vmul.f32 v1, v0  }
0x310: {  	v36 =	vld [tilespmem:s7+$0xFFFFFFC0]  }
0x311: {  	v37 =	vld [tilespmem:s7+$0xFFFFFFD0];
	v28 =	vmul.f32 v28, v1  }
0x312: {  	v38 =	vld [tilespmem:s7+$0xFFFFFFE0]  }
0x313: {  	v39 =	vld [tilespmem:s7+$0xFFFFFFF0];
	v28 =	vsub.f32 $1.500000000e+00, v28  }
0x314: {  	v41 =	vld [tilespmem:s7+$0x0]  }
0x315: {  	v42 =	vld [tilespmem:s7+$0x10];
	v1 =	vmul.f32 v28, v1  }
0x316: {  	v6 =	vld [tilespmem:s18+$0xFFFFFF60]  }
0x317: {  	v4 =	vld [tilespmem:s18+$0xB0];
	v0 =	vmul.f32 v1, v0  }
0x318: {  	v5 =	vld [tilespmem:s18+$0xFFFFFF50]  }
0x319: {  	v62 =	vld [tilespmem:s7+$0x20];
	v0 =	vmul.f32 v0, v1  }
0x31a: {  	v43 =	vld [tilespmem:s7+$0x30]  }
0x31b: {  	v44 =	vld [tilespmem:s7+$0x40];
	v40 =	vsub.f32 $1.500000000e+00, v0;
	v0 =	vmov s10  }
0x31c: {  	v45 =	vld [tilespmem:s7+$0x50];
	v4 =	vsub.f32 v4, v0  }
0x31d: {  	v3 =	vld [tilespmem:s18+$0x90];
	s9 =	simm.s32 $0x12EC0;
	v5 =	vsub.f32 v5, v0;
	v6 =	vsub.f32 v6, v0  }
0x31e: {  	v10 =	vld [tilespmem:s9+$0xB0];
	v7 =	vsub.f32 v7, v0;
	v27 =	vsub.f32 v27, v0;
	v1 =	vmul.f32 v40, v1  }
0x31f: {  	v63 =	vld [tilespmem:s9+$0xFFFFFF40];
	v11 =	vsub.f32 v11, v0;
	v12 =	vsub.f32 v12, v0  }
0x320: {  	v46 =	vld [tilespmem:s9+$0xFFFFFF50];
	v13 =	vsub.f32 v13, v0;
	v14 =	vsub.f32 v14, v0;
	v4 =	vmul.f32 v4, v1  }
0x321: {  	v47 =	vld [tilespmem:s9+$0xFFFFFF70];
	v15 =	vsub.f32 v15, v0;
	v5 =	vmul.f32 v5, v1;
	v6 =	vmul.f32 v6, v1  }
0x322: {  	v48 =	vld [tilespmem:s9+$0xFFFFFF80];
	v16 =	vsub.f32 v16, v0;
	v7 =	vmul.f32 v7, v1;
	v27 =	vmul.f32 v27, v1  }
0x323: {  	v49 =	vld [tilespmem:s9+$0xFFFFFF90];
	v17 =	vsub.f32 v17, v0;
	v11 =	vmul.f32 v11, v1;
	v12 =	vmul.f32 v12, v1  }
0x324: {  	v50 =	vld [tilespmem:s9+$0xFFFFFFA0];
	v18 =	vsub.f32 v18, v0;
	v13 =	vmul.f32 v13, v1;
	v14 =	vmul.f32 v14, v1  }
0x325: {  	v51 =	vld [tilespmem:s9+$0xFFFFFFC0];
	v20 =	vsub.f32 v20, v0;
	v16 =	vmul.f32 v16, v1;
	v17 =	vmul.f32 v17, v1  }
0x326: {  	v52 =	vld [tilespmem:s9+$0xFFFFFFD0];
	v53 =	vsub.f32 v23, v0;
	v18 =	vmul.f32 v18, v1;
	v4 =	vmul.f32 v4, v8  }
0x327: {  	v54 =	vld [tilespmem:s9+$0xFFFFFFE0];
	v3 =	vsub.f32 v3, v0;
	v5 =	vmul.f32 v5, v30;
	v6 =	vmul.f32 v6, v31  }
0x328: {  	v27 =	vmul.f32 v27, v29;
	v4 =	vadd.f32 v4, v10;
	v10 =	vmul.f32 v15, v1;
	v15 =	vld [tilespmem:s9+$0xFFFFFF60]  }
0x329: {  	v55 =	vld [tilespmem:s9+$0xFFFFFFF0];
	v8 =	vsub.f32 v9, v0;
	v7 =	vmul.f32 v7, v32;
	v11 =	vmul.f32 v11, v34  }
0x32a: {  	v57 =	vld [tilespmem:s9+$0x10];
	v12 =	vmul.f32 v12, v61;
	v13 =	vmul.f32 v13, v35;
	v27 =	vadd.f32 v27, v63  }
0x32b: {  	v58 =	vld [tilespmem:s9+$0x30];
	v14 =	vmul.f32 v14, v36;
	v16 =	vmul.f32 v16, v38;
	v5 =	vadd.f32 v5, v46;
	[tilespmem:s18+$0xB0] =	vst v4  }
0x32c: {  	v59 =	vld [tilespmem:s9+$0x40];
	v8 =	vmul.f32 v8, v1;
	v7 =	vadd.f32 v7, v47;
	v11 =	vadd.f32 v11, v49;
	[tilespmem:s18+$0xFFFFFF40] =	vst v27  }
0x32d: {  	v17 =	vmul.f32 v17, v39;
	v12 =	vadd.f32 v12, v50;
	[tilespmem:s18+$0xFFFFFF50] =	vst v5;
	v6 =	vadd.f32 v6, v15;
	v15 =	vld [tilespmem:s9+$0xFFFFFFB0]  }
0x32e: {  	v2 =	vld [tilespmem:s18+$0xA0];
	v14 =	vadd.f32 v14, v51;
	v8 =	vmul.f32 v8, v33;
	v4 =	vsub.f32 v19, v0;
	[tilespmem:s18+$0xFFFFFF70] =	vst v7  }
0x32f: {  	v9 =	vld [tilespmem:s7+$0x60];
	v18 =	vmul.f32 v18, v41;
	v16 =	vadd.f32 v16, v54;
	v5 =	vsub.f32 v21, v0;
	[tilespmem:s18+$0xFFFFFF90] =	vst v11  }
0x330: {  	v30 =	vld [tilespmem:s7+$0x70];
	v10 =	vmul.f32 v10, v37;
	[tilespmem:s18+$0xFFFFFFA0] =	vst v12;
	v4 =	vmul.f32 v4, v1;
	v8 =	vadd.f32 v8, v48  }
0x331: {  	v31 =	vld [tilespmem:s7+$0x80];
	v7 =	vmul.f32 v20, v1;
	v11 =	vsub.f32 v25, v0;
	[tilespmem:s18+$0xFFFFFFC0] =	vst v14;
	v5 =	vmul.f32 v5, v1  }
0x332: {  	v29 =	vld [tilespmem:s7+$0x90];
	[tilespmem:s18+$0xFFFFFF80] =	vst v8;
	v8 =	vsub.f32 v24, v0;
	v4 =	vmul.f32 v4, v42;
	v13 =	vadd.f32 v13, v15  }
0x333: {  	v2 =	vsub.f32 v2, v0;
	[tilespmem:s18+$0xFFFFFFE0] =	vst v16;
	v11 =	vmul.f32 v11, v1;
	v5 =	vmul.f32 v5, v43;
	v15 =	vld [tilespmem:s9+$0x0]  }
0x334: {  	v4 =	vadd.f32 v4, v57;
	[tilespmem:s18+$0xFFFFFFB0] =	vst v13;
	v13 =	vmul.f32 v8, v1;
	v8 =	vadd.f32 v10, v52;
	v10 =	vld [tilespmem:s9+$0x20]  }
0x335: {  	v61 =	vld [tilespmem:s9+$0x50];
	v12 =	vmul.f32 v53, v1;
	v60 =	vmul.f32 v7, v62;
	[tilespmem:s18+$0xFFFFFF60] =	vst v6;
	v6 =	vsub.f32 v22, v0  }
0x336: {  	p0 =	por $0x1, $0x1;
	v32 =	vld [tilespmem:s7+$0xA0];
	v62 =	vmul.f32 v2, v1;
	v2 =	vmul.f32 v11, v30;
	v11 =	vadd.f32 v5, v58;
	[tilespmem:s18+$0x10] =	vst v4  }
.Ltmp14:
0x337: {  	v56 =	vsub.f32 v26, v0;
	v7 =	vld [tilespmem:s9+$0x60];
	v6 =	vmul.f32 v6, v1;
	[tilespmem:s18+$0xFFFFFFD0] =	vst v8;
	v8 =	vadd.f32 v17, v55;
	(pc) =	sbr.rel @!p0 .LBB2_23-.Ltmp14, $4  }
0x338: {  	v3 =	vmul.f32 v3, v1;
	v12 =	vmul.f32 v12, v45;
	[tilespmem:s18+$0x30] =	vst v11;
	v11 =	vld [tilespmem:s9+$0xA0];
	v15 =	vadd.f32 v18, v15  }
0x339: {  	v14 =	vmul.f32 v56, v1;
	v63 =	vmul.f32 v6, v44;
	[tilespmem:s18+$0xFFFFFFF0] =	vst v8;
	v8 =	vld [tilespmem:s9+$0x70];
	v10 =	vadd.f32 v60, v10  }
0x33a: {  	v3 =	vmul.f32 v3, v29;
	v12 =	vadd.f32 v12, v61;
	v6 =	vmul.f32 v13, v9;
	v9 =	vld [tilespmem:s9+$0x80];
	[tilespmem:s18+$0x0] =	vst v15  }
0x33b: {  	s11 =	sadd.s32 $0x180, s18;
	s13 =	simm.s32 $0x0;
	s10 =	smov.u32 s18;
	v5 =	vmul.f32 v14, v31;
	v4 =	vmul.f32 v62, v32;
	v13 =	vadd.f32 v63, v59;
	[tilespmem:s18+$0x20] =	vst v10;
	v10 =	vld [tilespmem:s9+$0x90]  }
.LBB2_22:
0x33c: {  	s12 =	smov.u32 s13  }
0x33d: {  	v14 =	vld [tilespmem:s11+$0xB0];
	[tilespmem:s10+$0x40] =	vst v13;
	v6 =	vadd.f32 v6, v7;
	s12 =	sadd.s32 $0x180, s13  }
0x33e: {  	v2 =	vadd.f32 v2, v8;
	v7 =	vld [tilespmem:s11+$0xFFFFFF50];
	p0 =	slt.u32 s12, s13;
	[tilespmem:s10+$0x50] =	vst v12  }
0x33f: {  	v5 =	vadd.f32 v5, v9;
	v8 =	vld [tilespmem:s11+$0xFFFFFF60];
	[tilespmem:s10+$0x60] =	vst v6  }
0x340: {  	s7 =	sadd.s32 $0x180, s7;
	v6 =	vld [tilespmem:s11+$0xFFFFFF70];
	[tilespmem:s10+$0x70] =	vst v2;
	v2 =	vadd.f32 v3, v10  }
0x341: {  	v4 =	vadd.f32 v4, v11;
	v3 =	vld [tilespmem:s7+$0xB0];
	[tilespmem:s10+$0x80] =	vst v5  }
0x342: {  	s9 =	sadd.s32 $0x180, s9;
	v9 =	vsub.f32 v14, v0;
	v5 =	vld [tilespmem:s11+$0xFFFFFF80];
	[tilespmem:s10+$0x90] =	vst v2  }
0x343: {  	v2 =	vsub.f32 v7, v0;
	v7 =	vld [tilespmem:s9+$0xB0];
	[tilespmem:s10+$0xA0] =	vst v4;
	s10 =	smov.u32 s11  }
0x344: {  	v9 =	vmul.f32 v9, v1;
	v4 =	vsub.f32 v8, v0;
	v8 =	vld [tilespmem:s11+$0xFFFFFF90]  }
0x345: {  	v2 =	vmul.f32 v2, v1;
	v6 =	vsub.f32 v6, v0;
	v10 =	vld [tilespmem:s11+$0xFFFFFFA0]  }
0x346: {  	v4 =	vmul.f32 v4, v1;
	v11 =	vld [tilespmem:s11+$0xFFFFFFB0];
	v3 =	vmul.f32 v9, v3  }
0x347: {  	v6 =	vmul.f32 v6, v1;
	v5 =	vsub.f32 v5, v0;
	v9 =	vld [tilespmem:s11+$0xFFFFFFC0]  }
0x348: {  	v12 =	vld [tilespmem:s11+$0xFFFFFFD0];
	v3 =	vadd.f32 v3, v7  }
0x349: {  	v5 =	vmul.f32 v5, v1;
	v7 =	vsub.f32 v8, v0;
	v8 =	vld [tilespmem:s11+$0xFFFFFFE0]  }
0x34a: {  	v10 =	vsub.f32 v10, v0;
	v13 =	vld [tilespmem:s11+$0xFFFFFFF0];
	[tilespmem:s11+$0xB0] =	vst v3  }
0x34b: {  	v3 =	vmul.f32 v7, v1;
	v7 =	vsub.f32 v11, v0;
	v11 =	vld [tilespmem:s11+$0x0]  }
0x34c: {  	v10 =	vmul.f32 v10, v1;
	v9 =	vsub.f32 v9, v0;
	v14 =	vld [tilespmem:s11+$0x10]  }
0x34d: {  	v7 =	vmul.f32 v7, v1;
	v12 =	vsub.f32 v12, v0;
	v15 =	vld [tilespmem:s11+$0x20]  }
0x34e: {  	v9 =	vmul.f32 v9, v1;
	v8 =	vsub.f32 v8, v0;
	v16 =	vld [tilespmem:s11+$0x30]  }
0x34f: {  	v12 =	vmul.f32 v12, v1;
	v13 =	vsub.f32 v13, v0;
	v17 =	vld [tilespmem:s11+$0x40]  }
0x350: {  	v8 =	vmul.f32 v8, v1;
	v11 =	vsub.f32 v11, v0;
	v18 =	vld [tilespmem:s11+$0x50]  }
0x351: {  	v13 =	vmul.f32 v13, v1;
	v14 =	vsub.f32 v14, v0;
	v19 =	vld [tilespmem:s11+$0x60]  }
0x352: {  	v11 =	vmul.f32 v11, v1;
	v15 =	vsub.f32 v15, v0;
	v20 =	vld [tilespmem:s11+$0x70]  }
0x353: {  	v14 =	vmul.f32 v14, v1;
	v16 =	vsub.f32 v16, v0;
	v21 =	vld [tilespmem:s11+$0x80]  }
0x354: {  	v15 =	vmul.f32 v15, v1;
	v17 =	vsub.f32 v17, v0;
	v22 =	vld [tilespmem:s11+$0x90]  }
0x355: {  	v16 =	vmul.f32 v16, v1;
	v18 =	vsub.f32 v18, v0;
	v23 =	vld [tilespmem:s11+$0xA0]  }
0x356: {  	v24 =	vld [tilespmem:s11+$0xFFFFFF40];
	v17 =	vmul.f32 v17, v1;
	v19 =	vsub.f32 v19, v0  }
0x357: {  	v25 =	vld [tilespmem:s7+$0xFFFFFF40];
	v18 =	vmul.f32 v18, v1;
	v20 =	vsub.f32 v20, v0  }
0x358: {  	v26 =	vld [tilespmem:s7+$0xFFFFFF50];
	v19 =	vmul.f32 v19, v1;
	v21 =	vsub.f32 v21, v0  }
0x359: {  	v27 =	vld [tilespmem:s7+$0xFFFFFF60];
	v20 =	vmul.f32 v20, v1;
	v22 =	vsub.f32 v22, v0  }
0x35a: {  	v28 =	vld [tilespmem:s7+$0xFFFFFF70];
	v21 =	vmul.f32 v21, v1;
	v23 =	vsub.f32 v23, v0  }
0x35b: {  	v24 =	vsub.f32 v24, v0;
	v29 =	vld [tilespmem:s7+$0xFFFFFF80];
	v22 =	vmul.f32 v22, v1  }
0x35c: {  	v30 =	vld [tilespmem:s7+$0xFFFFFF90];
	v23 =	vmul.f32 v23, v1  }
0x35d: {  	v24 =	vmul.f32 v24, v1;
	v26 =	vmul.f32 v2, v26;
	v2 =	vld [tilespmem:s7+$0xFFFFFFA0]  }
0x35e: {  	v27 =	vmul.f32 v4, v27;
	v4 =	vld [tilespmem:s7+$0xFFFFFFB0]  }
0x35f: {  	v24 =	vmul.f32 v24, v25;
	v25 =	vmul.f32 v6, v28;
	v6 =	vld [tilespmem:s7+$0xFFFFFFC0]  }
0x360: {  	v28 =	vmul.f32 v5, v29;
	v5 =	vld [tilespmem:s7+$0xFFFFFFD0]  }
0x361: {  	v29 =	vmul.f32 v3, v30;
	v3 =	vld [tilespmem:s7+$0xFFFFFFE0]  }
0x362: {  	v10 =	vmul.f32 v10, v2;
	v2 =	vld [tilespmem:s7+$0xFFFFFFF0]  }
0x363: {  	v7 =	vmul.f32 v7, v4;
	v4 =	vld [tilespmem:s7+$0x0]  }
0x364: {  	v9 =	vmul.f32 v9, v6;
	v6 =	vld [tilespmem:s7+$0x10]  }
0x365: {  	v12 =	vmul.f32 v12, v5;
	v5 =	vld [tilespmem:s7+$0x20]  }
0x366: {  	v8 =	vmul.f32 v8, v3;
	v3 =	vld [tilespmem:s7+$0x30]  }
0x367: {  	v13 =	vmul.f32 v13, v2;
	v2 =	vld [tilespmem:s7+$0x40]  }
0x368: {  	v11 =	vmul.f32 v11, v4;
	v4 =	vld [tilespmem:s7+$0x50]  }
0x369: {  	v14 =	vmul.f32 v14, v6;
	v6 =	vld [tilespmem:s7+$0x60]  }
0x36a: {  	v15 =	vmul.f32 v15, v5;
	v5 =	vld [tilespmem:s7+$0x70]  }
0x36b: {  	v16 =	vmul.f32 v16, v3;
	v3 =	vld [tilespmem:s7+$0x80]  }
0x36c: {  	v17 =	vmul.f32 v17, v2;
	v30 =	vld [tilespmem:s7+$0x90]  }
0x36d: {  	v18 =	vmul.f32 v18, v4;
	v4 =	vld [tilespmem:s7+$0xA0]  }
0x36e: {  	v31 =	vld [tilespmem:s9+$0xFFFFFF40];
	v6 =	vmul.f32 v19, v6  }
0x36f: {  	v19 =	vld [tilespmem:s9+$0xFFFFFF50];
	v2 =	vmul.f32 v20, v5  }
0x370: {  	v20 =	vld [tilespmem:s9+$0xFFFFFF60];
	v5 =	vmul.f32 v21, v3  }
0x371: {  	v21 =	vld [tilespmem:s9+$0xFFFFFF70];
	v3 =	vmul.f32 v22, v30  }
0x372: {  	v22 =	vld [tilespmem:s9+$0xFFFFFF80];
	v4 =	vmul.f32 v23, v4  }
0x373: {  	v23 =	vadd.f32 v24, v31;
	v24 =	vld [tilespmem:s9+$0xFFFFFF90]  }
0x374: {  	v19 =	vadd.f32 v26, v19;
	v26 =	vld [tilespmem:s9+$0xFFFFFFA0]  }
0x375: {  	[tilespmem:s11+$0xFFFFFF40] =	vst v23;
	v20 =	vadd.f32 v27, v20;
	v23 =	vld [tilespmem:s9+$0xFFFFFFB0]  }
0x376: {  	[tilespmem:s11+$0xFFFFFF50] =	vst v19;
	v19 =	vadd.f32 v25, v21;
	v21 =	vld [tilespmem:s9+$0xFFFFFFC0]  }
0x377: {  	[tilespmem:s11+$0xFFFFFF60] =	vst v20;
	v20 =	vadd.f32 v28, v22;
	v22 =	vld [tilespmem:s9+$0xFFFFFFD0]  }
0x378: {  	[tilespmem:s11+$0xFFFFFF70] =	vst v19;
	v19 =	vadd.f32 v29, v24;
	v24 =	vld [tilespmem:s9+$0xFFFFFFE0]  }
0x379: {  	[tilespmem:s11+$0xFFFFFF80] =	vst v20;
	v10 =	vadd.f32 v10, v26;
	v20 =	vld [tilespmem:s9+$0xFFFFFFF0]  }
0x37a: {  	[tilespmem:s11+$0xFFFFFF90] =	vst v19;
	v7 =	vadd.f32 v7, v23;
	v19 =	vld [tilespmem:s9+$0x0]  }
0x37b: {  	[tilespmem:s11+$0xFFFFFFA0] =	vst v10;
	v9 =	vadd.f32 v9, v21;
	v10 =	vld [tilespmem:s9+$0x10]  }
0x37c: {  	[tilespmem:s11+$0xFFFFFFB0] =	vst v7;
	v7 =	vadd.f32 v12, v22;
	v12 =	vld [tilespmem:s9+$0x20]  }
0x37d: {  	[tilespmem:s11+$0xFFFFFFC0] =	vst v9;
	v8 =	vadd.f32 v8, v24;
	v9 =	vld [tilespmem:s9+$0x30]  }
0x37e: {  	[tilespmem:s11+$0xFFFFFFD0] =	vst v7;
	v7 =	vadd.f32 v13, v20;
	v13 =	vld [tilespmem:s9+$0x40]  }
0x37f: {  	[tilespmem:s11+$0xFFFFFFE0] =	vst v8;
	v8 =	vadd.f32 v11, v19;
	v11 =	vld [tilespmem:s9+$0x50]  }
.Ltmp15:
0x380: {  	[tilespmem:s11+$0xFFFFFFF0] =	vst v7;
	v10 =	vadd.f32 v14, v10;
	v7 =	vld [tilespmem:s9+$0x60];
	(pc) =	sbr.rel @p0 .LBB2_22-.Ltmp15, $4  }
0x381: {  	[tilespmem:s11+$0x0] =	vst v8;
	v12 =	vadd.f32 v15, v12;
	v8 =	vld [tilespmem:s9+$0x70]  }
0x382: {  	[tilespmem:s11+$0x10] =	vst v10;
	v14 =	vadd.f32 v16, v9;
	v9 =	vld [tilespmem:s9+$0x80]  }
0x383: {  	[tilespmem:s11+$0x20] =	vst v12;
	v13 =	vadd.f32 v17, v13;
	v10 =	vld [tilespmem:s9+$0x90]  }
0x384: {  	s13 =	smov.u32 s12;
	s11 =	sadd.s32 $0x180, s11;
	[tilespmem:s10+$0x30] =	vst v14;
	v12 =	vadd.f32 v18, v11;
	v11 =	vld [tilespmem:s9+$0xA0]  }
.LBB2_23:
0x385: {  	_ = 	snop  }
0x386: {  	v0 =	vadd.f32 v6, v7;
	s17 =	sadd.s32 $0x1, s17;
	[tilespmem:s10+$0x40] =	vst v13  }
0x387: {  	[tilespmem:s10+$0x50] =	vst v12;
	p0 =	sne.s32 s17, $0x10;
	v1 =	vadd.f32 v2, v8  }
.Ltmp16:
0x388: {  	[tilespmem:s10+$0x60] =	vst v0;
	v61 =	vadd.f32 v5, v9;
	(pc) =	sbr.rel @p0 .LBB2_19-.Ltmp16, $4  }
0x389: {  	[tilespmem:s10+$0x70] =	vst v1;
	v62 =	vadd.f32 v3, v10  }
0x38a: {  	v63 =	vadd.f32 v4, v11;
	[tilespmem:s10+$0x80] =	vst v61  }
0x38b: {  	[tilespmem:s10+$0x90] =	vst v62  }
0x38c: {  	s18 =	sadd.s32 $0x300, s18;
	s19 =	sadd.s32 $0x300, s19;
	s20 =	sadd.s32 $0x300, s20;
	[tilespmem:s10+$0xA0] =	vst v63  }
0x38d: {  	s3 =	sshll.u32 s3, $0x9  }
0x38e: {  	s3 =	sor.u32 s5, s3  }
0x38f: {  	s3 =	smul.u32 $0x60, s3;
	_ =	sdelay $0x1  }
0x390: {  	s17 =	simm.s32 $0x0;
	s3 =	sadd.s32 s8, s3  }
0x391: {  	[hbm4b:s3+s17] =	stream.linear.scatter [tilespmem:s28], [sflag:$0x5], $0x3000, $0x38;
	[tilespmem:$0x13100] =	vst v63  }
0x392: {  	s3 =	sadd.s32 $0x4, s2  }
0x393: {  	s7 =	sshll.u32 s3, $0x4  }
0x394: {  	s7 =	sand.u32 $0x3FFFFFF0, s7  }
0x395: {  	[tilespmem:s21], [sflag:$0x1] =	stream.indirect.gather [hbm4b:s6+s14], $0x300, s7, s14, $0xb8;
	[tilespmem:$0x13100] =	vst v63  }
0x396: {  	_ =	swait.ge [sflag:s25], $0x3000  }
0x397: {  	[sflag:s25] =	ssyncset.done $0x0  }
0x398: {  	[sflag:s25] =	ssyncadd.s32 $0xFFFFD000  }
0x399: {  	_ =	swait.ge [sflag:s29], $0x3000  }
0x39a: {  	s18 =	simm.s32 $0x68C0;
	[sflag:s29] =	ssyncset.done $0x0  }
0x39b: {  	s19 =	simm.s32 $0xF8C0;
	s20 =	simm.s32 $0x38C0;
	[sflag:s29] =	ssyncadd.s32 $0xFFFFD000  }
.LBB2_25:
0x39c: {  	v0 =	vld [tilespmem:s20+$0xFFFFFF40]  }
0x39d: {  	v1 =	vld [tilespmem:s19+$0xFFFFFF40]  }
0x39e: {  	v2 =	vld [tilespmem:s20+$0xFFFFFF50]  }
0x39f: {  	v3 =	vld [tilespmem:s19+$0xFFFFFF50]  }
0x3a0: {  	v4 =	vld [tilespmem:s20+$0xFFFFFF60]  }
0x3a1: {  	v5 =	vld [tilespmem:s19+$0xFFFFFF60]  }
0x3a2: {  	v6 =	vld [tilespmem:s20+$0xFFFFFF70]  }
0x3a3: {  	v7 =	vld [tilespmem:s20+$0xFFFFFF80];
	v0 =	vadd.f32 v1, v0  }
0x3a4: {  	v1 =	vld [tilespmem:s19+$0xFFFFFF70]  }
0x3a5: {  	v8 =	vld [tilespmem:s19+$0xFFFFFF80];
	v9 =	vimm.f32 $0.0e+00;
	v2 =	vadd.f32 v3, v2;
	v3 =	vmul.f32 v0, v0  }
0x3a6: {  	v11 =	vld [tilespmem:s19+$0xFFFFFF90];
	v10 =	vadd.f32 v0, v9  }
0x3a7: {  	v12 =	vld [tilespmem:s19+$0xFFFFFFA0];
	v4 =	vadd.f32 v5, v4;
	v3 =	vadd.f32 v3, v9;
	v9 =	vmul.f32 v2, v2  }
0x3a8: {  	v5 =	vld [tilespmem:s20+$0xFFFFFF90];
	v10 =	vadd.f32 v2, v10  }
0x3a9: {  	v13 =	vld [tilespmem:s19+$0xFFFFFFB0];
	v1 =	vadd.f32 v1, v6;
	v3 =	vadd.f32 v9, v3;
	v9 =	vmul.f32 v4, v4  }
0x3aa: {  	v6 =	vld [tilespmem:s20+$0xFFFFFFA0];
	v10 =	vadd.f32 v4, v10  }
0x3ab: {  	v14 =	vld [tilespmem:s19+$0xFFFFFFC0];
	v7 =	vadd.f32 v8, v7;
	v3 =	vadd.f32 v9, v3;
	v9 =	vmul.f32 v1, v1  }
0x3ac: {  	v8 =	vld [tilespmem:s20+$0xFFFFFFB0];
	v10 =	vadd.f32 v1, v10  }
0x3ad: {  	v52 =	vld [tilespmem:s20+$0xFFFFFFD0];
	v5 =	vadd.f32 v11, v5;
	v3 =	vadd.f32 v9, v3;
	v9 =	vmul.f32 v7, v7  }
0x3ae: {  	v11 =	vld [tilespmem:s20+$0xFFFFFFC0];
	v10 =	vadd.f32 v7, v10  }
0x3af: {  	v15 =	vld [tilespmem:s19+$0xFFFFFFD0];
	v6 =	vadd.f32 v12, v6;
	v3 =	vadd.f32 v9, v3;
	v9 =	vmul.f32 v5, v5  }
0x3b0: {  	v53 =	vld [tilespmem:s20+$0xFFFFFFE0];
	v10 =	vadd.f32 v5, v10  }
0x3b1: {  	v16 =	vld [tilespmem:s19+$0xFFFFFFE0];
	v8 =	vadd.f32 v13, v8;
	v3 =	vadd.f32 v9, v3;
	v9 =	vmul.f32 v6, v6  }
0x3b2: {  	v54 =	vld [tilespmem:s20+$0xFFFFFFF0];
	v10 =	vadd.f32 v6, v10  }
0x3b3: {  	v17 =	vld [tilespmem:s19+$0xFFFFFFF0];
	v11 =	vadd.f32 v14, v11;
	v3 =	vadd.f32 v9, v3;
	v9 =	vmul.f32 v8, v8  }
0x3b4: {  	v55 =	vld [tilespmem:s20+$0x0];
	v10 =	vadd.f32 v8, v10  }
0x3b5: {  	v18 =	vld [tilespmem:s19+$0x0];
	v12 =	vadd.f32 v15, v52;
	v3 =	vadd.f32 v9, v3;
	v9 =	vmul.f32 v11, v11  }
0x3b6: {  	v56 =	vld [tilespmem:s20+$0x10];
	v10 =	vadd.f32 v11, v10  }
0x3b7: {  	v19 =	vld [tilespmem:s19+$0x10];
	v13 =	vadd.f32 v16, v53;
	v3 =	vadd.f32 v9, v3;
	v9 =	vmul.f32 v12, v12  }
0x3b8: {  	v57 =	vld [tilespmem:s20+$0x20];
	[tilespmem:s18+$0xFFFFFF50] =	vst v2;
	v2 =	vadd.f32 v12, v10  }
0x3b9: {  	v58 =	vld [tilespmem:s20+$0x30];
	[tilespmem:s18+$0xFFFFFF40] =	vst v0;
	v0 =	vadd.f32 v17, v54;
	v3 =	vadd.f32 v9, v3;
	v9 =	vmul.f32 v13, v13  }
0x3ba: {  	[tilespmem:s18+$0xFFFFFF70] =	vst v1;
	v10 =	vld [tilespmem:s19+$0x20];
	v1 =	vadd.f32 v13, v2  }
0x3bb: {  	v59 =	vld [tilespmem:s20+$0x40];
	[tilespmem:s18+$0xFFFFFF60] =	vst v4;
	v4 =	vadd.f32 v18, v55;
	v2 =	vadd.f32 v9, v3;
	v3 =	vmul.f32 v0, v0  }
0x3bc: {  	[tilespmem:s18+$0xFFFFFF80] =	vst v7;
	v9 =	vld [tilespmem:s19+$0x30];
	v1 =	vadd.f32 v0, v1  }
0x3bd: {  	v60 =	vld [tilespmem:s19+$0x60];
	[tilespmem:s18+$0xFFFFFF90] =	vst v5;
	v7 =	vadd.f32 v19, v56;
	v2 =	vadd.f32 v3, v2;
	v3 =	vmul.f32 v4, v4  }
0x3be: {  	[tilespmem:s18+$0xFFFFFFB0] =	vst v8;
	v5 =	vld [tilespmem:s19+$0x40];
	v1 =	vadd.f32 v4, v1  }
0x3bf: {  	[tilespmem:s18+$0xFFFFFFA0] =	vst v6;
	v8 =	vld [tilespmem:s19+$0x50];
	v6 =	vadd.f32 v10, v57;
	v2 =	vadd.f32 v3, v2;
	v3 =	vmul.f32 v7, v7  }
0x3c0: {  	[tilespmem:s18+$0xFFFFFFF0] =	vst v0;
	v10 =	vld [tilespmem:s20+$0x50];
	v1 =	vadd.f32 v7, v1  }
0x3c1: {  	v61 =	vld [tilespmem:s20+$0x70];
	[tilespmem:s18+$0xFFFFFFE0] =	vst v13;
	v9 =	vadd.f32 v9, v58;
	v2 =	vadd.f32 v3, v2;
	v3 =	vmul.f32 v6, v6  }
0x3c2: {  	[tilespmem:s18+$0xFFFFFFC0] =	vst v11;
	v11 =	vld [tilespmem:s20+$0x60];
	v0 =	vadd.f32 v6, v1  }
0x3c3: {  	[tilespmem:s18+$0x10] =	vst v7;
	v5 =	vadd.f32 v5, v59;
	v7 =	vld [tilespmem:s19+$0x80];
	v1 =	vadd.f32 v3, v2;
	v2 =	vmul.f32 v9, v9  }
0x3c4: {  	[tilespmem:s18+$0x0] =	vst v4;
	v3 =	vld [tilespmem:s19+$0x70];
	v0 =	vadd.f32 v9, v0  }
0x3c5: {  	[tilespmem:s18+$0xFFFFFFD0] =	vst v12;
	v4 =	vmul.f32 v5, v5;
	v8 =	vadd.f32 v8, v10;
	v10 =	vld [tilespmem:s20+$0x80];
	v2 =	vadd.f32 v2, v1  }
0x3c6: {  	p0 =	por $0x1, $0x1;
	[tilespmem:s18+$0x20] =	vst v6;
	v1 =	vld [tilespmem:s20+$0x90];
	v0 =	vadd.f32 v5, v0  }
.Ltmp17:
0x3c7: {  	v11 =	vadd.f32 v60, v11;
	[tilespmem:s18+$0x30] =	vst v9;
	v9 =	vmul.f32 v8, v8;
	v6 =	vadd.f32 v4, v2;
	v4 =	vld [tilespmem:s19+$0x90];
	(pc) =	sbr.rel @!p0 .LBB2_27-.Ltmp17, $4  }
0x3c8: {  	[tilespmem:s18+$0x50] =	vst v8;
	v2 =	vld [tilespmem:s20+$0xA0];
	v8 =	vadd.f32 v8, v0  }
0x3c9: {  	[tilespmem:s18+$0x40] =	vst v5;
	v63 =	vmul.f32 v11, v11;
	v5 =	vadd.f32 v3, v61;
	v62 =	vadd.f32 v9, v6;
	v6 =	vld [tilespmem:s19+$0xA0]  }
0x3ca: {  	s12 =	simm.s32 $0x0;
	[tilespmem:s18+$0x60] =	vst v11;
	v0 =	vadd.f32 v7, v10;
	v7 =	vld [tilespmem:s19+$0xB0]  }
0x3cb: {  	s9 =	sadd.s32 $0x180, s20;
	s7 =	smov.u32 s18;
	s10 =	smov.u32 s19;
	v3 =	vld [tilespmem:s20+$0xB0];
	v9 =	vadd.f32 v11, v8;
	[tilespmem:s18+$0x70] =	vst v5;
	v10 =	vmul.f32 v5, v5;
	v8 =	vadd.f32 v63, v62  }
.LBB2_26:
0x3cc: {  	v11 =	vld [tilespmem:s9+$0xFFFFFF40];
	[tilespmem:s7+$0x80] =	vst v0;
	v1 =	vadd.f32 v4, v1;
	s10 =	sadd.s32 $0x180, s10;
	s11 =	smov.u32 s12  }
0x3cd: {  	v4 =	vld [tilespmem:s10+$0xFFFFFF40];
	v5 =	vadd.f32 v5, v9;
	v8 =	vadd.f32 v10, v8;
	v9 =	vmul.f32 v0, v0  }
0x3ce: {  	s11 =	sadd.s32 $0x180, s12;
	v10 =	vld [tilespmem:s9+$0xFFFFFF50];
	[tilespmem:s7+$0x90] =	vst v1;
	v2 =	vadd.f32 v6, v2  }
0x3cf: {  	p0 =	slt.u32 s11, s12;
	v6 =	vld [tilespmem:s10+$0xFFFFFF50];
	v0 =	vadd.f32 v0, v5;
	v5 =	vadd.f32 v9, v8;
	v8 =	vmul.f32 v1, v1  }
0x3d0: {  	v9 =	vld [tilespmem:s9+$0xFFFFFF60];
	[tilespmem:s7+$0xA0] =	vst v2;
	v3 =	vadd.f32 v7, v3  }
0x3d1: {  	v7 =	vld [tilespmem:s10+$0xFFFFFF60];
	v0 =	vadd.f32 v1, v0;
	v1 =	vadd.f32 v8, v5;
	v5 =	vmul.f32 v2, v2  }
0x3d2: {  	v4 =	vadd.f32 v4, v11;
	v8 =	vld [tilespmem:s9+$0xFFFFFF70];
	[tilespmem:s7+$0xB0] =	vst v3  }
0x3d3: {  	s7 =	sadd.s32 $0x180, s7;
	v11 =	vld [tilespmem:s10+$0xFFFFFF70];
	v0 =	vadd.f32 v2, v0;
	v1 =	vadd.f32 v5, v1;
	v2 =	vmul.f32 v3, v3  }
0x3d4: {  	[tilespmem:s7+$0xFFFFFF40] =	vst v4;
	v5 =	vadd.f32 v6, v10;
	v6 =	vld [tilespmem:s9+$0xFFFFFF80]  }
0x3d5: {  	v10 =	vmul.f32 v4, v4;
	v12 =	vld [tilespmem:s10+$0xFFFFFF80];
	v0 =	vadd.f32 v3, v0;
	v1 =	vadd.f32 v2, v1  }
0x3d6: {  	[tilespmem:s7+$0xFFFFFF50] =	vst v5;
	v2 =	vadd.f32 v7, v9;
	v3 =	vld [tilespmem:s9+$0xFFFFFF90]  }
0x3d7: {  	v0 =	vadd.f32 v4, v0;
	v1 =	vadd.f32 v10, v1;
	v4 =	vmul.f32 v5, v5;
	v7 =	vld [tilespmem:s10+$0xFFFFFF90]  }
0x3d8: {  	[tilespmem:s7+$0xFFFFFF60] =	vst v2;
	v8 =	vadd.f32 v11, v8;
	v9 =	vld [tilespmem:s9+$0xFFFFFFA0]  }
0x3d9: {  	v0 =	vadd.f32 v5, v0;
	v1 =	vadd.f32 v4, v1;
	v4 =	vmul.f32 v2, v2;
	v5 =	vld [tilespmem:s10+$0xFFFFFFA0]  }
0x3da: {  	[tilespmem:s7+$0xFFFFFF70] =	vst v8;
	v6 =	vadd.f32 v12, v6;
	v10 =	vld [tilespmem:s9+$0xFFFFFFB0]  }
0x3db: {  	v0 =	vadd.f32 v2, v0;
	v1 =	vadd.f32 v4, v1;
	v2 =	vmul.f32 v8, v8;
	v4 =	vld [tilespmem:s10+$0xFFFFFFB0]  }
0x3dc: {  	[tilespmem:s7+$0xFFFFFF80] =	vst v6;
	v3 =	vadd.f32 v7, v3;
	v7 =	vld [tilespmem:s9+$0xFFFFFFC0]  }
0x3dd: {  	v0 =	vadd.f32 v8, v0;
	v1 =	vadd.f32 v2, v1;
	v2 =	vmul.f32 v6, v6;
	v8 =	vld [tilespmem:s10+$0xFFFFFFC0]  }
0x3de: {  	[tilespmem:s7+$0xFFFFFF90] =	vst v3;
	v5 =	vadd.f32 v5, v9;
	v9 =	vld [tilespmem:s9+$0xFFFFFFD0]  }
0x3df: {  	v0 =	vadd.f32 v6, v0;
	v1 =	vadd.f32 v2, v1;
	v2 =	vmul.f32 v3, v3;
	v6 =	vld [tilespmem:s10+$0xFFFFFFD0]  }
0x3e0: {  	[tilespmem:s7+$0xFFFFFFA0] =	vst v5;
	v4 =	vadd.f32 v4, v10;
	v10 =	vld [tilespmem:s9+$0xFFFFFFE0]  }
0x3e1: {  	v0 =	vadd.f32 v3, v0;
	v1 =	vadd.f32 v2, v1;
	v2 =	vmul.f32 v5, v5;
	v3 =	vld [tilespmem:s10+$0xFFFFFFE0]  }
0x3e2: {  	[tilespmem:s7+$0xFFFFFFB0] =	vst v4;
	v7 =	vadd.f32 v8, v7;
	v8 =	vld [tilespmem:s9+$0xFFFFFFF0]  }
0x3e3: {  	v0 =	vadd.f32 v5, v0;
	v1 =	vadd.f32 v2, v1;
	v2 =	vmul.f32 v4, v4;
	v5 =	vld [tilespmem:s10+$0xFFFFFFF0]  }
0x3e4: {  	[tilespmem:s7+$0xFFFFFFC0] =	vst v7;
	v6 =	vadd.f32 v6, v9;
	v9 =	vld [tilespmem:s9+$0x0]  }
0x3e5: {  	v0 =	vadd.f32 v4, v0;
	v1 =	vadd.f32 v2, v1;
	v2 =	vmul.f32 v7, v7;
	v4 =	vld [tilespmem:s10+$0x0]  }
0x3e6: {  	[tilespmem:s7+$0xFFFFFFD0] =	vst v6;
	v3 =	vadd.f32 v3, v10;
	v10 =	vld [tilespmem:s9+$0x10]  }
0x3e7: {  	v0 =	vadd.f32 v7, v0;
	v1 =	vadd.f32 v2, v1;
	v2 =	vmul.f32 v6, v6;
	v7 =	vld [tilespmem:s10+$0x10]  }
0x3e8: {  	[tilespmem:s7+$0xFFFFFFE0] =	vst v3;
	v5 =	vadd.f32 v5, v8;
	v8 =	vld [tilespmem:s9+$0x20]  }
0x3e9: {  	v0 =	vadd.f32 v6, v0;
	v1 =	vadd.f32 v2, v1;
	v2 =	vmul.f32 v3, v3;
	v6 =	vld [tilespmem:s10+$0x20]  }
0x3ea: {  	[tilespmem:s7+$0xFFFFFFF0] =	vst v5;
	v4 =	vadd.f32 v4, v9;
	v9 =	vld [tilespmem:s9+$0x30]  }
0x3eb: {  	v0 =	vadd.f32 v3, v0;
	v1 =	vadd.f32 v2, v1;
	v2 =	vmul.f32 v5, v5;
	v3 =	vld [tilespmem:s10+$0x30]  }
0x3ec: {  	[tilespmem:s7+$0x0] =	vst v4;
	v7 =	vadd.f32 v7, v10;
	v10 =	vld [tilespmem:s9+$0x40]  }
0x3ed: {  	v0 =	vadd.f32 v5, v0;
	v1 =	vadd.f32 v2, v1;
	v2 =	vmul.f32 v4, v4;
	v5 =	vld [tilespmem:s10+$0x40]  }
0x3ee: {  	[tilespmem:s7+$0x10] =	vst v7;
	v6 =	vadd.f32 v6, v8;
	v8 =	vld [tilespmem:s9+$0x50]  }
0x3ef: {  	v0 =	vadd.f32 v4, v0;
	v1 =	vadd.f32 v2, v1;
	v2 =	vmul.f32 v7, v7;
	v4 =	vld [tilespmem:s10+$0x50]  }
0x3f0: {  	[tilespmem:s7+$0x20] =	vst v6;
	v3 =	vadd.f32 v3, v9;
	v9 =	vld [tilespmem:s9+$0x60]  }
0x3f1: {  	v0 =	vadd.f32 v7, v0;
	v1 =	vadd.f32 v2, v1;
	v2 =	vmul.f32 v6, v6;
	v7 =	vld [tilespmem:s10+$0x60]  }
0x3f2: {  	[tilespmem:s7+$0x30] =	vst v3;
	v5 =	vadd.f32 v5, v10;
	v10 =	vld [tilespmem:s9+$0x70]  }
0x3f3: {  	v0 =	vadd.f32 v6, v0;
	v1 =	vadd.f32 v2, v1;
	v2 =	vmul.f32 v3, v3;
	v6 =	vld [tilespmem:s10+$0x70]  }
0x3f4: {  	[tilespmem:s7+$0x40] =	vst v5;
	v8 =	vadd.f32 v4, v8;
	v11 =	vld [tilespmem:s9+$0x80]  }
0x3f5: {  	v0 =	vadd.f32 v3, v0;
	v2 =	vadd.f32 v2, v1;
	v3 =	vmul.f32 v5, v5;
	v12 =	vld [tilespmem:s10+$0x80]  }
0x3f6: {  	[tilespmem:s7+$0x50] =	vst v8;
	v7 =	vadd.f32 v7, v9;
	v1 =	vld [tilespmem:s9+$0x90]  }
.Ltmp18:
0x3f7: {  	v9 =	vmul.f32 v8, v8;
	v0 =	vadd.f32 v5, v0;
	v3 =	vadd.f32 v3, v2;
	v4 =	vld [tilespmem:s10+$0x90];
	(pc) =	sbr.rel @p0 .LBB2_26-.Ltmp18, $4  }
0x3f8: {  	[tilespmem:s7+$0x60] =	vst v7;
	v5 =	vadd.f32 v6, v10;
	v2 =	vld [tilespmem:s9+$0xA0]  }
0x3f9: {  	v13 =	vmul.f32 v7, v7;
	v8 =	vadd.f32 v8, v0;
	v10 =	vadd.f32 v9, v3;
	v6 =	vld [tilespmem:s10+$0xA0]  }
0x3fa: {  	[tilespmem:s7+$0x70] =	vst v5;
	v0 =	vadd.f32 v12, v11;
	v3 =	vld [tilespmem:s9+$0xB0]  }
0x3fb: {  	s12 =	smov.u32 s11;
	s9 =	sadd.s32 $0x180, s9;
	v9 =	vadd.f32 v7, v8;
	v8 =	vadd.f32 v13, v10;
	v10 =	vmul.f32 v5, v5;
	v7 =	vld [tilespmem:s10+$0xB0]  }
.LBB2_27:
0x3fc: {  	_ = 	snop  }
0x3fd: {  	v5 =	vadd.f32 v5, v9  }
0x3fe: {  	v1 =	vadd.f32 v4, v1;
	v4 =	vadd.f32 v10, v8;
	v8 =	vmul.f32 v0, v0  }
0x3ff: {  	v5 =	vadd.f32 v0, v5  }
0x400: {  	v2 =	vadd.f32 v6, v2;
	v6 =	vmul.f32 v1, v1;
	v4 =	vadd.f32 v8, v4  }
0x401: {  	v5 =	vadd.f32 v1, v5  }
0x402: {  	v3 =	vadd.f32 v7, v3;
	v4 =	vadd.f32 v6, v4;
	v6 =	vmul.f32 v2, v2  }
0x403: {  	v5 =	vadd.f32 v2, v5  }
0x404: {  	v4 =	vadd.f32 v6, v4;
	v6 =	vmul.f32 v3, v3  }
0x405: {  	v5 =	vadd.f32 v3, v5  }
0x406: {  	v4 =	vadd.f32 v6, v4  }
0x407: {  	(xrf2) =	vadd.scan.msk.f32 $0xffff, v5  }
0x408: {  	(xrf2) =	vadd.scan.msk.f32 $0xffff, v4;
	_ =	sdelay $0x8  }
0x409: {  	v4, _, _ =	vpop (xrf2)  }
0x40a: {  	(v2sf) =	vpush v4, $0xF;
	v4, _, _ =	vpop (xrf2)  }
0x40b: {  	(v2sf) =	vpush v4, $0xF;
	_ =	sdelay $0xb  }
0x40c: {  	[tilespmem:s7+$0x80] =	vst v0  }
0x40d: {  	[tilespmem:s7+$0x90] =	vst v1  }
0x40e: {  	[tilespmem:s7+$0xA0] =	vst v2;
	s9 =	spop (v2sf)  }
0x40f: {  	[tilespmem:s7+$0xB0] =	vst v3;
	s11 =	spop (v2sf);
	s10 =	smul.f32 $1.302083370e-03, s9  }
0x410: {  	s7 =	simm.s32 $0x12BC0;
	v7 =	vld [tilespmem:s18+$0xFFFFFF70];
	s12 =	smul.f32 $1.302083370e-03, s11  }
0x411: {  	v8 =	vld [tilespmem:s7+$0xB0];
	s9 =	smul.f32 s10, s10  }
0x412: {  	v9 =	vld [tilespmem:s18+$0xFFFFFF80]  }
0x413: {  	v11 =	vld [tilespmem:s18+$0xFFFFFF90];
	s9 =	ssub.f32 s12, s9  }
0x414: {  	v12 =	vld [tilespmem:s18+$0xFFFFFFA0]  }
0x415: {  	v13 =	vld [tilespmem:s18+$0xFFFFFFB0];
	s9 =	smax.f32 s9, $0.0e+00  }
0x416: {  	v14 =	vld [tilespmem:s18+$0xFFFFFFC0];
	s13 =	sadd.f32 $9.999999960e-13, s9  }
0x417: {  	v15 =	vld [tilespmem:s18+$0xFFFFFFD0]  }
0x418: {  	v16 =	vld [tilespmem:s18+$0xFFFFFFE0];
	v0 =	vmov s13  }
0x419: {  	v17 =	vld [tilespmem:s18+$0xFFFFFFF0];
	v1 =	vshrl.u32 v0, $0x1;
	v0 =	vmul.f32 $5.000000000e-01, v0  }
0x41a: {  	v18 =	vld [tilespmem:s18+$0x0];
	v1 =	vsub.s32 $0x5F3759DF, v1  }
0x41b: {  	v19 =	vld [tilespmem:s18+$0x10];
	v2 =	vmul.f32 v1, v0  }
0x41c: {  	v20 =	vld [tilespmem:s18+$0x20]  }
0x41d: {  	v21 =	vld [tilespmem:s18+$0x30];
	v2 =	vmul.f32 v1, v2  }
0x41e: {  	v22 =	vld [tilespmem:s18+$0x40]  }
0x41f: {  	v23 =	vld [tilespmem:s18+$0x50];
	v2 =	vsub.f32 $1.500000000e+00, v2  }
0x420: {  	v24 =	vld [tilespmem:s18+$0x60]  }
0x421: {  	v25 =	vld [tilespmem:s18+$0x70];
	v1 =	vmul.f32 v1, v2  }
0x422: {  	v26 =	vld [tilespmem:s18+$0x80]  }
0x423: {  	v27 =	vld [tilespmem:s18+$0xFFFFFF40];
	v2 =	vmul.f32 v1, v0  }
0x424: {  	v29 =	vld [tilespmem:s7+$0xFFFFFF40]  }
0x425: {  	v30 =	vld [tilespmem:s7+$0xFFFFFF50];
	v2 =	vmul.f32 v2, v1  }
0x426: {  	v31 =	vld [tilespmem:s7+$0xFFFFFF60]  }
0x427: {  	v32 =	vld [tilespmem:s7+$0xFFFFFF70];
	v2 =	vsub.f32 $1.500000000e+00, v2  }
0x428: {  	v33 =	vld [tilespmem:s7+$0xFFFFFF80]  }
0x429: {  	v34 =	vld [tilespmem:s7+$0xFFFFFF90];
	v1 =	vmul.f32 v2, v1  }
0x42a: {  	v61 =	vld [tilespmem:s7+$0xFFFFFFA0]  }
0x42b: {  	v35 =	vld [tilespmem:s7+$0xFFFFFFB0];
	v28 =	vmul.f32 v1, v0  }
0x42c: {  	v36 =	vld [tilespmem:s7+$0xFFFFFFC0]  }
0x42d: {  	v37 =	vld [tilespmem:s7+$0xFFFFFFD0];
	v28 =	vmul.f32 v28, v1  }
0x42e: {  	v38 =	vld [tilespmem:s7+$0xFFFFFFE0]  }
0x42f: {  	v39 =	vld [tilespmem:s7+$0xFFFFFFF0];
	v28 =	vsub.f32 $1.500000000e+00, v28  }
0x430: {  	v41 =	vld [tilespmem:s7+$0x0]  }
0x431: {  	v42 =	vld [tilespmem:s7+$0x10];
	v1 =	vmul.f32 v28, v1  }
0x432: {  	v6 =	vld [tilespmem:s18+$0xFFFFFF60]  }
0x433: {  	v4 =	vld [tilespmem:s18+$0xB0];
	v0 =	vmul.f32 v1, v0  }
0x434: {  	v5 =	vld [tilespmem:s18+$0xFFFFFF50]  }
0x435: {  	v62 =	vld [tilespmem:s7+$0x20];
	v0 =	vmul.f32 v0, v1  }
0x436: {  	v43 =	vld [tilespmem:s7+$0x30]  }
0x437: {  	v44 =	vld [tilespmem:s7+$0x40];
	v40 =	vsub.f32 $1.500000000e+00, v0;
	v0 =	vmov s10  }
0x438: {  	v45 =	vld [tilespmem:s7+$0x50];
	v4 =	vsub.f32 v4, v0  }
0x439: {  	v3 =	vld [tilespmem:s18+$0x90];
	s9 =	simm.s32 $0x12EC0;
	v5 =	vsub.f32 v5, v0;
	v6 =	vsub.f32 v6, v0  }
0x43a: {  	v10 =	vld [tilespmem:s9+$0xB0];
	v7 =	vsub.f32 v7, v0;
	v27 =	vsub.f32 v27, v0;
	v1 =	vmul.f32 v40, v1  }
0x43b: {  	v63 =	vld [tilespmem:s9+$0xFFFFFF40];
	v11 =	vsub.f32 v11, v0;
	v12 =	vsub.f32 v12, v0  }
0x43c: {  	v46 =	vld [tilespmem:s9+$0xFFFFFF50];
	v13 =	vsub.f32 v13, v0;
	v14 =	vsub.f32 v14, v0;
	v4 =	vmul.f32 v4, v1  }
0x43d: {  	v47 =	vld [tilespmem:s9+$0xFFFFFF70];
	v15 =	vsub.f32 v15, v0;
	v5 =	vmul.f32 v5, v1;
	v6 =	vmul.f32 v6, v1  }
0x43e: {  	v48 =	vld [tilespmem:s9+$0xFFFFFF80];
	v16 =	vsub.f32 v16, v0;
	v7 =	vmul.f32 v7, v1;
	v27 =	vmul.f32 v27, v1  }
0x43f: {  	v49 =	vld [tilespmem:s9+$0xFFFFFF90];
	v17 =	vsub.f32 v17, v0;
	v11 =	vmul.f32 v11, v1;
	v12 =	vmul.f32 v12, v1  }
0x440: {  	v50 =	vld [tilespmem:s9+$0xFFFFFFA0];
	v18 =	vsub.f32 v18, v0;
	v13 =	vmul.f32 v13, v1;
	v14 =	vmul.f32 v14, v1  }
0x441: {  	v51 =	vld [tilespmem:s9+$0xFFFFFFC0];
	v20 =	vsub.f32 v20, v0;
	v16 =	vmul.f32 v16, v1;
	v17 =	vmul.f32 v17, v1  }
0x442: {  	v52 =	vld [tilespmem:s9+$0xFFFFFFD0];
	v53 =	vsub.f32 v23, v0;
	v18 =	vmul.f32 v18, v1;
	v4 =	vmul.f32 v4, v8  }
0x443: {  	v54 =	vld [tilespmem:s9+$0xFFFFFFE0];
	v3 =	vsub.f32 v3, v0;
	v5 =	vmul.f32 v5, v30;
	v6 =	vmul.f32 v6, v31  }
0x444: {  	v27 =	vmul.f32 v27, v29;
	v4 =	vadd.f32 v4, v10;
	v10 =	vmul.f32 v15, v1;
	v15 =	vld [tilespmem:s9+$0xFFFFFF60]  }
0x445: {  	v55 =	vld [tilespmem:s9+$0xFFFFFFF0];
	v8 =	vsub.f32 v9, v0;
	v7 =	vmul.f32 v7, v32;
	v11 =	vmul.f32 v11, v34  }
0x446: {  	v57 =	vld [tilespmem:s9+$0x10];
	v12 =	vmul.f32 v12, v61;
	v13 =	vmul.f32 v13, v35;
	v27 =	vadd.f32 v27, v63  }
0x447: {  	v58 =	vld [tilespmem:s9+$0x30];
	v14 =	vmul.f32 v14, v36;
	v16 =	vmul.f32 v16, v38;
	v5 =	vadd.f32 v5, v46;
	[tilespmem:s18+$0xB0] =	vst v4  }
0x448: {  	v59 =	vld [tilespmem:s9+$0x40];
	v8 =	vmul.f32 v8, v1;
	v7 =	vadd.f32 v7, v47;
	v11 =	vadd.f32 v11, v49;
	[tilespmem:s18+$0xFFFFFF40] =	vst v27  }
0x449: {  	v17 =	vmul.f32 v17, v39;
	v12 =	vadd.f32 v12, v50;
	[tilespmem:s18+$0xFFFFFF50] =	vst v5;
	v6 =	vadd.f32 v6, v15;
	v15 =	vld [tilespmem:s9+$0xFFFFFFB0]  }
0x44a: {  	v2 =	vld [tilespmem:s18+$0xA0];
	v14 =	vadd.f32 v14, v51;
	v8 =	vmul.f32 v8, v33;
	v4 =	vsub.f32 v19, v0;
	[tilespmem:s18+$0xFFFFFF70] =	vst v7  }
0x44b: {  	v9 =	vld [tilespmem:s7+$0x60];
	v18 =	vmul.f32 v18, v41;
	v16 =	vadd.f32 v16, v54;
	v5 =	vsub.f32 v21, v0;
	[tilespmem:s18+$0xFFFFFF90] =	vst v11  }
0x44c: {  	v30 =	vld [tilespmem:s7+$0x70];
	v10 =	vmul.f32 v10, v37;
	[tilespmem:s18+$0xFFFFFFA0] =	vst v12;
	v4 =	vmul.f32 v4, v1;
	v8 =	vadd.f32 v8, v48  }
0x44d: {  	v31 =	vld [tilespmem:s7+$0x80];
	v7 =	vmul.f32 v20, v1;
	v11 =	vsub.f32 v25, v0;
	[tilespmem:s18+$0xFFFFFFC0] =	vst v14;
	v5 =	vmul.f32 v5, v1  }
0x44e: {  	v29 =	vld [tilespmem:s7+$0x90];
	[tilespmem:s18+$0xFFFFFF80] =	vst v8;
	v8 =	vsub.f32 v24, v0;
	v4 =	vmul.f32 v4, v42;
	v13 =	vadd.f32 v13, v15  }
0x44f: {  	v2 =	vsub.f32 v2, v0;
	[tilespmem:s18+$0xFFFFFFE0] =	vst v16;
	v11 =	vmul.f32 v11, v1;
	v5 =	vmul.f32 v5, v43;
	v15 =	vld [tilespmem:s9+$0x0]  }
0x450: {  	v4 =	vadd.f32 v4, v57;
	[tilespmem:s18+$0xFFFFFFB0] =	vst v13;
	v13 =	vmul.f32 v8, v1;
	v8 =	vadd.f32 v10, v52;
	v10 =	vld [tilespmem:s9+$0x20]  }
0x451: {  	v61 =	vld [tilespmem:s9+$0x50];
	v12 =	vmul.f32 v53, v1;
	v60 =	vmul.f32 v7, v62;
	[tilespmem:s18+$0xFFFFFF60] =	vst v6;
	v6 =	vsub.f32 v22, v0  }
0x452: {  	p0 =	por $0x1, $0x1;
	v32 =	vld [tilespmem:s7+$0xA0];
	v62 =	vmul.f32 v2, v1;
	v2 =	vmul.f32 v11, v30;
	v11 =	vadd.f32 v5, v58;
	[tilespmem:s18+$0x10] =	vst v4  }
.Ltmp19:
0x453: {  	v56 =	vsub.f32 v26, v0;
	v7 =	vld [tilespmem:s9+$0x60];
	v6 =	vmul.f32 v6, v1;
	[tilespmem:s18+$0xFFFFFFD0] =	vst v8;
	v8 =	vadd.f32 v17, v55;
	(pc) =	sbr.rel @!p0 .LBB2_29-.Ltmp19, $4  }
0x454: {  	v3 =	vmul.f32 v3, v1;
	v12 =	vmul.f32 v12, v45;
	[tilespmem:s18+$0x30] =	vst v11;
	v11 =	vld [tilespmem:s9+$0xA0];
	v15 =	vadd.f32 v18, v15  }
0x455: {  	v14 =	vmul.f32 v56, v1;
	v63 =	vmul.f32 v6, v44;
	[tilespmem:s18+$0xFFFFFFF0] =	vst v8;
	v8 =	vld [tilespmem:s9+$0x70];
	v10 =	vadd.f32 v60, v10  }
0x456: {  	v3 =	vmul.f32 v3, v29;
	v12 =	vadd.f32 v12, v61;
	v6 =	vmul.f32 v13, v9;
	v9 =	vld [tilespmem:s9+$0x80];
	[tilespmem:s18+$0x0] =	vst v15  }
0x457: {  	s11 =	sadd.s32 $0x180, s18;
	s13 =	simm.s32 $0x0;
	s10 =	smov.u32 s18;
	v5 =	vmul.f32 v14, v31;
	v4 =	vmul.f32 v62, v32;
	v13 =	vadd.f32 v63, v59;
	[tilespmem:s18+$0x20] =	vst v10;
	v10 =	vld [tilespmem:s9+$0x90]  }
.LBB2_28:
0x458: {  	s12 =	smov.u32 s13  }
0x459: {  	v14 =	vld [tilespmem:s11+$0xB0];
	[tilespmem:s10+$0x40] =	vst v13;
	v6 =	vadd.f32 v6, v7;
	s12 =	sadd.s32 $0x180, s13  }
0x45a: {  	v2 =	vadd.f32 v2, v8;
	v7 =	vld [tilespmem:s11+$0xFFFFFF50];
	p0 =	slt.u32 s12, s13;
	[tilespmem:s10+$0x50] =	vst v12  }
0x45b: {  	v5 =	vadd.f32 v5, v9;
	v8 =	vld [tilespmem:s11+$0xFFFFFF60];
	[tilespmem:s10+$0x60] =	vst v6  }
0x45c: {  	s7 =	sadd.s32 $0x180, s7;
	v6 =	vld [tilespmem:s11+$0xFFFFFF70];
	[tilespmem:s10+$0x70] =	vst v2;
	v2 =	vadd.f32 v3, v10  }
0x45d: {  	v4 =	vadd.f32 v4, v11;
	v3 =	vld [tilespmem:s7+$0xB0];
	[tilespmem:s10+$0x80] =	vst v5  }
0x45e: {  	s9 =	sadd.s32 $0x180, s9;
	v9 =	vsub.f32 v14, v0;
	v5 =	vld [tilespmem:s11+$0xFFFFFF80];
	[tilespmem:s10+$0x90] =	vst v2  }
0x45f: {  	v2 =	vsub.f32 v7, v0;
	v7 =	vld [tilespmem:s9+$0xB0];
	[tilespmem:s10+$0xA0] =	vst v4;
	s10 =	smov.u32 s11  }
0x460: {  	v9 =	vmul.f32 v9, v1;
	v4 =	vsub.f32 v8, v0;
	v8 =	vld [tilespmem:s11+$0xFFFFFF90]  }
0x461: {  	v2 =	vmul.f32 v2, v1;
	v6 =	vsub.f32 v6, v0;
	v10 =	vld [tilespmem:s11+$0xFFFFFFA0]  }
0x462: {  	v4 =	vmul.f32 v4, v1;
	v11 =	vld [tilespmem:s11+$0xFFFFFFB0];
	v3 =	vmul.f32 v9, v3  }
0x463: {  	v6 =	vmul.f32 v6, v1;
	v5 =	vsub.f32 v5, v0;
	v9 =	vld [tilespmem:s11+$0xFFFFFFC0]  }
0x464: {  	v12 =	vld [tilespmem:s11+$0xFFFFFFD0];
	v3 =	vadd.f32 v3, v7  }
0x465: {  	v5 =	vmul.f32 v5, v1;
	v7 =	vsub.f32 v8, v0;
	v8 =	vld [tilespmem:s11+$0xFFFFFFE0]  }
0x466: {  	v10 =	vsub.f32 v10, v0;
	v13 =	vld [tilespmem:s11+$0xFFFFFFF0];
	[tilespmem:s11+$0xB0] =	vst v3  }
0x467: {  	v3 =	vmul.f32 v7, v1;
	v7 =	vsub.f32 v11, v0;
	v11 =	vld [tilespmem:s11+$0x0]  }
0x468: {  	v10 =	vmul.f32 v10, v1;
	v9 =	vsub.f32 v9, v0;
	v14 =	vld [tilespmem:s11+$0x10]  }
0x469: {  	v7 =	vmul.f32 v7, v1;
	v12 =	vsub.f32 v12, v0;
	v15 =	vld [tilespmem:s11+$0x20]  }
0x46a: {  	v9 =	vmul.f32 v9, v1;
	v8 =	vsub.f32 v8, v0;
	v16 =	vld [tilespmem:s11+$0x30]  }
0x46b: {  	v12 =	vmul.f32 v12, v1;
	v13 =	vsub.f32 v13, v0;
	v17 =	vld [tilespmem:s11+$0x40]  }
0x46c: {  	v8 =	vmul.f32 v8, v1;
	v11 =	vsub.f32 v11, v0;
	v18 =	vld [tilespmem:s11+$0x50]  }
0x46d: {  	v13 =	vmul.f32 v13, v1;
	v14 =	vsub.f32 v14, v0;
	v19 =	vld [tilespmem:s11+$0x60]  }
0x46e: {  	v11 =	vmul.f32 v11, v1;
	v15 =	vsub.f32 v15, v0;
	v20 =	vld [tilespmem:s11+$0x70]  }
0x46f: {  	v14 =	vmul.f32 v14, v1;
	v16 =	vsub.f32 v16, v0;
	v21 =	vld [tilespmem:s11+$0x80]  }
0x470: {  	v15 =	vmul.f32 v15, v1;
	v17 =	vsub.f32 v17, v0;
	v22 =	vld [tilespmem:s11+$0x90]  }
0x471: {  	v16 =	vmul.f32 v16, v1;
	v18 =	vsub.f32 v18, v0;
	v23 =	vld [tilespmem:s11+$0xA0]  }
0x472: {  	v24 =	vld [tilespmem:s11+$0xFFFFFF40];
	v17 =	vmul.f32 v17, v1;
	v19 =	vsub.f32 v19, v0  }
0x473: {  	v25 =	vld [tilespmem:s7+$0xFFFFFF40];
	v18 =	vmul.f32 v18, v1;
	v20 =	vsub.f32 v20, v0  }
0x474: {  	v26 =	vld [tilespmem:s7+$0xFFFFFF50];
	v19 =	vmul.f32 v19, v1;
	v21 =	vsub.f32 v21, v0  }
0x475: {  	v27 =	vld [tilespmem:s7+$0xFFFFFF60];
	v20 =	vmul.f32 v20, v1;
	v22 =	vsub.f32 v22, v0  }
0x476: {  	v28 =	vld [tilespmem:s7+$0xFFFFFF70];
	v21 =	vmul.f32 v21, v1;
	v23 =	vsub.f32 v23, v0  }
0x477: {  	v24 =	vsub.f32 v24, v0;
	v29 =	vld [tilespmem:s7+$0xFFFFFF80];
	v22 =	vmul.f32 v22, v1  }
0x478: {  	v30 =	vld [tilespmem:s7+$0xFFFFFF90];
	v23 =	vmul.f32 v23, v1  }
0x479: {  	v24 =	vmul.f32 v24, v1;
	v26 =	vmul.f32 v2, v26;
	v2 =	vld [tilespmem:s7+$0xFFFFFFA0]  }
0x47a: {  	v27 =	vmul.f32 v4, v27;
	v4 =	vld [tilespmem:s7+$0xFFFFFFB0]  }
0x47b: {  	v24 =	vmul.f32 v24, v25;
	v25 =	vmul.f32 v6, v28;
	v6 =	vld [tilespmem:s7+$0xFFFFFFC0]  }
0x47c: {  	v28 =	vmul.f32 v5, v29;
	v5 =	vld [tilespmem:s7+$0xFFFFFFD0]  }
0x47d: {  	v29 =	vmul.f32 v3, v30;
	v3 =	vld [tilespmem:s7+$0xFFFFFFE0]  }
0x47e: {  	v10 =	vmul.f32 v10, v2;
	v2 =	vld [tilespmem:s7+$0xFFFFFFF0]  }
0x47f: {  	v7 =	vmul.f32 v7, v4;
	v4 =	vld [tilespmem:s7+$0x0]  }
0x480: {  	v9 =	vmul.f32 v9, v6;
	v6 =	vld [tilespmem:s7+$0x10]  }
0x481: {  	v12 =	vmul.f32 v12, v5;
	v5 =	vld [tilespmem:s7+$0x20]  }
0x482: {  	v8 =	vmul.f32 v8, v3;
	v3 =	vld [tilespmem:s7+$0x30]  }
0x483: {  	v13 =	vmul.f32 v13, v2;
	v2 =	vld [tilespmem:s7+$0x40]  }
0x484: {  	v11 =	vmul.f32 v11, v4;
	v4 =	vld [tilespmem:s7+$0x50]  }
0x485: {  	v14 =	vmul.f32 v14, v6;
	v6 =	vld [tilespmem:s7+$0x60]  }
0x486: {  	v15 =	vmul.f32 v15, v5;
	v5 =	vld [tilespmem:s7+$0x70]  }
0x487: {  	v16 =	vmul.f32 v16, v3;
	v3 =	vld [tilespmem:s7+$0x80]  }
0x488: {  	v17 =	vmul.f32 v17, v2;
	v30 =	vld [tilespmem:s7+$0x90]  }
0x489: {  	v18 =	vmul.f32 v18, v4;
	v4 =	vld [tilespmem:s7+$0xA0]  }
0x48a: {  	v31 =	vld [tilespmem:s9+$0xFFFFFF40];
	v6 =	vmul.f32 v19, v6  }
0x48b: {  	v19 =	vld [tilespmem:s9+$0xFFFFFF50];
	v2 =	vmul.f32 v20, v5  }
0x48c: {  	v20 =	vld [tilespmem:s9+$0xFFFFFF60];
	v5 =	vmul.f32 v21, v3  }
0x48d: {  	v21 =	vld [tilespmem:s9+$0xFFFFFF70];
	v3 =	vmul.f32 v22, v30  }
0x48e: {  	v22 =	vld [tilespmem:s9+$0xFFFFFF80];
	v4 =	vmul.f32 v23, v4  }
0x48f: {  	v23 =	vadd.f32 v24, v31;
	v24 =	vld [tilespmem:s9+$0xFFFFFF90]  }
0x490: {  	v19 =	vadd.f32 v26, v19;
	v26 =	vld [tilespmem:s9+$0xFFFFFFA0]  }
0x491: {  	[tilespmem:s11+$0xFFFFFF40] =	vst v23;
	v20 =	vadd.f32 v27, v20;
	v23 =	vld [tilespmem:s9+$0xFFFFFFB0]  }
0x492: {  	[tilespmem:s11+$0xFFFFFF50] =	vst v19;
	v19 =	vadd.f32 v25, v21;
	v21 =	vld [tilespmem:s9+$0xFFFFFFC0]  }
0x493: {  	[tilespmem:s11+$0xFFFFFF60] =	vst v20;
	v20 =	vadd.f32 v28, v22;
	v22 =	vld [tilespmem:s9+$0xFFFFFFD0]  }
0x494: {  	[tilespmem:s11+$0xFFFFFF70] =	vst v19;
	v19 =	vadd.f32 v29, v24;
	v24 =	vld [tilespmem:s9+$0xFFFFFFE0]  }
0x495: {  	[tilespmem:s11+$0xFFFFFF80] =	vst v20;
	v10 =	vadd.f32 v10, v26;
	v20 =	vld [tilespmem:s9+$0xFFFFFFF0]  }
0x496: {  	[tilespmem:s11+$0xFFFFFF90] =	vst v19;
	v7 =	vadd.f32 v7, v23;
	v19 =	vld [tilespmem:s9+$0x0]  }
0x497: {  	[tilespmem:s11+$0xFFFFFFA0] =	vst v10;
	v9 =	vadd.f32 v9, v21;
	v10 =	vld [tilespmem:s9+$0x10]  }
0x498: {  	[tilespmem:s11+$0xFFFFFFB0] =	vst v7;
	v7 =	vadd.f32 v12, v22;
	v12 =	vld [tilespmem:s9+$0x20]  }
0x499: {  	[tilespmem:s11+$0xFFFFFFC0] =	vst v9;
	v8 =	vadd.f32 v8, v24;
	v9 =	vld [tilespmem:s9+$0x30]  }
0x49a: {  	[tilespmem:s11+$0xFFFFFFD0] =	vst v7;
	v7 =	vadd.f32 v13, v20;
	v13 =	vld [tilespmem:s9+$0x40]  }
0x49b: {  	[tilespmem:s11+$0xFFFFFFE0] =	vst v8;
	v8 =	vadd.f32 v11, v19;
	v11 =	vld [tilespmem:s9+$0x50]  }
.Ltmp20:
0x49c: {  	[tilespmem:s11+$0xFFFFFFF0] =	vst v7;
	v10 =	vadd.f32 v14, v10;
	v7 =	vld [tilespmem:s9+$0x60];
	(pc) =	sbr.rel @p0 .LBB2_28-.Ltmp20, $4  }
0x49d: {  	[tilespmem:s11+$0x0] =	vst v8;
	v12 =	vadd.f32 v15, v12;
	v8 =	vld [tilespmem:s9+$0x70]  }
0x49e: {  	[tilespmem:s11+$0x10] =	vst v10;
	v14 =	vadd.f32 v16, v9;
	v9 =	vld [tilespmem:s9+$0x80]  }
0x49f: {  	[tilespmem:s11+$0x20] =	vst v12;
	v13 =	vadd.f32 v17, v13;
	v10 =	vld [tilespmem:s9+$0x90]  }
0x4a0: {  	s13 =	smov.u32 s12;
	s11 =	sadd.s32 $0x180, s11;
	[tilespmem:s10+$0x30] =	vst v14;
	v12 =	vadd.f32 v18, v11;
	v11 =	vld [tilespmem:s9+$0xA0]  }
.LBB2_29:
0x4a1: {  	_ = 	snop  }
0x4a2: {  	v0 =	vadd.f32 v6, v7;
	s17 =	sadd.s32 $0x1, s17;
	[tilespmem:s10+$0x40] =	vst v13  }
0x4a3: {  	[tilespmem:s10+$0x50] =	vst v12;
	p0 =	sne.s32 s17, $0x10;
	v1 =	vadd.f32 v2, v8  }
.Ltmp21:
0x4a4: {  	[tilespmem:s10+$0x60] =	vst v0;
	v61 =	vadd.f32 v5, v9;
	(pc) =	sbr.rel @p0 .LBB2_25-.Ltmp21, $4  }
0x4a5: {  	[tilespmem:s10+$0x70] =	vst v1;
	v62 =	vadd.f32 v3, v10  }
0x4a6: {  	v63 =	vadd.f32 v4, v11;
	[tilespmem:s10+$0x80] =	vst v61  }
0x4a7: {  	[tilespmem:s10+$0x90] =	vst v62  }
0x4a8: {  	s18 =	sadd.s32 $0x300, s18;
	s19 =	sadd.s32 $0x300, s19;
	s20 =	sadd.s32 $0x300, s20;
	[tilespmem:s10+$0xA0] =	vst v63  }
0x4a9: {  	s7 =	sshll.u32 s15, $0x9  }
0x4aa: {  	s7 =	sor.u32 s5, s7  }
0x4ab: {  	s7 =	smul.u32 $0x60, s7  }
0x4ac: {  	s2 =	sadd.s32 $0x5, s2  }
0x4ad: {  	s15 =	simm.s32 $0x0;
	s20 =	sshll.u32 s2, $0x4;
	s7 =	sadd.s32 s8, s7  }
0x4ae: {  	[hbm4b:s7+s15] =	stream.linear.scatter [tilespmem:s24], [sflag:$0x3], $0x3000, $0x38;
	[tilespmem:$0x13100] =	vst v63  }
0x4af: {  	s7 =	sand.u32 $0x3FFFFFF0, s20  }
0x4b0: {  	[tilespmem:s22], [sflag:$0x2] =	stream.indirect.gather [hbm4b:s6+s14], $0x300, s7, s14, $0xb8;
	[tilespmem:$0x13100] =	vst v63  }
0x4b1: {  	_ =	swait.ge [sflag:s23], $0x3000  }
0x4b2: {  	[sflag:s23] =	ssyncset.done $0x0  }
0x4b3: {  	[sflag:s23] =	ssyncadd.s32 $0xFFFFD000  }
0x4b4: {  	_ =	swait.ge [sflag:s30], $0x3000  }
0x4b5: {  	s17 =	simm.s32 $0x98C0;
	[sflag:s30] =	ssyncset.done $0x0  }
0x4b6: {  	s18 =	simm.s32 $0xF8C0;
	s19 =	simm.s32 $0x8C0;
	[sflag:s30] =	ssyncadd.s32 $0xFFFFD000  }
.LBB2_31:
0x4b7: {  	v0 =	vld [tilespmem:s19+$0xFFFFFF40]  }
0x4b8: {  	v1 =	vld [tilespmem:s18+$0xFFFFFF40]  }
0x4b9: {  	v2 =	vld [tilespmem:s19+$0xFFFFFF50]  }
0x4ba: {  	v3 =	vld [tilespmem:s18+$0xFFFFFF50]  }
0x4bb: {  	v4 =	vld [tilespmem:s19+$0xFFFFFF60]  }
0x4bc: {  	v5 =	vld [tilespmem:s18+$0xFFFFFF60]  }
0x4bd: {  	v6 =	vld [tilespmem:s19+$0xFFFFFF70]  }
0x4be: {  	v7 =	vld [tilespmem:s19+$0xFFFFFF80];
	v0 =	vadd.f32 v1, v0  }
0x4bf: {  	v1 =	vld [tilespmem:s18+$0xFFFFFF70]  }
0x4c0: {  	v8 =	vld [tilespmem:s18+$0xFFFFFF80];
	v9 =	vimm.f32 $0.0e+00;
	v2 =	vadd.f32 v3, v2;
	v3 =	vmul.f32 v0, v0  }
0x4c1: {  	v11 =	vld [tilespmem:s18+$0xFFFFFF90];
	v10 =	vadd.f32 v0, v9  }
0x4c2: {  	v12 =	vld [tilespmem:s18+$0xFFFFFFA0];
	v4 =	vadd.f32 v5, v4;
	v3 =	vadd.f32 v3, v9;
	v9 =	vmul.f32 v2, v2  }
0x4c3: {  	v5 =	vld [tilespmem:s19+$0xFFFFFF90];
	v10 =	vadd.f32 v2, v10  }
0x4c4: {  	v13 =	vld [tilespmem:s18+$0xFFFFFFB0];
	v1 =	vadd.f32 v1, v6;
	v3 =	vadd.f32 v9, v3;
	v9 =	vmul.f32 v4, v4  }
0x4c5: {  	v6 =	vld [tilespmem:s19+$0xFFFFFFA0];
	v10 =	vadd.f32 v4, v10  }
0x4c6: {  	v14 =	vld [tilespmem:s18+$0xFFFFFFC0];
	v7 =	vadd.f32 v8, v7;
	v3 =	vadd.f32 v9, v3;
	v9 =	vmul.f32 v1, v1  }
0x4c7: {  	v8 =	vld [tilespmem:s19+$0xFFFFFFB0];
	v10 =	vadd.f32 v1, v10  }
0x4c8: {  	v52 =	vld [tilespmem:s19+$0xFFFFFFD0];
	v5 =	vadd.f32 v11, v5;
	v3 =	vadd.f32 v9, v3;
	v9 =	vmul.f32 v7, v7  }
0x4c9: {  	v11 =	vld [tilespmem:s19+$0xFFFFFFC0];
	v10 =	vadd.f32 v7, v10  }
0x4ca: {  	v15 =	vld [tilespmem:s18+$0xFFFFFFD0];
	v6 =	vadd.f32 v12, v6;
	v3 =	vadd.f32 v9, v3;
	v9 =	vmul.f32 v5, v5  }
0x4cb: {  	v53 =	vld [tilespmem:s19+$0xFFFFFFE0];
	v10 =	vadd.f32 v5, v10  }
0x4cc: {  	v16 =	vld [tilespmem:s18+$0xFFFFFFE0];
	v8 =	vadd.f32 v13, v8;
	v3 =	vadd.f32 v9, v3;
	v9 =	vmul.f32 v6, v6  }
0x4cd: {  	v54 =	vld [tilespmem:s19+$0xFFFFFFF0];
	v10 =	vadd.f32 v6, v10  }
0x4ce: {  	v17 =	vld [tilespmem:s18+$0xFFFFFFF0];
	v11 =	vadd.f32 v14, v11;
	v3 =	vadd.f32 v9, v3;
	v9 =	vmul.f32 v8, v8  }
0x4cf: {  	v55 =	vld [tilespmem:s19+$0x0];
	v10 =	vadd.f32 v8, v10  }
0x4d0: {  	v18 =	vld [tilespmem:s18+$0x0];
	v12 =	vadd.f32 v15, v52;
	v3 =	vadd.f32 v9, v3;
	v9 =	vmul.f32 v11, v11  }
0x4d1: {  	v56 =	vld [tilespmem:s19+$0x10];
	v10 =	vadd.f32 v11, v10  }
0x4d2: {  	v19 =	vld [tilespmem:s18+$0x10];
	v13 =	vadd.f32 v16, v53;
	v3 =	vadd.f32 v9, v3;
	v9 =	vmul.f32 v12, v12  }
0x4d3: {  	v57 =	vld [tilespmem:s19+$0x20];
	[tilespmem:s17+$0xFFFFFF50] =	vst v2;
	v2 =	vadd.f32 v12, v10  }
0x4d4: {  	v58 =	vld [tilespmem:s19+$0x30];
	[tilespmem:s17+$0xFFFFFF40] =	vst v0;
	v0 =	vadd.f32 v17, v54;
	v3 =	vadd.f32 v9, v3;
	v9 =	vmul.f32 v13, v13  }
0x4d5: {  	[tilespmem:s17+$0xFFFFFF70] =	vst v1;
	v10 =	vld [tilespmem:s18+$0x20];
	v1 =	vadd.f32 v13, v2  }
0x4d6: {  	v59 =	vld [tilespmem:s19+$0x40];
	[tilespmem:s17+$0xFFFFFF60] =	vst v4;
	v4 =	vadd.f32 v18, v55;
	v2 =	vadd.f32 v9, v3;
	v3 =	vmul.f32 v0, v0  }
0x4d7: {  	[tilespmem:s17+$0xFFFFFF80] =	vst v7;
	v9 =	vld [tilespmem:s18+$0x30];
	v1 =	vadd.f32 v0, v1  }
0x4d8: {  	v60 =	vld [tilespmem:s18+$0x60];
	[tilespmem:s17+$0xFFFFFF90] =	vst v5;
	v7 =	vadd.f32 v19, v56;
	v2 =	vadd.f32 v3, v2;
	v3 =	vmul.f32 v4, v4  }
0x4d9: {  	[tilespmem:s17+$0xFFFFFFB0] =	vst v8;
	v5 =	vld [tilespmem:s18+$0x40];
	v1 =	vadd.f32 v4, v1  }
0x4da: {  	[tilespmem:s17+$0xFFFFFFA0] =	vst v6;
	v8 =	vld [tilespmem:s18+$0x50];
	v6 =	vadd.f32 v10, v57;
	v2 =	vadd.f32 v3, v2;
	v3 =	vmul.f32 v7, v7  }
0x4db: {  	[tilespmem:s17+$0xFFFFFFF0] =	vst v0;
	v10 =	vld [tilespmem:s19+$0x50];
	v1 =	vadd.f32 v7, v1  }
0x4dc: {  	v61 =	vld [tilespmem:s19+$0x70];
	[tilespmem:s17+$0xFFFFFFE0] =	vst v13;
	v9 =	vadd.f32 v9, v58;
	v2 =	vadd.f32 v3, v2;
	v3 =	vmul.f32 v6, v6  }
0x4dd: {  	[tilespmem:s17+$0xFFFFFFC0] =	vst v11;
	v11 =	vld [tilespmem:s19+$0x60];
	v0 =	vadd.f32 v6, v1  }
0x4de: {  	[tilespmem:s17+$0x10] =	vst v7;
	v5 =	vadd.f32 v5, v59;
	v7 =	vld [tilespmem:s18+$0x80];
	v1 =	vadd.f32 v3, v2;
	v2 =	vmul.f32 v9, v9  }
0x4df: {  	[tilespmem:s17+$0x0] =	vst v4;
	v3 =	vld [tilespmem:s18+$0x70];
	v0 =	vadd.f32 v9, v0  }
0x4e0: {  	[tilespmem:s17+$0xFFFFFFD0] =	vst v12;
	v4 =	vmul.f32 v5, v5;
	v8 =	vadd.f32 v8, v10;
	v10 =	vld [tilespmem:s19+$0x80];
	v2 =	vadd.f32 v2, v1  }
0x4e1: {  	p0 =	por $0x1, $0x1;
	[tilespmem:s17+$0x20] =	vst v6;
	v1 =	vld [tilespmem:s19+$0x90];
	v0 =	vadd.f32 v5, v0  }
.Ltmp22:
0x4e2: {  	v11 =	vadd.f32 v60, v11;
	[tilespmem:s17+$0x30] =	vst v9;
	v9 =	vmul.f32 v8, v8;
	v6 =	vadd.f32 v4, v2;
	v4 =	vld [tilespmem:s18+$0x90];
	(pc) =	sbr.rel @!p0 .LBB2_33-.Ltmp22, $4  }
0x4e3: {  	[tilespmem:s17+$0x50] =	vst v8;
	v2 =	vld [tilespmem:s19+$0xA0];
	v8 =	vadd.f32 v8, v0  }
0x4e4: {  	[tilespmem:s17+$0x40] =	vst v5;
	v63 =	vmul.f32 v11, v11;
	v5 =	vadd.f32 v3, v61;
	v62 =	vadd.f32 v9, v6;
	v6 =	vld [tilespmem:s18+$0xA0]  }
0x4e5: {  	s12 =	simm.s32 $0x0;
	[tilespmem:s17+$0x60] =	vst v11;
	v0 =	vadd.f32 v7, v10;
	v7 =	vld [tilespmem:s18+$0xB0]  }
0x4e6: {  	s9 =	sadd.s32 $0x180, s19;
	s7 =	smov.u32 s17;
	s10 =	smov.u32 s18;
	v3 =	vld [tilespmem:s19+$0xB0];
	v9 =	vadd.f32 v11, v8;
	[tilespmem:s17+$0x70] =	vst v5;
	v10 =	vmul.f32 v5, v5;
	v8 =	vadd.f32 v63, v62  }
.LBB2_32:
0x4e7: {  	v11 =	vld [tilespmem:s9+$0xFFFFFF40];
	[tilespmem:s7+$0x80] =	vst v0;
	v1 =	vadd.f32 v4, v1;
	s10 =	sadd.s32 $0x180, s10;
	s11 =	smov.u32 s12  }
0x4e8: {  	v4 =	vld [tilespmem:s10+$0xFFFFFF40];
	v5 =	vadd.f32 v5, v9;
	v8 =	vadd.f32 v10, v8;
	v9 =	vmul.f32 v0, v0  }
0x4e9: {  	s11 =	sadd.s32 $0x180, s12;
	v10 =	vld [tilespmem:s9+$0xFFFFFF50];
	[tilespmem:s7+$0x90] =	vst v1;
	v2 =	vadd.f32 v6, v2  }
0x4ea: {  	p0 =	slt.u32 s11, s12;
	v6 =	vld [tilespmem:s10+$0xFFFFFF50];
	v0 =	vadd.f32 v0, v5;
	v5 =	vadd.f32 v9, v8;
	v8 =	vmul.f32 v1, v1  }
0x4eb: {  	v9 =	vld [tilespmem:s9+$0xFFFFFF60];
	[tilespmem:s7+$0xA0] =	vst v2;
	v3 =	vadd.f32 v7, v3  }
0x4ec: {  	v7 =	vld [tilespmem:s10+$0xFFFFFF60];
	v0 =	vadd.f32 v1, v0;
	v1 =	vadd.f32 v8, v5;
	v5 =	vmul.f32 v2, v2  }
0x4ed: {  	v4 =	vadd.f32 v4, v11;
	v8 =	vld [tilespmem:s9+$0xFFFFFF70];
	[tilespmem:s7+$0xB0] =	vst v3  }
0x4ee: {  	s7 =	sadd.s32 $0x180, s7;
	v11 =	vld [tilespmem:s10+$0xFFFFFF70];
	v0 =	vadd.f32 v2, v0;
	v1 =	vadd.f32 v5, v1;
	v2 =	vmul.f32 v3, v3  }
0x4ef: {  	[tilespmem:s7+$0xFFFFFF40] =	vst v4;
	v5 =	vadd.f32 v6, v10;
	v6 =	vld [tilespmem:s9+$0xFFFFFF80]  }
0x4f0: {  	v10 =	vmul.f32 v4, v4;
	v12 =	vld [tilespmem:s10+$0xFFFFFF80];
	v0 =	vadd.f32 v3, v0;
	v1 =	vadd.f32 v2, v1  }
0x4f1: {  	[tilespmem:s7+$0xFFFFFF50] =	vst v5;
	v2 =	vadd.f32 v7, v9;
	v3 =	vld [tilespmem:s9+$0xFFFFFF90]  }
0x4f2: {  	v0 =	vadd.f32 v4, v0;
	v1 =	vadd.f32 v10, v1;
	v4 =	vmul.f32 v5, v5;
	v7 =	vld [tilespmem:s10+$0xFFFFFF90]  }
0x4f3: {  	[tilespmem:s7+$0xFFFFFF60] =	vst v2;
	v8 =	vadd.f32 v11, v8;
	v9 =	vld [tilespmem:s9+$0xFFFFFFA0]  }
0x4f4: {  	v0 =	vadd.f32 v5, v0;
	v1 =	vadd.f32 v4, v1;
	v4 =	vmul.f32 v2, v2;
	v5 =	vld [tilespmem:s10+$0xFFFFFFA0]  }
0x4f5: {  	[tilespmem:s7+$0xFFFFFF70] =	vst v8;
	v6 =	vadd.f32 v12, v6;
	v10 =	vld [tilespmem:s9+$0xFFFFFFB0]  }
0x4f6: {  	v0 =	vadd.f32 v2, v0;
	v1 =	vadd.f32 v4, v1;
	v2 =	vmul.f32 v8, v8;
	v4 =	vld [tilespmem:s10+$0xFFFFFFB0]  }
0x4f7: {  	[tilespmem:s7+$0xFFFFFF80] =	vst v6;
	v3 =	vadd.f32 v7, v3;
	v7 =	vld [tilespmem:s9+$0xFFFFFFC0]  }
0x4f8: {  	v0 =	vadd.f32 v8, v0;
	v1 =	vadd.f32 v2, v1;
	v2 =	vmul.f32 v6, v6;
	v8 =	vld [tilespmem:s10+$0xFFFFFFC0]  }
0x4f9: {  	[tilespmem:s7+$0xFFFFFF90] =	vst v3;
	v5 =	vadd.f32 v5, v9;
	v9 =	vld [tilespmem:s9+$0xFFFFFFD0]  }
0x4fa: {  	v0 =	vadd.f32 v6, v0;
	v1 =	vadd.f32 v2, v1;
	v2 =	vmul.f32 v3, v3;
	v6 =	vld [tilespmem:s10+$0xFFFFFFD0]  }
0x4fb: {  	[tilespmem:s7+$0xFFFFFFA0] =	vst v5;
	v4 =	vadd.f32 v4, v10;
	v10 =	vld [tilespmem:s9+$0xFFFFFFE0]  }
0x4fc: {  	v0 =	vadd.f32 v3, v0;
	v1 =	vadd.f32 v2, v1;
	v2 =	vmul.f32 v5, v5;
	v3 =	vld [tilespmem:s10+$0xFFFFFFE0]  }
0x4fd: {  	[tilespmem:s7+$0xFFFFFFB0] =	vst v4;
	v7 =	vadd.f32 v8, v7;
	v8 =	vld [tilespmem:s9+$0xFFFFFFF0]  }
0x4fe: {  	v0 =	vadd.f32 v5, v0;
	v1 =	vadd.f32 v2, v1;
	v2 =	vmul.f32 v4, v4;
	v5 =	vld [tilespmem:s10+$0xFFFFFFF0]  }
0x4ff: {  	[tilespmem:s7+$0xFFFFFFC0] =	vst v7;
	v6 =	vadd.f32 v6, v9;
	v9 =	vld [tilespmem:s9+$0x0]  }
0x500: {  	v0 =	vadd.f32 v4, v0;
	v1 =	vadd.f32 v2, v1;
	v2 =	vmul.f32 v7, v7;
	v4 =	vld [tilespmem:s10+$0x0]  }
0x501: {  	[tilespmem:s7+$0xFFFFFFD0] =	vst v6;
	v3 =	vadd.f32 v3, v10;
	v10 =	vld [tilespmem:s9+$0x10]  }
0x502: {  	v0 =	vadd.f32 v7, v0;
	v1 =	vadd.f32 v2, v1;
	v2 =	vmul.f32 v6, v6;
	v7 =	vld [tilespmem:s10+$0x10]  }
0x503: {  	[tilespmem:s7+$0xFFFFFFE0] =	vst v3;
	v5 =	vadd.f32 v5, v8;
	v8 =	vld [tilespmem:s9+$0x20]  }
0x504: {  	v0 =	vadd.f32 v6, v0;
	v1 =	vadd.f32 v2, v1;
	v2 =	vmul.f32 v3, v3;
	v6 =	vld [tilespmem:s10+$0x20]  }
0x505: {  	[tilespmem:s7+$0xFFFFFFF0] =	vst v5;
	v4 =	vadd.f32 v4, v9;
	v9 =	vld [tilespmem:s9+$0x30]  }
0x506: {  	v0 =	vadd.f32 v3, v0;
	v1 =	vadd.f32 v2, v1;
	v2 =	vmul.f32 v5, v5;
	v3 =	vld [tilespmem:s10+$0x30]  }
0x507: {  	[tilespmem:s7+$0x0] =	vst v4;
	v7 =	vadd.f32 v7, v10;
	v10 =	vld [tilespmem:s9+$0x40]  }
0x508: {  	v0 =	vadd.f32 v5, v0;
	v1 =	vadd.f32 v2, v1;
	v2 =	vmul.f32 v4, v4;
	v5 =	vld [tilespmem:s10+$0x40]  }
0x509: {  	[tilespmem:s7+$0x10] =	vst v7;
	v6 =	vadd.f32 v6, v8;
	v8 =	vld [tilespmem:s9+$0x50]  }
0x50a: {  	v0 =	vadd.f32 v4, v0;
	v1 =	vadd.f32 v2, v1;
	v2 =	vmul.f32 v7, v7;
	v4 =	vld [tilespmem:s10+$0x50]  }
0x50b: {  	[tilespmem:s7+$0x20] =	vst v6;
	v3 =	vadd.f32 v3, v9;
	v9 =	vld [tilespmem:s9+$0x60]  }
0x50c: {  	v0 =	vadd.f32 v7, v0;
	v1 =	vadd.f32 v2, v1;
	v2 =	vmul.f32 v6, v6;
	v7 =	vld [tilespmem:s10+$0x60]  }
0x50d: {  	[tilespmem:s7+$0x30] =	vst v3;
	v5 =	vadd.f32 v5, v10;
	v10 =	vld [tilespmem:s9+$0x70]  }
0x50e: {  	v0 =	vadd.f32 v6, v0;
	v1 =	vadd.f32 v2, v1;
	v2 =	vmul.f32 v3, v3;
	v6 =	vld [tilespmem:s10+$0x70]  }
0x50f: {  	[tilespmem:s7+$0x40] =	vst v5;
	v8 =	vadd.f32 v4, v8;
	v11 =	vld [tilespmem:s9+$0x80]  }
0x510: {  	v0 =	vadd.f32 v3, v0;
	v2 =	vadd.f32 v2, v1;
	v3 =	vmul.f32 v5, v5;
	v12 =	vld [tilespmem:s10+$0x80]  }
0x511: {  	[tilespmem:s7+$0x50] =	vst v8;
	v7 =	vadd.f32 v7, v9;
	v1 =	vld [tilespmem:s9+$0x90]  }
.Ltmp23:
0x512: {  	v9 =	vmul.f32 v8, v8;
	v0 =	vadd.f32 v5, v0;
	v3 =	vadd.f32 v3, v2;
	v4 =	vld [tilespmem:s10+$0x90];
	(pc) =	sbr.rel @p0 .LBB2_32-.Ltmp23, $4  }
0x513: {  	[tilespmem:s7+$0x60] =	vst v7;
	v5 =	vadd.f32 v6, v10;
	v2 =	vld [tilespmem:s9+$0xA0]  }
0x514: {  	v13 =	vmul.f32 v7, v7;
	v8 =	vadd.f32 v8, v0;
	v10 =	vadd.f32 v9, v3;
	v6 =	vld [tilespmem:s10+$0xA0]  }
0x515: {  	[tilespmem:s7+$0x70] =	vst v5;
	v0 =	vadd.f32 v12, v11;
	v3 =	vld [tilespmem:s9+$0xB0]  }
0x516: {  	s12 =	smov.u32 s11;
	s9 =	sadd.s32 $0x180, s9;
	v9 =	vadd.f32 v7, v8;
	v8 =	vadd.f32 v13, v10;
	v10 =	vmul.f32 v5, v5;
	v7 =	vld [tilespmem:s10+$0xB0]  }
.LBB2_33:
0x517: {  	_ = 	snop  }
0x518: {  	v5 =	vadd.f32 v5, v9  }
0x519: {  	v1 =	vadd.f32 v4, v1;
	v4 =	vadd.f32 v10, v8;
	v8 =	vmul.f32 v0, v0  }
0x51a: {  	v5 =	vadd.f32 v0, v5  }
0x51b: {  	v2 =	vadd.f32 v6, v2;
	v6 =	vmul.f32 v1, v1;
	v4 =	vadd.f32 v8, v4  }
0x51c: {  	v5 =	vadd.f32 v1, v5  }
0x51d: {  	v3 =	vadd.f32 v7, v3;
	v4 =	vadd.f32 v6, v4;
	v6 =	vmul.f32 v2, v2  }
0x51e: {  	v5 =	vadd.f32 v2, v5  }
0x51f: {  	v4 =	vadd.f32 v6, v4;
	v6 =	vmul.f32 v3, v3  }
0x520: {  	v5 =	vadd.f32 v3, v5  }
0x521: {  	v4 =	vadd.f32 v6, v4  }
0x522: {  	(xrf2) =	vadd.scan.msk.f32 $0xffff, v5  }
0x523: {  	(xrf2) =	vadd.scan.msk.f32 $0xffff, v4;
	_ =	sdelay $0x8  }
0x524: {  	v4, _, _ =	vpop (xrf2)  }
0x525: {  	(v2sf) =	vpush v4, $0xF;
	v4, _, _ =	vpop (xrf2)  }
0x526: {  	(v2sf) =	vpush v4, $0xF;
	_ =	sdelay $0xb  }
0x527: {  	[tilespmem:s7+$0x80] =	vst v0  }
0x528: {  	[tilespmem:s7+$0x90] =	vst v1  }
0x529: {  	[tilespmem:s7+$0xA0] =	vst v2;
	s9 =	spop (v2sf)  }
0x52a: {  	[tilespmem:s7+$0xB0] =	vst v3;
	s11 =	spop (v2sf);
	s10 =	smul.f32 $1.302083370e-03, s9  }
0x52b: {  	s7 =	simm.s32 $0x12BC0;
	v7 =	vld [tilespmem:s17+$0xFFFFFF70];
	s13 =	smul.f32 $1.302083370e-03, s11  }
0x52c: {  	v8 =	vld [tilespmem:s7+$0xB0];
	s9 =	smul.f32 s10, s10  }
0x52d: {  	v9 =	vld [tilespmem:s17+$0xFFFFFF80]  }
0x52e: {  	v11 =	vld [tilespmem:s17+$0xFFFFFF90];
	s9 =	ssub.f32 s13, s9  }
0x52f: {  	v12 =	vld [tilespmem:s17+$0xFFFFFFA0]  }
0x530: {  	v13 =	vld [tilespmem:s17+$0xFFFFFFB0];
	s9 =	smax.f32 s9, $0.0e+00  }
0x531: {  	v14 =	vld [tilespmem:s17+$0xFFFFFFC0];
	s20 =	sadd.f32 $9.999999960e-13, s9  }
0x532: {  	v15 =	vld [tilespmem:s17+$0xFFFFFFD0]  }
0x533: {  	v16 =	vld [tilespmem:s17+$0xFFFFFFE0];
	v0 =	vmov s20  }
0x534: {  	v17 =	vld [tilespmem:s17+$0xFFFFFFF0];
	v1 =	vshrl.u32 v0, $0x1;
	v0 =	vmul.f32 $5.000000000e-01, v0  }
0x535: {  	v18 =	vld [tilespmem:s17+$0x0];
	v1 =	vsub.s32 $0x5F3759DF, v1  }
0x536: {  	v19 =	vld [tilespmem:s17+$0x10];
	v2 =	vmul.f32 v1, v0  }
0x537: {  	v20 =	vld [tilespmem:s17+$0x20]  }
0x538: {  	v21 =	vld [tilespmem:s17+$0x30];
	v2 =	vmul.f32 v1, v2  }
0x539: {  	v22 =	vld [tilespmem:s17+$0x40]  }
0x53a: {  	v23 =	vld [tilespmem:s17+$0x50];
	v2 =	vsub.f32 $1.500000000e+00, v2  }
0x53b: {  	v24 =	vld [tilespmem:s17+$0x60]  }
0x53c: {  	v25 =	vld [tilespmem:s17+$0x70];
	v1 =	vmul.f32 v1, v2  }
0x53d: {  	v26 =	vld [tilespmem:s17+$0x80]  }
0x53e: {  	v27 =	vld [tilespmem:s17+$0xFFFFFF40];
	v2 =	vmul.f32 v1, v0  }
0x53f: {  	v29 =	vld [tilespmem:s7+$0xFFFFFF40]  }
0x540: {  	v30 =	vld [tilespmem:s7+$0xFFFFFF50];
	v2 =	vmul.f32 v2, v1  }
0x541: {  	v31 =	vld [tilespmem:s7+$0xFFFFFF60]  }
0x542: {  	v32 =	vld [tilespmem:s7+$0xFFFFFF70];
	v2 =	vsub.f32 $1.500000000e+00, v2  }
0x543: {  	v33 =	vld [tilespmem:s7+$0xFFFFFF80]  }
0x544: {  	v34 =	vld [tilespmem:s7+$0xFFFFFF90];
	v1 =	vmul.f32 v2, v1  }
0x545: {  	v61 =	vld [tilespmem:s7+$0xFFFFFFA0]  }
0x546: {  	v35 =	vld [tilespmem:s7+$0xFFFFFFB0];
	v28 =	vmul.f32 v1, v0  }
0x547: {  	v36 =	vld [tilespmem:s7+$0xFFFFFFC0]  }
0x548: {  	v37 =	vld [tilespmem:s7+$0xFFFFFFD0];
	v28 =	vmul.f32 v28, v1  }
0x549: {  	v38 =	vld [tilespmem:s7+$0xFFFFFFE0]  }
0x54a: {  	v39 =	vld [tilespmem:s7+$0xFFFFFFF0];
	v28 =	vsub.f32 $1.500000000e+00, v28  }
0x54b: {  	v41 =	vld [tilespmem:s7+$0x0]  }
0x54c: {  	v42 =	vld [tilespmem:s7+$0x10];
	v1 =	vmul.f32 v28, v1  }
0x54d: {  	v6 =	vld [tilespmem:s17+$0xFFFFFF60]  }
0x54e: {  	v4 =	vld [tilespmem:s17+$0xB0];
	v0 =	vmul.f32 v1, v0  }
0x54f: {  	v5 =	vld [tilespmem:s17+$0xFFFFFF50]  }
0x550: {  	v62 =	vld [tilespmem:s7+$0x20];
	v0 =	vmul.f32 v0, v1  }
0x551: {  	v43 =	vld [tilespmem:s7+$0x30]  }
0x552: {  	v44 =	vld [tilespmem:s7+$0x40];
	v40 =	vsub.f32 $1.500000000e+00, v0;
	v0 =	vmov s10  }
0x553: {  	v45 =	vld [tilespmem:s7+$0x50];
	v4 =	vsub.f32 v4, v0  }
0x554: {  	v3 =	vld [tilespmem:s17+$0x90];
	s9 =	simm.s32 $0x12EC0;
	v5 =	vsub.f32 v5, v0;
	v6 =	vsub.f32 v6, v0  }
0x555: {  	v10 =	vld [tilespmem:s9+$0xB0];
	v7 =	vsub.f32 v7, v0;
	v27 =	vsub.f32 v27, v0;
	v1 =	vmul.f32 v40, v1  }
0x556: {  	v63 =	vld [tilespmem:s9+$0xFFFFFF40];
	v11 =	vsub.f32 v11, v0;
	v12 =	vsub.f32 v12, v0  }
0x557: {  	v46 =	vld [tilespmem:s9+$0xFFFFFF50];
	v13 =	vsub.f32 v13, v0;
	v14 =	vsub.f32 v14, v0;
	v4 =	vmul.f32 v4, v1  }
0x558: {  	v47 =	vld [tilespmem:s9+$0xFFFFFF70];
	v15 =	vsub.f32 v15, v0;
	v5 =	vmul.f32 v5, v1;
	v6 =	vmul.f32 v6, v1  }
0x559: {  	v48 =	vld [tilespmem:s9+$0xFFFFFF80];
	v16 =	vsub.f32 v16, v0;
	v7 =	vmul.f32 v7, v1;
	v27 =	vmul.f32 v27, v1  }
0x55a: {  	v49 =	vld [tilespmem:s9+$0xFFFFFF90];
	v17 =	vsub.f32 v17, v0;
	v11 =	vmul.f32 v11, v1;
	v12 =	vmul.f32 v12, v1  }
0x55b: {  	v50 =	vld [tilespmem:s9+$0xFFFFFFA0];
	v18 =	vsub.f32 v18, v0;
	v13 =	vmul.f32 v13, v1;
	v14 =	vmul.f32 v14, v1  }
0x55c: {  	v51 =	vld [tilespmem:s9+$0xFFFFFFC0];
	v20 =	vsub.f32 v20, v0;
	v16 =	vmul.f32 v16, v1;
	v17 =	vmul.f32 v17, v1  }
0x55d: {  	v52 =	vld [tilespmem:s9+$0xFFFFFFD0];
	v53 =	vsub.f32 v23, v0;
	v18 =	vmul.f32 v18, v1;
	v4 =	vmul.f32 v4, v8  }
0x55e: {  	v54 =	vld [tilespmem:s9+$0xFFFFFFE0];
	v3 =	vsub.f32 v3, v0;
	v5 =	vmul.f32 v5, v30;
	v6 =	vmul.f32 v6, v31  }
0x55f: {  	v27 =	vmul.f32 v27, v29;
	v4 =	vadd.f32 v4, v10;
	v10 =	vmul.f32 v15, v1;
	v15 =	vld [tilespmem:s9+$0xFFFFFF60]  }
0x560: {  	v55 =	vld [tilespmem:s9+$0xFFFFFFF0];
	v8 =	vsub.f32 v9, v0;
	v7 =	vmul.f32 v7, v32;
	v11 =	vmul.f32 v11, v34  }
0x561: {  	v57 =	vld [tilespmem:s9+$0x10];
	v12 =	vmul.f32 v12, v61;
	v13 =	vmul.f32 v13, v35;
	v27 =	vadd.f32 v27, v63  }
0x562: {  	v58 =	vld [tilespmem:s9+$0x30];
	v14 =	vmul.f32 v14, v36;
	v16 =	vmul.f32 v16, v38;
	v5 =	vadd.f32 v5, v46;
	[tilespmem:s17+$0xB0] =	vst v4  }
0x563: {  	v59 =	vld [tilespmem:s9+$0x40];
	v8 =	vmul.f32 v8, v1;
	v7 =	vadd.f32 v7, v47;
	v11 =	vadd.f32 v11, v49;
	[tilespmem:s17+$0xFFFFFF40] =	vst v27  }
0x564: {  	v17 =	vmul.f32 v17, v39;
	v12 =	vadd.f32 v12, v50;
	[tilespmem:s17+$0xFFFFFF50] =	vst v5;
	v6 =	vadd.f32 v6, v15;
	v15 =	vld [tilespmem:s9+$0xFFFFFFB0]  }
0x565: {  	v2 =	vld [tilespmem:s17+$0xA0];
	v14 =	vadd.f32 v14, v51;
	v8 =	vmul.f32 v8, v33;
	v4 =	vsub.f32 v19, v0;
	[tilespmem:s17+$0xFFFFFF70] =	vst v7  }
0x566: {  	v9 =	vld [tilespmem:s7+$0x60];
	v18 =	vmul.f32 v18, v41;
	v16 =	vadd.f32 v16, v54;
	v5 =	vsub.f32 v21, v0;
	[tilespmem:s17+$0xFFFFFF90] =	vst v11  }
0x567: {  	v30 =	vld [tilespmem:s7+$0x70];
	v10 =	vmul.f32 v10, v37;
	[tilespmem:s17+$0xFFFFFFA0] =	vst v12;
	v4 =	vmul.f32 v4, v1;
	v8 =	vadd.f32 v8, v48  }
0x568: {  	v31 =	vld [tilespmem:s7+$0x80];
	v7 =	vmul.f32 v20, v1;
	v11 =	vsub.f32 v25, v0;
	[tilespmem:s17+$0xFFFFFFC0] =	vst v14;
	v5 =	vmul.f32 v5, v1  }
0x569: {  	v29 =	vld [tilespmem:s7+$0x90];
	[tilespmem:s17+$0xFFFFFF80] =	vst v8;
	v8 =	vsub.f32 v24, v0;
	v4 =	vmul.f32 v4, v42;
	v13 =	vadd.f32 v13, v15  }
0x56a: {  	v2 =	vsub.f32 v2, v0;
	[tilespmem:s17+$0xFFFFFFE0] =	vst v16;
	v11 =	vmul.f32 v11, v1;
	v5 =	vmul.f32 v5, v43;
	v15 =	vld [tilespmem:s9+$0x0]  }
0x56b: {  	v4 =	vadd.f32 v4, v57;
	[tilespmem:s17+$0xFFFFFFB0] =	vst v13;
	v13 =	vmul.f32 v8, v1;
	v8 =	vadd.f32 v10, v52;
	v10 =	vld [tilespmem:s9+$0x20]  }
0x56c: {  	v61 =	vld [tilespmem:s9+$0x50];
	v12 =	vmul.f32 v53, v1;
	v60 =	vmul.f32 v7, v62;
	[tilespmem:s17+$0xFFFFFF60] =	vst v6;
	v6 =	vsub.f32 v22, v0  }
0x56d: {  	p0 =	por $0x1, $0x1;
	v32 =	vld [tilespmem:s7+$0xA0];
	v62 =	vmul.f32 v2, v1;
	v2 =	vmul.f32 v11, v30;
	v11 =	vadd.f32 v5, v58;
	[tilespmem:s17+$0x10] =	vst v4  }
.Ltmp24:
0x56e: {  	v56 =	vsub.f32 v26, v0;
	v7 =	vld [tilespmem:s9+$0x60];
	v6 =	vmul.f32 v6, v1;
	[tilespmem:s17+$0xFFFFFFD0] =	vst v8;
	v8 =	vadd.f32 v17, v55;
	(pc) =	sbr.rel @!p0 .LBB2_35-.Ltmp24, $4  }
0x56f: {  	v3 =	vmul.f32 v3, v1;
	v12 =	vmul.f32 v12, v45;
	[tilespmem:s17+$0x30] =	vst v11;
	v11 =	vld [tilespmem:s9+$0xA0];
	v15 =	vadd.f32 v18, v15  }
0x570: {  	v14 =	vmul.f32 v56, v1;
	v63 =	vmul.f32 v6, v44;
	[tilespmem:s17+$0xFFFFFFF0] =	vst v8;
	v8 =	vld [tilespmem:s9+$0x70];
	v10 =	vadd.f32 v60, v10  }
0x571: {  	v3 =	vmul.f32 v3, v29;
	v12 =	vadd.f32 v12, v61;
	v6 =	vmul.f32 v13, v9;
	v9 =	vld [tilespmem:s9+$0x80];
	[tilespmem:s17+$0x0] =	vst v15  }
0x572: {  	s11 =	sadd.s32 $0x180, s17;
	s13 =	simm.s32 $0x0;
	s10 =	smov.u32 s17;
	v5 =	vmul.f32 v14, v31;
	v4 =	vmul.f32 v62, v32;
	v13 =	vadd.f32 v63, v59;
	[tilespmem:s17+$0x20] =	vst v10;
	v10 =	vld [tilespmem:s9+$0x90]  }
.LBB2_34:
0x573: {  	s12 =	smov.u32 s13  }
0x574: {  	v14 =	vld [tilespmem:s11+$0xB0];
	[tilespmem:s10+$0x40] =	vst v13;
	v6 =	vadd.f32 v6, v7;
	s12 =	sadd.s32 $0x180, s13  }
0x575: {  	v2 =	vadd.f32 v2, v8;
	v7 =	vld [tilespmem:s11+$0xFFFFFF50];
	p0 =	slt.u32 s12, s13;
	[tilespmem:s10+$0x50] =	vst v12  }
0x576: {  	v5 =	vadd.f32 v5, v9;
	v8 =	vld [tilespmem:s11+$0xFFFFFF60];
	[tilespmem:s10+$0x60] =	vst v6  }
0x577: {  	s7 =	sadd.s32 $0x180, s7;
	v6 =	vld [tilespmem:s11+$0xFFFFFF70];
	[tilespmem:s10+$0x70] =	vst v2;
	v2 =	vadd.f32 v3, v10  }
0x578: {  	v4 =	vadd.f32 v4, v11;
	v3 =	vld [tilespmem:s7+$0xB0];
	[tilespmem:s10+$0x80] =	vst v5  }
0x579: {  	s9 =	sadd.s32 $0x180, s9;
	v9 =	vsub.f32 v14, v0;
	v5 =	vld [tilespmem:s11+$0xFFFFFF80];
	[tilespmem:s10+$0x90] =	vst v2  }
0x57a: {  	v2 =	vsub.f32 v7, v0;
	v7 =	vld [tilespmem:s9+$0xB0];
	[tilespmem:s10+$0xA0] =	vst v4;
	s10 =	smov.u32 s11  }
0x57b: {  	v9 =	vmul.f32 v9, v1;
	v4 =	vsub.f32 v8, v0;
	v8 =	vld [tilespmem:s11+$0xFFFFFF90]  }
0x57c: {  	v2 =	vmul.f32 v2, v1;
	v6 =	vsub.f32 v6, v0;
	v10 =	vld [tilespmem:s11+$0xFFFFFFA0]  }
0x57d: {  	v4 =	vmul.f32 v4, v1;
	v11 =	vld [tilespmem:s11+$0xFFFFFFB0];
	v3 =	vmul.f32 v9, v3  }
0x57e: {  	v6 =	vmul.f32 v6, v1;
	v5 =	vsub.f32 v5, v0;
	v9 =	vld [tilespmem:s11+$0xFFFFFFC0]  }
0x57f: {  	v12 =	vld [tilespmem:s11+$0xFFFFFFD0];
	v3 =	vadd.f32 v3, v7  }
0x580: {  	v5 =	vmul.f32 v5, v1;
	v7 =	vsub.f32 v8, v0;
	v8 =	vld [tilespmem:s11+$0xFFFFFFE0]  }
0x581: {  	v10 =	vsub.f32 v10, v0;
	v13 =	vld [tilespmem:s11+$0xFFFFFFF0];
	[tilespmem:s11+$0xB0] =	vst v3  }
0x582: {  	v3 =	vmul.f32 v7, v1;
	v7 =	vsub.f32 v11, v0;
	v11 =	vld [tilespmem:s11+$0x0]  }
0x583: {  	v10 =	vmul.f32 v10, v1;
	v9 =	vsub.f32 v9, v0;
	v14 =	vld [tilespmem:s11+$0x10]  }
0x584: {  	v7 =	vmul.f32 v7, v1;
	v12 =	vsub.f32 v12, v0;
	v15 =	vld [tilespmem:s11+$0x20]  }
0x585: {  	v9 =	vmul.f32 v9, v1;
	v8 =	vsub.f32 v8, v0;
	v16 =	vld [tilespmem:s11+$0x30]  }
0x586: {  	v12 =	vmul.f32 v12, v1;
	v13 =	vsub.f32 v13, v0;
	v17 =	vld [tilespmem:s11+$0x40]  }
0x587: {  	v8 =	vmul.f32 v8, v1;
	v11 =	vsub.f32 v11, v0;
	v18 =	vld [tilespmem:s11+$0x50]  }
0x588: {  	v13 =	vmul.f32 v13, v1;
	v14 =	vsub.f32 v14, v0;
	v19 =	vld [tilespmem:s11+$0x60]  }
0x589: {  	v11 =	vmul.f32 v11, v1;
	v15 =	vsub.f32 v15, v0;
	v20 =	vld [tilespmem:s11+$0x70]  }
0x58a: {  	v14 =	vmul.f32 v14, v1;
	v16 =	vsub.f32 v16, v0;
	v21 =	vld [tilespmem:s11+$0x80]  }
0x58b: {  	v15 =	vmul.f32 v15, v1;
	v17 =	vsub.f32 v17, v0;
	v22 =	vld [tilespmem:s11+$0x90]  }
0x58c: {  	v16 =	vmul.f32 v16, v1;
	v18 =	vsub.f32 v18, v0;
	v23 =	vld [tilespmem:s11+$0xA0]  }
0x58d: {  	v24 =	vld [tilespmem:s11+$0xFFFFFF40];
	v17 =	vmul.f32 v17, v1;
	v19 =	vsub.f32 v19, v0  }
0x58e: {  	v25 =	vld [tilespmem:s7+$0xFFFFFF40];
	v18 =	vmul.f32 v18, v1;
	v20 =	vsub.f32 v20, v0  }
0x58f: {  	v26 =	vld [tilespmem:s7+$0xFFFFFF50];
	v19 =	vmul.f32 v19, v1;
	v21 =	vsub.f32 v21, v0  }
0x590: {  	v27 =	vld [tilespmem:s7+$0xFFFFFF60];
	v20 =	vmul.f32 v20, v1;
	v22 =	vsub.f32 v22, v0  }
0x591: {  	v28 =	vld [tilespmem:s7+$0xFFFFFF70];
	v21 =	vmul.f32 v21, v1;
	v23 =	vsub.f32 v23, v0  }
0x592: {  	v24 =	vsub.f32 v24, v0;
	v29 =	vld [tilespmem:s7+$0xFFFFFF80];
	v22 =	vmul.f32 v22, v1  }
0x593: {  	v30 =	vld [tilespmem:s7+$0xFFFFFF90];
	v23 =	vmul.f32 v23, v1  }
0x594: {  	v24 =	vmul.f32 v24, v1;
	v26 =	vmul.f32 v2, v26;
	v2 =	vld [tilespmem:s7+$0xFFFFFFA0]  }
0x595: {  	v27 =	vmul.f32 v4, v27;
	v4 =	vld [tilespmem:s7+$0xFFFFFFB0]  }
0x596: {  	v24 =	vmul.f32 v24, v25;
	v25 =	vmul.f32 v6, v28;
	v6 =	vld [tilespmem:s7+$0xFFFFFFC0]  }
0x597: {  	v28 =	vmul.f32 v5, v29;
	v5 =	vld [tilespmem:s7+$0xFFFFFFD0]  }
0x598: {  	v29 =	vmul.f32 v3, v30;
	v3 =	vld [tilespmem:s7+$0xFFFFFFE0]  }
0x599: {  	v10 =	vmul.f32 v10, v2;
	v2 =	vld [tilespmem:s7+$0xFFFFFFF0]  }
0x59a: {  	v7 =	vmul.f32 v7, v4;
	v4 =	vld [tilespmem:s7+$0x0]  }
0x59b: {  	v9 =	vmul.f32 v9, v6;
	v6 =	vld [tilespmem:s7+$0x10]  }
0x59c: {  	v12 =	vmul.f32 v12, v5;
	v5 =	vld [tilespmem:s7+$0x20]  }
0x59d: {  	v8 =	vmul.f32 v8, v3;
	v3 =	vld [tilespmem:s7+$0x30]  }
0x59e: {  	v13 =	vmul.f32 v13, v2;
	v2 =	vld [tilespmem:s7+$0x40]  }
0x59f: {  	v11 =	vmul.f32 v11, v4;
	v4 =	vld [tilespmem:s7+$0x50]  }
0x5a0: {  	v14 =	vmul.f32 v14, v6;
	v6 =	vld [tilespmem:s7+$0x60]  }
0x5a1: {  	v15 =	vmul.f32 v15, v5;
	v5 =	vld [tilespmem:s7+$0x70]  }
0x5a2: {  	v16 =	vmul.f32 v16, v3;
	v3 =	vld [tilespmem:s7+$0x80]  }
0x5a3: {  	v17 =	vmul.f32 v17, v2;
	v30 =	vld [tilespmem:s7+$0x90]  }
0x5a4: {  	v18 =	vmul.f32 v18, v4;
	v4 =	vld [tilespmem:s7+$0xA0]  }
0x5a5: {  	v31 =	vld [tilespmem:s9+$0xFFFFFF40];
	v6 =	vmul.f32 v19, v6  }
0x5a6: {  	v19 =	vld [tilespmem:s9+$0xFFFFFF50];
	v2 =	vmul.f32 v20, v5  }
0x5a7: {  	v20 =	vld [tilespmem:s9+$0xFFFFFF60];
	v5 =	vmul.f32 v21, v3  }
0x5a8: {  	v21 =	vld [tilespmem:s9+$0xFFFFFF70];
	v3 =	vmul.f32 v22, v30  }
0x5a9: {  	v22 =	vld [tilespmem:s9+$0xFFFFFF80];
	v4 =	vmul.f32 v23, v4  }
0x5aa: {  	v23 =	vadd.f32 v24, v31;
	v24 =	vld [tilespmem:s9+$0xFFFFFF90]  }
0x5ab: {  	v19 =	vadd.f32 v26, v19;
	v26 =	vld [tilespmem:s9+$0xFFFFFFA0]  }
0x5ac: {  	[tilespmem:s11+$0xFFFFFF40] =	vst v23;
	v20 =	vadd.f32 v27, v20;
	v23 =	vld [tilespmem:s9+$0xFFFFFFB0]  }
0x5ad: {  	[tilespmem:s11+$0xFFFFFF50] =	vst v19;
	v19 =	vadd.f32 v25, v21;
	v21 =	vld [tilespmem:s9+$0xFFFFFFC0]  }
0x5ae: {  	[tilespmem:s11+$0xFFFFFF60] =	vst v20;
	v20 =	vadd.f32 v28, v22;
	v22 =	vld [tilespmem:s9+$0xFFFFFFD0]  }
0x5af: {  	[tilespmem:s11+$0xFFFFFF70] =	vst v19;
	v19 =	vadd.f32 v29, v24;
	v24 =	vld [tilespmem:s9+$0xFFFFFFE0]  }
0x5b0: {  	[tilespmem:s11+$0xFFFFFF80] =	vst v20;
	v10 =	vadd.f32 v10, v26;
	v20 =	vld [tilespmem:s9+$0xFFFFFFF0]  }
0x5b1: {  	[tilespmem:s11+$0xFFFFFF90] =	vst v19;
	v7 =	vadd.f32 v7, v23;
	v19 =	vld [tilespmem:s9+$0x0]  }
0x5b2: {  	[tilespmem:s11+$0xFFFFFFA0] =	vst v10;
	v9 =	vadd.f32 v9, v21;
	v10 =	vld [tilespmem:s9+$0x10]  }
0x5b3: {  	[tilespmem:s11+$0xFFFFFFB0] =	vst v7;
	v7 =	vadd.f32 v12, v22;
	v12 =	vld [tilespmem:s9+$0x20]  }
0x5b4: {  	[tilespmem:s11+$0xFFFFFFC0] =	vst v9;
	v8 =	vadd.f32 v8, v24;
	v9 =	vld [tilespmem:s9+$0x30]  }
0x5b5: {  	[tilespmem:s11+$0xFFFFFFD0] =	vst v7;
	v7 =	vadd.f32 v13, v20;
	v13 =	vld [tilespmem:s9+$0x40]  }
0x5b6: {  	[tilespmem:s11+$0xFFFFFFE0] =	vst v8;
	v8 =	vadd.f32 v11, v19;
	v11 =	vld [tilespmem:s9+$0x50]  }
.Ltmp25:
0x5b7: {  	[tilespmem:s11+$0xFFFFFFF0] =	vst v7;
	v10 =	vadd.f32 v14, v10;
	v7 =	vld [tilespmem:s9+$0x60];
	(pc) =	sbr.rel @p0 .LBB2_34-.Ltmp25, $4  }
0x5b8: {  	[tilespmem:s11+$0x0] =	vst v8;
	v12 =	vadd.f32 v15, v12;
	v8 =	vld [tilespmem:s9+$0x70]  }
0x5b9: {  	[tilespmem:s11+$0x10] =	vst v10;
	v14 =	vadd.f32 v16, v9;
	v9 =	vld [tilespmem:s9+$0x80]  }
0x5ba: {  	[tilespmem:s11+$0x20] =	vst v12;
	v13 =	vadd.f32 v17, v13;
	v10 =	vld [tilespmem:s9+$0x90]  }
0x5bb: {  	s13 =	smov.u32 s12;
	s11 =	sadd.s32 $0x180, s11;
	[tilespmem:s10+$0x30] =	vst v14;
	v12 =	vadd.f32 v18, v11;
	v11 =	vld [tilespmem:s9+$0xA0]  }
.LBB2_35:
0x5bc: {  	_ = 	snop  }
0x5bd: {  	v0 =	vadd.f32 v6, v7;
	s15 =	sadd.s32 $0x1, s15;
	[tilespmem:s10+$0x40] =	vst v13  }
0x5be: {  	[tilespmem:s10+$0x50] =	vst v12;
	p0 =	sne.s32 s15, $0x10;
	v1 =	vadd.f32 v2, v8  }
.Ltmp26:
0x5bf: {  	[tilespmem:s10+$0x60] =	vst v0;
	v61 =	vadd.f32 v5, v9;
	(pc) =	sbr.rel @p0 .LBB2_31-.Ltmp26, $4  }
0x5c0: {  	[tilespmem:s10+$0x70] =	vst v1;
	v62 =	vadd.f32 v3, v10  }
0x5c1: {  	v63 =	vadd.f32 v4, v11;
	[tilespmem:s10+$0x80] =	vst v61  }
0x5c2: {  	[tilespmem:s10+$0x90] =	vst v62  }
0x5c3: {  	s17 =	sadd.s32 $0x300, s17;
	s18 =	sadd.s32 $0x300, s18;
	s19 =	sadd.s32 $0x300, s19;
	[tilespmem:s10+$0xA0] =	vst v63  }
0x5c4: {  	s3 =	sshll.u32 s3, $0x9  }
0x5c5: {  	s3 =	sor.u32 s5, s3  }
0x5c6: {  	s3 =	smul.u32 $0x60, s3;
	_ =	sdelay $0x1  }
0x5c7: {  	s15 =	simm.s32 $0x0;
	s7 =	smul.u32 $0x180, s0;
	s3 =	sadd.s32 s8, s3  }
0x5c8: {  	[hbm4b:s3+s15] =	stream.linear.scatter [tilespmem:s26], [sflag:$0x4], $0x3000, $0x38;
	[tilespmem:$0x13100] =	vst v63  }
0x5c9: {  	s3 =	sshra.s32 s7, $0x2  }
0x5ca: {  	s7 =	sadd.s32 $0x60, s3  }
0x5cb: {  	[tilespmem:s21], [sflag:$0x1] =	stream.indirect.gather [hbm4b:s6+s14], $0x300, s7, s14, $0xb8;
	[tilespmem:$0x13100] =	vst v63  }
0x5cc: {  	_ =	swait.ge [sflag:s25], $0x3000  }
0x5cd: {  	[sflag:s25] =	ssyncset.done $0x0  }
0x5ce: {  	[sflag:s25] =	ssyncadd.s32 $0xFFFFD000  }
0x5cf: {  	_ =	swait.ge [sflag:s31], $0x3000  }
0x5d0: {  	s17 =	simm.s32 $0xC8C0;
	[sflag:s31] =	ssyncset.done $0x0  }
0x5d1: {  	s18 =	simm.s32 $0xF8C0;
	s19 =	simm.s32 $0x38C0;
	[sflag:s31] =	ssyncadd.s32 $0xFFFFD000  }
.LBB2_37:
0x5d2: {  	v0 =	vld [tilespmem:s19+$0xFFFFFF40]  }
0x5d3: {  	v1 =	vld [tilespmem:s18+$0xFFFFFF40]  }
0x5d4: {  	v2 =	vld [tilespmem:s19+$0xFFFFFF50]  }
0x5d5: {  	v3 =	vld [tilespmem:s18+$0xFFFFFF50]  }
0x5d6: {  	v4 =	vld [tilespmem:s19+$0xFFFFFF60]  }
0x5d7: {  	v5 =	vld [tilespmem:s18+$0xFFFFFF60]  }
0x5d8: {  	v6 =	vld [tilespmem:s19+$0xFFFFFF70]  }
0x5d9: {  	v7 =	vld [tilespmem:s19+$0xFFFFFF80];
	v0 =	vadd.f32 v1, v0  }
0x5da: {  	v1 =	vld [tilespmem:s18+$0xFFFFFF70]  }
0x5db: {  	v8 =	vld [tilespmem:s18+$0xFFFFFF80];
	v9 =	vimm.f32 $0.0e+00;
	v2 =	vadd.f32 v3, v2;
	v3 =	vmul.f32 v0, v0  }
0x5dc: {  	v11 =	vld [tilespmem:s18+$0xFFFFFF90];
	v10 =	vadd.f32 v0, v9  }
0x5dd: {  	v12 =	vld [tilespmem:s18+$0xFFFFFFA0];
	v4 =	vadd.f32 v5, v4;
	v3 =	vadd.f32 v3, v9;
	v9 =	vmul.f32 v2, v2  }
0x5de: {  	v5 =	vld [tilespmem:s19+$0xFFFFFF90];
	v10 =	vadd.f32 v2, v10  }
0x5df: {  	v13 =	vld [tilespmem:s18+$0xFFFFFFB0];
	v1 =	vadd.f32 v1, v6;
	v3 =	vadd.f32 v9, v3;
	v9 =	vmul.f32 v4, v4  }
0x5e0: {  	v6 =	vld [tilespmem:s19+$0xFFFFFFA0];
	v10 =	vadd.f32 v4, v10  }
0x5e1: {  	v14 =	vld [tilespmem:s18+$0xFFFFFFC0];
	v7 =	vadd.f32 v8, v7;
	v3 =	vadd.f32 v9, v3;
	v9 =	vmul.f32 v1, v1  }
0x5e2: {  	v8 =	vld [tilespmem:s19+$0xFFFFFFB0];
	v10 =	vadd.f32 v1, v10  }
0x5e3: {  	v52 =	vld [tilespmem:s19+$0xFFFFFFD0];
	v5 =	vadd.f32 v11, v5;
	v3 =	vadd.f32 v9, v3;
	v9 =	vmul.f32 v7, v7  }
0x5e4: {  	v11 =	vld [tilespmem:s19+$0xFFFFFFC0];
	v10 =	vadd.f32 v7, v10  }
0x5e5: {  	v15 =	vld [tilespmem:s18+$0xFFFFFFD0];
	v6 =	vadd.f32 v12, v6;
	v3 =	vadd.f32 v9, v3;
	v9 =	vmul.f32 v5, v5  }
0x5e6: {  	v53 =	vld [tilespmem:s19+$0xFFFFFFE0];
	v10 =	vadd.f32 v5, v10  }
0x5e7: {  	v16 =	vld [tilespmem:s18+$0xFFFFFFE0];
	v8 =	vadd.f32 v13, v8;
	v3 =	vadd.f32 v9, v3;
	v9 =	vmul.f32 v6, v6  }
0x5e8: {  	v54 =	vld [tilespmem:s19+$0xFFFFFFF0];
	v10 =	vadd.f32 v6, v10  }
0x5e9: {  	v17 =	vld [tilespmem:s18+$0xFFFFFFF0];
	v11 =	vadd.f32 v14, v11;
	v3 =	vadd.f32 v9, v3;
	v9 =	vmul.f32 v8, v8  }
0x5ea: {  	v55 =	vld [tilespmem:s19+$0x0];
	v10 =	vadd.f32 v8, v10  }
0x5eb: {  	v18 =	vld [tilespmem:s18+$0x0];
	v12 =	vadd.f32 v15, v52;
	v3 =	vadd.f32 v9, v3;
	v9 =	vmul.f32 v11, v11  }
0x5ec: {  	v56 =	vld [tilespmem:s19+$0x10];
	v10 =	vadd.f32 v11, v10  }
0x5ed: {  	v19 =	vld [tilespmem:s18+$0x10];
	v13 =	vadd.f32 v16, v53;
	v3 =	vadd.f32 v9, v3;
	v9 =	vmul.f32 v12, v12  }
0x5ee: {  	v57 =	vld [tilespmem:s19+$0x20];
	[tilespmem:s17+$0xFFFFFF50] =	vst v2;
	v2 =	vadd.f32 v12, v10  }
0x5ef: {  	v58 =	vld [tilespmem:s19+$0x30];
	[tilespmem:s17+$0xFFFFFF40] =	vst v0;
	v0 =	vadd.f32 v17, v54;
	v3 =	vadd.f32 v9, v3;
	v9 =	vmul.f32 v13, v13  }
0x5f0: {  	[tilespmem:s17+$0xFFFFFF70] =	vst v1;
	v10 =	vld [tilespmem:s18+$0x20];
	v1 =	vadd.f32 v13, v2  }
0x5f1: {  	v59 =	vld [tilespmem:s19+$0x40];
	[tilespmem:s17+$0xFFFFFF60] =	vst v4;
	v4 =	vadd.f32 v18, v55;
	v2 =	vadd.f32 v9, v3;
	v3 =	vmul.f32 v0, v0  }
0x5f2: {  	[tilespmem:s17+$0xFFFFFF80] =	vst v7;
	v9 =	vld [tilespmem:s18+$0x30];
	v1 =	vadd.f32 v0, v1  }
0x5f3: {  	v60 =	vld [tilespmem:s18+$0x60];
	[tilespmem:s17+$0xFFFFFF90] =	vst v5;
	v7 =	vadd.f32 v19, v56;
	v2 =	vadd.f32 v3, v2;
	v3 =	vmul.f32 v4, v4  }
0x5f4: {  	[tilespmem:s17+$0xFFFFFFB0] =	vst v8;
	v5 =	vld [tilespmem:s18+$0x40];
	v1 =	vadd.f32 v4, v1  }
0x5f5: {  	[tilespmem:s17+$0xFFFFFFA0] =	vst v6;
	v8 =	vld [tilespmem:s18+$0x50];
	v6 =	vadd.f32 v10, v57;
	v2 =	vadd.f32 v3, v2;
	v3 =	vmul.f32 v7, v7  }
0x5f6: {  	[tilespmem:s17+$0xFFFFFFF0] =	vst v0;
	v10 =	vld [tilespmem:s19+$0x50];
	v1 =	vadd.f32 v7, v1  }
0x5f7: {  	v61 =	vld [tilespmem:s19+$0x70];
	[tilespmem:s17+$0xFFFFFFE0] =	vst v13;
	v9 =	vadd.f32 v9, v58;
	v2 =	vadd.f32 v3, v2;
	v3 =	vmul.f32 v6, v6  }
0x5f8: {  	[tilespmem:s17+$0xFFFFFFC0] =	vst v11;
	v11 =	vld [tilespmem:s19+$0x60];
	v0 =	vadd.f32 v6, v1  }
0x5f9: {  	[tilespmem:s17+$0x10] =	vst v7;
	v5 =	vadd.f32 v5, v59;
	v7 =	vld [tilespmem:s18+$0x80];
	v1 =	vadd.f32 v3, v2;
	v2 =	vmul.f32 v9, v9  }
0x5fa: {  	[tilespmem:s17+$0x0] =	vst v4;
	v3 =	vld [tilespmem:s18+$0x70];
	v0 =	vadd.f32 v9, v0  }
0x5fb: {  	[tilespmem:s17+$0xFFFFFFD0] =	vst v12;
	v4 =	vmul.f32 v5, v5;
	v8 =	vadd.f32 v8, v10;
	v10 =	vld [tilespmem:s19+$0x80];
	v2 =	vadd.f32 v2, v1  }
0x5fc: {  	p0 =	por $0x1, $0x1;
	[tilespmem:s17+$0x20] =	vst v6;
	v1 =	vld [tilespmem:s19+$0x90];
	v0 =	vadd.f32 v5, v0  }
.Ltmp27:
0x5fd: {  	v11 =	vadd.f32 v60, v11;
	[tilespmem:s17+$0x30] =	vst v9;
	v9 =	vmul.f32 v8, v8;
	v6 =	vadd.f32 v4, v2;
	v4 =	vld [tilespmem:s18+$0x90];
	(pc) =	sbr.rel @!p0 .LBB2_39-.Ltmp27, $4  }
0x5fe: {  	[tilespmem:s17+$0x50] =	vst v8;
	v2 =	vld [tilespmem:s19+$0xA0];
	v8 =	vadd.f32 v8, v0  }
0x5ff: {  	[tilespmem:s17+$0x40] =	vst v5;
	v63 =	vmul.f32 v11, v11;
	v5 =	vadd.f32 v3, v61;
	v62 =	vadd.f32 v9, v6;
	v6 =	vld [tilespmem:s18+$0xA0]  }
0x600: {  	s12 =	simm.s32 $0x0;
	[tilespmem:s17+$0x60] =	vst v11;
	v0 =	vadd.f32 v7, v10;
	v7 =	vld [tilespmem:s18+$0xB0]  }
0x601: {  	s9 =	sadd.s32 $0x180, s19;
	s7 =	smov.u32 s17;
	s10 =	smov.u32 s18;
	v3 =	vld [tilespmem:s19+$0xB0];
	v9 =	vadd.f32 v11, v8;
	[tilespmem:s17+$0x70] =	vst v5;
	v10 =	vmul.f32 v5, v5;
	v8 =	vadd.f32 v63, v62  }
.LBB2_38:
0x602: {  	v11 =	vld [tilespmem:s9+$0xFFFFFF40];
	[tilespmem:s7+$0x80] =	vst v0;
	v1 =	vadd.f32 v4, v1;
	s10 =	sadd.s32 $0x180, s10;
	s11 =	smov.u32 s12  }
0x603: {  	v4 =	vld [tilespmem:s10+$0xFFFFFF40];
	v5 =	vadd.f32 v5, v9;
	v8 =	vadd.f32 v10, v8;
	v9 =	vmul.f32 v0, v0  }
0x604: {  	s11 =	sadd.s32 $0x180, s12;
	v10 =	vld [tilespmem:s9+$0xFFFFFF50];
	[tilespmem:s7+$0x90] =	vst v1;
	v2 =	vadd.f32 v6, v2  }
0x605: {  	p0 =	slt.u32 s11, s12;
	v6 =	vld [tilespmem:s10+$0xFFFFFF50];
	v0 =	vadd.f32 v0, v5;
	v5 =	vadd.f32 v9, v8;
	v8 =	vmul.f32 v1, v1  }
0x606: {  	v9 =	vld [tilespmem:s9+$0xFFFFFF60];
	[tilespmem:s7+$0xA0] =	vst v2;
	v3 =	vadd.f32 v7, v3  }
0x607: {  	v7 =	vld [tilespmem:s10+$0xFFFFFF60];
	v0 =	vadd.f32 v1, v0;
	v1 =	vadd.f32 v8, v5;
	v5 =	vmul.f32 v2, v2  }
0x608: {  	v4 =	vadd.f32 v4, v11;
	v8 =	vld [tilespmem:s9+$0xFFFFFF70];
	[tilespmem:s7+$0xB0] =	vst v3  }
0x609: {  	s7 =	sadd.s32 $0x180, s7;
	v11 =	vld [tilespmem:s10+$0xFFFFFF70];
	v0 =	vadd.f32 v2, v0;
	v1 =	vadd.f32 v5, v1;
	v2 =	vmul.f32 v3, v3  }
0x60a: {  	[tilespmem:s7+$0xFFFFFF40] =	vst v4;
	v5 =	vadd.f32 v6, v10;
	v6 =	vld [tilespmem:s9+$0xFFFFFF80]  }
0x60b: {  	v10 =	vmul.f32 v4, v4;
	v12 =	vld [tilespmem:s10+$0xFFFFFF80];
	v0 =	vadd.f32 v3, v0;
	v1 =	vadd.f32 v2, v1  }
0x60c: {  	[tilespmem:s7+$0xFFFFFF50] =	vst v5;
	v2 =	vadd.f32 v7, v9;
	v3 =	vld [tilespmem:s9+$0xFFFFFF90]  }
0x60d: {  	v0 =	vadd.f32 v4, v0;
	v1 =	vadd.f32 v10, v1;
	v4 =	vmul.f32 v5, v5;
	v7 =	vld [tilespmem:s10+$0xFFFFFF90]  }
0x60e: {  	[tilespmem:s7+$0xFFFFFF60] =	vst v2;
	v8 =	vadd.f32 v11, v8;
	v9 =	vld [tilespmem:s9+$0xFFFFFFA0]  }
0x60f: {  	v0 =	vadd.f32 v5, v0;
	v1 =	vadd.f32 v4, v1;
	v4 =	vmul.f32 v2, v2;
	v5 =	vld [tilespmem:s10+$0xFFFFFFA0]  }
0x610: {  	[tilespmem:s7+$0xFFFFFF70] =	vst v8;
	v6 =	vadd.f32 v12, v6;
	v10 =	vld [tilespmem:s9+$0xFFFFFFB0]  }
0x611: {  	v0 =	vadd.f32 v2, v0;
	v1 =	vadd.f32 v4, v1;
	v2 =	vmul.f32 v8, v8;
	v4 =	vld [tilespmem:s10+$0xFFFFFFB0]  }
0x612: {  	[tilespmem:s7+$0xFFFFFF80] =	vst v6;
	v3 =	vadd.f32 v7, v3;
	v7 =	vld [tilespmem:s9+$0xFFFFFFC0]  }
0x613: {  	v0 =	vadd.f32 v8, v0;
	v1 =	vadd.f32 v2, v1;
	v2 =	vmul.f32 v6, v6;
	v8 =	vld [tilespmem:s10+$0xFFFFFFC0]  }
0x614: {  	[tilespmem:s7+$0xFFFFFF90] =	vst v3;
	v5 =	vadd.f32 v5, v9;
	v9 =	vld [tilespmem:s9+$0xFFFFFFD0]  }
0x615: {  	v0 =	vadd.f32 v6, v0;
	v1 =	vadd.f32 v2, v1;
	v2 =	vmul.f32 v3, v3;
	v6 =	vld [tilespmem:s10+$0xFFFFFFD0]  }
0x616: {  	[tilespmem:s7+$0xFFFFFFA0] =	vst v5;
	v4 =	vadd.f32 v4, v10;
	v10 =	vld [tilespmem:s9+$0xFFFFFFE0]  }
0x617: {  	v0 =	vadd.f32 v3, v0;
	v1 =	vadd.f32 v2, v1;
	v2 =	vmul.f32 v5, v5;
	v3 =	vld [tilespmem:s10+$0xFFFFFFE0]  }
0x618: {  	[tilespmem:s7+$0xFFFFFFB0] =	vst v4;
	v7 =	vadd.f32 v8, v7;
	v8 =	vld [tilespmem:s9+$0xFFFFFFF0]  }
0x619: {  	v0 =	vadd.f32 v5, v0;
	v1 =	vadd.f32 v2, v1;
	v2 =	vmul.f32 v4, v4;
	v5 =	vld [tilespmem:s10+$0xFFFFFFF0]  }
0x61a: {  	[tilespmem:s7+$0xFFFFFFC0] =	vst v7;
	v6 =	vadd.f32 v6, v9;
	v9 =	vld [tilespmem:s9+$0x0]  }
0x61b: {  	v0 =	vadd.f32 v4, v0;
	v1 =	vadd.f32 v2, v1;
	v2 =	vmul.f32 v7, v7;
	v4 =	vld [tilespmem:s10+$0x0]  }
0x61c: {  	[tilespmem:s7+$0xFFFFFFD0] =	vst v6;
	v3 =	vadd.f32 v3, v10;
	v10 =	vld [tilespmem:s9+$0x10]  }
0x61d: {  	v0 =	vadd.f32 v7, v0;
	v1 =	vadd.f32 v2, v1;
	v2 =	vmul.f32 v6, v6;
	v7 =	vld [tilespmem:s10+$0x10]  }
0x61e: {  	[tilespmem:s7+$0xFFFFFFE0] =	vst v3;
	v5 =	vadd.f32 v5, v8;
	v8 =	vld [tilespmem:s9+$0x20]  }
0x61f: {  	v0 =	vadd.f32 v6, v0;
	v1 =	vadd.f32 v2, v1;
	v2 =	vmul.f32 v3, v3;
	v6 =	vld [tilespmem:s10+$0x20]  }
0x620: {  	[tilespmem:s7+$0xFFFFFFF0] =	vst v5;
	v4 =	vadd.f32 v4, v9;
	v9 =	vld [tilespmem:s9+$0x30]  }
0x621: {  	v0 =	vadd.f32 v3, v0;
	v1 =	vadd.f32 v2, v1;
	v2 =	vmul.f32 v5, v5;
	v3 =	vld [tilespmem:s10+$0x30]  }
0x622: {  	[tilespmem:s7+$0x0] =	vst v4;
	v7 =	vadd.f32 v7, v10;
	v10 =	vld [tilespmem:s9+$0x40]  }
0x623: {  	v0 =	vadd.f32 v5, v0;
	v1 =	vadd.f32 v2, v1;
	v2 =	vmul.f32 v4, v4;
	v5 =	vld [tilespmem:s10+$0x40]  }
0x624: {  	[tilespmem:s7+$0x10] =	vst v7;
	v6 =	vadd.f32 v6, v8;
	v8 =	vld [tilespmem:s9+$0x50]  }
0x625: {  	v0 =	vadd.f32 v4, v0;
	v1 =	vadd.f32 v2, v1;
	v2 =	vmul.f32 v7, v7;
	v4 =	vld [tilespmem:s10+$0x50]  }
0x626: {  	[tilespmem:s7+$0x20] =	vst v6;
	v3 =	vadd.f32 v3, v9;
	v9 =	vld [tilespmem:s9+$0x60]  }
0x627: {  	v0 =	vadd.f32 v7, v0;
	v1 =	vadd.f32 v2, v1;
	v2 =	vmul.f32 v6, v6;
	v7 =	vld [tilespmem:s10+$0x60]  }
0x628: {  	[tilespmem:s7+$0x30] =	vst v3;
	v5 =	vadd.f32 v5, v10;
	v10 =	vld [tilespmem:s9+$0x70]  }
0x629: {  	v0 =	vadd.f32 v6, v0;
	v1 =	vadd.f32 v2, v1;
	v2 =	vmul.f32 v3, v3;
	v6 =	vld [tilespmem:s10+$0x70]  }
0x62a: {  	[tilespmem:s7+$0x40] =	vst v5;
	v8 =	vadd.f32 v4, v8;
	v11 =	vld [tilespmem:s9+$0x80]  }
0x62b: {  	v0 =	vadd.f32 v3, v0;
	v2 =	vadd.f32 v2, v1;
	v3 =	vmul.f32 v5, v5;
	v12 =	vld [tilespmem:s10+$0x80]  }
0x62c: {  	[tilespmem:s7+$0x50] =	vst v8;
	v7 =	vadd.f32 v7, v9;
	v1 =	vld [tilespmem:s9+$0x90]  }
.Ltmp28:
0x62d: {  	v9 =	vmul.f32 v8, v8;
	v0 =	vadd.f32 v5, v0;
	v3 =	vadd.f32 v3, v2;
	v4 =	vld [tilespmem:s10+$0x90];
	(pc) =	sbr.rel @p0 .LBB2_38-.Ltmp28, $4  }
0x62e: {  	[tilespmem:s7+$0x60] =	vst v7;
	v5 =	vadd.f32 v6, v10;
	v2 =	vld [tilespmem:s9+$0xA0]  }
0x62f: {  	v13 =	vmul.f32 v7, v7;
	v8 =	vadd.f32 v8, v0;
	v10 =	vadd.f32 v9, v3;
	v6 =	vld [tilespmem:s10+$0xA0]  }
0x630: {  	[tilespmem:s7+$0x70] =	vst v5;
	v0 =	vadd.f32 v12, v11;
	v3 =	vld [tilespmem:s9+$0xB0]  }
0x631: {  	s12 =	smov.u32 s11;
	s9 =	sadd.s32 $0x180, s9;
	v9 =	vadd.f32 v7, v8;
	v8 =	vadd.f32 v13, v10;
	v10 =	vmul.f32 v5, v5;
	v7 =	vld [tilespmem:s10+$0xB0]  }
.LBB2_39:
0x632: {  	_ = 	snop  }
0x633: {  	v5 =	vadd.f32 v5, v9  }
0x634: {  	v1 =	vadd.f32 v4, v1;
	v4 =	vadd.f32 v10, v8;
	v8 =	vmul.f32 v0, v0  }
0x635: {  	v5 =	vadd.f32 v0, v5  }
0x636: {  	v2 =	vadd.f32 v6, v2;
	v6 =	vmul.f32 v1, v1;
	v4 =	vadd.f32 v8, v4  }
0x637: {  	v5 =	vadd.f32 v1, v5  }
0x638: {  	v3 =	vadd.f32 v7, v3;
	v4 =	vadd.f32 v6, v4;
	v6 =	vmul.f32 v2, v2  }
0x639: {  	v5 =	vadd.f32 v2, v5  }
0x63a: {  	v4 =	vadd.f32 v6, v4;
	v6 =	vmul.f32 v3, v3  }
0x63b: {  	v5 =	vadd.f32 v3, v5  }
0x63c: {  	v4 =	vadd.f32 v6, v4  }
0x63d: {  	(xrf2) =	vadd.scan.msk.f32 $0xffff, v5  }
0x63e: {  	(xrf2) =	vadd.scan.msk.f32 $0xffff, v4;
	_ =	sdelay $0x8  }
0x63f: {  	v4, _, _ =	vpop (xrf2)  }
0x640: {  	(v2sf) =	vpush v4, $0xF;
	v4, _, _ =	vpop (xrf2)  }
0x641: {  	(v2sf) =	vpush v4, $0xF;
	_ =	sdelay $0xb  }
0x642: {  	[tilespmem:s7+$0x80] =	vst v0  }
0x643: {  	[tilespmem:s7+$0x90] =	vst v1  }
0x644: {  	[tilespmem:s7+$0xA0] =	vst v2;
	s9 =	spop (v2sf)  }
0x645: {  	[tilespmem:s7+$0xB0] =	vst v3;
	s11 =	spop (v2sf);
	s10 =	smul.f32 $1.302083370e-03, s9  }
0x646: {  	s7 =	simm.s32 $0x12BC0;
	v7 =	vld [tilespmem:s17+$0xFFFFFF70];
	s13 =	smul.f32 $1.302083370e-03, s11  }
0x647: {  	v8 =	vld [tilespmem:s7+$0xB0];
	s9 =	smul.f32 s10, s10  }
0x648: {  	v9 =	vld [tilespmem:s17+$0xFFFFFF80]  }
0x649: {  	v11 =	vld [tilespmem:s17+$0xFFFFFF90];
	s9 =	ssub.f32 s13, s9  }
0x64a: {  	v12 =	vld [tilespmem:s17+$0xFFFFFFA0]  }
0x64b: {  	v13 =	vld [tilespmem:s17+$0xFFFFFFB0];
	s9 =	smax.f32 s9, $0.0e+00  }
0x64c: {  	v14 =	vld [tilespmem:s17+$0xFFFFFFC0];
	s20 =	sadd.f32 $9.999999960e-13, s9  }
0x64d: {  	v15 =	vld [tilespmem:s17+$0xFFFFFFD0]  }
0x64e: {  	v16 =	vld [tilespmem:s17+$0xFFFFFFE0];
	v0 =	vmov s20  }
0x64f: {  	v17 =	vld [tilespmem:s17+$0xFFFFFFF0];
	v1 =	vshrl.u32 v0, $0x1;
	v0 =	vmul.f32 $5.000000000e-01, v0  }
0x650: {  	v18 =	vld [tilespmem:s17+$0x0];
	v1 =	vsub.s32 $0x5F3759DF, v1  }
0x651: {  	v19 =	vld [tilespmem:s17+$0x10];
	v2 =	vmul.f32 v1, v0  }
0x652: {  	v20 =	vld [tilespmem:s17+$0x20]  }
0x653: {  	v21 =	vld [tilespmem:s17+$0x30];
	v2 =	vmul.f32 v1, v2  }
0x654: {  	v22 =	vld [tilespmem:s17+$0x40]  }
0x655: {  	v23 =	vld [tilespmem:s17+$0x50];
	v2 =	vsub.f32 $1.500000000e+00, v2  }
0x656: {  	v24 =	vld [tilespmem:s17+$0x60]  }
0x657: {  	v25 =	vld [tilespmem:s17+$0x70];
	v1 =	vmul.f32 v1, v2  }
0x658: {  	v26 =	vld [tilespmem:s17+$0x80]  }
0x659: {  	v27 =	vld [tilespmem:s17+$0xFFFFFF40];
	v2 =	vmul.f32 v1, v0  }
0x65a: {  	v29 =	vld [tilespmem:s7+$0xFFFFFF40]  }
0x65b: {  	v30 =	vld [tilespmem:s7+$0xFFFFFF50];
	v2 =	vmul.f32 v2, v1  }
0x65c: {  	v31 =	vld [tilespmem:s7+$0xFFFFFF60]  }
0x65d: {  	v32 =	vld [tilespmem:s7+$0xFFFFFF70];
	v2 =	vsub.f32 $1.500000000e+00, v2  }
0x65e: {  	v33 =	vld [tilespmem:s7+$0xFFFFFF80]  }
0x65f: {  	v34 =	vld [tilespmem:s7+$0xFFFFFF90];
	v1 =	vmul.f32 v2, v1  }
0x660: {  	v61 =	vld [tilespmem:s7+$0xFFFFFFA0]  }
0x661: {  	v35 =	vld [tilespmem:s7+$0xFFFFFFB0];
	v28 =	vmul.f32 v1, v0  }
0x662: {  	v36 =	vld [tilespmem:s7+$0xFFFFFFC0]  }
0x663: {  	v37 =	vld [tilespmem:s7+$0xFFFFFFD0];
	v28 =	vmul.f32 v28, v1  }
0x664: {  	v38 =	vld [tilespmem:s7+$0xFFFFFFE0]  }
0x665: {  	v39 =	vld [tilespmem:s7+$0xFFFFFFF0];
	v28 =	vsub.f32 $1.500000000e+00, v28  }
0x666: {  	v41 =	vld [tilespmem:s7+$0x0]  }
0x667: {  	v42 =	vld [tilespmem:s7+$0x10];
	v1 =	vmul.f32 v28, v1  }
0x668: {  	v6 =	vld [tilespmem:s17+$0xFFFFFF60]  }
0x669: {  	v4 =	vld [tilespmem:s17+$0xB0];
	v0 =	vmul.f32 v1, v0  }
0x66a: {  	v5 =	vld [tilespmem:s17+$0xFFFFFF50]  }
0x66b: {  	v62 =	vld [tilespmem:s7+$0x20];
	v0 =	vmul.f32 v0, v1  }
0x66c: {  	v43 =	vld [tilespmem:s7+$0x30]  }
0x66d: {  	v44 =	vld [tilespmem:s7+$0x40];
	v40 =	vsub.f32 $1.500000000e+00, v0;
	v0 =	vmov s10  }
0x66e: {  	v45 =	vld [tilespmem:s7+$0x50];
	v4 =	vsub.f32 v4, v0  }
0x66f: {  	v3 =	vld [tilespmem:s17+$0x90];
	s9 =	simm.s32 $0x12EC0;
	v5 =	vsub.f32 v5, v0;
	v6 =	vsub.f32 v6, v0  }
0x670: {  	v10 =	vld [tilespmem:s9+$0xB0];
	v7 =	vsub.f32 v7, v0;
	v27 =	vsub.f32 v27, v0;
	v1 =	vmul.f32 v40, v1  }
0x671: {  	v63 =	vld [tilespmem:s9+$0xFFFFFF40];
	v11 =	vsub.f32 v11, v0;
	v12 =	vsub.f32 v12, v0  }
0x672: {  	v46 =	vld [tilespmem:s9+$0xFFFFFF50];
	v13 =	vsub.f32 v13, v0;
	v14 =	vsub.f32 v14, v0;
	v4 =	vmul.f32 v4, v1  }
0x673: {  	v47 =	vld [tilespmem:s9+$0xFFFFFF70];
	v15 =	vsub.f32 v15, v0;
	v5 =	vmul.f32 v5, v1;
	v6 =	vmul.f32 v6, v1  }
0x674: {  	v48 =	vld [tilespmem:s9+$0xFFFFFF80];
	v16 =	vsub.f32 v16, v0;
	v7 =	vmul.f32 v7, v1;
	v27 =	vmul.f32 v27, v1  }
0x675: {  	v49 =	vld [tilespmem:s9+$0xFFFFFF90];
	v17 =	vsub.f32 v17, v0;
	v11 =	vmul.f32 v11, v1;
	v12 =	vmul.f32 v12, v1  }
0x676: {  	v50 =	vld [tilespmem:s9+$0xFFFFFFA0];
	v18 =	vsub.f32 v18, v0;
	v13 =	vmul.f32 v13, v1;
	v14 =	vmul.f32 v14, v1  }
0x677: {  	v51 =	vld [tilespmem:s9+$0xFFFFFFC0];
	v20 =	vsub.f32 v20, v0;
	v16 =	vmul.f32 v16, v1;
	v17 =	vmul.f32 v17, v1  }
0x678: {  	v52 =	vld [tilespmem:s9+$0xFFFFFFD0];
	v53 =	vsub.f32 v23, v0;
	v18 =	vmul.f32 v18, v1;
	v4 =	vmul.f32 v4, v8  }
0x679: {  	v54 =	vld [tilespmem:s9+$0xFFFFFFE0];
	v3 =	vsub.f32 v3, v0;
	v5 =	vmul.f32 v5, v30;
	v6 =	vmul.f32 v6, v31  }
0x67a: {  	v27 =	vmul.f32 v27, v29;
	v4 =	vadd.f32 v4, v10;
	v10 =	vmul.f32 v15, v1;
	v15 =	vld [tilespmem:s9+$0xFFFFFF60]  }
0x67b: {  	v55 =	vld [tilespmem:s9+$0xFFFFFFF0];
	v8 =	vsub.f32 v9, v0;
	v7 =	vmul.f32 v7, v32;
	v11 =	vmul.f32 v11, v34  }
0x67c: {  	v57 =	vld [tilespmem:s9+$0x10];
	v12 =	vmul.f32 v12, v61;
	v13 =	vmul.f32 v13, v35;
	v27 =	vadd.f32 v27, v63  }
0x67d: {  	v58 =	vld [tilespmem:s9+$0x30];
	v14 =	vmul.f32 v14, v36;
	v16 =	vmul.f32 v16, v38;
	v5 =	vadd.f32 v5, v46;
	[tilespmem:s17+$0xB0] =	vst v4  }
0x67e: {  	v59 =	vld [tilespmem:s9+$0x40];
	v8 =	vmul.f32 v8, v1;
	v7 =	vadd.f32 v7, v47;
	v11 =	vadd.f32 v11, v49;
	[tilespmem:s17+$0xFFFFFF40] =	vst v27  }
0x67f: {  	v17 =	vmul.f32 v17, v39;
	v12 =	vadd.f32 v12, v50;
	[tilespmem:s17+$0xFFFFFF50] =	vst v5;
	v6 =	vadd.f32 v6, v15;
	v15 =	vld [tilespmem:s9+$0xFFFFFFB0]  }
0x680: {  	v2 =	vld [tilespmem:s17+$0xA0];
	v14 =	vadd.f32 v14, v51;
	v8 =	vmul.f32 v8, v33;
	v4 =	vsub.f32 v19, v0;
	[tilespmem:s17+$0xFFFFFF70] =	vst v7  }
0x681: {  	v9 =	vld [tilespmem:s7+$0x60];
	v18 =	vmul.f32 v18, v41;
	v16 =	vadd.f32 v16, v54;
	v5 =	vsub.f32 v21, v0;
	[tilespmem:s17+$0xFFFFFF90] =	vst v11  }
0x682: {  	v30 =	vld [tilespmem:s7+$0x70];
	v10 =	vmul.f32 v10, v37;
	[tilespmem:s17+$0xFFFFFFA0] =	vst v12;
	v4 =	vmul.f32 v4, v1;
	v8 =	vadd.f32 v8, v48  }
0x683: {  	v31 =	vld [tilespmem:s7+$0x80];
	v7 =	vmul.f32 v20, v1;
	v11 =	vsub.f32 v25, v0;
	[tilespmem:s17+$0xFFFFFFC0] =	vst v14;
	v5 =	vmul.f32 v5, v1  }
0x684: {  	v29 =	vld [tilespmem:s7+$0x90];
	[tilespmem:s17+$0xFFFFFF80] =	vst v8;
	v8 =	vsub.f32 v24, v0;
	v4 =	vmul.f32 v4, v42;
	v13 =	vadd.f32 v13, v15  }
0x685: {  	v2 =	vsub.f32 v2, v0;
	[tilespmem:s17+$0xFFFFFFE0] =	vst v16;
	v11 =	vmul.f32 v11, v1;
	v5 =	vmul.f32 v5, v43;
	v15 =	vld [tilespmem:s9+$0x0]  }
0x686: {  	v4 =	vadd.f32 v4, v57;
	[tilespmem:s17+$0xFFFFFFB0] =	vst v13;
	v13 =	vmul.f32 v8, v1;
	v8 =	vadd.f32 v10, v52;
	v10 =	vld [tilespmem:s9+$0x20]  }
0x687: {  	v61 =	vld [tilespmem:s9+$0x50];
	v12 =	vmul.f32 v53, v1;
	v60 =	vmul.f32 v7, v62;
	[tilespmem:s17+$0xFFFFFF60] =	vst v6;
	v6 =	vsub.f32 v22, v0  }
0x688: {  	p0 =	por $0x1, $0x1;
	v32 =	vld [tilespmem:s7+$0xA0];
	v62 =	vmul.f32 v2, v1;
	v2 =	vmul.f32 v11, v30;
	v11 =	vadd.f32 v5, v58;
	[tilespmem:s17+$0x10] =	vst v4  }
.Ltmp29:
0x689: {  	v56 =	vsub.f32 v26, v0;
	v7 =	vld [tilespmem:s9+$0x60];
	v6 =	vmul.f32 v6, v1;
	[tilespmem:s17+$0xFFFFFFD0] =	vst v8;
	v8 =	vadd.f32 v17, v55;
	(pc) =	sbr.rel @!p0 .LBB2_41-.Ltmp29, $4  }
0x68a: {  	v3 =	vmul.f32 v3, v1;
	v12 =	vmul.f32 v12, v45;
	[tilespmem:s17+$0x30] =	vst v11;
	v11 =	vld [tilespmem:s9+$0xA0];
	v15 =	vadd.f32 v18, v15  }
0x68b: {  	v14 =	vmul.f32 v56, v1;
	v63 =	vmul.f32 v6, v44;
	[tilespmem:s17+$0xFFFFFFF0] =	vst v8;
	v8 =	vld [tilespmem:s9+$0x70];
	v10 =	vadd.f32 v60, v10  }
0x68c: {  	v3 =	vmul.f32 v3, v29;
	v12 =	vadd.f32 v12, v61;
	v6 =	vmul.f32 v13, v9;
	v9 =	vld [tilespmem:s9+$0x80];
	[tilespmem:s17+$0x0] =	vst v15  }
0x68d: {  	s11 =	sadd.s32 $0x180, s17;
	s13 =	simm.s32 $0x0;
	s10 =	smov.u32 s17;
	v5 =	vmul.f32 v14, v31;
	v4 =	vmul.f32 v62, v32;
	v13 =	vadd.f32 v63, v59;
	[tilespmem:s17+$0x20] =	vst v10;
	v10 =	vld [tilespmem:s9+$0x90]  }
.LBB2_40:
0x68e: {  	s12 =	smov.u32 s13  }
0x68f: {  	v14 =	vld [tilespmem:s11+$0xB0];
	[tilespmem:s10+$0x40] =	vst v13;
	v6 =	vadd.f32 v6, v7;
	s12 =	sadd.s32 $0x180, s13  }
0x690: {  	v2 =	vadd.f32 v2, v8;
	v7 =	vld [tilespmem:s11+$0xFFFFFF50];
	p0 =	slt.u32 s12, s13;
	[tilespmem:s10+$0x50] =	vst v12  }
0x691: {  	v5 =	vadd.f32 v5, v9;
	v8 =	vld [tilespmem:s11+$0xFFFFFF60];
	[tilespmem:s10+$0x60] =	vst v6  }
0x692: {  	s7 =	sadd.s32 $0x180, s7;
	v6 =	vld [tilespmem:s11+$0xFFFFFF70];
	[tilespmem:s10+$0x70] =	vst v2;
	v2 =	vadd.f32 v3, v10  }
0x693: {  	v4 =	vadd.f32 v4, v11;
	v3 =	vld [tilespmem:s7+$0xB0];
	[tilespmem:s10+$0x80] =	vst v5  }
0x694: {  	s9 =	sadd.s32 $0x180, s9;
	v9 =	vsub.f32 v14, v0;
	v5 =	vld [tilespmem:s11+$0xFFFFFF80];
	[tilespmem:s10+$0x90] =	vst v2  }
0x695: {  	v2 =	vsub.f32 v7, v0;
	v7 =	vld [tilespmem:s9+$0xB0];
	[tilespmem:s10+$0xA0] =	vst v4;
	s10 =	smov.u32 s11  }
0x696: {  	v9 =	vmul.f32 v9, v1;
	v4 =	vsub.f32 v8, v0;
	v8 =	vld [tilespmem:s11+$0xFFFFFF90]  }
0x697: {  	v2 =	vmul.f32 v2, v1;
	v6 =	vsub.f32 v6, v0;
	v10 =	vld [tilespmem:s11+$0xFFFFFFA0]  }
0x698: {  	v4 =	vmul.f32 v4, v1;
	v11 =	vld [tilespmem:s11+$0xFFFFFFB0];
	v3 =	vmul.f32 v9, v3  }
0x699: {  	v6 =	vmul.f32 v6, v1;
	v5 =	vsub.f32 v5, v0;
	v9 =	vld [tilespmem:s11+$0xFFFFFFC0]  }
0x69a: {  	v12 =	vld [tilespmem:s11+$0xFFFFFFD0];
	v3 =	vadd.f32 v3, v7  }
0x69b: {  	v5 =	vmul.f32 v5, v1;
	v7 =	vsub.f32 v8, v0;
	v8 =	vld [tilespmem:s11+$0xFFFFFFE0]  }
0x69c: {  	v10 =	vsub.f32 v10, v0;
	v13 =	vld [tilespmem:s11+$0xFFFFFFF0];
	[tilespmem:s11+$0xB0] =	vst v3  }
0x69d: {  	v3 =	vmul.f32 v7, v1;
	v7 =	vsub.f32 v11, v0;
	v11 =	vld [tilespmem:s11+$0x0]  }
0x69e: {  	v10 =	vmul.f32 v10, v1;
	v9 =	vsub.f32 v9, v0;
	v14 =	vld [tilespmem:s11+$0x10]  }
0x69f: {  	v7 =	vmul.f32 v7, v1;
	v12 =	vsub.f32 v12, v0;
	v15 =	vld [tilespmem:s11+$0x20]  }
0x6a0: {  	v9 =	vmul.f32 v9, v1;
	v8 =	vsub.f32 v8, v0;
	v16 =	vld [tilespmem:s11+$0x30]  }
0x6a1: {  	v12 =	vmul.f32 v12, v1;
	v13 =	vsub.f32 v13, v0;
	v17 =	vld [tilespmem:s11+$0x40]  }
0x6a2: {  	v8 =	vmul.f32 v8, v1;
	v11 =	vsub.f32 v11, v0;
	v18 =	vld [tilespmem:s11+$0x50]  }
0x6a3: {  	v13 =	vmul.f32 v13, v1;
	v14 =	vsub.f32 v14, v0;
	v19 =	vld [tilespmem:s11+$0x60]  }
0x6a4: {  	v11 =	vmul.f32 v11, v1;
	v15 =	vsub.f32 v15, v0;
	v20 =	vld [tilespmem:s11+$0x70]  }
0x6a5: {  	v14 =	vmul.f32 v14, v1;
	v16 =	vsub.f32 v16, v0;
	v21 =	vld [tilespmem:s11+$0x80]  }
0x6a6: {  	v15 =	vmul.f32 v15, v1;
	v17 =	vsub.f32 v17, v0;
	v22 =	vld [tilespmem:s11+$0x90]  }
0x6a7: {  	v16 =	vmul.f32 v16, v1;
	v18 =	vsub.f32 v18, v0;
	v23 =	vld [tilespmem:s11+$0xA0]  }
0x6a8: {  	v24 =	vld [tilespmem:s11+$0xFFFFFF40];
	v17 =	vmul.f32 v17, v1;
	v19 =	vsub.f32 v19, v0  }
0x6a9: {  	v25 =	vld [tilespmem:s7+$0xFFFFFF40];
	v18 =	vmul.f32 v18, v1;
	v20 =	vsub.f32 v20, v0  }
0x6aa: {  	v26 =	vld [tilespmem:s7+$0xFFFFFF50];
	v19 =	vmul.f32 v19, v1;
	v21 =	vsub.f32 v21, v0  }
0x6ab: {  	v27 =	vld [tilespmem:s7+$0xFFFFFF60];
	v20 =	vmul.f32 v20, v1;
	v22 =	vsub.f32 v22, v0  }
0x6ac: {  	v28 =	vld [tilespmem:s7+$0xFFFFFF70];
	v21 =	vmul.f32 v21, v1;
	v23 =	vsub.f32 v23, v0  }
0x6ad: {  	v24 =	vsub.f32 v24, v0;
	v29 =	vld [tilespmem:s7+$0xFFFFFF80];
	v22 =	vmul.f32 v22, v1  }
0x6ae: {  	v30 =	vld [tilespmem:s7+$0xFFFFFF90];
	v23 =	vmul.f32 v23, v1  }
0x6af: {  	v24 =	vmul.f32 v24, v1;
	v26 =	vmul.f32 v2, v26;
	v2 =	vld [tilespmem:s7+$0xFFFFFFA0]  }
0x6b0: {  	v27 =	vmul.f32 v4, v27;
	v4 =	vld [tilespmem:s7+$0xFFFFFFB0]  }
0x6b1: {  	v24 =	vmul.f32 v24, v25;
	v25 =	vmul.f32 v6, v28;
	v6 =	vld [tilespmem:s7+$0xFFFFFFC0]  }
0x6b2: {  	v28 =	vmul.f32 v5, v29;
	v5 =	vld [tilespmem:s7+$0xFFFFFFD0]  }
0x6b3: {  	v29 =	vmul.f32 v3, v30;
	v3 =	vld [tilespmem:s7+$0xFFFFFFE0]  }
0x6b4: {  	v10 =	vmul.f32 v10, v2;
	v2 =	vld [tilespmem:s7+$0xFFFFFFF0]  }
0x6b5: {  	v7 =	vmul.f32 v7, v4;
	v4 =	vld [tilespmem:s7+$0x0]  }
0x6b6: {  	v9 =	vmul.f32 v9, v6;
	v6 =	vld [tilespmem:s7+$0x10]  }
0x6b7: {  	v12 =	vmul.f32 v12, v5;
	v5 =	vld [tilespmem:s7+$0x20]  }
0x6b8: {  	v8 =	vmul.f32 v8, v3;
	v3 =	vld [tilespmem:s7+$0x30]  }
0x6b9: {  	v13 =	vmul.f32 v13, v2;
	v2 =	vld [tilespmem:s7+$0x40]  }
0x6ba: {  	v11 =	vmul.f32 v11, v4;
	v4 =	vld [tilespmem:s7+$0x50]  }
0x6bb: {  	v14 =	vmul.f32 v14, v6;
	v6 =	vld [tilespmem:s7+$0x60]  }
0x6bc: {  	v15 =	vmul.f32 v15, v5;
	v5 =	vld [tilespmem:s7+$0x70]  }
0x6bd: {  	v16 =	vmul.f32 v16, v3;
	v3 =	vld [tilespmem:s7+$0x80]  }
0x6be: {  	v17 =	vmul.f32 v17, v2;
	v30 =	vld [tilespmem:s7+$0x90]  }
0x6bf: {  	v18 =	vmul.f32 v18, v4;
	v4 =	vld [tilespmem:s7+$0xA0]  }
0x6c0: {  	v31 =	vld [tilespmem:s9+$0xFFFFFF40];
	v6 =	vmul.f32 v19, v6  }
0x6c1: {  	v19 =	vld [tilespmem:s9+$0xFFFFFF50];
	v2 =	vmul.f32 v20, v5  }
0x6c2: {  	v20 =	vld [tilespmem:s9+$0xFFFFFF60];
	v5 =	vmul.f32 v21, v3  }
0x6c3: {  	v21 =	vld [tilespmem:s9+$0xFFFFFF70];
	v3 =	vmul.f32 v22, v30  }
0x6c4: {  	v22 =	vld [tilespmem:s9+$0xFFFFFF80];
	v4 =	vmul.f32 v23, v4  }
0x6c5: {  	v23 =	vadd.f32 v24, v31;
	v24 =	vld [tilespmem:s9+$0xFFFFFF90]  }
0x6c6: {  	v19 =	vadd.f32 v26, v19;
	v26 =	vld [tilespmem:s9+$0xFFFFFFA0]  }
0x6c7: {  	[tilespmem:s11+$0xFFFFFF40] =	vst v23;
	v20 =	vadd.f32 v27, v20;
	v23 =	vld [tilespmem:s9+$0xFFFFFFB0]  }
0x6c8: {  	[tilespmem:s11+$0xFFFFFF50] =	vst v19;
	v19 =	vadd.f32 v25, v21;
	v21 =	vld [tilespmem:s9+$0xFFFFFFC0]  }
0x6c9: {  	[tilespmem:s11+$0xFFFFFF60] =	vst v20;
	v20 =	vadd.f32 v28, v22;
	v22 =	vld [tilespmem:s9+$0xFFFFFFD0]  }
0x6ca: {  	[tilespmem:s11+$0xFFFFFF70] =	vst v19;
	v19 =	vadd.f32 v29, v24;
	v24 =	vld [tilespmem:s9+$0xFFFFFFE0]  }
0x6cb: {  	[tilespmem:s11+$0xFFFFFF80] =	vst v20;
	v10 =	vadd.f32 v10, v26;
	v20 =	vld [tilespmem:s9+$0xFFFFFFF0]  }
0x6cc: {  	[tilespmem:s11+$0xFFFFFF90] =	vst v19;
	v7 =	vadd.f32 v7, v23;
	v19 =	vld [tilespmem:s9+$0x0]  }
0x6cd: {  	[tilespmem:s11+$0xFFFFFFA0] =	vst v10;
	v9 =	vadd.f32 v9, v21;
	v10 =	vld [tilespmem:s9+$0x10]  }
0x6ce: {  	[tilespmem:s11+$0xFFFFFFB0] =	vst v7;
	v7 =	vadd.f32 v12, v22;
	v12 =	vld [tilespmem:s9+$0x20]  }
0x6cf: {  	[tilespmem:s11+$0xFFFFFFC0] =	vst v9;
	v8 =	vadd.f32 v8, v24;
	v9 =	vld [tilespmem:s9+$0x30]  }
0x6d0: {  	[tilespmem:s11+$0xFFFFFFD0] =	vst v7;
	v7 =	vadd.f32 v13, v20;
	v13 =	vld [tilespmem:s9+$0x40]  }
0x6d1: {  	[tilespmem:s11+$0xFFFFFFE0] =	vst v8;
	v8 =	vadd.f32 v11, v19;
	v11 =	vld [tilespmem:s9+$0x50]  }
.Ltmp30:
0x6d2: {  	[tilespmem:s11+$0xFFFFFFF0] =	vst v7;
	v10 =	vadd.f32 v14, v10;
	v7 =	vld [tilespmem:s9+$0x60];
	(pc) =	sbr.rel @p0 .LBB2_40-.Ltmp30, $4  }
0x6d3: {  	[tilespmem:s11+$0x0] =	vst v8;
	v12 =	vadd.f32 v15, v12;
	v8 =	vld [tilespmem:s9+$0x70]  }
0x6d4: {  	[tilespmem:s11+$0x10] =	vst v10;
	v14 =	vadd.f32 v16, v9;
	v9 =	vld [tilespmem:s9+$0x80]  }
0x6d5: {  	[tilespmem:s11+$0x20] =	vst v12;
	v13 =	vadd.f32 v17, v13;
	v10 =	vld [tilespmem:s9+$0x90]  }
0x6d6: {  	s13 =	smov.u32 s12;
	s11 =	sadd.s32 $0x180, s11;
	[tilespmem:s10+$0x30] =	vst v14;
	v12 =	vadd.f32 v18, v11;
	v11 =	vld [tilespmem:s9+$0xA0]  }
.LBB2_41:
0x6d7: {  	_ = 	snop  }
0x6d8: {  	v0 =	vadd.f32 v6, v7;
	s15 =	sadd.s32 $0x1, s15;
	[tilespmem:s10+$0x40] =	vst v13  }
0x6d9: {  	[tilespmem:s10+$0x50] =	vst v12;
	p0 =	sne.s32 s15, $0x10;
	v1 =	vadd.f32 v2, v8  }
.Ltmp31:
0x6da: {  	[tilespmem:s10+$0x60] =	vst v0;
	v61 =	vadd.f32 v5, v9;
	(pc) =	sbr.rel @p0 .LBB2_37-.Ltmp31, $4  }
0x6db: {  	[tilespmem:s10+$0x70] =	vst v1;
	v62 =	vadd.f32 v3, v10  }
0x6dc: {  	v63 =	vadd.f32 v4, v11;
	[tilespmem:s10+$0x80] =	vst v61  }
0x6dd: {  	[tilespmem:s10+$0x90] =	vst v62  }
0x6de: {  	s17 =	sadd.s32 $0x300, s17;
	s18 =	sadd.s32 $0x300, s18;
	s19 =	sadd.s32 $0x300, s19;
	[tilespmem:s10+$0xA0] =	vst v63  }
0x6df: {  	s2 =	sshll.u32 s2, $0x9  }
0x6e0: {  	s0 =	sadd.s32 $0x1, s0;
	s2 =	sor.u32 s5, s2  }
0x6e1: {  	p0 =	sne.s32 s0, $0x15;
	s2 =	smul.u32 $0x60, s2  }
.Ltmp32:
0x6e2: {  	_ = 	snop;
	(pc) =	sbr.rel @p0 .LBB2_6-.Ltmp32, $4  }
0x6e3: {  	s2 =	sadd.s32 s8, s2  }
0x6e4: {  	[hbm4b:s2+s4] =	stream.linear.scatter [tilespmem:s28], [sflag:$0x5], $0x3000, $0x38;
	[tilespmem:$0x13100] =	vst v63  }
0x6e5: {  	s20 =	sadd.s32 $0x70, s3  }
0x6e6: {  	[tilespmem:s22], [sflag:$0x2] =	stream.indirect.gather [hbm4b:s6+s14], $0x300, s20, s14, $0xb8;
	[tilespmem:$0x13100] =	vst v63  }
0x6e7: {  	_ =	swait.ge [sflag:s23], $0x3000  }
0x6e8: {  	[sflag:s23] =	ssyncset.done $0x0  }
0x6e9: {  	[sflag:s23] =	ssyncadd.s32 $0xFFFFD000  }
0x6ea: {  	_ =	swait.ge [sflag:s29], $0x3000  }
0x6eb: {  	s0 =	simm.s32 $0x0;
	s2 =	simm.s32 $0x68C0;
	[sflag:s29] =	ssyncset.done $0x0  }
0x6ec: {  	s3 =	simm.s32 $0xF8C0;
	s15 =	simm.s32 $0x8C0;
	[sflag:s29] =	ssyncadd.s32 $0xFFFFD000  }
.LBB2_44:
0x6ed: {  	v0 =	vld [tilespmem:s15+$0xFFFFFF40]  }
0x6ee: {  	v1 =	vld [tilespmem:s3+$0xFFFFFF40]  }
0x6ef: {  	v2 =	vld [tilespmem:s15+$0xFFFFFF50]  }
0x6f0: {  	v3 =	vld [tilespmem:s3+$0xFFFFFF50]  }
0x6f1: {  	v4 =	vld [tilespmem:s15+$0xFFFFFF60]  }
0x6f2: {  	v5 =	vld [tilespmem:s3+$0xFFFFFF60]  }
0x6f3: {  	v6 =	vld [tilespmem:s15+$0xFFFFFF70]  }
0x6f4: {  	v7 =	vld [tilespmem:s15+$0xFFFFFF80];
	v0 =	vadd.f32 v1, v0  }
0x6f5: {  	v1 =	vld [tilespmem:s3+$0xFFFFFF70]  }
0x6f6: {  	v8 =	vld [tilespmem:s3+$0xFFFFFF80];
	v9 =	vimm.f32 $0.0e+00;
	v2 =	vadd.f32 v3, v2;
	v3 =	vmul.f32 v0, v0  }
0x6f7: {  	v11 =	vld [tilespmem:s3+$0xFFFFFF90];
	v10 =	vadd.f32 v0, v9  }
0x6f8: {  	v12 =	vld [tilespmem:s3+$0xFFFFFFA0];
	v4 =	vadd.f32 v5, v4;
	v3 =	vadd.f32 v3, v9;
	v9 =	vmul.f32 v2, v2  }
0x6f9: {  	v5 =	vld [tilespmem:s15+$0xFFFFFF90];
	v10 =	vadd.f32 v2, v10  }
0x6fa: {  	v13 =	vld [tilespmem:s3+$0xFFFFFFB0];
	v1 =	vadd.f32 v1, v6;
	v3 =	vadd.f32 v9, v3;
	v9 =	vmul.f32 v4, v4  }
0x6fb: {  	v6 =	vld [tilespmem:s15+$0xFFFFFFA0];
	v10 =	vadd.f32 v4, v10  }
0x6fc: {  	v14 =	vld [tilespmem:s3+$0xFFFFFFC0];
	v7 =	vadd.f32 v8, v7;
	v3 =	vadd.f32 v9, v3;
	v9 =	vmul.f32 v1, v1  }
0x6fd: {  	v8 =	vld [tilespmem:s15+$0xFFFFFFB0];
	v10 =	vadd.f32 v1, v10  }
0x6fe: {  	v52 =	vld [tilespmem:s15+$0xFFFFFFD0];
	v5 =	vadd.f32 v11, v5;
	v3 =	vadd.f32 v9, v3;
	v9 =	vmul.f32 v7, v7  }
0x6ff: {  	v11 =	vld [tilespmem:s15+$0xFFFFFFC0];
	v10 =	vadd.f32 v7, v10  }
0x700: {  	v15 =	vld [tilespmem:s3+$0xFFFFFFD0];
	v6 =	vadd.f32 v12, v6;
	v3 =	vadd.f32 v9, v3;
	v9 =	vmul.f32 v5, v5  }
0x701: {  	v53 =	vld [tilespmem:s15+$0xFFFFFFE0];
	v10 =	vadd.f32 v5, v10  }
0x702: {  	v16 =	vld [tilespmem:s3+$0xFFFFFFE0];
	v8 =	vadd.f32 v13, v8;
	v3 =	vadd.f32 v9, v3;
	v9 =	vmul.f32 v6, v6  }
0x703: {  	v54 =	vld [tilespmem:s15+$0xFFFFFFF0];
	v10 =	vadd.f32 v6, v10  }
0x704: {  	v17 =	vld [tilespmem:s3+$0xFFFFFFF0];
	v11 =	vadd.f32 v14, v11;
	v3 =	vadd.f32 v9, v3;
	v9 =	vmul.f32 v8, v8  }
0x705: {  	v55 =	vld [tilespmem:s15+$0x0];
	v10 =	vadd.f32 v8, v10  }
0x706: {  	v18 =	vld [tilespmem:s3+$0x0];
	v12 =	vadd.f32 v15, v52;
	v3 =	vadd.f32 v9, v3;
	v9 =	vmul.f32 v11, v11  }
0x707: {  	v56 =	vld [tilespmem:s15+$0x10];
	v10 =	vadd.f32 v11, v10  }
0x708: {  	v19 =	vld [tilespmem:s3+$0x10];
	v13 =	vadd.f32 v16, v53;
	v3 =	vadd.f32 v9, v3;
	v9 =	vmul.f32 v12, v12  }
0x709: {  	v57 =	vld [tilespmem:s15+$0x20];
	[tilespmem:s2+$0xFFFFFF50] =	vst v2;
	v2 =	vadd.f32 v12, v10  }
0x70a: {  	v58 =	vld [tilespmem:s15+$0x30];
	[tilespmem:s2+$0xFFFFFF40] =	vst v0;
	v0 =	vadd.f32 v17, v54;
	v3 =	vadd.f32 v9, v3;
	v9 =	vmul.f32 v13, v13  }
0x70b: {  	[tilespmem:s2+$0xFFFFFF70] =	vst v1;
	v10 =	vld [tilespmem:s3+$0x20];
	v1 =	vadd.f32 v13, v2  }
0x70c: {  	v59 =	vld [tilespmem:s15+$0x40];
	[tilespmem:s2+$0xFFFFFF60] =	vst v4;
	v4 =	vadd.f32 v18, v55;
	v2 =	vadd.f32 v9, v3;
	v3 =	vmul.f32 v0, v0  }
0x70d: {  	[tilespmem:s2+$0xFFFFFF80] =	vst v7;
	v9 =	vld [tilespmem:s3+$0x30];
	v1 =	vadd.f32 v0, v1  }
0x70e: {  	v60 =	vld [tilespmem:s3+$0x60];
	[tilespmem:s2+$0xFFFFFF90] =	vst v5;
	v7 =	vadd.f32 v19, v56;
	v2 =	vadd.f32 v3, v2;
	v3 =	vmul.f32 v4, v4  }
0x70f: {  	[tilespmem:s2+$0xFFFFFFB0] =	vst v8;
	v5 =	vld [tilespmem:s3+$0x40];
	v1 =	vadd.f32 v4, v1  }
0x710: {  	[tilespmem:s2+$0xFFFFFFA0] =	vst v6;
	v8 =	vld [tilespmem:s3+$0x50];
	v6 =	vadd.f32 v10, v57;
	v2 =	vadd.f32 v3, v2;
	v3 =	vmul.f32 v7, v7  }
0x711: {  	[tilespmem:s2+$0xFFFFFFF0] =	vst v0;
	v10 =	vld [tilespmem:s15+$0x50];
	v1 =	vadd.f32 v7, v1  }
0x712: {  	v61 =	vld [tilespmem:s15+$0x70];
	[tilespmem:s2+$0xFFFFFFE0] =	vst v13;
	v9 =	vadd.f32 v9, v58;
	v2 =	vadd.f32 v3, v2;
	v3 =	vmul.f32 v6, v6  }
0x713: {  	[tilespmem:s2+$0xFFFFFFC0] =	vst v11;
	v11 =	vld [tilespmem:s15+$0x60];
	v0 =	vadd.f32 v6, v1  }
0x714: {  	[tilespmem:s2+$0x10] =	vst v7;
	v5 =	vadd.f32 v5, v59;
	v7 =	vld [tilespmem:s3+$0x80];
	v1 =	vadd.f32 v3, v2;
	v2 =	vmul.f32 v9, v9  }
0x715: {  	[tilespmem:s2+$0x0] =	vst v4;
	v3 =	vld [tilespmem:s3+$0x70];
	v0 =	vadd.f32 v9, v0  }
0x716: {  	[tilespmem:s2+$0xFFFFFFD0] =	vst v12;
	v4 =	vmul.f32 v5, v5;
	v8 =	vadd.f32 v8, v10;
	v10 =	vld [tilespmem:s15+$0x80];
	v2 =	vadd.f32 v2, v1  }
0x717: {  	p0 =	por $0x1, $0x1;
	[tilespmem:s2+$0x20] =	vst v6;
	v1 =	vld [tilespmem:s15+$0x90];
	v0 =	vadd.f32 v5, v0  }
.Ltmp33:
0x718: {  	v11 =	vadd.f32 v60, v11;
	[tilespmem:s2+$0x30] =	vst v9;
	v9 =	vmul.f32 v8, v8;
	v6 =	vadd.f32 v4, v2;
	v4 =	vld [tilespmem:s3+$0x90];
	(pc) =	sbr.rel @!p0 .LBB2_46-.Ltmp33, $4  }
0x719: {  	[tilespmem:s2+$0x50] =	vst v8;
	v2 =	vld [tilespmem:s15+$0xA0];
	v8 =	vadd.f32 v8, v0  }
0x71a: {  	[tilespmem:s2+$0x40] =	vst v5;
	v63 =	vmul.f32 v11, v11;
	v5 =	vadd.f32 v3, v61;
	v62 =	vadd.f32 v9, v6;
	v6 =	vld [tilespmem:s3+$0xA0]  }
0x71b: {  	s12 =	simm.s32 $0x0;
	[tilespmem:s2+$0x60] =	vst v11;
	v0 =	vadd.f32 v7, v10;
	v7 =	vld [tilespmem:s3+$0xB0]  }
0x71c: {  	s9 =	sadd.s32 $0x180, s15;
	s7 =	smov.u32 s2;
	s10 =	smov.u32 s3;
	v3 =	vld [tilespmem:s15+$0xB0];
	v9 =	vadd.f32 v11, v8;
	[tilespmem:s2+$0x70] =	vst v5;
	v10 =	vmul.f32 v5, v5;
	v8 =	vadd.f32 v63, v62  }
.LBB2_45:
0x71d: {  	v11 =	vld [tilespmem:s9+$0xFFFFFF40];
	[tilespmem:s7+$0x80] =	vst v0;
	v1 =	vadd.f32 v4, v1;
	s10 =	sadd.s32 $0x180, s10;
	s11 =	smov.u32 s12  }
0x71e: {  	v4 =	vld [tilespmem:s10+$0xFFFFFF40];
	v5 =	vadd.f32 v5, v9;
	v8 =	vadd.f32 v10, v8;
	v9 =	vmul.f32 v0, v0  }
0x71f: {  	s11 =	sadd.s32 $0x180, s12;
	v10 =	vld [tilespmem:s9+$0xFFFFFF50];
	[tilespmem:s7+$0x90] =	vst v1;
	v2 =	vadd.f32 v6, v2  }
0x720: {  	p0 =	slt.u32 s11, s12;
	v6 =	vld [tilespmem:s10+$0xFFFFFF50];
	v0 =	vadd.f32 v0, v5;
	v5 =	vadd.f32 v9, v8;
	v8 =	vmul.f32 v1, v1  }
0x721: {  	v9 =	vld [tilespmem:s9+$0xFFFFFF60];
	[tilespmem:s7+$0xA0] =	vst v2;
	v3 =	vadd.f32 v7, v3  }
0x722: {  	v7 =	vld [tilespmem:s10+$0xFFFFFF60];
	v0 =	vadd.f32 v1, v0;
	v1 =	vadd.f32 v8, v5;
	v5 =	vmul.f32 v2, v2  }
0x723: {  	v4 =	vadd.f32 v4, v11;
	v8 =	vld [tilespmem:s9+$0xFFFFFF70];
	[tilespmem:s7+$0xB0] =	vst v3  }
0x724: {  	s7 =	sadd.s32 $0x180, s7;
	v11 =	vld [tilespmem:s10+$0xFFFFFF70];
	v0 =	vadd.f32 v2, v0;
	v1 =	vadd.f32 v5, v1;
	v2 =	vmul.f32 v3, v3  }
0x725: {  	[tilespmem:s7+$0xFFFFFF40] =	vst v4;
	v5 =	vadd.f32 v6, v10;
	v6 =	vld [tilespmem:s9+$0xFFFFFF80]  }
0x726: {  	v10 =	vmul.f32 v4, v4;
	v12 =	vld [tilespmem:s10+$0xFFFFFF80];
	v0 =	vadd.f32 v3, v0;
	v1 =	vadd.f32 v2, v1  }
0x727: {  	[tilespmem:s7+$0xFFFFFF50] =	vst v5;
	v2 =	vadd.f32 v7, v9;
	v3 =	vld [tilespmem:s9+$0xFFFFFF90]  }
0x728: {  	v0 =	vadd.f32 v4, v0;
	v1 =	vadd.f32 v10, v1;
	v4 =	vmul.f32 v5, v5;
	v7 =	vld [tilespmem:s10+$0xFFFFFF90]  }
0x729: {  	[tilespmem:s7+$0xFFFFFF60] =	vst v2;
	v8 =	vadd.f32 v11, v8;
	v9 =	vld [tilespmem:s9+$0xFFFFFFA0]  }
0x72a: {  	v0 =	vadd.f32 v5, v0;
	v1 =	vadd.f32 v4, v1;
	v4 =	vmul.f32 v2, v2;
	v5 =	vld [tilespmem:s10+$0xFFFFFFA0]  }
0x72b: {  	[tilespmem:s7+$0xFFFFFF70] =	vst v8;
	v6 =	vadd.f32 v12, v6;
	v10 =	vld [tilespmem:s9+$0xFFFFFFB0]  }
0x72c: {  	v0 =	vadd.f32 v2, v0;
	v1 =	vadd.f32 v4, v1;
	v2 =	vmul.f32 v8, v8;
	v4 =	vld [tilespmem:s10+$0xFFFFFFB0]  }
0x72d: {  	[tilespmem:s7+$0xFFFFFF80] =	vst v6;
	v3 =	vadd.f32 v7, v3;
	v7 =	vld [tilespmem:s9+$0xFFFFFFC0]  }
0x72e: {  	v0 =	vadd.f32 v8, v0;
	v1 =	vadd.f32 v2, v1;
	v2 =	vmul.f32 v6, v6;
	v8 =	vld [tilespmem:s10+$0xFFFFFFC0]  }
0x72f: {  	[tilespmem:s7+$0xFFFFFF90] =	vst v3;
	v5 =	vadd.f32 v5, v9;
	v9 =	vld [tilespmem:s9+$0xFFFFFFD0]  }
0x730: {  	v0 =	vadd.f32 v6, v0;
	v1 =	vadd.f32 v2, v1;
	v2 =	vmul.f32 v3, v3;
	v6 =	vld [tilespmem:s10+$0xFFFFFFD0]  }
0x731: {  	[tilespmem:s7+$0xFFFFFFA0] =	vst v5;
	v4 =	vadd.f32 v4, v10;
	v10 =	vld [tilespmem:s9+$0xFFFFFFE0]  }
0x732: {  	v0 =	vadd.f32 v3, v0;
	v1 =	vadd.f32 v2, v1;
	v2 =	vmul.f32 v5, v5;
	v3 =	vld [tilespmem:s10+$0xFFFFFFE0]  }
0x733: {  	[tilespmem:s7+$0xFFFFFFB0] =	vst v4;
	v7 =	vadd.f32 v8, v7;
	v8 =	vld [tilespmem:s9+$0xFFFFFFF0]  }
0x734: {  	v0 =	vadd.f32 v5, v0;
	v1 =	vadd.f32 v2, v1;
	v2 =	vmul.f32 v4, v4;
	v5 =	vld [tilespmem:s10+$0xFFFFFFF0]  }
0x735: {  	[tilespmem:s7+$0xFFFFFFC0] =	vst v7;
	v6 =	vadd.f32 v6, v9;
	v9 =	vld [tilespmem:s9+$0x0]  }
0x736: {  	v0 =	vadd.f32 v4, v0;
	v1 =	vadd.f32 v2, v1;
	v2 =	vmul.f32 v7, v7;
	v4 =	vld [tilespmem:s10+$0x0]  }
0x737: {  	[tilespmem:s7+$0xFFFFFFD0] =	vst v6;
	v3 =	vadd.f32 v3, v10;
	v10 =	vld [tilespmem:s9+$0x10]  }
0x738: {  	v0 =	vadd.f32 v7, v0;
	v1 =	vadd.f32 v2, v1;
	v2 =	vmul.f32 v6, v6;
	v7 =	vld [tilespmem:s10+$0x10]  }
0x739: {  	[tilespmem:s7+$0xFFFFFFE0] =	vst v3;
	v5 =	vadd.f32 v5, v8;
	v8 =	vld [tilespmem:s9+$0x20]  }
0x73a: {  	v0 =	vadd.f32 v6, v0;
	v1 =	vadd.f32 v2, v1;
	v2 =	vmul.f32 v3, v3;
	v6 =	vld [tilespmem:s10+$0x20]  }
0x73b: {  	[tilespmem:s7+$0xFFFFFFF0] =	vst v5;
	v4 =	vadd.f32 v4, v9;
	v9 =	vld [tilespmem:s9+$0x30]  }
0x73c: {  	v0 =	vadd.f32 v3, v0;
	v1 =	vadd.f32 v2, v1;
	v2 =	vmul.f32 v5, v5;
	v3 =	vld [tilespmem:s10+$0x30]  }
0x73d: {  	[tilespmem:s7+$0x0] =	vst v4;
	v7 =	vadd.f32 v7, v10;
	v10 =	vld [tilespmem:s9+$0x40]  }
0x73e: {  	v0 =	vadd.f32 v5, v0;
	v1 =	vadd.f32 v2, v1;
	v2 =	vmul.f32 v4, v4;
	v5 =	vld [tilespmem:s10+$0x40]  }
0x73f: {  	[tilespmem:s7+$0x10] =	vst v7;
	v6 =	vadd.f32 v6, v8;
	v8 =	vld [tilespmem:s9+$0x50]  }
0x740: {  	v0 =	vadd.f32 v4, v0;
	v1 =	vadd.f32 v2, v1;
	v2 =	vmul.f32 v7, v7;
	v4 =	vld [tilespmem:s10+$0x50]  }
0x741: {  	[tilespmem:s7+$0x20] =	vst v6;
	v3 =	vadd.f32 v3, v9;
	v9 =	vld [tilespmem:s9+$0x60]  }
0x742: {  	v0 =	vadd.f32 v7, v0;
	v1 =	vadd.f32 v2, v1;
	v2 =	vmul.f32 v6, v6;
	v7 =	vld [tilespmem:s10+$0x60]  }
0x743: {  	[tilespmem:s7+$0x30] =	vst v3;
	v5 =	vadd.f32 v5, v10;
	v10 =	vld [tilespmem:s9+$0x70]  }
0x744: {  	v0 =	vadd.f32 v6, v0;
	v1 =	vadd.f32 v2, v1;
	v2 =	vmul.f32 v3, v3;
	v6 =	vld [tilespmem:s10+$0x70]  }
0x745: {  	[tilespmem:s7+$0x40] =	vst v5;
	v8 =	vadd.f32 v4, v8;
	v11 =	vld [tilespmem:s9+$0x80]  }
0x746: {  	v0 =	vadd.f32 v3, v0;
	v2 =	vadd.f32 v2, v1;
	v3 =	vmul.f32 v5, v5;
	v12 =	vld [tilespmem:s10+$0x80]  }
0x747: {  	[tilespmem:s7+$0x50] =	vst v8;
	v7 =	vadd.f32 v7, v9;
	v1 =	vld [tilespmem:s9+$0x90]  }
.Ltmp34:
0x748: {  	v9 =	vmul.f32 v8, v8;
	v0 =	vadd.f32 v5, v0;
	v3 =	vadd.f32 v3, v2;
	v4 =	vld [tilespmem:s10+$0x90];
	(pc) =	sbr.rel @p0 .LBB2_45-.Ltmp34, $4  }
0x749: {  	[tilespmem:s7+$0x60] =	vst v7;
	v5 =	vadd.f32 v6, v10;
	v2 =	vld [tilespmem:s9+$0xA0]  }
0x74a: {  	v13 =	vmul.f32 v7, v7;
	v8 =	vadd.f32 v8, v0;
	v10 =	vadd.f32 v9, v3;
	v6 =	vld [tilespmem:s10+$0xA0]  }
0x74b: {  	[tilespmem:s7+$0x70] =	vst v5;
	v0 =	vadd.f32 v12, v11;
	v3 =	vld [tilespmem:s9+$0xB0]  }
0x74c: {  	s12 =	smov.u32 s11;
	s9 =	sadd.s32 $0x180, s9;
	v9 =	vadd.f32 v7, v8;
	v8 =	vadd.f32 v13, v10;
	v10 =	vmul.f32 v5, v5;
	v7 =	vld [tilespmem:s10+$0xB0]  }
.LBB2_46:
0x74d: {  	_ = 	snop  }
0x74e: {  	v5 =	vadd.f32 v5, v9  }
0x74f: {  	v1 =	vadd.f32 v4, v1;
	v4 =	vadd.f32 v10, v8;
	v8 =	vmul.f32 v0, v0  }
0x750: {  	v5 =	vadd.f32 v0, v5  }
0x751: {  	v2 =	vadd.f32 v6, v2;
	v6 =	vmul.f32 v1, v1;
	v4 =	vadd.f32 v8, v4  }
0x752: {  	v5 =	vadd.f32 v1, v5  }
0x753: {  	v3 =	vadd.f32 v7, v3;
	v4 =	vadd.f32 v6, v4;
	v6 =	vmul.f32 v2, v2  }
0x754: {  	v5 =	vadd.f32 v2, v5  }
0x755: {  	v4 =	vadd.f32 v6, v4;
	v6 =	vmul.f32 v3, v3  }
0x756: {  	v5 =	vadd.f32 v3, v5  }
0x757: {  	v4 =	vadd.f32 v6, v4  }
0x758: {  	(xrf2) =	vadd.scan.msk.f32 $0xffff, v5  }
0x759: {  	(xrf2) =	vadd.scan.msk.f32 $0xffff, v4;
	_ =	sdelay $0x8  }
0x75a: {  	v4, _, _ =	vpop (xrf2)  }
0x75b: {  	(v2sf) =	vpush v4, $0xF;
	v4, _, _ =	vpop (xrf2)  }
0x75c: {  	(v2sf) =	vpush v4, $0xF;
	_ =	sdelay $0xb  }
0x75d: {  	[tilespmem:s7+$0x80] =	vst v0  }
0x75e: {  	[tilespmem:s7+$0x90] =	vst v1  }
0x75f: {  	[tilespmem:s7+$0xA0] =	vst v2;
	s9 =	spop (v2sf)  }
0x760: {  	[tilespmem:s7+$0xB0] =	vst v3;
	s11 =	spop (v2sf);
	s10 =	smul.f32 $1.302083370e-03, s9  }
0x761: {  	s7 =	simm.s32 $0x12BC0;
	v7 =	vld [tilespmem:s2+$0xFFFFFF70];
	s19 =	smul.f32 $1.302083370e-03, s11  }
0x762: {  	v8 =	vld [tilespmem:s7+$0xB0];
	s9 =	smul.f32 s10, s10  }
0x763: {  	v9 =	vld [tilespmem:s2+$0xFFFFFF80]  }
0x764: {  	v11 =	vld [tilespmem:s2+$0xFFFFFF90];
	s9 =	ssub.f32 s19, s9  }
0x765: {  	v12 =	vld [tilespmem:s2+$0xFFFFFFA0]  }
0x766: {  	v13 =	vld [tilespmem:s2+$0xFFFFFFB0];
	s9 =	smax.f32 s9, $0.0e+00  }
0x767: {  	v14 =	vld [tilespmem:s2+$0xFFFFFFC0];
	s20 =	sadd.f32 $9.999999960e-13, s9  }
0x768: {  	v15 =	vld [tilespmem:s2+$0xFFFFFFD0]  }
0x769: {  	v16 =	vld [tilespmem:s2+$0xFFFFFFE0];
	v0 =	vmov s20  }
0x76a: {  	v17 =	vld [tilespmem:s2+$0xFFFFFFF0];
	v1 =	vshrl.u32 v0, $0x1;
	v0 =	vmul.f32 $5.000000000e-01, v0  }
0x76b: {  	v18 =	vld [tilespmem:s2+$0x0];
	v1 =	vsub.s32 $0x5F3759DF, v1  }
0x76c: {  	v19 =	vld [tilespmem:s2+$0x10];
	v2 =	vmul.f32 v1, v0  }
0x76d: {  	v20 =	vld [tilespmem:s2+$0x20]  }
0x76e: {  	v21 =	vld [tilespmem:s2+$0x30];
	v2 =	vmul.f32 v1, v2  }
0x76f: {  	v22 =	vld [tilespmem:s2+$0x40]  }
0x770: {  	v23 =	vld [tilespmem:s2+$0x50];
	v2 =	vsub.f32 $1.500000000e+00, v2  }
0x771: {  	v24 =	vld [tilespmem:s2+$0x60]  }
0x772: {  	v25 =	vld [tilespmem:s2+$0x70];
	v1 =	vmul.f32 v1, v2  }
0x773: {  	v26 =	vld [tilespmem:s2+$0x80]  }
0x774: {  	v27 =	vld [tilespmem:s2+$0xFFFFFF40];
	v2 =	vmul.f32 v1, v0  }
0x775: {  	v29 =	vld [tilespmem:s7+$0xFFFFFF40]  }
0x776: {  	v30 =	vld [tilespmem:s7+$0xFFFFFF50];
	v2 =	vmul.f32 v2, v1  }
0x777: {  	v31 =	vld [tilespmem:s7+$0xFFFFFF60]  }
0x778: {  	v32 =	vld [tilespmem:s7+$0xFFFFFF70];
	v2 =	vsub.f32 $1.500000000e+00, v2  }
0x779: {  	v33 =	vld [tilespmem:s7+$0xFFFFFF80]  }
0x77a: {  	v34 =	vld [tilespmem:s7+$0xFFFFFF90];
	v1 =	vmul.f32 v2, v1  }
0x77b: {  	v61 =	vld [tilespmem:s7+$0xFFFFFFA0]  }
0x77c: {  	v35 =	vld [tilespmem:s7+$0xFFFFFFB0];
	v28 =	vmul.f32 v1, v0  }
0x77d: {  	v36 =	vld [tilespmem:s7+$0xFFFFFFC0]  }
0x77e: {  	v37 =	vld [tilespmem:s7+$0xFFFFFFD0];
	v28 =	vmul.f32 v28, v1  }
0x77f: {  	v38 =	vld [tilespmem:s7+$0xFFFFFFE0]  }
0x780: {  	v39 =	vld [tilespmem:s7+$0xFFFFFFF0];
	v28 =	vsub.f32 $1.500000000e+00, v28  }
0x781: {  	v41 =	vld [tilespmem:s7+$0x0]  }
0x782: {  	v42 =	vld [tilespmem:s7+$0x10];
	v1 =	vmul.f32 v28, v1  }
0x783: {  	v6 =	vld [tilespmem:s2+$0xFFFFFF60]  }
0x784: {  	v4 =	vld [tilespmem:s2+$0xB0];
	v0 =	vmul.f32 v1, v0  }
0x785: {  	v5 =	vld [tilespmem:s2+$0xFFFFFF50]  }
0x786: {  	v62 =	vld [tilespmem:s7+$0x20];
	v0 =	vmul.f32 v0, v1  }
0x787: {  	v43 =	vld [tilespmem:s7+$0x30]  }
0x788: {  	v44 =	vld [tilespmem:s7+$0x40];
	v40 =	vsub.f32 $1.500000000e+00, v0;
	v0 =	vmov s10  }
0x789: {  	v45 =	vld [tilespmem:s7+$0x50];
	v4 =	vsub.f32 v4, v0  }
0x78a: {  	v3 =	vld [tilespmem:s2+$0x90];
	s9 =	simm.s32 $0x12EC0;
	v5 =	vsub.f32 v5, v0;
	v6 =	vsub.f32 v6, v0  }
0x78b: {  	v10 =	vld [tilespmem:s9+$0xB0];
	v7 =	vsub.f32 v7, v0;
	v27 =	vsub.f32 v27, v0;
	v1 =	vmul.f32 v40, v1  }
0x78c: {  	v63 =	vld [tilespmem:s9+$0xFFFFFF40];
	v11 =	vsub.f32 v11, v0;
	v12 =	vsub.f32 v12, v0  }
0x78d: {  	v46 =	vld [tilespmem:s9+$0xFFFFFF50];
	v13 =	vsub.f32 v13, v0;
	v14 =	vsub.f32 v14, v0;
	v4 =	vmul.f32 v4, v1  }
0x78e: {  	v47 =	vld [tilespmem:s9+$0xFFFFFF70];
	v15 =	vsub.f32 v15, v0;
	v5 =	vmul.f32 v5, v1;
	v6 =	vmul.f32 v6, v1  }
0x78f: {  	v48 =	vld [tilespmem:s9+$0xFFFFFF80];
	v16 =	vsub.f32 v16, v0;
	v7 =	vmul.f32 v7, v1;
	v27 =	vmul.f32 v27, v1  }
0x790: {  	v49 =	vld [tilespmem:s9+$0xFFFFFF90];
	v17 =	vsub.f32 v17, v0;
	v11 =	vmul.f32 v11, v1;
	v12 =	vmul.f32 v12, v1  }
0x791: {  	v50 =	vld [tilespmem:s9+$0xFFFFFFA0];
	v18 =	vsub.f32 v18, v0;
	v13 =	vmul.f32 v13, v1;
	v14 =	vmul.f32 v14, v1  }
0x792: {  	v51 =	vld [tilespmem:s9+$0xFFFFFFC0];
	v20 =	vsub.f32 v20, v0;
	v16 =	vmul.f32 v16, v1;
	v17 =	vmul.f32 v17, v1  }
0x793: {  	v52 =	vld [tilespmem:s9+$0xFFFFFFD0];
	v53 =	vsub.f32 v23, v0;
	v18 =	vmul.f32 v18, v1;
	v4 =	vmul.f32 v4, v8  }
0x794: {  	v54 =	vld [tilespmem:s9+$0xFFFFFFE0];
	v3 =	vsub.f32 v3, v0;
	v5 =	vmul.f32 v5, v30;
	v6 =	vmul.f32 v6, v31  }
0x795: {  	v27 =	vmul.f32 v27, v29;
	v4 =	vadd.f32 v4, v10;
	v10 =	vmul.f32 v15, v1;
	v15 =	vld [tilespmem:s9+$0xFFFFFF60]  }
0x796: {  	v55 =	vld [tilespmem:s9+$0xFFFFFFF0];
	v8 =	vsub.f32 v9, v0;
	v7 =	vmul.f32 v7, v32;
	v11 =	vmul.f32 v11, v34  }
0x797: {  	v57 =	vld [tilespmem:s9+$0x10];
	v12 =	vmul.f32 v12, v61;
	v13 =	vmul.f32 v13, v35;
	v27 =	vadd.f32 v27, v63  }
0x798: {  	v58 =	vld [tilespmem:s9+$0x30];
	v14 =	vmul.f32 v14, v36;
	v16 =	vmul.f32 v16, v38;
	v5 =	vadd.f32 v5, v46;
	[tilespmem:s2+$0xB0] =	vst v4  }
0x799: {  	v59 =	vld [tilespmem:s9+$0x40];
	v8 =	vmul.f32 v8, v1;
	v7 =	vadd.f32 v7, v47;
	v11 =	vadd.f32 v11, v49;
	[tilespmem:s2+$0xFFFFFF40] =	vst v27  }
0x79a: {  	v17 =	vmul.f32 v17, v39;
	v12 =	vadd.f32 v12, v50;
	[tilespmem:s2+$0xFFFFFF50] =	vst v5;
	v6 =	vadd.f32 v6, v15;
	v15 =	vld [tilespmem:s9+$0xFFFFFFB0]  }
0x79b: {  	v2 =	vld [tilespmem:s2+$0xA0];
	v14 =	vadd.f32 v14, v51;
	v8 =	vmul.f32 v8, v33;
	v4 =	vsub.f32 v19, v0;
	[tilespmem:s2+$0xFFFFFF70] =	vst v7  }
0x79c: {  	v9 =	vld [tilespmem:s7+$0x60];
	v18 =	vmul.f32 v18, v41;
	v16 =	vadd.f32 v16, v54;
	v5 =	vsub.f32 v21, v0;
	[tilespmem:s2+$0xFFFFFF90] =	vst v11  }
0x79d: {  	v30 =	vld [tilespmem:s7+$0x70];
	v10 =	vmul.f32 v10, v37;
	[tilespmem:s2+$0xFFFFFFA0] =	vst v12;
	v4 =	vmul.f32 v4, v1;
	v8 =	vadd.f32 v8, v48  }
0x79e: {  	v31 =	vld [tilespmem:s7+$0x80];
	v7 =	vmul.f32 v20, v1;
	v11 =	vsub.f32 v25, v0;
	[tilespmem:s2+$0xFFFFFFC0] =	vst v14;
	v5 =	vmul.f32 v5, v1  }
0x79f: {  	v29 =	vld [tilespmem:s7+$0x90];
	[tilespmem:s2+$0xFFFFFF80] =	vst v8;
	v8 =	vsub.f32 v24, v0;
	v4 =	vmul.f32 v4, v42;
	v13 =	vadd.f32 v13, v15  }
0x7a0: {  	v2 =	vsub.f32 v2, v0;
	[tilespmem:s2+$0xFFFFFFE0] =	vst v16;
	v11 =	vmul.f32 v11, v1;
	v5 =	vmul.f32 v5, v43;
	v15 =	vld [tilespmem:s9+$0x0]  }
0x7a1: {  	v4 =	vadd.f32 v4, v57;
	[tilespmem:s2+$0xFFFFFFB0] =	vst v13;
	v13 =	vmul.f32 v8, v1;
	v8 =	vadd.f32 v10, v52;
	v10 =	vld [tilespmem:s9+$0x20]  }
0x7a2: {  	v61 =	vld [tilespmem:s9+$0x50];
	v12 =	vmul.f32 v53, v1;
	v60 =	vmul.f32 v7, v62;
	[tilespmem:s2+$0xFFFFFF60] =	vst v6;
	v6 =	vsub.f32 v22, v0  }
0x7a3: {  	p0 =	por $0x1, $0x1;
	v32 =	vld [tilespmem:s7+$0xA0];
	v62 =	vmul.f32 v2, v1;
	v2 =	vmul.f32 v11, v30;
	v11 =	vadd.f32 v5, v58;
	[tilespmem:s2+$0x10] =	vst v4  }
.Ltmp35:
0x7a4: {  	v56 =	vsub.f32 v26, v0;
	v7 =	vld [tilespmem:s9+$0x60];
	v6 =	vmul.f32 v6, v1;
	[tilespmem:s2+$0xFFFFFFD0] =	vst v8;
	v8 =	vadd.f32 v17, v55;
	(pc) =	sbr.rel @!p0 .LBB2_48-.Ltmp35, $4  }
0x7a5: {  	v3 =	vmul.f32 v3, v1;
	v12 =	vmul.f32 v12, v45;
	[tilespmem:s2+$0x30] =	vst v11;
	v11 =	vld [tilespmem:s9+$0xA0];
	v15 =	vadd.f32 v18, v15  }
0x7a6: {  	v14 =	vmul.f32 v56, v1;
	v63 =	vmul.f32 v6, v44;
	[tilespmem:s2+$0xFFFFFFF0] =	vst v8;
	v8 =	vld [tilespmem:s9+$0x70];
	v10 =	vadd.f32 v60, v10  }
0x7a7: {  	v3 =	vmul.f32 v3, v29;
	v12 =	vadd.f32 v12, v61;
	v6 =	vmul.f32 v13, v9;
	v9 =	vld [tilespmem:s9+$0x80];
	[tilespmem:s2+$0x0] =	vst v15  }
0x7a8: {  	s13 =	simm.s32 $0x0;
	s11 =	sadd.s32 $0x180, s2;
	s10 =	smov.u32 s2;
	v5 =	vmul.f32 v14, v31;
	v4 =	vmul.f32 v62, v32;
	v13 =	vadd.f32 v63, v59;
	[tilespmem:s2+$0x20] =	vst v10;
	v10 =	vld [tilespmem:s9+$0x90]  }
.LBB2_47:
0x7a9: {  	s12 =	smov.u32 s13  }
0x7aa: {  	v14 =	vld [tilespmem:s11+$0xB0];
	[tilespmem:s10+$0x40] =	vst v13;
	v6 =	vadd.f32 v6, v7;
	s12 =	sadd.s32 $0x180, s13  }
0x7ab: {  	v2 =	vadd.f32 v2, v8;
	v7 =	vld [tilespmem:s11+$0xFFFFFF50];
	p0 =	slt.u32 s12, s13;
	[tilespmem:s10+$0x50] =	vst v12  }
0x7ac: {  	v5 =	vadd.f32 v5, v9;
	v8 =	vld [tilespmem:s11+$0xFFFFFF60];
	[tilespmem:s10+$0x60] =	vst v6  }
0x7ad: {  	s7 =	sadd.s32 $0x180, s7;
	v6 =	vld [tilespmem:s11+$0xFFFFFF70];
	[tilespmem:s10+$0x70] =	vst v2;
	v2 =	vadd.f32 v3, v10  }
0x7ae: {  	v4 =	vadd.f32 v4, v11;
	v3 =	vld [tilespmem:s7+$0xB0];
	[tilespmem:s10+$0x80] =	vst v5  }
0x7af: {  	s9 =	sadd.s32 $0x180, s9;
	v9 =	vsub.f32 v14, v0;
	v5 =	vld [tilespmem:s11+$0xFFFFFF80];
	[tilespmem:s10+$0x90] =	vst v2  }
0x7b0: {  	v2 =	vsub.f32 v7, v0;
	v7 =	vld [tilespmem:s9+$0xB0];
	[tilespmem:s10+$0xA0] =	vst v4;
	s10 =	smov.u32 s11  }
0x7b1: {  	v9 =	vmul.f32 v9, v1;
	v4 =	vsub.f32 v8, v0;
	v8 =	vld [tilespmem:s11+$0xFFFFFF90]  }
0x7b2: {  	v2 =	vmul.f32 v2, v1;
	v6 =	vsub.f32 v6, v0;
	v10 =	vld [tilespmem:s11+$0xFFFFFFA0]  }
0x7b3: {  	v4 =	vmul.f32 v4, v1;
	v11 =	vld [tilespmem:s11+$0xFFFFFFB0];
	v3 =	vmul.f32 v9, v3  }
0x7b4: {  	v6 =	vmul.f32 v6, v1;
	v5 =	vsub.f32 v5, v0;
	v9 =	vld [tilespmem:s11+$0xFFFFFFC0]  }
0x7b5: {  	v12 =	vld [tilespmem:s11+$0xFFFFFFD0];
	v3 =	vadd.f32 v3, v7  }
0x7b6: {  	v5 =	vmul.f32 v5, v1;
	v7 =	vsub.f32 v8, v0;
	v8 =	vld [tilespmem:s11+$0xFFFFFFE0]  }
0x7b7: {  	v10 =	vsub.f32 v10, v0;
	v13 =	vld [tilespmem:s11+$0xFFFFFFF0];
	[tilespmem:s11+$0xB0] =	vst v3  }
0x7b8: {  	v3 =	vmul.f32 v7, v1;
	v7 =	vsub.f32 v11, v0;
	v11 =	vld [tilespmem:s11+$0x0]  }
0x7b9: {  	v10 =	vmul.f32 v10, v1;
	v9 =	vsub.f32 v9, v0;
	v14 =	vld [tilespmem:s11+$0x10]  }
0x7ba: {  	v7 =	vmul.f32 v7, v1;
	v12 =	vsub.f32 v12, v0;
	v15 =	vld [tilespmem:s11+$0x20]  }
0x7bb: {  	v9 =	vmul.f32 v9, v1;
	v8 =	vsub.f32 v8, v0;
	v16 =	vld [tilespmem:s11+$0x30]  }
0x7bc: {  	v12 =	vmul.f32 v12, v1;
	v13 =	vsub.f32 v13, v0;
	v17 =	vld [tilespmem:s11+$0x40]  }
0x7bd: {  	v8 =	vmul.f32 v8, v1;
	v11 =	vsub.f32 v11, v0;
	v18 =	vld [tilespmem:s11+$0x50]  }
0x7be: {  	v13 =	vmul.f32 v13, v1;
	v14 =	vsub.f32 v14, v0;
	v19 =	vld [tilespmem:s11+$0x60]  }
0x7bf: {  	v11 =	vmul.f32 v11, v1;
	v15 =	vsub.f32 v15, v0;
	v20 =	vld [tilespmem:s11+$0x70]  }
0x7c0: {  	v14 =	vmul.f32 v14, v1;
	v16 =	vsub.f32 v16, v0;
	v21 =	vld [tilespmem:s11+$0x80]  }
0x7c1: {  	v15 =	vmul.f32 v15, v1;
	v17 =	vsub.f32 v17, v0;
	v22 =	vld [tilespmem:s11+$0x90]  }
0x7c2: {  	v16 =	vmul.f32 v16, v1;
	v18 =	vsub.f32 v18, v0;
	v23 =	vld [tilespmem:s11+$0xA0]  }
0x7c3: {  	v24 =	vld [tilespmem:s11+$0xFFFFFF40];
	v17 =	vmul.f32 v17, v1;
	v19 =	vsub.f32 v19, v0  }
0x7c4: {  	v25 =	vld [tilespmem:s7+$0xFFFFFF40];
	v18 =	vmul.f32 v18, v1;
	v20 =	vsub.f32 v20, v0  }
0x7c5: {  	v26 =	vld [tilespmem:s7+$0xFFFFFF50];
	v19 =	vmul.f32 v19, v1;
	v21 =	vsub.f32 v21, v0  }
0x7c6: {  	v27 =	vld [tilespmem:s7+$0xFFFFFF60];
	v20 =	vmul.f32 v20, v1;
	v22 =	vsub.f32 v22, v0  }
0x7c7: {  	v28 =	vld [tilespmem:s7+$0xFFFFFF70];
	v21 =	vmul.f32 v21, v1;
	v23 =	vsub.f32 v23, v0  }
0x7c8: {  	v24 =	vsub.f32 v24, v0;
	v29 =	vld [tilespmem:s7+$0xFFFFFF80];
	v22 =	vmul.f32 v22, v1  }
0x7c9: {  	v30 =	vld [tilespmem:s7+$0xFFFFFF90];
	v23 =	vmul.f32 v23, v1  }
0x7ca: {  	v24 =	vmul.f32 v24, v1;
	v26 =	vmul.f32 v2, v26;
	v2 =	vld [tilespmem:s7+$0xFFFFFFA0]  }
0x7cb: {  	v27 =	vmul.f32 v4, v27;
	v4 =	vld [tilespmem:s7+$0xFFFFFFB0]  }
0x7cc: {  	v24 =	vmul.f32 v24, v25;
	v25 =	vmul.f32 v6, v28;
	v6 =	vld [tilespmem:s7+$0xFFFFFFC0]  }
0x7cd: {  	v28 =	vmul.f32 v5, v29;
	v5 =	vld [tilespmem:s7+$0xFFFFFFD0]  }
0x7ce: {  	v29 =	vmul.f32 v3, v30;
	v3 =	vld [tilespmem:s7+$0xFFFFFFE0]  }
0x7cf: {  	v10 =	vmul.f32 v10, v2;
	v2 =	vld [tilespmem:s7+$0xFFFFFFF0]  }
0x7d0: {  	v7 =	vmul.f32 v7, v4;
	v4 =	vld [tilespmem:s7+$0x0]  }
0x7d1: {  	v9 =	vmul.f32 v9, v6;
	v6 =	vld [tilespmem:s7+$0x10]  }
0x7d2: {  	v12 =	vmul.f32 v12, v5;
	v5 =	vld [tilespmem:s7+$0x20]  }
0x7d3: {  	v8 =	vmul.f32 v8, v3;
	v3 =	vld [tilespmem:s7+$0x30]  }
0x7d4: {  	v13 =	vmul.f32 v13, v2;
	v2 =	vld [tilespmem:s7+$0x40]  }
0x7d5: {  	v11 =	vmul.f32 v11, v4;
	v4 =	vld [tilespmem:s7+$0x50]  }
0x7d6: {  	v14 =	vmul.f32 v14, v6;
	v6 =	vld [tilespmem:s7+$0x60]  }
0x7d7: {  	v15 =	vmul.f32 v15, v5;
	v5 =	vld [tilespmem:s7+$0x70]  }
0x7d8: {  	v16 =	vmul.f32 v16, v3;
	v3 =	vld [tilespmem:s7+$0x80]  }
0x7d9: {  	v17 =	vmul.f32 v17, v2;
	v30 =	vld [tilespmem:s7+$0x90]  }
0x7da: {  	v18 =	vmul.f32 v18, v4;
	v4 =	vld [tilespmem:s7+$0xA0]  }
0x7db: {  	v31 =	vld [tilespmem:s9+$0xFFFFFF40];
	v6 =	vmul.f32 v19, v6  }
0x7dc: {  	v19 =	vld [tilespmem:s9+$0xFFFFFF50];
	v2 =	vmul.f32 v20, v5  }
0x7dd: {  	v20 =	vld [tilespmem:s9+$0xFFFFFF60];
	v5 =	vmul.f32 v21, v3  }
0x7de: {  	v21 =	vld [tilespmem:s9+$0xFFFFFF70];
	v3 =	vmul.f32 v22, v30  }
0x7df: {  	v22 =	vld [tilespmem:s9+$0xFFFFFF80];
	v4 =	vmul.f32 v23, v4  }
0x7e0: {  	v23 =	vadd.f32 v24, v31;
	v24 =	vld [tilespmem:s9+$0xFFFFFF90]  }
0x7e1: {  	v19 =	vadd.f32 v26, v19;
	v26 =	vld [tilespmem:s9+$0xFFFFFFA0]  }
0x7e2: {  	[tilespmem:s11+$0xFFFFFF40] =	vst v23;
	v20 =	vadd.f32 v27, v20;
	v23 =	vld [tilespmem:s9+$0xFFFFFFB0]  }
0x7e3: {  	[tilespmem:s11+$0xFFFFFF50] =	vst v19;
	v19 =	vadd.f32 v25, v21;
	v21 =	vld [tilespmem:s9+$0xFFFFFFC0]  }
0x7e4: {  	[tilespmem:s11+$0xFFFFFF60] =	vst v20;
	v20 =	vadd.f32 v28, v22;
	v22 =	vld [tilespmem:s9+$0xFFFFFFD0]  }
0x7e5: {  	[tilespmem:s11+$0xFFFFFF70] =	vst v19;
	v19 =	vadd.f32 v29, v24;
	v24 =	vld [tilespmem:s9+$0xFFFFFFE0]  }
0x7e6: {  	[tilespmem:s11+$0xFFFFFF80] =	vst v20;
	v10 =	vadd.f32 v10, v26;
	v20 =	vld [tilespmem:s9+$0xFFFFFFF0]  }
0x7e7: {  	[tilespmem:s11+$0xFFFFFF90] =	vst v19;
	v7 =	vadd.f32 v7, v23;
	v19 =	vld [tilespmem:s9+$0x0]  }
0x7e8: {  	[tilespmem:s11+$0xFFFFFFA0] =	vst v10;
	v9 =	vadd.f32 v9, v21;
	v10 =	vld [tilespmem:s9+$0x10]  }
0x7e9: {  	[tilespmem:s11+$0xFFFFFFB0] =	vst v7;
	v7 =	vadd.f32 v12, v22;
	v12 =	vld [tilespmem:s9+$0x20]  }
0x7ea: {  	[tilespmem:s11+$0xFFFFFFC0] =	vst v9;
	v8 =	vadd.f32 v8, v24;
	v9 =	vld [tilespmem:s9+$0x30]  }
0x7eb: {  	[tilespmem:s11+$0xFFFFFFD0] =	vst v7;
	v7 =	vadd.f32 v13, v20;
	v13 =	vld [tilespmem:s9+$0x40]  }
0x7ec: {  	[tilespmem:s11+$0xFFFFFFE0] =	vst v8;
	v8 =	vadd.f32 v11, v19;
	v11 =	vld [tilespmem:s9+$0x50]  }
.Ltmp36:
0x7ed: {  	[tilespmem:s11+$0xFFFFFFF0] =	vst v7;
	v10 =	vadd.f32 v14, v10;
	v7 =	vld [tilespmem:s9+$0x60];
	(pc) =	sbr.rel @p0 .LBB2_47-.Ltmp36, $4  }
0x7ee: {  	[tilespmem:s11+$0x0] =	vst v8;
	v12 =	vadd.f32 v15, v12;
	v8 =	vld [tilespmem:s9+$0x70]  }
0x7ef: {  	[tilespmem:s11+$0x10] =	vst v10;
	v14 =	vadd.f32 v16, v9;
	v9 =	vld [tilespmem:s9+$0x80]  }
0x7f0: {  	[tilespmem:s11+$0x20] =	vst v12;
	v13 =	vadd.f32 v17, v13;
	v10 =	vld [tilespmem:s9+$0x90]  }
0x7f1: {  	s13 =	smov.u32 s12;
	s11 =	sadd.s32 $0x180, s11;
	[tilespmem:s10+$0x30] =	vst v14;
	v12 =	vadd.f32 v18, v11;
	v11 =	vld [tilespmem:s9+$0xA0]  }
.LBB2_48:
0x7f2: {  	_ = 	snop  }
0x7f3: {  	v0 =	vadd.f32 v6, v7;
	s0 =	sadd.s32 $0x1, s0;
	[tilespmem:s10+$0x40] =	vst v13  }
0x7f4: {  	[tilespmem:s10+$0x50] =	vst v12;
	p0 =	sne.s32 s0, $0x10;
	v1 =	vadd.f32 v2, v8  }
.Ltmp37:
0x7f5: {  	[tilespmem:s10+$0x60] =	vst v0;
	v61 =	vadd.f32 v5, v9;
	(pc) =	sbr.rel @p0 .LBB2_44-.Ltmp37, $4  }
0x7f6: {  	[tilespmem:s10+$0x70] =	vst v1;
	v62 =	vadd.f32 v3, v10  }
0x7f7: {  	v63 =	vadd.f32 v4, v11;
	[tilespmem:s10+$0x80] =	vst v61  }
0x7f8: {  	[tilespmem:s10+$0x90] =	vst v62  }
0x7f9: {  	s2 =	sadd.s32 $0x300, s2;
	s3 =	sadd.s32 $0x300, s3;
	s15 =	sadd.s32 $0x300, s15;
	[tilespmem:s10+$0xA0] =	vst v63  }
0x7fa: {  	s0 =	simm.s32 $0x0;
	s2 =	rddreg [dreg:$0x8]  }
0x7fb: {  	[hbm4b:s2+s0] =	stream.linear.scatter [tilespmem:s24], [sflag:$0x3], $0x3000, $0x38;
	[tilespmem:$0x13100] =	vst v63  }
0x7fc: {  	_ =	swait.ge [sflag:s25], $0x3000  }
0x7fd: {  	[sflag:s25] =	ssyncset.done $0x0  }
0x7fe: {  	[sflag:s25] =	ssyncadd.s32 $0xFFFFD000  }
0x7ff: {  	_ =	swait.ge [sflag:s30], $0x3000  }
0x800: {  	s3 =	simm.s32 $0xF8C0;
	[sflag:s30] =	ssyncset.done $0x0  }
0x801: {  	s15 =	simm.s32 $0x38C0;
	s2 =	simm.s32 $0x98C0;
	[sflag:s30] =	ssyncadd.s32 $0xFFFFD000  }
.LBB2_50:
0x802: {  	v0 =	vld [tilespmem:s15+$0xFFFFFF40]  }
0x803: {  	v1 =	vld [tilespmem:s3+$0xFFFFFF40]  }
0x804: {  	v2 =	vld [tilespmem:s15+$0xFFFFFF50]  }
0x805: {  	v3 =	vld [tilespmem:s3+$0xFFFFFF50]  }
0x806: {  	v4 =	vld [tilespmem:s15+$0xFFFFFF60]  }
0x807: {  	v5 =	vld [tilespmem:s3+$0xFFFFFF60]  }
0x808: {  	v6 =	vld [tilespmem:s15+$0xFFFFFF70]  }
0x809: {  	v7 =	vld [tilespmem:s15+$0xFFFFFF80];
	v0 =	vadd.f32 v1, v0  }
0x80a: {  	v1 =	vld [tilespmem:s3+$0xFFFFFF70]  }
0x80b: {  	v8 =	vld [tilespmem:s3+$0xFFFFFF80];
	v9 =	vimm.f32 $0.0e+00;
	v2 =	vadd.f32 v3, v2;
	v3 =	vmul.f32 v0, v0  }
0x80c: {  	v11 =	vld [tilespmem:s3+$0xFFFFFF90];
	v10 =	vadd.f32 v0, v9  }
0x80d: {  	v12 =	vld [tilespmem:s3+$0xFFFFFFA0];
	v4 =	vadd.f32 v5, v4;
	v3 =	vadd.f32 v3, v9;
	v9 =	vmul.f32 v2, v2  }
0x80e: {  	v5 =	vld [tilespmem:s15+$0xFFFFFF90];
	v10 =	vadd.f32 v2, v10  }
0x80f: {  	v13 =	vld [tilespmem:s3+$0xFFFFFFB0];
	v1 =	vadd.f32 v1, v6;
	v3 =	vadd.f32 v9, v3;
	v9 =	vmul.f32 v4, v4  }
0x810: {  	v6 =	vld [tilespmem:s15+$0xFFFFFFA0];
	v10 =	vadd.f32 v4, v10  }
0x811: {  	v14 =	vld [tilespmem:s3+$0xFFFFFFC0];
	v7 =	vadd.f32 v8, v7;
	v3 =	vadd.f32 v9, v3;
	v9 =	vmul.f32 v1, v1  }
0x812: {  	v8 =	vld [tilespmem:s15+$0xFFFFFFB0];
	v10 =	vadd.f32 v1, v10  }
0x813: {  	v52 =	vld [tilespmem:s15+$0xFFFFFFD0];
	v5 =	vadd.f32 v11, v5;
	v3 =	vadd.f32 v9, v3;
	v9 =	vmul.f32 v7, v7  }
0x814: {  	v11 =	vld [tilespmem:s15+$0xFFFFFFC0];
	v10 =	vadd.f32 v7, v10  }
0x815: {  	v15 =	vld [tilespmem:s3+$0xFFFFFFD0];
	v6 =	vadd.f32 v12, v6;
	v3 =	vadd.f32 v9, v3;
	v9 =	vmul.f32 v5, v5  }
0x816: {  	v53 =	vld [tilespmem:s15+$0xFFFFFFE0];
	v10 =	vadd.f32 v5, v10  }
0x817: {  	v16 =	vld [tilespmem:s3+$0xFFFFFFE0];
	v8 =	vadd.f32 v13, v8;
	v3 =	vadd.f32 v9, v3;
	v9 =	vmul.f32 v6, v6  }
0x818: {  	v54 =	vld [tilespmem:s15+$0xFFFFFFF0];
	v10 =	vadd.f32 v6, v10  }
0x819: {  	v17 =	vld [tilespmem:s3+$0xFFFFFFF0];
	v11 =	vadd.f32 v14, v11;
	v3 =	vadd.f32 v9, v3;
	v9 =	vmul.f32 v8, v8  }
0x81a: {  	v55 =	vld [tilespmem:s15+$0x0];
	v10 =	vadd.f32 v8, v10  }
0x81b: {  	v18 =	vld [tilespmem:s3+$0x0];
	v12 =	vadd.f32 v15, v52;
	v3 =	vadd.f32 v9, v3;
	v9 =	vmul.f32 v11, v11  }
0x81c: {  	v56 =	vld [tilespmem:s15+$0x10];
	v10 =	vadd.f32 v11, v10  }
0x81d: {  	v19 =	vld [tilespmem:s3+$0x10];
	v13 =	vadd.f32 v16, v53;
	v3 =	vadd.f32 v9, v3;
	v9 =	vmul.f32 v12, v12  }
0x81e: {  	v57 =	vld [tilespmem:s15+$0x20];
	[tilespmem:s2+$0xFFFFFF50] =	vst v2;
	v2 =	vadd.f32 v12, v10  }
0x81f: {  	v58 =	vld [tilespmem:s15+$0x30];
	[tilespmem:s2+$0xFFFFFF40] =	vst v0;
	v0 =	vadd.f32 v17, v54;
	v3 =	vadd.f32 v9, v3;
	v9 =	vmul.f32 v13, v13  }
0x820: {  	[tilespmem:s2+$0xFFFFFF70] =	vst v1;
	v10 =	vld [tilespmem:s3+$0x20];
	v1 =	vadd.f32 v13, v2  }
0x821: {  	v59 =	vld [tilespmem:s15+$0x40];
	[tilespmem:s2+$0xFFFFFF60] =	vst v4;
	v4 =	vadd.f32 v18, v55;
	v2 =	vadd.f32 v9, v3;
	v3 =	vmul.f32 v0, v0  }
0x822: {  	[tilespmem:s2+$0xFFFFFF80] =	vst v7;
	v9 =	vld [tilespmem:s3+$0x30];
	v1 =	vadd.f32 v0, v1  }
0x823: {  	v60 =	vld [tilespmem:s3+$0x60];
	[tilespmem:s2+$0xFFFFFF90] =	vst v5;
	v7 =	vadd.f32 v19, v56;
	v2 =	vadd.f32 v3, v2;
	v3 =	vmul.f32 v4, v4  }
0x824: {  	[tilespmem:s2+$0xFFFFFFB0] =	vst v8;
	v5 =	vld [tilespmem:s3+$0x40];
	v1 =	vadd.f32 v4, v1  }
0x825: {  	[tilespmem:s2+$0xFFFFFFA0] =	vst v6;
	v8 =	vld [tilespmem:s3+$0x50];
	v6 =	vadd.f32 v10, v57;
	v2 =	vadd.f32 v3, v2;
	v3 =	vmul.f32 v7, v7  }
0x826: {  	[tilespmem:s2+$0xFFFFFFF0] =	vst v0;
	v10 =	vld [tilespmem:s15+$0x50];
	v1 =	vadd.f32 v7, v1  }
0x827: {  	v61 =	vld [tilespmem:s15+$0x70];
	[tilespmem:s2+$0xFFFFFFE0] =	vst v13;
	v9 =	vadd.f32 v9, v58;
	v2 =	vadd.f32 v3, v2;
	v3 =	vmul.f32 v6, v6  }
0x828: {  	[tilespmem:s2+$0xFFFFFFC0] =	vst v11;
	v11 =	vld [tilespmem:s15+$0x60];
	v0 =	vadd.f32 v6, v1  }
0x829: {  	[tilespmem:s2+$0x10] =	vst v7;
	v5 =	vadd.f32 v5, v59;
	v7 =	vld [tilespmem:s3+$0x80];
	v1 =	vadd.f32 v3, v2;
	v2 =	vmul.f32 v9, v9  }
0x82a: {  	[tilespmem:s2+$0x0] =	vst v4;
	v3 =	vld [tilespmem:s3+$0x70];
	v0 =	vadd.f32 v9, v0  }
0x82b: {  	[tilespmem:s2+$0xFFFFFFD0] =	vst v12;
	v4 =	vmul.f32 v5, v5;
	v8 =	vadd.f32 v8, v10;
	v10 =	vld [tilespmem:s15+$0x80];
	v2 =	vadd.f32 v2, v1  }
0x82c: {  	p0 =	por $0x1, $0x1;
	[tilespmem:s2+$0x20] =	vst v6;
	v1 =	vld [tilespmem:s15+$0x90];
	v0 =	vadd.f32 v5, v0  }
.Ltmp38:
0x82d: {  	v11 =	vadd.f32 v60, v11;
	[tilespmem:s2+$0x30] =	vst v9;
	v9 =	vmul.f32 v8, v8;
	v6 =	vadd.f32 v4, v2;
	v4 =	vld [tilespmem:s3+$0x90];
	(pc) =	sbr.rel @!p0 .LBB2_52-.Ltmp38, $4  }
0x82e: {  	[tilespmem:s2+$0x50] =	vst v8;
	v2 =	vld [tilespmem:s15+$0xA0];
	v8 =	vadd.f32 v8, v0  }
0x82f: {  	[tilespmem:s2+$0x40] =	vst v5;
	v63 =	vmul.f32 v11, v11;
	v5 =	vadd.f32 v3, v61;
	v62 =	vadd.f32 v9, v6;
	v6 =	vld [tilespmem:s3+$0xA0]  }
0x830: {  	s12 =	simm.s32 $0x0;
	[tilespmem:s2+$0x60] =	vst v11;
	v0 =	vadd.f32 v7, v10;
	v7 =	vld [tilespmem:s3+$0xB0]  }
0x831: {  	s9 =	sadd.s32 $0x180, s15;
	s7 =	smov.u32 s2;
	s10 =	smov.u32 s3;
	v3 =	vld [tilespmem:s15+$0xB0];
	v9 =	vadd.f32 v11, v8;
	[tilespmem:s2+$0x70] =	vst v5;
	v10 =	vmul.f32 v5, v5;
	v8 =	vadd.f32 v63, v62  }
.LBB2_51:
0x832: {  	v11 =	vld [tilespmem:s9+$0xFFFFFF40];
	[tilespmem:s7+$0x80] =	vst v0;
	v1 =	vadd.f32 v4, v1;
	s10 =	sadd.s32 $0x180, s10;
	s11 =	smov.u32 s12  }
0x833: {  	v4 =	vld [tilespmem:s10+$0xFFFFFF40];
	v5 =	vadd.f32 v5, v9;
	v8 =	vadd.f32 v10, v8;
	v9 =	vmul.f32 v0, v0  }
0x834: {  	s11 =	sadd.s32 $0x180, s12;
	v10 =	vld [tilespmem:s9+$0xFFFFFF50];
	[tilespmem:s7+$0x90] =	vst v1;
	v2 =	vadd.f32 v6, v2  }
0x835: {  	p0 =	slt.u32 s11, s12;
	v6 =	vld [tilespmem:s10+$0xFFFFFF50];
	v0 =	vadd.f32 v0, v5;
	v5 =	vadd.f32 v9, v8;
	v8 =	vmul.f32 v1, v1  }
0x836: {  	v9 =	vld [tilespmem:s9+$0xFFFFFF60];
	[tilespmem:s7+$0xA0] =	vst v2;
	v3 =	vadd.f32 v7, v3  }
0x837: {  	v7 =	vld [tilespmem:s10+$0xFFFFFF60];
	v0 =	vadd.f32 v1, v0;
	v1 =	vadd.f32 v8, v5;
	v5 =	vmul.f32 v2, v2  }
0x838: {  	v4 =	vadd.f32 v4, v11;
	v8 =	vld [tilespmem:s9+$0xFFFFFF70];
	[tilespmem:s7+$0xB0] =	vst v3  }
0x839: {  	s7 =	sadd.s32 $0x180, s7;
	v11 =	vld [tilespmem:s10+$0xFFFFFF70];
	v0 =	vadd.f32 v2, v0;
	v1 =	vadd.f32 v5, v1;
	v2 =	vmul.f32 v3, v3  }
0x83a: {  	[tilespmem:s7+$0xFFFFFF40] =	vst v4;
	v5 =	vadd.f32 v6, v10;
	v6 =	vld [tilespmem:s9+$0xFFFFFF80]  }
0x83b: {  	v10 =	vmul.f32 v4, v4;
	v12 =	vld [tilespmem:s10+$0xFFFFFF80];
	v0 =	vadd.f32 v3, v0;
	v1 =	vadd.f32 v2, v1  }
0x83c: {  	[tilespmem:s7+$0xFFFFFF50] =	vst v5;
	v2 =	vadd.f32 v7, v9;
	v3 =	vld [tilespmem:s9+$0xFFFFFF90]  }
0x83d: {  	v0 =	vadd.f32 v4, v0;
	v1 =	vadd.f32 v10, v1;
	v4 =	vmul.f32 v5, v5;
	v7 =	vld [tilespmem:s10+$0xFFFFFF90]  }
0x83e: {  	[tilespmem:s7+$0xFFFFFF60] =	vst v2;
	v8 =	vadd.f32 v11, v8;
	v9 =	vld [tilespmem:s9+$0xFFFFFFA0]  }
0x83f: {  	v0 =	vadd.f32 v5, v0;
	v1 =	vadd.f32 v4, v1;
	v4 =	vmul.f32 v2, v2;
	v5 =	vld [tilespmem:s10+$0xFFFFFFA0]  }
0x840: {  	[tilespmem:s7+$0xFFFFFF70] =	vst v8;
	v6 =	vadd.f32 v12, v6;
	v10 =	vld [tilespmem:s9+$0xFFFFFFB0]  }
0x841: {  	v0 =	vadd.f32 v2, v0;
	v1 =	vadd.f32 v4, v1;
	v2 =	vmul.f32 v8, v8;
	v4 =	vld [tilespmem:s10+$0xFFFFFFB0]  }
0x842: {  	[tilespmem:s7+$0xFFFFFF80] =	vst v6;
	v3 =	vadd.f32 v7, v3;
	v7 =	vld [tilespmem:s9+$0xFFFFFFC0]  }
0x843: {  	v0 =	vadd.f32 v8, v0;
	v1 =	vadd.f32 v2, v1;
	v2 =	vmul.f32 v6, v6;
	v8 =	vld [tilespmem:s10+$0xFFFFFFC0]  }
0x844: {  	[tilespmem:s7+$0xFFFFFF90] =	vst v3;
	v5 =	vadd.f32 v5, v9;
	v9 =	vld [tilespmem:s9+$0xFFFFFFD0]  }
0x845: {  	v0 =	vadd.f32 v6, v0;
	v1 =	vadd.f32 v2, v1;
	v2 =	vmul.f32 v3, v3;
	v6 =	vld [tilespmem:s10+$0xFFFFFFD0]  }
0x846: {  	[tilespmem:s7+$0xFFFFFFA0] =	vst v5;
	v4 =	vadd.f32 v4, v10;
	v10 =	vld [tilespmem:s9+$0xFFFFFFE0]  }
0x847: {  	v0 =	vadd.f32 v3, v0;
	v1 =	vadd.f32 v2, v1;
	v2 =	vmul.f32 v5, v5;
	v3 =	vld [tilespmem:s10+$0xFFFFFFE0]  }
0x848: {  	[tilespmem:s7+$0xFFFFFFB0] =	vst v4;
	v7 =	vadd.f32 v8, v7;
	v8 =	vld [tilespmem:s9+$0xFFFFFFF0]  }
0x849: {  	v0 =	vadd.f32 v5, v0;
	v1 =	vadd.f32 v2, v1;
	v2 =	vmul.f32 v4, v4;
	v5 =	vld [tilespmem:s10+$0xFFFFFFF0]  }
0x84a: {  	[tilespmem:s7+$0xFFFFFFC0] =	vst v7;
	v6 =	vadd.f32 v6, v9;
	v9 =	vld [tilespmem:s9+$0x0]  }
0x84b: {  	v0 =	vadd.f32 v4, v0;
	v1 =	vadd.f32 v2, v1;
	v2 =	vmul.f32 v7, v7;
	v4 =	vld [tilespmem:s10+$0x0]  }
0x84c: {  	[tilespmem:s7+$0xFFFFFFD0] =	vst v6;
	v3 =	vadd.f32 v3, v10;
	v10 =	vld [tilespmem:s9+$0x10]  }
0x84d: {  	v0 =	vadd.f32 v7, v0;
	v1 =	vadd.f32 v2, v1;
	v2 =	vmul.f32 v6, v6;
	v7 =	vld [tilespmem:s10+$0x10]  }
0x84e: {  	[tilespmem:s7+$0xFFFFFFE0] =	vst v3;
	v5 =	vadd.f32 v5, v8;
	v8 =	vld [tilespmem:s9+$0x20]  }
0x84f: {  	v0 =	vadd.f32 v6, v0;
	v1 =	vadd.f32 v2, v1;
	v2 =	vmul.f32 v3, v3;
	v6 =	vld [tilespmem:s10+$0x20]  }
0x850: {  	[tilespmem:s7+$0xFFFFFFF0] =	vst v5;
	v4 =	vadd.f32 v4, v9;
	v9 =	vld [tilespmem:s9+$0x30]  }
0x851: {  	v0 =	vadd.f32 v3, v0;
	v1 =	vadd.f32 v2, v1;
	v2 =	vmul.f32 v5, v5;
	v3 =	vld [tilespmem:s10+$0x30]  }
0x852: {  	[tilespmem:s7+$0x0] =	vst v4;
	v7 =	vadd.f32 v7, v10;
	v10 =	vld [tilespmem:s9+$0x40]  }
0x853: {  	v0 =	vadd.f32 v5, v0;
	v1 =	vadd.f32 v2, v1;
	v2 =	vmul.f32 v4, v4;
	v5 =	vld [tilespmem:s10+$0x40]  }
0x854: {  	[tilespmem:s7+$0x10] =	vst v7;
	v6 =	vadd.f32 v6, v8;
	v8 =	vld [tilespmem:s9+$0x50]  }
0x855: {  	v0 =	vadd.f32 v4, v0;
	v1 =	vadd.f32 v2, v1;
	v2 =	vmul.f32 v7, v7;
	v4 =	vld [tilespmem:s10+$0x50]  }
0x856: {  	[tilespmem:s7+$0x20] =	vst v6;
	v3 =	vadd.f32 v3, v9;
	v9 =	vld [tilespmem:s9+$0x60]  }
0x857: {  	v0 =	vadd.f32 v7, v0;
	v1 =	vadd.f32 v2, v1;
	v2 =	vmul.f32 v6, v6;
	v7 =	vld [tilespmem:s10+$0x60]  }
0x858: {  	[tilespmem:s7+$0x30] =	vst v3;
	v5 =	vadd.f32 v5, v10;
	v10 =	vld [tilespmem:s9+$0x70]  }
0x859: {  	v0 =	vadd.f32 v6, v0;
	v1 =	vadd.f32 v2, v1;
	v2 =	vmul.f32 v3, v3;
	v6 =	vld [tilespmem:s10+$0x70]  }
0x85a: {  	[tilespmem:s7+$0x40] =	vst v5;
	v8 =	vadd.f32 v4, v8;
	v11 =	vld [tilespmem:s9+$0x80]  }
0x85b: {  	v0 =	vadd.f32 v3, v0;
	v2 =	vadd.f32 v2, v1;
	v3 =	vmul.f32 v5, v5;
	v12 =	vld [tilespmem:s10+$0x80]  }
0x85c: {  	[tilespmem:s7+$0x50] =	vst v8;
	v7 =	vadd.f32 v7, v9;
	v1 =	vld [tilespmem:s9+$0x90]  }
.Ltmp39:
0x85d: {  	v9 =	vmul.f32 v8, v8;
	v0 =	vadd.f32 v5, v0;
	v3 =	vadd.f32 v3, v2;
	v4 =	vld [tilespmem:s10+$0x90];
	(pc) =	sbr.rel @p0 .LBB2_51-.Ltmp39, $4  }
0x85e: {  	[tilespmem:s7+$0x60] =	vst v7;
	v5 =	vadd.f32 v6, v10;
	v2 =	vld [tilespmem:s9+$0xA0]  }
0x85f: {  	v13 =	vmul.f32 v7, v7;
	v8 =	vadd.f32 v8, v0;
	v10 =	vadd.f32 v9, v3;
	v6 =	vld [tilespmem:s10+$0xA0]  }
0x860: {  	[tilespmem:s7+$0x70] =	vst v5;
	v0 =	vadd.f32 v12, v11;
	v3 =	vld [tilespmem:s9+$0xB0]  }
0x861: {  	s12 =	smov.u32 s11;
	s9 =	sadd.s32 $0x180, s9;
	v9 =	vadd.f32 v7, v8;
	v8 =	vadd.f32 v13, v10;
	v10 =	vmul.f32 v5, v5;
	v7 =	vld [tilespmem:s10+$0xB0]  }
.LBB2_52:
0x862: {  	_ = 	snop  }
0x863: {  	v5 =	vadd.f32 v5, v9  }
0x864: {  	v1 =	vadd.f32 v4, v1;
	v4 =	vadd.f32 v10, v8;
	v8 =	vmul.f32 v0, v0  }
0x865: {  	v5 =	vadd.f32 v0, v5  }
0x866: {  	v2 =	vadd.f32 v6, v2;
	v6 =	vmul.f32 v1, v1;
	v4 =	vadd.f32 v8, v4  }
0x867: {  	v5 =	vadd.f32 v1, v5  }
0x868: {  	v3 =	vadd.f32 v7, v3;
	v4 =	vadd.f32 v6, v4;
	v6 =	vmul.f32 v2, v2  }
0x869: {  	v5 =	vadd.f32 v2, v5  }
0x86a: {  	v4 =	vadd.f32 v6, v4;
	v6 =	vmul.f32 v3, v3  }
0x86b: {  	v5 =	vadd.f32 v3, v5  }
0x86c: {  	v4 =	vadd.f32 v6, v4  }
0x86d: {  	(xrf2) =	vadd.scan.msk.f32 $0xffff, v5  }
0x86e: {  	(xrf2) =	vadd.scan.msk.f32 $0xffff, v4;
	_ =	sdelay $0x8  }
0x86f: {  	v4, _, _ =	vpop (xrf2)  }
0x870: {  	(v2sf) =	vpush v4, $0xF;
	v4, _, _ =	vpop (xrf2)  }
0x871: {  	(v2sf) =	vpush v4, $0xF;
	_ =	sdelay $0xb  }
0x872: {  	[tilespmem:s7+$0x80] =	vst v0  }
0x873: {  	[tilespmem:s7+$0x90] =	vst v1  }
0x874: {  	[tilespmem:s7+$0xA0] =	vst v2;
	s9 =	spop (v2sf)  }
0x875: {  	[tilespmem:s7+$0xB0] =	vst v3;
	s11 =	spop (v2sf);
	s10 =	smul.f32 $1.302083370e-03, s9  }
0x876: {  	s7 =	simm.s32 $0x12BC0;
	v7 =	vld [tilespmem:s2+$0xFFFFFF70];
	s19 =	smul.f32 $1.302083370e-03, s11  }
0x877: {  	v8 =	vld [tilespmem:s7+$0xB0];
	s9 =	smul.f32 s10, s10  }
0x878: {  	v9 =	vld [tilespmem:s2+$0xFFFFFF80]  }
0x879: {  	v11 =	vld [tilespmem:s2+$0xFFFFFF90];
	s9 =	ssub.f32 s19, s9  }
0x87a: {  	v12 =	vld [tilespmem:s2+$0xFFFFFFA0]  }
0x87b: {  	v13 =	vld [tilespmem:s2+$0xFFFFFFB0];
	s9 =	smax.f32 s9, $0.0e+00  }
0x87c: {  	v14 =	vld [tilespmem:s2+$0xFFFFFFC0];
	s20 =	sadd.f32 $9.999999960e-13, s9  }
0x87d: {  	v15 =	vld [tilespmem:s2+$0xFFFFFFD0]  }
0x87e: {  	v16 =	vld [tilespmem:s2+$0xFFFFFFE0];
	v0 =	vmov s20  }
0x87f: {  	v17 =	vld [tilespmem:s2+$0xFFFFFFF0];
	v1 =	vshrl.u32 v0, $0x1;
	v0 =	vmul.f32 $5.000000000e-01, v0  }
0x880: {  	v18 =	vld [tilespmem:s2+$0x0];
	v1 =	vsub.s32 $0x5F3759DF, v1  }
0x881: {  	v19 =	vld [tilespmem:s2+$0x10];
	v2 =	vmul.f32 v1, v0  }
0x882: {  	v20 =	vld [tilespmem:s2+$0x20]  }
0x883: {  	v21 =	vld [tilespmem:s2+$0x30];
	v2 =	vmul.f32 v1, v2  }
0x884: {  	v22 =	vld [tilespmem:s2+$0x40]  }
0x885: {  	v23 =	vld [tilespmem:s2+$0x50];
	v2 =	vsub.f32 $1.500000000e+00, v2  }
0x886: {  	v24 =	vld [tilespmem:s2+$0x60]  }
0x887: {  	v25 =	vld [tilespmem:s2+$0x70];
	v1 =	vmul.f32 v1, v2  }
0x888: {  	v26 =	vld [tilespmem:s2+$0x80]  }
0x889: {  	v27 =	vld [tilespmem:s2+$0xFFFFFF40];
	v2 =	vmul.f32 v1, v0  }
0x88a: {  	v29 =	vld [tilespmem:s7+$0xFFFFFF40]  }
0x88b: {  	v30 =	vld [tilespmem:s7+$0xFFFFFF50];
	v2 =	vmul.f32 v2, v1  }
0x88c: {  	v31 =	vld [tilespmem:s7+$0xFFFFFF60]  }
0x88d: {  	v32 =	vld [tilespmem:s7+$0xFFFFFF70];
	v2 =	vsub.f32 $1.500000000e+00, v2  }
0x88e: {  	v33 =	vld [tilespmem:s7+$0xFFFFFF80]  }
0x88f: {  	v34 =	vld [tilespmem:s7+$0xFFFFFF90];
	v1 =	vmul.f32 v2, v1  }
0x890: {  	v61 =	vld [tilespmem:s7+$0xFFFFFFA0]  }
0x891: {  	v35 =	vld [tilespmem:s7+$0xFFFFFFB0];
	v28 =	vmul.f32 v1, v0  }
0x892: {  	v36 =	vld [tilespmem:s7+$0xFFFFFFC0]  }
0x893: {  	v37 =	vld [tilespmem:s7+$0xFFFFFFD0];
	v28 =	vmul.f32 v28, v1  }
0x894: {  	v38 =	vld [tilespmem:s7+$0xFFFFFFE0]  }
0x895: {  	v39 =	vld [tilespmem:s7+$0xFFFFFFF0];
	v28 =	vsub.f32 $1.500000000e+00, v28  }
0x896: {  	v41 =	vld [tilespmem:s7+$0x0]  }
0x897: {  	v42 =	vld [tilespmem:s7+$0x10];
	v1 =	vmul.f32 v28, v1  }
0x898: {  	v6 =	vld [tilespmem:s2+$0xFFFFFF60]  }
0x899: {  	v4 =	vld [tilespmem:s2+$0xB0];
	v0 =	vmul.f32 v1, v0  }
0x89a: {  	v5 =	vld [tilespmem:s2+$0xFFFFFF50]  }
0x89b: {  	v62 =	vld [tilespmem:s7+$0x20];
	v0 =	vmul.f32 v0, v1  }
0x89c: {  	v43 =	vld [tilespmem:s7+$0x30]  }
0x89d: {  	v44 =	vld [tilespmem:s7+$0x40];
	v40 =	vsub.f32 $1.500000000e+00, v0;
	v0 =	vmov s10  }
0x89e: {  	v45 =	vld [tilespmem:s7+$0x50];
	v4 =	vsub.f32 v4, v0  }
0x89f: {  	v3 =	vld [tilespmem:s2+$0x90];
	s9 =	simm.s32 $0x12EC0;
	v5 =	vsub.f32 v5, v0;
	v6 =	vsub.f32 v6, v0  }
0x8a0: {  	v10 =	vld [tilespmem:s9+$0xB0];
	v7 =	vsub.f32 v7, v0;
	v27 =	vsub.f32 v27, v0;
	v1 =	vmul.f32 v40, v1  }
0x8a1: {  	v63 =	vld [tilespmem:s9+$0xFFFFFF40];
	v11 =	vsub.f32 v11, v0;
	v12 =	vsub.f32 v12, v0  }
0x8a2: {  	v46 =	vld [tilespmem:s9+$0xFFFFFF50];
	v13 =	vsub.f32 v13, v0;
	v14 =	vsub.f32 v14, v0;
	v4 =	vmul.f32 v4, v1  }
0x8a3: {  	v47 =	vld [tilespmem:s9+$0xFFFFFF70];
	v15 =	vsub.f32 v15, v0;
	v5 =	vmul.f32 v5, v1;
	v6 =	vmul.f32 v6, v1  }
0x8a4: {  	v48 =	vld [tilespmem:s9+$0xFFFFFF80];
	v16 =	vsub.f32 v16, v0;
	v7 =	vmul.f32 v7, v1;
	v27 =	vmul.f32 v27, v1  }
0x8a5: {  	v49 =	vld [tilespmem:s9+$0xFFFFFF90];
	v17 =	vsub.f32 v17, v0;
	v11 =	vmul.f32 v11, v1;
	v12 =	vmul.f32 v12, v1  }
0x8a6: {  	v50 =	vld [tilespmem:s9+$0xFFFFFFA0];
	v18 =	vsub.f32 v18, v0;
	v13 =	vmul.f32 v13, v1;
	v14 =	vmul.f32 v14, v1  }
0x8a7: {  	v51 =	vld [tilespmem:s9+$0xFFFFFFC0];
	v20 =	vsub.f32 v20, v0;
	v16 =	vmul.f32 v16, v1;
	v17 =	vmul.f32 v17, v1  }
0x8a8: {  	v52 =	vld [tilespmem:s9+$0xFFFFFFD0];
	v53 =	vsub.f32 v23, v0;
	v18 =	vmul.f32 v18, v1;
	v4 =	vmul.f32 v4, v8  }
0x8a9: {  	v54 =	vld [tilespmem:s9+$0xFFFFFFE0];
	v3 =	vsub.f32 v3, v0;
	v5 =	vmul.f32 v5, v30;
	v6 =	vmul.f32 v6, v31  }
0x8aa: {  	v27 =	vmul.f32 v27, v29;
	v4 =	vadd.f32 v4, v10;
	v10 =	vmul.f32 v15, v1;
	v15 =	vld [tilespmem:s9+$0xFFFFFF60]  }
0x8ab: {  	v55 =	vld [tilespmem:s9+$0xFFFFFFF0];
	v8 =	vsub.f32 v9, v0;
	v7 =	vmul.f32 v7, v32;
	v11 =	vmul.f32 v11, v34  }
0x8ac: {  	v57 =	vld [tilespmem:s9+$0x10];
	v12 =	vmul.f32 v12, v61;
	v13 =	vmul.f32 v13, v35;
	v27 =	vadd.f32 v27, v63  }
0x8ad: {  	v58 =	vld [tilespmem:s9+$0x30];
	v14 =	vmul.f32 v14, v36;
	v16 =	vmul.f32 v16, v38;
	v5 =	vadd.f32 v5, v46;
	[tilespmem:s2+$0xB0] =	vst v4  }
0x8ae: {  	v59 =	vld [tilespmem:s9+$0x40];
	v8 =	vmul.f32 v8, v1;
	v7 =	vadd.f32 v7, v47;
	v11 =	vadd.f32 v11, v49;
	[tilespmem:s2+$0xFFFFFF40] =	vst v27  }
0x8af: {  	v17 =	vmul.f32 v17, v39;
	v12 =	vadd.f32 v12, v50;
	[tilespmem:s2+$0xFFFFFF50] =	vst v5;
	v6 =	vadd.f32 v6, v15;
	v15 =	vld [tilespmem:s9+$0xFFFFFFB0]  }
0x8b0: {  	v2 =	vld [tilespmem:s2+$0xA0];
	v14 =	vadd.f32 v14, v51;
	v8 =	vmul.f32 v8, v33;
	v4 =	vsub.f32 v19, v0;
	[tilespmem:s2+$0xFFFFFF70] =	vst v7  }
0x8b1: {  	v9 =	vld [tilespmem:s7+$0x60];
	v18 =	vmul.f32 v18, v41;
	v16 =	vadd.f32 v16, v54;
	v5 =	vsub.f32 v21, v0;
	[tilespmem:s2+$0xFFFFFF90] =	vst v11  }
0x8b2: {  	v30 =	vld [tilespmem:s7+$0x70];
	v10 =	vmul.f32 v10, v37;
	[tilespmem:s2+$0xFFFFFFA0] =	vst v12;
	v4 =	vmul.f32 v4, v1;
	v8 =	vadd.f32 v8, v48  }
0x8b3: {  	v31 =	vld [tilespmem:s7+$0x80];
	v7 =	vmul.f32 v20, v1;
	v11 =	vsub.f32 v25, v0;
	[tilespmem:s2+$0xFFFFFFC0] =	vst v14;
	v5 =	vmul.f32 v5, v1  }
0x8b4: {  	v29 =	vld [tilespmem:s7+$0x90];
	[tilespmem:s2+$0xFFFFFF80] =	vst v8;
	v8 =	vsub.f32 v24, v0;
	v4 =	vmul.f32 v4, v42;
	v13 =	vadd.f32 v13, v15  }
0x8b5: {  	v2 =	vsub.f32 v2, v0;
	[tilespmem:s2+$0xFFFFFFE0] =	vst v16;
	v11 =	vmul.f32 v11, v1;
	v5 =	vmul.f32 v5, v43;
	v15 =	vld [tilespmem:s9+$0x0]  }
0x8b6: {  	v4 =	vadd.f32 v4, v57;
	[tilespmem:s2+$0xFFFFFFB0] =	vst v13;
	v13 =	vmul.f32 v8, v1;
	v8 =	vadd.f32 v10, v52;
	v10 =	vld [tilespmem:s9+$0x20]  }
0x8b7: {  	v61 =	vld [tilespmem:s9+$0x50];
	v12 =	vmul.f32 v53, v1;
	v60 =	vmul.f32 v7, v62;
	[tilespmem:s2+$0xFFFFFF60] =	vst v6;
	v6 =	vsub.f32 v22, v0  }
0x8b8: {  	p0 =	por $0x1, $0x1;
	v32 =	vld [tilespmem:s7+$0xA0];
	v62 =	vmul.f32 v2, v1;
	v2 =	vmul.f32 v11, v30;
	v11 =	vadd.f32 v5, v58;
	[tilespmem:s2+$0x10] =	vst v4  }
.Ltmp40:
0x8b9: {  	v56 =	vsub.f32 v26, v0;
	v7 =	vld [tilespmem:s9+$0x60];
	v6 =	vmul.f32 v6, v1;
	[tilespmem:s2+$0xFFFFFFD0] =	vst v8;
	v8 =	vadd.f32 v17, v55;
	(pc) =	sbr.rel @!p0 .LBB2_54-.Ltmp40, $4  }
0x8ba: {  	v3 =	vmul.f32 v3, v1;
	v12 =	vmul.f32 v12, v45;
	[tilespmem:s2+$0x30] =	vst v11;
	v11 =	vld [tilespmem:s9+$0xA0];
	v15 =	vadd.f32 v18, v15  }
0x8bb: {  	v14 =	vmul.f32 v56, v1;
	v63 =	vmul.f32 v6, v44;
	[tilespmem:s2+$0xFFFFFFF0] =	vst v8;
	v8 =	vld [tilespmem:s9+$0x70];
	v10 =	vadd.f32 v60, v10  }
0x8bc: {  	v3 =	vmul.f32 v3, v29;
	v12 =	vadd.f32 v12, v61;
	v6 =	vmul.f32 v13, v9;
	v9 =	vld [tilespmem:s9+$0x80];
	[tilespmem:s2+$0x0] =	vst v15  }
0x8bd: {  	s13 =	simm.s32 $0x0;
	s11 =	sadd.s32 $0x180, s2;
	s10 =	smov.u32 s2;
	v5 =	vmul.f32 v14, v31;
	v4 =	vmul.f32 v62, v32;
	v13 =	vadd.f32 v63, v59;
	[tilespmem:s2+$0x20] =	vst v10;
	v10 =	vld [tilespmem:s9+$0x90]  }
.LBB2_53:
0x8be: {  	s12 =	smov.u32 s13  }
0x8bf: {  	v14 =	vld [tilespmem:s11+$0xB0];
	[tilespmem:s10+$0x40] =	vst v13;
	v6 =	vadd.f32 v6, v7;
	s12 =	sadd.s32 $0x180, s13  }
0x8c0: {  	v2 =	vadd.f32 v2, v8;
	v7 =	vld [tilespmem:s11+$0xFFFFFF50];
	p0 =	slt.u32 s12, s13;
	[tilespmem:s10+$0x50] =	vst v12  }
0x8c1: {  	v5 =	vadd.f32 v5, v9;
	v8 =	vld [tilespmem:s11+$0xFFFFFF60];
	[tilespmem:s10+$0x60] =	vst v6  }
0x8c2: {  	s7 =	sadd.s32 $0x180, s7;
	v6 =	vld [tilespmem:s11+$0xFFFFFF70];
	[tilespmem:s10+$0x70] =	vst v2;
	v2 =	vadd.f32 v3, v10  }
0x8c3: {  	v4 =	vadd.f32 v4, v11;
	v3 =	vld [tilespmem:s7+$0xB0];
	[tilespmem:s10+$0x80] =	vst v5  }
0x8c4: {  	s9 =	sadd.s32 $0x180, s9;
	v9 =	vsub.f32 v14, v0;
	v5 =	vld [tilespmem:s11+$0xFFFFFF80];
	[tilespmem:s10+$0x90] =	vst v2  }
0x8c5: {  	v2 =	vsub.f32 v7, v0;
	v7 =	vld [tilespmem:s9+$0xB0];
	[tilespmem:s10+$0xA0] =	vst v4;
	s10 =	smov.u32 s11  }
0x8c6: {  	v9 =	vmul.f32 v9, v1;
	v4 =	vsub.f32 v8, v0;
	v8 =	vld [tilespmem:s11+$0xFFFFFF90]  }
0x8c7: {  	v2 =	vmul.f32 v2, v1;
	v6 =	vsub.f32 v6, v0;
	v10 =	vld [tilespmem:s11+$0xFFFFFFA0]  }
0x8c8: {  	v4 =	vmul.f32 v4, v1;
	v11 =	vld [tilespmem:s11+$0xFFFFFFB0];
	v3 =	vmul.f32 v9, v3  }
0x8c9: {  	v6 =	vmul.f32 v6, v1;
	v5 =	vsub.f32 v5, v0;
	v9 =	vld [tilespmem:s11+$0xFFFFFFC0]  }
0x8ca: {  	v12 =	vld [tilespmem:s11+$0xFFFFFFD0];
	v3 =	vadd.f32 v3, v7  }
0x8cb: {  	v5 =	vmul.f32 v5, v1;
	v7 =	vsub.f32 v8, v0;
	v8 =	vld [tilespmem:s11+$0xFFFFFFE0]  }
0x8cc: {  	v10 =	vsub.f32 v10, v0;
	v13 =	vld [tilespmem:s11+$0xFFFFFFF0];
	[tilespmem:s11+$0xB0] =	vst v3  }
0x8cd: {  	v3 =	vmul.f32 v7, v1;
	v7 =	vsub.f32 v11, v0;
	v11 =	vld [tilespmem:s11+$0x0]  }
0x8ce: {  	v10 =	vmul.f32 v10, v1;
	v9 =	vsub.f32 v9, v0;
	v14 =	vld [tilespmem:s11+$0x10]  }
0x8cf: {  	v7 =	vmul.f32 v7, v1;
	v12 =	vsub.f32 v12, v0;
	v15 =	vld [tilespmem:s11+$0x20]  }
0x8d0: {  	v9 =	vmul.f32 v9, v1;
	v8 =	vsub.f32 v8, v0;
	v16 =	vld [tilespmem:s11+$0x30]  }
0x8d1: {  	v12 =	vmul.f32 v12, v1;
	v13 =	vsub.f32 v13, v0;
	v17 =	vld [tilespmem:s11+$0x40]  }
0x8d2: {  	v8 =	vmul.f32 v8, v1;
	v11 =	vsub.f32 v11, v0;
	v18 =	vld [tilespmem:s11+$0x50]  }
0x8d3: {  	v13 =	vmul.f32 v13, v1;
	v14 =	vsub.f32 v14, v0;
	v19 =	vld [tilespmem:s11+$0x60]  }
0x8d4: {  	v11 =	vmul.f32 v11, v1;
	v15 =	vsub.f32 v15, v0;
	v20 =	vld [tilespmem:s11+$0x70]  }
0x8d5: {  	v14 =	vmul.f32 v14, v1;
	v16 =	vsub.f32 v16, v0;
	v21 =	vld [tilespmem:s11+$0x80]  }
0x8d6: {  	v15 =	vmul.f32 v15, v1;
	v17 =	vsub.f32 v17, v0;
	v22 =	vld [tilespmem:s11+$0x90]  }
0x8d7: {  	v16 =	vmul.f32 v16, v1;
	v18 =	vsub.f32 v18, v0;
	v23 =	vld [tilespmem:s11+$0xA0]  }
0x8d8: {  	v24 =	vld [tilespmem:s11+$0xFFFFFF40];
	v17 =	vmul.f32 v17, v1;
	v19 =	vsub.f32 v19, v0  }
0x8d9: {  	v25 =	vld [tilespmem:s7+$0xFFFFFF40];
	v18 =	vmul.f32 v18, v1;
	v20 =	vsub.f32 v20, v0  }
0x8da: {  	v26 =	vld [tilespmem:s7+$0xFFFFFF50];
	v19 =	vmul.f32 v19, v1;
	v21 =	vsub.f32 v21, v0  }
0x8db: {  	v27 =	vld [tilespmem:s7+$0xFFFFFF60];
	v20 =	vmul.f32 v20, v1;
	v22 =	vsub.f32 v22, v0  }
0x8dc: {  	v28 =	vld [tilespmem:s7+$0xFFFFFF70];
	v21 =	vmul.f32 v21, v1;
	v23 =	vsub.f32 v23, v0  }
0x8dd: {  	v24 =	vsub.f32 v24, v0;
	v29 =	vld [tilespmem:s7+$0xFFFFFF80];
	v22 =	vmul.f32 v22, v1  }
0x8de: {  	v30 =	vld [tilespmem:s7+$0xFFFFFF90];
	v23 =	vmul.f32 v23, v1  }
0x8df: {  	v24 =	vmul.f32 v24, v1;
	v26 =	vmul.f32 v2, v26;
	v2 =	vld [tilespmem:s7+$0xFFFFFFA0]  }
0x8e0: {  	v27 =	vmul.f32 v4, v27;
	v4 =	vld [tilespmem:s7+$0xFFFFFFB0]  }
0x8e1: {  	v24 =	vmul.f32 v24, v25;
	v25 =	vmul.f32 v6, v28;
	v6 =	vld [tilespmem:s7+$0xFFFFFFC0]  }
0x8e2: {  	v28 =	vmul.f32 v5, v29;
	v5 =	vld [tilespmem:s7+$0xFFFFFFD0]  }
0x8e3: {  	v29 =	vmul.f32 v3, v30;
	v3 =	vld [tilespmem:s7+$0xFFFFFFE0]  }
0x8e4: {  	v10 =	vmul.f32 v10, v2;
	v2 =	vld [tilespmem:s7+$0xFFFFFFF0]  }
0x8e5: {  	v7 =	vmul.f32 v7, v4;
	v4 =	vld [tilespmem:s7+$0x0]  }
0x8e6: {  	v9 =	vmul.f32 v9, v6;
	v6 =	vld [tilespmem:s7+$0x10]  }
0x8e7: {  	v12 =	vmul.f32 v12, v5;
	v5 =	vld [tilespmem:s7+$0x20]  }
0x8e8: {  	v8 =	vmul.f32 v8, v3;
	v3 =	vld [tilespmem:s7+$0x30]  }
0x8e9: {  	v13 =	vmul.f32 v13, v2;
	v2 =	vld [tilespmem:s7+$0x40]  }
0x8ea: {  	v11 =	vmul.f32 v11, v4;
	v4 =	vld [tilespmem:s7+$0x50]  }
0x8eb: {  	v14 =	vmul.f32 v14, v6;
	v6 =	vld [tilespmem:s7+$0x60]  }
0x8ec: {  	v15 =	vmul.f32 v15, v5;
	v5 =	vld [tilespmem:s7+$0x70]  }
0x8ed: {  	v16 =	vmul.f32 v16, v3;
	v3 =	vld [tilespmem:s7+$0x80]  }
0x8ee: {  	v17 =	vmul.f32 v17, v2;
	v30 =	vld [tilespmem:s7+$0x90]  }
0x8ef: {  	v18 =	vmul.f32 v18, v4;
	v4 =	vld [tilespmem:s7+$0xA0]  }
0x8f0: {  	v31 =	vld [tilespmem:s9+$0xFFFFFF40];
	v6 =	vmul.f32 v19, v6  }
0x8f1: {  	v19 =	vld [tilespmem:s9+$0xFFFFFF50];
	v2 =	vmul.f32 v20, v5  }
0x8f2: {  	v20 =	vld [tilespmem:s9+$0xFFFFFF60];
	v5 =	vmul.f32 v21, v3  }
0x8f3: {  	v21 =	vld [tilespmem:s9+$0xFFFFFF70];
	v3 =	vmul.f32 v22, v30  }
0x8f4: {  	v22 =	vld [tilespmem:s9+$0xFFFFFF80];
	v4 =	vmul.f32 v23, v4  }
0x8f5: {  	v23 =	vadd.f32 v24, v31;
	v24 =	vld [tilespmem:s9+$0xFFFFFF90]  }
0x8f6: {  	v19 =	vadd.f32 v26, v19;
	v26 =	vld [tilespmem:s9+$0xFFFFFFA0]  }
0x8f7: {  	[tilespmem:s11+$0xFFFFFF40] =	vst v23;
	v20 =	vadd.f32 v27, v20;
	v23 =	vld [tilespmem:s9+$0xFFFFFFB0]  }
0x8f8: {  	[tilespmem:s11+$0xFFFFFF50] =	vst v19;
	v19 =	vadd.f32 v25, v21;
	v21 =	vld [tilespmem:s9+$0xFFFFFFC0]  }
0x8f9: {  	[tilespmem:s11+$0xFFFFFF60] =	vst v20;
	v20 =	vadd.f32 v28, v22;
	v22 =	vld [tilespmem:s9+$0xFFFFFFD0]  }
0x8fa: {  	[tilespmem:s11+$0xFFFFFF70] =	vst v19;
	v19 =	vadd.f32 v29, v24;
	v24 =	vld [tilespmem:s9+$0xFFFFFFE0]  }
0x8fb: {  	[tilespmem:s11+$0xFFFFFF80] =	vst v20;
	v10 =	vadd.f32 v10, v26;
	v20 =	vld [tilespmem:s9+$0xFFFFFFF0]  }
0x8fc: {  	[tilespmem:s11+$0xFFFFFF90] =	vst v19;
	v7 =	vadd.f32 v7, v23;
	v19 =	vld [tilespmem:s9+$0x0]  }
0x8fd: {  	[tilespmem:s11+$0xFFFFFFA0] =	vst v10;
	v9 =	vadd.f32 v9, v21;
	v10 =	vld [tilespmem:s9+$0x10]  }
0x8fe: {  	[tilespmem:s11+$0xFFFFFFB0] =	vst v7;
	v7 =	vadd.f32 v12, v22;
	v12 =	vld [tilespmem:s9+$0x20]  }
0x8ff: {  	[tilespmem:s11+$0xFFFFFFC0] =	vst v9;
	v8 =	vadd.f32 v8, v24;
	v9 =	vld [tilespmem:s9+$0x30]  }
0x900: {  	[tilespmem:s11+$0xFFFFFFD0] =	vst v7;
	v7 =	vadd.f32 v13, v20;
	v13 =	vld [tilespmem:s9+$0x40]  }
0x901: {  	[tilespmem:s11+$0xFFFFFFE0] =	vst v8;
	v8 =	vadd.f32 v11, v19;
	v11 =	vld [tilespmem:s9+$0x50]  }
.Ltmp41:
0x902: {  	[tilespmem:s11+$0xFFFFFFF0] =	vst v7;
	v10 =	vadd.f32 v14, v10;
	v7 =	vld [tilespmem:s9+$0x60];
	(pc) =	sbr.rel @p0 .LBB2_53-.Ltmp41, $4  }
0x903: {  	[tilespmem:s11+$0x0] =	vst v8;
	v12 =	vadd.f32 v15, v12;
	v8 =	vld [tilespmem:s9+$0x70]  }
0x904: {  	[tilespmem:s11+$0x10] =	vst v10;
	v14 =	vadd.f32 v16, v9;
	v9 =	vld [tilespmem:s9+$0x80]  }
0x905: {  	[tilespmem:s11+$0x20] =	vst v12;
	v13 =	vadd.f32 v17, v13;
	v10 =	vld [tilespmem:s9+$0x90]  }
0x906: {  	s13 =	smov.u32 s12;
	s11 =	sadd.s32 $0x180, s11;
	[tilespmem:s10+$0x30] =	vst v14;
	v12 =	vadd.f32 v18, v11;
	v11 =	vld [tilespmem:s9+$0xA0]  }
.LBB2_54:
0x907: {  	_ = 	snop  }
0x908: {  	v0 =	vadd.f32 v6, v7;
	s0 =	sadd.s32 $0x1, s0;
	[tilespmem:s10+$0x40] =	vst v13  }
0x909: {  	[tilespmem:s10+$0x50] =	vst v12;
	p0 =	sne.s32 s0, $0x10;
	v1 =	vadd.f32 v2, v8  }
.Ltmp42:
0x90a: {  	[tilespmem:s10+$0x60] =	vst v0;
	v61 =	vadd.f32 v5, v9;
	(pc) =	sbr.rel @p0 .LBB2_50-.Ltmp42, $4  }
0x90b: {  	[tilespmem:s10+$0x70] =	vst v1;
	v62 =	vadd.f32 v3, v10  }
0x90c: {  	v63 =	vadd.f32 v4, v11;
	[tilespmem:s10+$0x80] =	vst v61  }
0x90d: {  	[tilespmem:s10+$0x90] =	vst v62  }
0x90e: {  	s2 =	sadd.s32 $0x300, s2;
	s3 =	sadd.s32 $0x300, s3;
	s15 =	sadd.s32 $0x300, s15;
	[tilespmem:s10+$0xA0] =	vst v63  }
0x90f: {  	s0 =	rddreg [dreg:$0x9]  }
0x910: {  	[hbm4b:s0+s4] =	stream.linear.scatter [tilespmem:s26], [sflag:$0x4], $0x3000, $0x38;
	[tilespmem:$0x13100] =	vst v63  }
0x911: {  	_ =	swait.ge [sflag:s31], $0x3000  }
0x912: {  	[sflag:s31] =	ssyncset.done $0x0  }
0x913: {  	[sflag:s31] =	ssyncadd.s32 $0xFFFFD000  }
0x914: {  	_ =	swait.ge [sflag:s29], $0x3000  }
0x915: {  	[sflag:s29] =	ssyncset.done $0x0  }
0x916: {  	[sflag:s29] =	ssyncadd.s32 $0xFFFFD000  }
0x917: {  	_ =	swait.ge [sflag:s30], $0x3000  }
0x918: {  	s1 =	sadd.s32 $0x1, s1;
	s20 =	rddreg [dreg:$0xa]  }
0x919: {  	p0 =	sne.s32 s1, s20  }
.Ltmp43:
0x91a: {  	_ = 	snop;
	(pc) =	sbr.rel @p0 .LBB2_1-.Ltmp43, $3  }
0x91b: {  	_ =	sdelay $0x1  }
0x91c: {  	[sflag:s30] =	ssyncset.done $0x0  }
0x91d: {  	[sflag:s30] =	ssyncadd.s32 $0xFFFFD000  }
0x91e: {  	_ =	sfence.sel $0x180000  }
0x91f: {  	[bflag:$0x0] =	sbarrier.arrive $0xFFFF  }
0x920: {  	_ =	strace $0x90000047  }
0x921: {  	s0 =	stileid.u32;
	[bflag:$0x2] =	sbarrier.arrive $0xFFFF  }
0x922: {  	p0 =	sne.s32 s0, $0x0;
	s0 =	rddreg [dreg:$0x4]  }
0x923: {  	s0 =	sadd.s32 @!p0 $0x100000, s0  }
0x924: {  	[sflag:s0] =	ssyncadd.tile.s32 @!p0 $0x1;
	_ =	shalt  }
.Lfunc_end2:
_tile_overlayer_lowered:
.L_overlay_start_2:
0x925: {  	(tag) =	ssettag $0x2  }
0x926: {  	s0 =	rddreg [dreg:$0x0];
	s2 =	stileid.u32  }
0x927: {  	s1 =	rddreg [dreg:$0x1];
	p0 =	sne.s32 s2, $0x0  }
0x928: {  	s3 =	rddreg [dreg:$0x2];
	[bflag:$0x3] =	sbarrier.arrive $0xFFFF;
	s2 =	simm.s32 @!p0 $0x1C06  }
0x929: {  	[timem:s3], [sflag:s2] =	dma.local @!p0 [hbm:s0], s1  }
0x92a: {  	s0 =	simm.s32 @!p0 $0x6  }
0x92b: {  	_ =	swait.ge @!p0 [sflag:s0], s1  }
0x92c: {  	s1 =	ssub.s32 @!p0 $0x0, s1;
	[sflag:s0] =	ssyncset.done @!p0 $0x0  }
0x92d: {  	[sflag:s0] =	ssyncadd.s32 @!p0 s1  }
0x92e: {  	[bflag:$0x3] =	sbarrier.arrive $0xFFFF  }
0x92f: {  	_ =	shalt  }

</sc_bundles>
